<compile_context>
chip_gen: v7x
topology: tpu7x:2x2x1
jax: 0.10.2.dev20260603
libtpu: 0.0.44.dev20260713+nightly
codegen_flags: <defaults>
</compile_context>

<pallas_src>
import functools

import jax
import jax.numpy as jnp
from jax import lax
from jax.experimental import pallas as pl
from jax.experimental.pallas import tpu as pltpu
from jax.experimental.pallas import tpu_sc as plsc

N_GRID = 511
NCELL = N_GRID * N_GRID
NPROP = 8
BATCH = 262144
NWORK = 32
QPW = BATCH // NWORK
CHUNK = 128
NCHUNK = QPW // CHUNK
NGRP = CHUNK // 16
NPAIR = NCHUNK // 2


def _prep_body(sc_ref, h_ref, p_ref, pk_ref):
    h = h_ref[...]
    p = p_ref[...]
    h_min = sc_ref[0]
    delta_h = sc_ref[1]
    logp_min = sc_ref[2]
    delta_logp = sc_ref[3]
    ii = (h - h_min) / delta_h
    jj = (jnp.log(p) - logp_min) / delta_logp
    i = jnp.clip(jnp.floor(ii).astype(jnp.int32), 0, N_GRID - 1)
    j = jnp.clip(jnp.floor(jj).astype(jnp.int32), 0, N_GRID - 1)
    idx = i * N_GRID + j
    x = ii - i.astype(jnp.float32)
    y = jj - j.astype(jnp.float32)
    ones = jnp.ones_like(x)
    xs = (ones, x, x * x, (x * x) * x)
    ys = (ones, y, y * y, (y * y) * y)
    bas = []
    for ay in range(4):
        for ax in range(4):
            if ay == 0:
                bas.append(xs[ax])
            elif ax == 0:
                bas.append(ys[ay])
            else:
                bas.append(ys[ay] * xs[ax])
    pk_ref[...] = jnp.concatenate(
        [idx] + [jax.lax.bitcast_convert_type(bk, jnp.int32) for bk in bas],
        axis=1,
    )


def _prep(scal, h2, p2):
    n = h2.shape[0]
    return pl.pallas_call(
        _prep_body,
        out_shape=jax.ShapeDtypeStruct((n, 17 * 128), jnp.int32),
        in_specs=[
            pl.BlockSpec(memory_space=pltpu.SMEM),
            pl.BlockSpec((n, 128), lambda: (0, 0)),
            pl.BlockSpec((n, 128), lambda: (0, 0)),
        ],
        out_specs=pl.BlockSpec((n, 17 * 128), lambda: (0, 0)),
    )(scal, h2, p2)


@functools.partial(
    pl.kernel,
    out_type=jax.ShapeDtypeStruct((BATCH // 128, NPROP, 128), jnp.float32),
    mesh=plsc.VectorSubcoreMesh(
        core_axis_name="c", subcore_axis_name="s", num_cores=2, num_subcores=16
    ),
    scratch_types=[
        pltpu.VMEM((1, 17 * 128), jnp.int32),
        pltpu.VMEM((1, 17 * 128), jnp.int32),
        pltpu.VMEM((CHUNK, 128), jnp.float32),
        pltpu.VMEM((CHUNK, 128), jnp.float32),
        pltpu.VMEM((NPROP, CHUNK), jnp.float32),
        pltpu.VMEM((NPROP, CHUNK), jnp.float32),
        pltpu.SemaphoreType.DMA,
        pltpu.SemaphoreType.DMA,
        pltpu.SemaphoreType.DMA,
        pltpu.SemaphoreType.DMA,
        pltpu.SemaphoreType.DMA,
        pltpu.SemaphoreType.DMA,
    ],
    compiler_params=pltpu.CompilerParams(
        needs_layout_passes=False, use_tc_tiling_on_sc=False
    ),
)
def _sc_main(tbl, pk, out, in0, in1, rows0, rows1, o0, o1,
             si0, si1, sg0, sg1, so0, so1):
    cid = lax.axis_index("c")
    sid = lax.axis_index("s")
    wid = sid * 2 + cid
    row_base = wid * NCHUNK
    lane = lax.iota(jnp.int32, 16)
    kdiag = tuple(
        lax.bitwise_and(lane + jj, jnp.int32(15)) for jj in range(16)
    )
    zero16 = jnp.zeros((16,), jnp.int32)
    bcol = tuple(128 + kdiag[j] * 128 for j in range(16))
    ins = (in0, in1)
    rows = (rows0, rows1)
    outs = (o0, o1)
    sis = (si0, si1)
    sgs = (sg0, sg1)
    sos = (so0, so1)

    def in_start(t, b):
        pltpu.async_copy(pk.at[pl.ds(row_base + t, 1)], ins[b], sis[b])

    def in_wait(b):
        pltpu.make_async_copy(pk.at[pl.ds(0, 1)], ins[b], sis[b]).wait()

    def gather_start(b):
        pltpu.async_copy(
            tbl.at[ins[b].at[0, pl.ds(0, 64)]],
            rows[b].at[pl.ds(0, 64)],
            sgs[b],
        )
        pltpu.async_copy(
            tbl.at[ins[b].at[0, pl.ds(64, 64)]],
            rows[b].at[pl.ds(64, 64)],
            sgs[b],
        )

    def gather_wait(b):
        pltpu.make_async_copy(
            tbl.at[ins[b].at[0, pl.ds(0, 64)]],
            rows[b].at[pl.ds(0, 64)],
            sgs[b],
        ).wait()
        pltpu.make_async_copy(
            tbl.at[ins[b].at[0, pl.ds(64, 64)]],
            rows[b].at[pl.ds(64, 64)],
            sgs[b],
        ).wait()

    def out_start(t, b):
        pltpu.async_copy(outs[b], out.at[row_base + t], sos[b])

    def out_wait(b):
        pltpu.make_async_copy(outs[b], out.at[0], sos[b]).wait()

    def compute(b):
        in_v = ins[b]
        rows_v = rows[b]
        o_v = outs[b]
        def group_body(g, carry):
            q0 = g * 16
            qvec = lane + q0
            bd = [
                plsc.bitcast(
                    plsc.load_gather(in_v, [zero16, bcol[j] + qvec]),
                    jnp.float32,
                )
                for j in range(16)
            ]
            qb = lax.shift_left(qvec, 7)
            for prop in range(NPROP):
                qbp = qb + prop * 16
                acc = None
                for j in range(16):
                    gk = plsc.load_gather(rows_v, [zero16, qbp + kdiag[j]])
                    acc = gk * bd[j] if acc is None else acc + gk * bd[j]
                o_v[prop, pl.ds(q0, 16)] = acc
            return carry

        lax.fori_loop(0, NGRP, group_body, 0)

    in_start(0, 0)
    in_start(1, 1)
    in_wait(0)
    gather_start(0)

    def pair_body(it, carry):
        t0 = it * 2
        for s in range(2):
            b = s
            t = t0 + s
            gather_wait(b)

            @pl.when(it >= 1)
            def _():
                out_wait(b)

            compute(b)
            out_start(t, b)

            @pl.when(it < NPAIR - 1)
            def _():
                in_start(t + 2, b)

            if s == 0:
                in_wait(1)
                gather_start(1)
            else:
                @pl.when(it < NPAIR - 1)
                def _():
                    in_wait(0)
                    gather_start(0)

        return carry

    lax.fori_loop(0, NPAIR, pair_body, 0)
    out_wait(0)
    out_wait(1)


def kernel(h, p, coeffs, h_vals, p_vals):
    h_min = h_vals[0]
    h_max = h_vals[-1]
    logp_min = jnp.log(p_vals[0])
    logp_max = jnp.log(p_vals[-1])
    delta_h = (h_max - h_min) / N_GRID
    delta_logp = (logp_max - logp_min) / N_GRID
    scal = jnp.stack([h_min, delta_h, logp_min, delta_logp])
    h2 = h.reshape(-1, 128)
    p2 = p.reshape(-1, 128)
    pk = _prep(scal, h2, p2)
    tbl = jnp.transpose(coeffs, (1, 2, 0, 3)).reshape(NCELL, NPROP * 16)
    out3 = _sc_main(tbl, pk)
    return jnp.transpose(out3, (1, 0, 2)).reshape(NPROP, BATCH)

# --- scband reference (transcript-rebuilt; emitter-appended) ---
"""Pipeline reference for scband-fluid-bicubic-56882546868539 (READ-ONLY COPY).

The authoritative reference and input builder live on the scoring server;
editing this copy changes nothing except your own understanding.
"""

import jax, jax.numpy as jnp
import numpy as np

PROPERTIES = ["T", "rho", "s", "mu", "k", "cp", "cv", "a"]
N_H = 512
N_P = 512
B = 262144
H_MIN, H_MAX = 1.0e5, 4.0e6
P_MIN, P_MAX = 1.0e3, 1.0e8


def setup_inputs(seed: int = 0) -> dict:
    key = jax.random.key(seed)
    kh, kp, kc = jax.random.split(key, 3)
    h = H_MIN + (H_MAX - H_MIN) * jax.random.uniform(kh, (B,), dtype=jnp.float32)
    p = jnp.exp(jnp.log(P_MIN) + (jnp.log(P_MAX) - jnp.log(P_MIN)) * jax.random.uniform(kp, (B,), dtype=jnp.float32))
    # Precomputed bicubic coefficient table (stands in for the CoolProp-generated
    # table; one (N_h-1, N_p-1, 16) coeff grid per thermodynamic property).
    coeffs = jax.random.normal(kc, (len(PROPERTIES), N_H - 1, N_P - 1, 16), dtype=jnp.float32)
    h_vals = jnp.linspace(H_MIN, H_MAX, N_H, dtype=jnp.float32)
    p_vals = jnp.exp(jnp.linspace(np.log(P_MIN), np.log(P_MAX), N_P, dtype=jnp.float32))
    return {"h": h, "p": p, "coeffs": coeffs, "h_vals": h_vals, "p_vals": p_vals}


def reference(h, p, coeffs, h_vals, p_vals):
    # Batched version of interpolate_bicubic_hp (the module vmaps the scalar kernel).
    logP_vals = jnp.log(p_vals)
    Nh = h_vals.shape[0]
    Np = logP_vals.shape[0]
    h_min, h_max = h_vals[0], h_vals[-1]
    logP_min, logP_max = logP_vals[0], logP_vals[-1]
    delta_h = (h_max - h_min) / (Nh - 1)
    delta_logP = (logP_max - logP_min) / (Np - 1)
    ii = (h - h_min) / delta_h
    jj = (jnp.log(p) - logP_min) / delta_logP
    i = jnp.clip(jnp.floor(ii).astype(jnp.int32), 0, Nh - 2)
    j = jnp.clip(jnp.floor(jj).astype(jnp.int32), 0, Np - 2)
    x = ii - i
    y = jj - j
    ones = jnp.ones_like(x)
    xm = jnp.stack([ones, x, x * x, x * x * x], axis=-1)  # [B, 4]
    ym = jnp.stack([ones, y, y * y, y * y * y], axis=-1)  # [B, 4]
    # per-row kron(ym, xm) -> [B, 16]
    basis = (ym[:, :, None] * xm[:, None, :]).reshape(-1, 16)
    # gather coefficient cells for every query and every property: [P, B, 16]
    cell = coeffs[:, i, j, :]
    out = jnp.einsum('pbk,bk->pb', cell, basis)  # [P, B]
    return out

if __name__ == "__main__":
    import jax
    _d = setup_inputs()
    print(jax.jit(kernel)(*tuple(_d.values())))

</pallas_src>

<mosaic_0001>
#map = affine_map<(d0, d1) -> (0, 0)>
#map1 = affine_map<(d0, d1) -> (0, 0, 0)>
module attributes {stable_mosaic.version = 14 : i64} {
  func.func @_sc_main(%arg0: i32, %arg1: i32, %arg2: memref<261121x128xf32, #tpu.memory_space<hbm>>, %arg3: memref<2048x2176xi32, #tpu.memory_space<hbm>>, %arg4: memref<2048x8x128xf32, #tpu.memory_space<hbm>>, %arg5: memref<1x2176xi32, #tpu.memory_space<vmem>>, %arg6: memref<1x2176xi32, #tpu.memory_space<vmem>>, %arg7: memref<128x128xf32, #tpu.memory_space<vmem>>, %arg8: memref<128x128xf32, #tpu.memory_space<vmem>>, %arg9: memref<8x128xf32, #tpu.memory_space<vmem>>, %arg10: memref<8x128xf32, #tpu.memory_space<vmem>>, %arg11: memref<!tpu.dma_semaphore, #tpu.memory_space<semaphore_mem>>, %arg12: memref<!tpu.dma_semaphore, #tpu.memory_space<semaphore_mem>>, %arg13: memref<!tpu.dma_semaphore, #tpu.memory_space<semaphore_mem>>, %arg14: memref<!tpu.dma_semaphore, #tpu.memory_space<semaphore_mem>>, %arg15: memref<!tpu.dma_semaphore, #tpu.memory_space<semaphore_mem>>, %arg16: memref<!tpu.dma_semaphore, #tpu.memory_space<semaphore_mem>>) attributes {dimension_semantics = [#tpu.dimension_semantics<core_parallel>, #tpu.dimension_semantics<subcore_parallel>], iteration_bounds = array<i64: 2, 16>, scalar_prefetch = 0 : i64, scratch_operands = 12 : i64, tpu.core_type = #tpu.core_type<sc_vector_subcore>, window_params = [{transform_indices = #map}, {transform_indices = #map}, {transform_indices = #map1}]} {
    %mul3A = arith.constant 2 : i32
    %mul3A_0 = arith.muli %arg1, %mul3A : i32
    %add3A = arith.addi %mul3A_0, %arg0 : i32
    %mul3A_1 = arith.constant 64 : i32
    %mul3A_2 = arith.muli %add3A, %mul3A_1 : i32
    %iota3A = tpu.iota {dimensions = array<i32: 0>} : vector<16xi32>
    %add3A_3 = arith.constant 0 : i32
    %add3A_4 = vector.broadcast %add3A_3 : i32 to vector<16xi32>
    %add3A_5 = arith.addi %iota3A, %add3A_4 : vector<16xi32>
    %and3A = arith.constant 15 : i32
    %and3A_6 = vector.broadcast %and3A : i32 to vector<16xi32>
    %and3A_7 = arith.andi %add3A_5, %and3A_6 : vector<16xi32>
    %add3A_8 = arith.constant 1 : i32
    %add3A_9 = vector.broadcast %add3A_8 : i32 to vector<16xi32>
    %add3A_10 = arith.addi %iota3A, %add3A_9 : vector<16xi32>
    %and3A_11 = arith.constant 15 : i32
    %and3A_12 = vector.broadcast %and3A_11 : i32 to vector<16xi32>
    %and3A_13 = arith.andi %add3A_10, %and3A_12 : vector<16xi32>
    %add3A_14 = arith.constant 2 : i32
    %add3A_15 = vector.broadcast %add3A_14 : i32 to vector<16xi32>
    %add3A_16 = arith.addi %iota3A, %add3A_15 : vector<16xi32>
    %and3A_17 = arith.constant 15 : i32
    %and3A_18 = vector.broadcast %and3A_17 : i32 to vector<16xi32>
    %and3A_19 = arith.andi %add3A_16, %and3A_18 : vector<16xi32>
    %add3A_20 = arith.constant 3 : i32
    %add3A_21 = vector.broadcast %add3A_20 : i32 to vector<16xi32>
    %add3A_22 = arith.addi %iota3A, %add3A_21 : vector<16xi32>
    %and3A_23 = arith.constant 15 : i32
    %and3A_24 = vector.broadcast %and3A_23 : i32 to vector<16xi32>
    %and3A_25 = arith.andi %add3A_22, %and3A_24 : vector<16xi32>
    %add3A_26 = arith.constant 4 : i32
    %add3A_27 = vector.broadcast %add3A_26 : i32 to vector<16xi32>
    %add3A_28 = arith.addi %iota3A, %add3A_27 : vector<16xi32>
    %and3A_29 = arith.constant 15 : i32
    %and3A_30 = vector.broadcast %and3A_29 : i32 to vector<16xi32>
    %and3A_31 = arith.andi %add3A_28, %and3A_30 : vector<16xi32>
    %add3A_32 = arith.constant 5 : i32
    %add3A_33 = vector.broadcast %add3A_32 : i32 to vector<16xi32>
    %add3A_34 = arith.addi %iota3A, %add3A_33 : vector<16xi32>
    %and3A_35 = arith.constant 15 : i32
    %and3A_36 = vector.broadcast %and3A_35 : i32 to vector<16xi32>
    %and3A_37 = arith.andi %add3A_34, %and3A_36 : vector<16xi32>
    %add3A_38 = arith.constant 6 : i32
    %add3A_39 = vector.broadcast %add3A_38 : i32 to vector<16xi32>
    %add3A_40 = arith.addi %iota3A, %add3A_39 : vector<16xi32>
    %and3A_41 = arith.constant 15 : i32
    %and3A_42 = vector.broadcast %and3A_41 : i32 to vector<16xi32>
    %and3A_43 = arith.andi %add3A_40, %and3A_42 : vector<16xi32>
    %add3A_44 = arith.constant 7 : i32
    %add3A_45 = vector.broadcast %add3A_44 : i32 to vector<16xi32>
    %add3A_46 = arith.addi %iota3A, %add3A_45 : vector<16xi32>
    %and3A_47 = arith.constant 15 : i32
    %and3A_48 = vector.broadcast %and3A_47 : i32 to vector<16xi32>
    %and3A_49 = arith.andi %add3A_46, %and3A_48 : vector<16xi32>
    %add3A_50 = arith.constant 8 : i32
    %add3A_51 = vector.broadcast %add3A_50 : i32 to vector<16xi32>
    %add3A_52 = arith.addi %iota3A, %add3A_51 : vector<16xi32>
    %and3A_53 = arith.constant 15 : i32
    %and3A_54 = vector.broadcast %and3A_53 : i32 to vector<16xi32>
    %and3A_55 = arith.andi %add3A_52, %and3A_54 : vector<16xi32>
    %add3A_56 = arith.constant 9 : i32
    %add3A_57 = vector.broadcast %add3A_56 : i32 to vector<16xi32>
    %add3A_58 = arith.addi %iota3A, %add3A_57 : vector<16xi32>
    %and3A_59 = arith.constant 15 : i32
    %and3A_60 = vector.broadcast %and3A_59 : i32 to vector<16xi32>
    %and3A_61 = arith.andi %add3A_58, %and3A_60 : vector<16xi32>
    %add3A_62 = arith.constant 10 : i32
    %add3A_63 = vector.broadcast %add3A_62 : i32 to vector<16xi32>
    %add3A_64 = arith.addi %iota3A, %add3A_63 : vector<16xi32>
    %and3A_65 = arith.constant 15 : i32
    %and3A_66 = vector.broadcast %and3A_65 : i32 to vector<16xi32>
    %and3A_67 = arith.andi %add3A_64, %and3A_66 : vector<16xi32>
    %add3A_68 = arith.constant 11 : i32
    %add3A_69 = vector.broadcast %add3A_68 : i32 to vector<16xi32>
    %add3A_70 = arith.addi %iota3A, %add3A_69 : vector<16xi32>
    %and3A_71 = arith.constant 15 : i32
    %and3A_72 = vector.broadcast %and3A_71 : i32 to vector<16xi32>
    %and3A_73 = arith.andi %add3A_70, %and3A_72 : vector<16xi32>
    %add3A_74 = arith.constant 12 : i32
    %add3A_75 = vector.broadcast %add3A_74 : i32 to vector<16xi32>
    %add3A_76 = arith.addi %iota3A, %add3A_75 : vector<16xi32>
    %and3A_77 = arith.constant 15 : i32
    %and3A_78 = vector.broadcast %and3A_77 : i32 to vector<16xi32>
    %and3A_79 = arith.andi %add3A_76, %and3A_78 : vector<16xi32>
    %add3A_80 = arith.constant 13 : i32
    %add3A_81 = vector.broadcast %add3A_80 : i32 to vector<16xi32>
    %add3A_82 = arith.addi %iota3A, %add3A_81 : vector<16xi32>
    %and3A_83 = arith.constant 15 : i32
    %and3A_84 = vector.broadcast %and3A_83 : i32 to vector<16xi32>
    %and3A_85 = arith.andi %add3A_82, %and3A_84 : vector<16xi32>
    %add3A_86 = arith.constant 14 : i32
    %add3A_87 = vector.broadcast %add3A_86 : i32 to vector<16xi32>
    %add3A_88 = arith.addi %iota3A, %add3A_87 : vector<16xi32>
    %and3A_89 = arith.constant 15 : i32
    %and3A_90 = vector.broadcast %and3A_89 : i32 to vector<16xi32>
    %and3A_91 = arith.andi %add3A_88, %and3A_90 : vector<16xi32>
    %add3A_92 = arith.constant 15 : i32
    %add3A_93 = vector.broadcast %add3A_92 : i32 to vector<16xi32>
    %add3A_94 = arith.addi %iota3A, %add3A_93 : vector<16xi32>
    %and3A_95 = arith.constant 15 : i32
    %and3A_96 = vector.broadcast %and3A_95 : i32 to vector<16xi32>
    %and3A_97 = arith.andi %add3A_94, %and3A_96 : vector<16xi32>
    %broadcast_in_dim3A = arith.constant 0 : i32
    %broadcast_in_dim3A_98 = vector.broadcast %broadcast_in_dim3A : i32 to vector<16xi32>
    %mul3A_99 = arith.constant 128 : i32
    %mul3A_100 = vector.broadcast %mul3A_99 : i32 to vector<16xi32>
    %mul3A_101 = arith.muli %and3A_7, %mul3A_100 : vector<16xi32>
    %add3A_102 = arith.constant 128 : i32
    %add3A_103 = vector.broadcast %add3A_102 : i32 to vector<16xi32>
    %add3A_104 = arith.addi %add3A_103, %mul3A_101 : vector<16xi32>
    %mul3A_105 = arith.constant 128 : i32
    %mul3A_106 = vector.broadcast %mul3A_105 : i32 to vector<16xi32>
    %mul3A_107 = arith.muli %and3A_13, %mul3A_106 : vector<16xi32>
    %add3A_108 = arith.constant 128 : i32
    %add3A_109 = vector.broadcast %add3A_108 : i32 to vector<16xi32>
    %add3A_110 = arith.addi %add3A_109, %mul3A_107 : vector<16xi32>
    %mul3A_111 = arith.constant 128 : i32
    %mul3A_112 = vector.broadcast %mul3A_111 : i32 to vector<16xi32>
    %mul3A_113 = arith.muli %and3A_19, %mul3A_112 : vector<16xi32>
    %add3A_114 = arith.constant 128 : i32
    %add3A_115 = vector.broadcast %add3A_114 : i32 to vector<16xi32>
    %add3A_116 = arith.addi %add3A_115, %mul3A_113 : vector<16xi32>
    %mul3A_117 = arith.constant 128 : i32
    %mul3A_118 = vector.broadcast %mul3A_117 : i32 to vector<16xi32>
    %mul3A_119 = arith.muli %and3A_25, %mul3A_118 : vector<16xi32>
    %add3A_120 = arith.constant 128 : i32
    %add3A_121 = vector.broadcast %add3A_120 : i32 to vector<16xi32>
    %add3A_122 = arith.addi %add3A_121, %mul3A_119 : vector<16xi32>
    %mul3A_123 = arith.constant 128 : i32
    %mul3A_124 = vector.broadcast %mul3A_123 : i32 to vector<16xi32>
    %mul3A_125 = arith.muli %and3A_31, %mul3A_124 : vector<16xi32>
    %add3A_126 = arith.constant 128 : i32
    %add3A_127 = vector.broadcast %add3A_126 : i32 to vector<16xi32>
    %add3A_128 = arith.addi %add3A_127, %mul3A_125 : vector<16xi32>
    %mul3A_129 = arith.constant 128 : i32
    %mul3A_130 = vector.broadcast %mul3A_129 : i32 to vector<16xi32>
    %mul3A_131 = arith.muli %and3A_37, %mul3A_130 : vector<16xi32>
    %add3A_132 = arith.constant 128 : i32
    %add3A_133 = vector.broadcast %add3A_132 : i32 to vector<16xi32>
    %add3A_134 = arith.addi %add3A_133, %mul3A_131 : vector<16xi32>
    %mul3A_135 = arith.constant 128 : i32
    %mul3A_136 = vector.broadcast %mul3A_135 : i32 to vector<16xi32>
    %mul3A_137 = arith.muli %and3A_43, %mul3A_136 : vector<16xi32>
    %add3A_138 = arith.constant 128 : i32
    %add3A_139 = vector.broadcast %add3A_138 : i32 to vector<16xi32>
    %add3A_140 = arith.addi %add3A_139, %mul3A_137 : vector<16xi32>
    %mul3A_141 = arith.constant 128 : i32
    %mul3A_142 = vector.broadcast %mul3A_141 : i32 to vector<16xi32>
    %mul3A_143 = arith.muli %and3A_49, %mul3A_142 : vector<16xi32>
    %add3A_144 = arith.constant 128 : i32
    %add3A_145 = vector.broadcast %add3A_144 : i32 to vector<16xi32>
    %add3A_146 = arith.addi %add3A_145, %mul3A_143 : vector<16xi32>
    %mul3A_147 = arith.constant 128 : i32
    %mul3A_148 = vector.broadcast %mul3A_147 : i32 to vector<16xi32>
    %mul3A_149 = arith.muli %and3A_55, %mul3A_148 : vector<16xi32>
    %add3A_150 = arith.constant 128 : i32
    %add3A_151 = vector.broadcast %add3A_150 : i32 to vector<16xi32>
    %add3A_152 = arith.addi %add3A_151, %mul3A_149 : vector<16xi32>
    %mul3A_153 = arith.constant 128 : i32
    %mul3A_154 = vector.broadcast %mul3A_153 : i32 to vector<16xi32>
    %mul3A_155 = arith.muli %and3A_61, %mul3A_154 : vector<16xi32>
    %add3A_156 = arith.constant 128 : i32
    %add3A_157 = vector.broadcast %add3A_156 : i32 to vector<16xi32>
    %add3A_158 = arith.addi %add3A_157, %mul3A_155 : vector<16xi32>
    %mul3A_159 = arith.constant 128 : i32
    %mul3A_160 = vector.broadcast %mul3A_159 : i32 to vector<16xi32>
    %mul3A_161 = arith.muli %and3A_67, %mul3A_160 : vector<16xi32>
    %add3A_162 = arith.constant 128 : i32
    %add3A_163 = vector.broadcast %add3A_162 : i32 to vector<16xi32>
    %add3A_164 = arith.addi %add3A_163, %mul3A_161 : vector<16xi32>
    %mul3A_165 = arith.constant 128 : i32
    %mul3A_166 = vector.broadcast %mul3A_165 : i32 to vector<16xi32>
    %mul3A_167 = arith.muli %and3A_73, %mul3A_166 : vector<16xi32>
    %add3A_168 = arith.constant 128 : i32
    %add3A_169 = vector.broadcast %add3A_168 : i32 to vector<16xi32>
    %add3A_170 = arith.addi %add3A_169, %mul3A_167 : vector<16xi32>
    %mul3A_171 = arith.constant 128 : i32
    %mul3A_172 = vector.broadcast %mul3A_171 : i32 to vector<16xi32>
    %mul3A_173 = arith.muli %and3A_79, %mul3A_172 : vector<16xi32>
    %add3A_174 = arith.constant 128 : i32
    %add3A_175 = vector.broadcast %add3A_174 : i32 to vector<16xi32>
    %add3A_176 = arith.addi %add3A_175, %mul3A_173 : vector<16xi32>
    %mul3A_177 = arith.constant 128 : i32
    %mul3A_178 = vector.broadcast %mul3A_177 : i32 to vector<16xi32>
    %mul3A_179 = arith.muli %and3A_85, %mul3A_178 : vector<16xi32>
    %add3A_180 = arith.constant 128 : i32
    %add3A_181 = vector.broadcast %add3A_180 : i32 to vector<16xi32>
    %add3A_182 = arith.addi %add3A_181, %mul3A_179 : vector<16xi32>
    %mul3A_183 = arith.constant 128 : i32
    %mul3A_184 = vector.broadcast %mul3A_183 : i32 to vector<16xi32>
    %mul3A_185 = arith.muli %and3A_91, %mul3A_184 : vector<16xi32>
    %add3A_186 = arith.constant 128 : i32
    %add3A_187 = vector.broadcast %add3A_186 : i32 to vector<16xi32>
    %add3A_188 = arith.addi %add3A_187, %mul3A_185 : vector<16xi32>
    %mul3A_189 = arith.constant 128 : i32
    %mul3A_190 = vector.broadcast %mul3A_189 : i32 to vector<16xi32>
    %mul3A_191 = arith.muli %and3A_97, %mul3A_190 : vector<16xi32>
    %add3A_192 = arith.constant 128 : i32
    %add3A_193 = vector.broadcast %add3A_192 : i32 to vector<16xi32>
    %add3A_194 = arith.addi %add3A_193, %mul3A_191 : vector<16xi32>
    %add3A_195 = arith.constant 0 : i32
    %add3A_196 = arith.addi %mul3A_2, %add3A_195 : i32
    %dma_start3A = arith.constant 0 : i32
    %dma_start3A_197 = tpu.memref_slice %arg3[%add3A_196, %dma_start3A] : memref<2048x2176xi32, #tpu.memory_space<hbm>> -> memref<1x2176xi32, #tpu.memory_space<hbm>>
    %dma_start3A_198 = arith.constant 0 : i32
    %dma_start3A_199 = tpu.memref_slice %arg3[%add3A_196, %dma_start3A_198] : memref<2048x2176xi32, #tpu.memory_space<hbm>> -> memref<1x2176xi32, #tpu.memory_space<hbm>>
    tpu.enqueue_dma source(%dma_start3A_199 : memref<1x2176xi32, #tpu.memory_space<hbm>>) target(%arg5 : memref<1x2176xi32, #tpu.memory_space<vmem>>) target_semaphore(%arg11 : memref<!tpu.dma_semaphore, #tpu.memory_space<semaphore_mem>>)
    %add3A_200 = arith.constant 1 : i32
    %add3A_201 = arith.addi %mul3A_2, %add3A_200 : i32
    %dma_start3A_202 = arith.constant 0 : i32
    %dma_start3A_203 = tpu.memref_slice %arg3[%add3A_201, %dma_start3A_202] : memref<2048x2176xi32, #tpu.memory_space<hbm>> -> memref<1x2176xi32, #tpu.memory_space<hbm>>
    %dma_start3A_204 = arith.constant 0 : i32
    %dma_start3A_205 = tpu.memref_slice %arg3[%add3A_201, %dma_start3A_204] : memref<2048x2176xi32, #tpu.memory_space<hbm>> -> memref<1x2176xi32, #tpu.memory_space<hbm>>
    tpu.enqueue_dma source(%dma_start3A_205 : memref<1x2176xi32, #tpu.memory_space<hbm>>) target(%arg6 : memref<1x2176xi32, #tpu.memory_space<vmem>>) target_semaphore(%arg12 : memref<!tpu.dma_semaphore, #tpu.memory_space<semaphore_mem>>)
    %dma_wait3A = arith.constant 0 : i32
    %dma_wait3A_206 = arith.constant 0 : i32
    %dma_wait3A_207 = tpu.memref_slice %arg3[%dma_wait3A, %dma_wait3A_206] : memref<2048x2176xi32, #tpu.memory_space<hbm>> -> memref<1x2176xi32, #tpu.memory_space<hbm>>
    %dma_wait3A_208 = arith.constant 0 : i32
    %dma_wait3A_209 = arith.constant 0 : i32
    %dma_wait3A_210 = tpu.memref_slice %arg3[%dma_wait3A_208, %dma_wait3A_209] : memref<2048x2176xi32, #tpu.memory_space<hbm>> -> memref<1x2176xi32, #tpu.memory_space<hbm>>
    tpu.wait_dma2 semaphore(%arg11 : memref<!tpu.dma_semaphore, #tpu.memory_space<semaphore_mem>>) src(%dma_wait3A_210 : memref<1x2176xi32, #tpu.memory_space<hbm>>) dst(%arg5 : memref<1x2176xi32, #tpu.memory_space<vmem>>)
    %dma_start3A_211 = arith.constant 0 : i32
    %dma_start3A_212 = arith.constant 0 : i32
    %dma_start3A_213 = arith.constant 0 : i32
    %dma_start3A_214 = tpu.memref_slice %arg7[%dma_start3A_212, %dma_start3A_213] : memref<128x128xf32, #tpu.memory_space<vmem>> -> memref<64x128xf32, #tpu.memory_space<vmem>>
    %dma_start3A_215 = arith.constant 0 : i32
    %dma_start3A_216 = tpu.memref_slice %arg5[%dma_start3A_211, %dma_start3A_215] : memref<1x2176xi32, #tpu.memory_space<vmem>> -> memref<1x64xi32, #tpu.memory_space<vmem>>
    %dma_start3A_217 = tpu.memref_squeeze %dma_start3A_216 : memref<1x64xi32, #tpu.memory_space<vmem>> -> memref<64xi32, #tpu.memory_space<vmem>>
    %dma_start3A_218 = arith.constant 0 : i32
    %dma_start3A_219 = arith.constant 0 : i32
    %dma_start3A_220 = tpu.memref_slice %arg2[%dma_start3A_218, %dma_start3A_219] : memref<261121x128xf32, #tpu.memory_space<hbm>> -> memref<261121x128xf32, #tpu.memory_space<hbm>>
    tpu.enqueue_indirect_dma source(%dma_start3A_220 : memref<261121x128xf32, #tpu.memory_space<hbm>>) target(%dma_start3A_214 : memref<64x128xf32, #tpu.memory_space<vmem>>) offsets(%dma_start3A_217 : memref<64xi32, #tpu.memory_space<vmem>>) semaphore(%arg13 : memref<!tpu.dma_semaphore, #tpu.memory_space<semaphore_mem>>)
    %dma_start3A_221 = arith.constant 0 : i32
    %dma_start3A_222 = arith.constant 64 : i32
    %dma_start3A_223 = arith.constant 0 : i32
    %dma_start3A_224 = tpu.memref_slice %arg7[%dma_start3A_222, %dma_start3A_223] : memref<128x128xf32, #tpu.memory_space<vmem>> -> memref<64x128xf32, #tpu.memory_space<vmem>>
    %dma_start3A_225 = arith.constant 64 : i32
    %dma_start3A_226 = tpu.memref_slice %arg5[%dma_start3A_221, %dma_start3A_225] : memref<1x2176xi32, #tpu.memory_space<vmem>> -> memref<1x64xi32, #tpu.memory_space<vmem>>
    %dma_start3A_227 = tpu.memref_squeeze %dma_start3A_226 : memref<1x64xi32, #tpu.memory_space<vmem>> -> memref<64xi32, #tpu.memory_space<vmem>>
    %dma_start3A_228 = arith.constant 0 : i32
    %dma_start3A_229 = arith.constant 0 : i32
    %dma_start3A_230 = tpu.memref_slice %arg2[%dma_start3A_228, %dma_start3A_229] : memref<261121x128xf32, #tpu.memory_space<hbm>> -> memref<261121x128xf32, #tpu.memory_space<hbm>>
    tpu.enqueue_indirect_dma source(%dma_start3A_230 : memref<261121x128xf32, #tpu.memory_space<hbm>>) target(%dma_start3A_224 : memref<64x128xf32, #tpu.memory_space<vmem>>) offsets(%dma_start3A_227 : memref<64xi32, #tpu.memory_space<vmem>>) semaphore(%arg13 : memref<!tpu.dma_semaphore, #tpu.memory_space<semaphore_mem>>)
    %scan3A = arith.constant 0 : i32
    %scan3A_231 = arith.constant 0 : i32
    %scan3A_232 = arith.constant 32 : i32
    %scan3A_233 = arith.addi %scan3A_231, %scan3A_232 : i32
    %scan3A_234 = arith.constant 1 : i32
    scf.for %scan3A_254 = %scan3A_231 to %scan3A_233 step %scan3A_234  : i32 {
      %mul3A_255 = arith.constant 2 : i32
      %mul3A_256 = arith.muli %scan3A_254, %mul3A_255 : i32
      %add3A_257 = arith.constant 0 : i32
      %add3A_258 = arith.addi %mul3A_256, %add3A_257 : i32
      %dma_wait3A_259 = arith.constant 0 : i32
      %dma_wait3A_260 = arith.constant 0 : i32
      %dma_wait3A_261 = arith.constant 0 : i32
      %dma_wait3A_262 = tpu.memref_slice %arg7[%dma_wait3A_260, %dma_wait3A_261] : memref<128x128xf32, #tpu.memory_space<vmem>> -> memref<64x128xf32, #tpu.memory_space<vmem>>
      %dma_wait3A_263 = arith.constant 0 : i32
      %dma_wait3A_264 = tpu.memref_slice %arg5[%dma_wait3A_259, %dma_wait3A_263] : memref<1x2176xi32, #tpu.memory_space<vmem>> -> memref<1x64xi32, #tpu.memory_space<vmem>>
      %dma_wait3A_265 = tpu.memref_squeeze %dma_wait3A_264 : memref<1x64xi32, #tpu.memory_space<vmem>> -> memref<64xi32, #tpu.memory_space<vmem>>
      %dma_wait3A_266 = arith.constant 0 : i32
      %dma_wait3A_267 = arith.constant 0 : i32
      %dma_wait3A_268 = tpu.memref_slice %arg2[%dma_wait3A_266, %dma_wait3A_267] : memref<261121x128xf32, #tpu.memory_space<hbm>> -> memref<261121x128xf32, #tpu.memory_space<hbm>>
      tpu.wait_indirect_dma semaphore(%arg13 : memref<!tpu.dma_semaphore, #tpu.memory_space<semaphore_mem>>) src(%dma_wait3A_268 : memref<261121x128xf32, #tpu.memory_space<hbm>>) dst(%dma_wait3A_262 : memref<64x128xf32, #tpu.memory_space<vmem>>)
      %dma_wait3A_269 = arith.constant 0 : i32
      %dma_wait3A_270 = arith.constant 64 : i32
      %dma_wait3A_271 = arith.constant 0 : i32
      %dma_wait3A_272 = tpu.memref_slice %arg7[%dma_wait3A_270, %dma_wait3A_271] : memref<128x128xf32, #tpu.memory_space<vmem>> -> memref<64x128xf32, #tpu.memory_space<vmem>>
      %dma_wait3A_273 = arith.constant 64 : i32
      %dma_wait3A_274 = tpu.memref_slice %arg5[%dma_wait3A_269, %dma_wait3A_273] : memref<1x2176xi32, #tpu.memory_space<vmem>> -> memref<1x64xi32, #tpu.memory_space<vmem>>
      %dma_wait3A_275 = tpu.memref_squeeze %dma_wait3A_274 : memref<1x64xi32, #tpu.memory_space<vmem>> -> memref<64xi32, #tpu.memory_space<vmem>>
      %dma_wait3A_276 = arith.constant 0 : i32
      %dma_wait3A_277 = arith.constant 0 : i32
      %dma_wait3A_278 = tpu.memref_slice %arg2[%dma_wait3A_276, %dma_wait3A_277] : memref<261121x128xf32, #tpu.memory_space<hbm>> -> memref<261121x128xf32, #tpu.memory_space<hbm>>
      tpu.wait_indirect_dma semaphore(%arg13 : memref<!tpu.dma_semaphore, #tpu.memory_space<semaphore_mem>>) src(%dma_wait3A_278 : memref<261121x128xf32, #tpu.memory_space<hbm>>) dst(%dma_wait3A_272 : memref<64x128xf32, #tpu.memory_space<vmem>>)
      %ge3A = arith.constant 1 : i32
      %ge3A_279 = arith.cmpi sge, %scan3A_254, %ge3A : i32
      %convert_element_type3A = arith.extui %ge3A_279 : i1 to i32
      %cond3A = arith.constant 0 : i32
      %cond3A_280 = arith.cmpi ne, %convert_element_type3A, %cond3A : i32
      scf.if %cond3A_280 {
        %dma_wait3A_378 = arith.constant 0 : i32
        %dma_wait3A_379 = arith.constant 0 : i32
        %dma_wait3A_380 = arith.constant 0 : i32
        %dma_wait3A_381 = tpu.memref_slice %arg4[%dma_wait3A_378, %dma_wait3A_379, %dma_wait3A_380] : memref<2048x8x128xf32, #tpu.memory_space<hbm>> -> memref<1x8x128xf32, #tpu.memory_space<hbm>>
        %dma_wait3A_382 = tpu.memref_squeeze %dma_wait3A_381 : memref<1x8x128xf32, #tpu.memory_space<hbm>> -> memref<8x128xf32, #tpu.memory_space<hbm>>
        %dma_wait3A_383 = arith.constant 0 : i32
        %dma_wait3A_384 = arith.constant 0 : i32
        %dma_wait3A_385 = tpu.memref_slice %arg4[%dma_wait3A_378, %dma_wait3A_383, %dma_wait3A_384] : memref<2048x8x128xf32, #tpu.memory_space<hbm>> -> memref<1x8x128xf32, #tpu.memory_space<hbm>>
        %dma_wait3A_386 = tpu.memref_squeeze %dma_wait3A_385 : memref<1x8x128xf32, #tpu.memory_space<hbm>> -> memref<8x128xf32, #tpu.memory_space<hbm>>
        tpu.wait_dma2 semaphore(%arg15 : memref<!tpu.dma_semaphore, #tpu.memory_space<semaphore_mem>>) src(%arg9 : memref<8x128xf32, #tpu.memory_space<vmem>>) dst(%dma_wait3A_386 : memref<8x128xf32, #tpu.memory_space<hbm>>)
      } else {
      }
      %scan3A_281 = arith.constant 0 : i32
      %scan3A_282 = arith.constant 0 : i32
      %scan3A_283 = arith.constant 8 : i32
      %scan3A_284 = arith.addi %scan3A_282, %scan3A_283 : i32
      %scan3A_285 = arith.constant 1 : i32
      scf.for %scan3A_378 = %scan3A_282 to %scan3A_284 step %scan3A_285  : i32 {
        %mul3A_379 = arith.constant 16 : i32
        %mul3A_380 = arith.muli %scan3A_378, %mul3A_379 : i32
        %add3A_381 = vector.broadcast %mul3A_380 : i32 to vector<16xi32>
        %add3A_382 = arith.addi %iota3A, %add3A_381 : vector<16xi32>
        %add3A_383 = arith.addi %add3A_104, %add3A_382 : vector<16xi32>
        %gather3A = tpu.vector_load_idx %arg5[%broadcast_in_dim3A_98, %add3A_383] : memref<1x2176xi32, #tpu.memory_space<vmem>>[vector<16xi32>, vector<16xi32>], vector<16xi32>,
        %bitcast3A = vector.bitcast %gather3A : vector<16xi32> to vector<16xf32>
        %add3A_384 = arith.addi %add3A_110, %add3A_382 : vector<16xi32>
        %gather3A_385 = tpu.vector_load_idx %arg5[%broadcast_in_dim3A_98, %add3A_384] : memref<1x2176xi32, #tpu.memory_space<vmem>>[vector<16xi32>, vector<16xi32>], vector<16xi32>,
        %bitcast3A_386 = vector.bitcast %gather3A_385 : vector<16xi32> to vector<16xf32>
        %add3A_387 = arith.addi %add3A_116, %add3A_382 : vector<16xi32>
        %gather3A_388 = tpu.vector_load_idx %arg5[%broadcast_in_dim3A_98, %add3A_387] : memref<1x2176xi32, #tpu.memory_space<vmem>>[vector<16xi32>, vector<16xi32>], vector<16xi32>,
        %bitcast3A_389 = vector.bitcast %gather3A_388 : vector<16xi32> to vector<16xf32>
        %add3A_390 = arith.addi %add3A_122, %add3A_382 : vector<16xi32>
        %gather3A_391 = tpu.vector_load_idx %arg5[%broadcast_in_dim3A_98, %add3A_390] : memref<1x2176xi32, #tpu.memory_space<vmem>>[vector<16xi32>, vector<16xi32>], vector<16xi32>,
        %bitcast3A_392 = vector.bitcast %gather3A_391 : vector<16xi32> to vector<16xf32>
        %add3A_393 = arith.addi %add3A_128, %add3A_382 : vector<16xi32>
        %gather3A_394 = tpu.vector_load_idx %arg5[%broadcast_in_dim3A_98, %add3A_393] : memref<1x2176xi32, #tpu.memory_space<vmem>>[vector<16xi32>, vector<16xi32>], vector<16xi32>,
        %bitcast3A_395 = vector.bitcast %gather3A_394 : vector<16xi32> to vector<16xf32>
        %add3A_396 = arith.addi %add3A_134, %add3A_382 : vector<16xi32>
        %gather3A_397 = tpu.vector_load_idx %arg5[%broadcast_in_dim3A_98, %add3A_396] : memref<1x2176xi32, #tpu.memory_space<vmem>>[vector<16xi32>, vector<16xi32>], vector<16xi32>,
        %bitcast3A_398 = vector.bitcast %gather3A_397 : vector<16xi32> to vector<16xf32>
        %add3A_399 = arith.addi %add3A_140, %add3A_382 : vector<16xi32>
        %gather3A_400 = tpu.vector_load_idx %arg5[%broadcast_in_dim3A_98, %add3A_399] : memref<1x2176xi32, #tpu.memory_space<vmem>>[vector<16xi32>, vector<16xi32>], vector<16xi32>,
        %bitcast3A_401 = vector.bitcast %gather3A_400 : vector<16xi32> to vector<16xf32>
        %add3A_402 = arith.addi %add3A_146, %add3A_382 : vector<16xi32>
        %gather3A_403 = tpu.vector_load_idx %arg5[%broadcast_in_dim3A_98, %add3A_402] : memref<1x2176xi32, #tpu.memory_space<vmem>>[vector<16xi32>, vector<16xi32>], vector<16xi32>,
        %bitcast3A_404 = vector.bitcast %gather3A_403 : vector<16xi32> to vector<16xf32>
        %add3A_405 = arith.addi %add3A_152, %add3A_382 : vector<16xi32>
        %gather3A_406 = tpu.vector_load_idx %arg5[%broadcast_in_dim3A_98, %add3A_405] : memref<1x2176xi32, #tpu.memory_space<vmem>>[vector<16xi32>, vector<16xi32>], vector<16xi32>,
        %bitcast3A_407 = vector.bitcast %gather3A_406 : vector<16xi32> to vector<16xf32>
        %add3A_408 = arith.addi %add3A_158, %add3A_382 : vector<16xi32>
        %gather3A_409 = tpu.vector_load_idx %arg5[%broadcast_in_dim3A_98, %add3A_408] : memref<1x2176xi32, #tpu.memory_space<vmem>>[vector<16xi32>, vector<16xi32>], vector<16xi32>,
        %bitcast3A_410 = vector.bitcast %gather3A_409 : vector<16xi32> to vector<16xf32>
        %add3A_411 = arith.addi %add3A_164, %add3A_382 : vector<16xi32>
        %gather3A_412 = tpu.vector_load_idx %arg5[%broadcast_in_dim3A_98, %add3A_411] : memref<1x2176xi32, #tpu.memory_space<vmem>>[vector<16xi32>, vector<16xi32>], vector<16xi32>,
        %bitcast3A_413 = vector.bitcast %gather3A_412 : vector<16xi32> to vector<16xf32>
        %add3A_414 = arith.addi %add3A_170, %add3A_382 : vector<16xi32>
        %gather3A_415 = tpu.vector_load_idx %arg5[%broadcast_in_dim3A_98, %add3A_414] : memref<1x2176xi32, #tpu.memory_space<vmem>>[vector<16xi32>, vector<16xi32>], vector<16xi32>,
        %bitcast3A_416 = vector.bitcast %gather3A_415 : vector<16xi32> to vector<16xf32>
        %add3A_417 = arith.addi %add3A_176, %add3A_382 : vector<16xi32>
        %gather3A_418 = tpu.vector_load_idx %arg5[%broadcast_in_dim3A_98, %add3A_417] : memref<1x2176xi32, #tpu.memory_space<vmem>>[vector<16xi32>, vector<16xi32>], vector<16xi32>,
        %bitcast3A_419 = vector.bitcast %gather3A_418 : vector<16xi32> to vector<16xf32>
        %add3A_420 = arith.addi %add3A_182, %add3A_382 : vector<16xi32>
        %gather3A_421 = tpu.vector_load_idx %arg5[%broadcast_in_dim3A_98, %add3A_420] : memref<1x2176xi32, #tpu.memory_space<vmem>>[vector<16xi32>, vector<16xi32>], vector<16xi32>,
        %bitcast3A_422 = vector.bitcast %gather3A_421 : vector<16xi32> to vector<16xf32>
        %add3A_423 = arith.addi %add3A_188, %add3A_382 : vector<16xi32>
        %gather3A_424 = tpu.vector_load_idx %arg5[%broadcast_in_dim3A_98, %add3A_423] : memref<1x2176xi32, #tpu.memory_space<vmem>>[vector<16xi32>, vector<16xi32>], vector<16xi32>,
        %bitcast3A_425 = vector.bitcast %gather3A_424 : vector<16xi32> to vector<16xf32>
        %add3A_426 = arith.addi %add3A_194, %add3A_382 : vector<16xi32>
        %gather3A_427 = tpu.vector_load_idx %arg5[%broadcast_in_dim3A_98, %add3A_426] : memref<1x2176xi32, #tpu.memory_space<vmem>>[vector<16xi32>, vector<16xi32>], vector<16xi32>,
        %bitcast3A_428 = vector.bitcast %gather3A_427 : vector<16xi32> to vector<16xf32>
        %shift_left3A = arith.constant 7 : i32
        %shift_left3A_429 = vector.broadcast %shift_left3A : i32 to vector<16xi32>
        %shift_left3A_430 = arith.shli %add3A_382, %shift_left3A_429 : vector<16xi32>
        %add3A_431 = arith.constant 0 : i32
        %add3A_432 = vector.broadcast %add3A_431 : i32 to vector<16xi32>
        %add3A_433 = arith.addi %shift_left3A_430, %add3A_432 : vector<16xi32>
        %add3A_434 = arith.addi %add3A_433, %and3A_7 : vector<16xi32>
        %gather3A_435 = tpu.vector_load_idx %arg7[%broadcast_in_dim3A_98, %add3A_434] : memref<128x128xf32, #tpu.memory_space<vmem>>[vector<16xi32>, vector<16xi32>], vector<16xf32>,
        %mul3A_436 = arith.mulf %gather3A_435, %bitcast3A : vector<16xf32>
        %add3A_437 = arith.addi %add3A_433, %and3A_13 : vector<16xi32>
        %gather3A_438 = tpu.vector_load_idx %arg7[%broadcast_in_dim3A_98, %add3A_437] : memref<128x128xf32, #tpu.memory_space<vmem>>[vector<16xi32>, vector<16xi32>], vector<16xf32>,
        %mul3A_439 = arith.mulf %gather3A_438, %bitcast3A_386 : vector<16xf32>
        %add3A_440 = arith.addf %mul3A_436, %mul3A_439 : vector<16xf32>
        %add3A_441 = arith.addi %add3A_433, %and3A_19 : vector<16xi32>
        %gather3A_442 = tpu.vector_load_idx %arg7[%broadcast_in_dim3A_98, %add3A_441] : memref<128x128xf32, #tpu.memory_space<vmem>>[vector<16xi32>, vector<16xi32>], vector<16xf32>,
        %mul3A_443 = arith.mulf %gather3A_442, %bitcast3A_389 : vector<16xf32>
        %add3A_444 = arith.addf %add3A_440, %mul3A_443 : vector<16xf32>
        %add3A_445 = arith.addi %add3A_433, %and3A_25 : vector<16xi32>
        %gather3A_446 = tpu.vector_load_idx %arg7[%broadcast_in_dim3A_98, %add3A_445] : memref<128x128xf32, #tpu.memory_space<vmem>>[vector<16xi32>, vector<16xi32>], vector<16xf32>,
        %mul3A_447 = arith.mulf %gather3A_446, %bitcast3A_392 : vector<16xf32>
        %add3A_448 = arith.addf %add3A_444, %mul3A_447 : vector<16xf32>
        %add3A_449 = arith.addi %add3A_433, %and3A_31 : vector<16xi32>
        %gather3A_450 = tpu.vector_load_idx %arg7[%broadcast_in_dim3A_98, %add3A_449] : memref<128x128xf32, #tpu.memory_space<vmem>>[vector<16xi32>, vector<16xi32>], vector<16xf32>,
        %mul3A_451 = arith.mulf %gather3A_450, %bitcast3A_395 : vector<16xf32>
        %add3A_452 = arith.addf %add3A_448, %mul3A_451 : vector<16xf32>
        %add3A_453 = arith.addi %add3A_433, %and3A_37 : vector<16xi32>
        %gather3A_454 = tpu.vector_load_idx %arg7[%broadcast_in_dim3A_98, %add3A_453] : memref<128x128xf32, #tpu.memory_space<vmem>>[vector<16xi32>, vector<16xi32>], vector<16xf32>,
        %mul3A_455 = arith.mulf %gather3A_454, %bitcast3A_398 : vector<16xf32>
        %add3A_456 = arith.addf %add3A_452, %mul3A_455 : vector<16xf32>
        %add3A_457 = arith.addi %add3A_433, %and3A_43 : vector<16xi32>
        %gather3A_458 = tpu.vector_load_idx %arg7[%broadcast_in_dim3A_98, %add3A_457] : memref<128x128xf32, #tpu.memory_space<vmem>>[vector<16xi32>, vector<16xi32>], vector<16xf32>,
        %mul3A_459 = arith.mulf %gather3A_458, %bitcast3A_401 : vector<16xf32>
        %add3A_460 = arith.addf %add3A_456, %mul3A_459 : vector<16xf32>
        %add3A_461 = arith.addi %add3A_433, %and3A_49 : vector<16xi32>
        %gather3A_462 = tpu.vector_load_idx %arg7[%broadcast_in_dim3A_98, %add3A_461] : memref<128x128xf32, #tpu.memory_space<vmem>>[vector<16xi32>, vector<16xi32>], vector<16xf32>,
        %mul3A_463 = arith.mulf %gather3A_462, %bitcast3A_404 : vector<16xf32>
        %add3A_464 = arith.addf %add3A_460, %mul3A_463 : vector<16xf32>
        %add3A_465 = arith.addi %add3A_433, %and3A_55 : vector<16xi32>
        %gather3A_466 = tpu.vector_load_idx %arg7[%broadcast_in_dim3A_98, %add3A_465] : memref<128x128xf32, #tpu.memory_space<vmem>>[vector<16xi32>, vector<16xi32>], vector<16xf32>,
        %mul3A_467 = arith.mulf %gather3A_466, %bitcast3A_407 : vector<16xf32>
        %add3A_468 = arith.addf %add3A_464, %mul3A_467 : vector<16xf32>
        %add3A_469 = arith.addi %add3A_433, %and3A_61 : vector<16xi32>
        %gather3A_470 = tpu.vector_load_idx %arg7[%broadcast_in_dim3A_98, %add3A_469] : memref<128x128xf32, #tpu.memory_space<vmem>>[vector<16xi32>, vector<16xi32>], vector<16xf32>,
        %mul3A_471 = arith.mulf %gather3A_470, %bitcast3A_410 : vector<16xf32>
        %add3A_472 = arith.addf %add3A_468, %mul3A_471 : vector<16xf32>
        %add3A_473 = arith.addi %add3A_433, %and3A_67 : vector<16xi32>
        %gather3A_474 = tpu.vector_load_idx %arg7[%broadcast_in_dim3A_98, %add3A_473] : memref<128x128xf32, #tpu.memory_space<vmem>>[vector<16xi32>, vector<16xi32>], vector<16xf32>,
        %mul3A_475 = arith.mulf %gather3A_474, %bitcast3A_413 : vector<16xf32>
        %add3A_476 = arith.addf %add3A_472, %mul3A_475 : vector<16xf32>
        %add3A_477 = arith.addi %add3A_433, %and3A_73 : vector<16xi32>
        %gather3A_478 = tpu.vector_load_idx %arg7[%broadcast_in_dim3A_98, %add3A_477] : memref<128x128xf32, #tpu.memory_space<vmem>>[vector<16xi32>, vector<16xi32>], vector<16xf32>,
        %mul3A_479 = arith.mulf %gather3A_478, %bitcast3A_416 : vector<16xf32>
        %add3A_480 = arith.addf %add3A_476, %mul3A_479 : vector<16xf32>
        %add3A_481 = arith.addi %add3A_433, %and3A_79 : vector<16xi32>
        %gather3A_482 = tpu.vector_load_idx %arg7[%broadcast_in_dim3A_98, %add3A_481] : memref<128x128xf32, #tpu.memory_space<vmem>>[vector<16xi32>, vector<16xi32>], vector<16xf32>,
        %mul3A_483 = arith.mulf %gather3A_482, %bitcast3A_419 : vector<16xf32>
        %add3A_484 = arith.addf %add3A_480, %mul3A_483 : vector<16xf32>
        %add3A_485 = arith.addi %add3A_433, %and3A_85 : vector<16xi32>
        %gather3A_486 = tpu.vector_load_idx %arg7[%broadcast_in_dim3A_98, %add3A_485] : memref<128x128xf32, #tpu.memory_space<vmem>>[vector<16xi32>, vector<16xi32>], vector<16xf32>,
        %mul3A_487 = arith.mulf %gather3A_486, %bitcast3A_422 : vector<16xf32>
        %add3A_488 = arith.addf %add3A_484, %mul3A_487 : vector<16xf32>
        %add3A_489 = arith.addi %add3A_433, %and3A_91 : vector<16xi32>
        %gather3A_490 = tpu.vector_load_idx %arg7[%broadcast_in_dim3A_98, %add3A_489] : memref<128x128xf32, #tpu.memory_space<vmem>>[vector<16xi32>, vector<16xi32>], vector<16xf32>,
        %mul3A_491 = arith.mulf %gather3A_490, %bitcast3A_425 : vector<16xf32>
        %add3A_492 = arith.addf %add3A_488, %mul3A_491 : vector<16xf32>
        %add3A_493 = arith.addi %add3A_433, %and3A_97 : vector<16xi32>
        %gather3A_494 = tpu.vector_load_idx %arg7[%broadcast_in_dim3A_98, %add3A_493] : memref<128x128xf32, #tpu.memory_space<vmem>>[vector<16xi32>, vector<16xi32>], vector<16xf32>,
        %mul3A_495 = arith.mulf %gather3A_494, %bitcast3A_428 : vector<16xf32>
        %add3A_496 = arith.addf %add3A_492, %mul3A_495 : vector<16xf32>
        %swap3A = arith.constant 0 : i32
        %swap3A_497 = arith.index_cast %swap3A : i32 to index
        %swap3A_498 = arith.index_cast %mul3A_380 : i32 to index
        %swap3A_499 = tpu.vector_load %arg9[%swap3A_497, %swap3A_498] {strides = array<i32>} : memref<8x128xf32, #tpu.memory_space<vmem>>, vector<16xf32>,
        tpu.vector_store %arg9[%swap3A_497, %swap3A_498], %add3A_496 {strides = array<i32>} : memref<8x128xf32, #tpu.memory_space<vmem>>, vector<16xf32>,
        %add3A_500 = arith.constant 16 : i32
        %add3A_501 = vector.broadcast %add3A_500 : i32 to vector<16xi32>
        %add3A_502 = arith.addi %shift_left3A_430, %add3A_501 : vector<16xi32>
        %add3A_503 = arith.addi %add3A_502, %and3A_7 : vector<16xi32>
        %gather3A_504 = tpu.vector_load_idx %arg7[%broadcast_in_dim3A_98, %add3A_503] : memref<128x128xf32, #tpu.memory_space<vmem>>[vector<16xi32>, vector<16xi32>], vector<16xf32>,
        %mul3A_505 = arith.mulf %gather3A_504, %bitcast3A : vector<16xf32>
        %add3A_506 = arith.addi %add3A_502, %and3A_13 : vector<16xi32>
        %gather3A_507 = tpu.vector_load_idx %arg7[%broadcast_in_dim3A_98, %add3A_506] : memref<128x128xf32, #tpu.memory_space<vmem>>[vector<16xi32>, vector<16xi32>], vector<16xf32>,
        %mul3A_508 = arith.mulf %gather3A_507, %bitcast3A_386 : vector<16xf32>
        %add3A_509 = arith.addf %mul3A_505, %mul3A_508 : vector<16xf32>
        %add3A_510 = arith.addi %add3A_502, %and3A_19 : vector<16xi32>
        %gather3A_511 = tpu.vector_load_idx %arg7[%broadcast_in_dim3A_98, %add3A_510] : memref<128x128xf32, #tpu.memory_space<vmem>>[vector<16xi32>, vector<16xi32>], vector<16xf32>,
        %mul3A_512 = arith.mulf %gather3A_511, %bitcast3A_389 : vector<16xf32>
        %add3A_513 = arith.addf %add3A_509, %mul3A_512 : vector<16xf32>
        %add3A_514 = arith.addi %add3A_502, %and3A_25 : vector<16xi32>
        %gather3A_515 = tpu.vector_load_idx %arg7[%broadcast_in_dim3A_98, %add3A_514] : memref<128x128xf32, #tpu.memory_space<vmem>>[vector<16xi32>, vector<16xi32>], vector<16xf32>,
        %mul3A_516 = arith.mulf %gather3A_515, %bitcast3A_392 : vector<16xf32>
        %add3A_517 = arith.addf %add3A_513, %mul3A_516 : vector<16xf32>
        %add3A_518 = arith.addi %add3A_502, %and3A_31 : vector<16xi32>
        %gather3A_519 = tpu.vector_load_idx %arg7[%broadcast_in_dim3A_98, %add3A_518] : memref<128x128xf32, #tpu.memory_space<vmem>>[vector<16xi32>, vector<16xi32>], vector<16xf32>,
        %mul3A_520 = arith.mulf %gather3A_519, %bitcast3A_395 : vector<16xf32>
        %add3A_521 = arith.addf %add3A_517, %mul3A_520 : vector<16xf32>
        %add3A_522 = arith.addi %add3A_502, %and3A_37 : vector<16xi32>
        %gather3A_523 = tpu.vector_load_idx %arg7[%broadcast_in_dim3A_98, %add3A_522] : memref<128x128xf32, #tpu.memory_space<vmem>>[vector<16xi32>, vector<16xi32>], vector<16xf32>,
        %mul3A_524 = arith.mulf %gather3A_523, %bitcast3A_398 : vector<16xf32>
        %add3A_525 = arith.addf %add3A_521, %mul3A_524 : vector<16xf32>
        %add3A_526 = arith.addi %add3A_502, %and3A_43 : vector<16xi32>
        %gather3A_527 = tpu.vector_load_idx %arg7[%broadcast_in_dim3A_98, %add3A_526] : memref<128x128xf32, #tpu.memory_space<vmem>>[vector<16xi32>, vector<16xi32>], vector<16xf32>,
        %mul3A_528 = arith.mulf %gather3A_527, %bitcast3A_401 : vector<16xf32>
        %add3A_529 = arith.addf %add3A_525, %mul3A_528 : vector<16xf32>
        %add3A_530 = arith.addi %add3A_502, %and3A_49 : vector<16xi32>
        %gather3A_531 = tpu.vector_load_idx %arg7[%broadcast_in_dim3A_98, %add3A_530] : memref<128x128xf32, #tpu.memory_space<vmem>>[vector<16xi32>, vector<16xi32>], vector<16xf32>,
        %mul3A_532 = arith.mulf %gather3A_531, %bitcast3A_404 : vector<16xf32>
        %add3A_533 = arith.addf %add3A_529, %mul3A_532 : vector<16xf32>
        %add3A_534 = arith.addi %add3A_502, %and3A_55 : vector<16xi32>
        %gather3A_535 = tpu.vector_load_idx %arg7[%broadcast_in_dim3A_98, %add3A_534] : memref<128x128xf32, #tpu.memory_space<vmem>>[vector<16xi32>, vector<16xi32>], vector<16xf32>,
        %mul3A_536 = arith.mulf %gather3A_535, %bitcast3A_407 : vector<16xf32>
        %add3A_537 = arith.addf %add3A_533, %mul3A_536 : vector<16xf32>
        %add3A_538 = arith.addi %add3A_502, %and3A_61 : vector<16xi32>
        %gather3A_539 = tpu.vector_load_idx %arg7[%broadcast_in_dim3A_98, %add3A_538] : memref<128x128xf32, #tpu.memory_space<vmem>>[vector<16xi32>, vector<16xi32>], vector<16xf32>,
        %mul3A_540 = arith.mulf %gather3A_539, %bitcast3A_410 : vector<16xf32>
        %add3A_541 = arith.addf %add3A_537, %mul3A_540 : vector<16xf32>
        %add3A_542 = arith.addi %add3A_502, %and3A_67 : vector<16xi32>
        %gather3A_543 = tpu.vector_load_idx %arg7[%broadcast_in_dim3A_98, %add3A_542] : memref<128x128xf32, #tpu.memory_space<vmem>>[vector<16xi32>, vector<16xi32>], vector<16xf32>,
        %mul3A_544 = arith.mulf %gather3A_543, %bitcast3A_413 : vector<16xf32>
        %add3A_545 = arith.addf %add3A_541, %mul3A_544 : vector<16xf32>
        %add3A_546 = arith.addi %add3A_502, %and3A_73 : vector<16xi32>
        %gather3A_547 = tpu.vector_load_idx %arg7[%broadcast_in_dim3A_98, %add3A_546] : memref<128x128xf32, #tpu.memory_space<vmem>>[vector<16xi32>, vector<16xi32>], vector<16xf32>,
        %mul3A_548 = arith.mulf %gather3A_547, %bitcast3A_416 : vector<16xf32>
        %add3A_549 = arith.addf %add3A_545, %mul3A_548 : vector<16xf32>
        %add3A_550 = arith.addi %add3A_502, %and3A_79 : vector<16xi32>
        %gather3A_551 = tpu.vector_load_idx %arg7[%broadcast_in_dim3A_98, %add3A_550] : memref<128x128xf32, #tpu.memory_space<vmem>>[vector<16xi32>, vector<16xi32>], vector<16xf32>,
        %mul3A_552 = arith.mulf %gather3A_551, %bitcast3A_419 : vector<16xf32>
        %add3A_553 = arith.addf %add3A_549, %mul3A_552 : vector<16xf32>
        %add3A_554 = arith.addi %add3A_502, %and3A_85 : vector<16xi32>
        %gather3A_555 = tpu.vector_load_idx %arg7[%broadcast_in_dim3A_98, %add3A_554] : memref<128x128xf32, #tpu.memory_space<vmem>>[vector<16xi32>, vector<16xi32>], vector<16xf32>,
        %mul3A_556 = arith.mulf %gather3A_555, %bitcast3A_422 : vector<16xf32>
        %add3A_557 = arith.addf %add3A_553, %mul3A_556 : vector<16xf32>
        %add3A_558 = arith.addi %add3A_502, %and3A_91 : vector<16xi32>
        %gather3A_559 = tpu.vector_load_idx %arg7[%broadcast_in_dim3A_98, %add3A_558] : memref<128x128xf32, #tpu.memory_space<vmem>>[vector<16xi32>, vector<16xi32>], vector<16xf32>,
        %mul3A_560 = arith.mulf %gather3A_559, %bitcast3A_425 : vector<16xf32>
        %add3A_561 = arith.addf %add3A_557, %mul3A_560 : vector<16xf32>
        %add3A_562 = arith.addi %add3A_502, %and3A_97 : vector<16xi32>
        %gather3A_563 = tpu.vector_load_idx %arg7[%broadcast_in_dim3A_98, %add3A_562] : memref<128x128xf32, #tpu.memory_space<vmem>>[vector<16xi32>, vector<16xi32>], vector<16xf32>,
        %mul3A_564 = arith.mulf %gather3A_563, %bitcast3A_428 : vector<16xf32>
        %add3A_565 = arith.addf %add3A_561, %mul3A_564 : vector<16xf32>
        %swap3A_566 = arith.constant 1 : i32
        %swap3A_567 = arith.index_cast %swap3A_566 : i32 to index
        %swap3A_568 = arith.index_cast %mul3A_380 : i32 to index
        %swap3A_569 = tpu.vector_load %arg9[%swap3A_567, %swap3A_568] {strides = array<i32>} : memref<8x128xf32, #tpu.memory_space<vmem>>, vector<16xf32>,
        tpu.vector_store %arg9[%swap3A_567, %swap3A_568], %add3A_565 {strides = array<i32>} : memref<8x128xf32, #tpu.memory_space<vmem>>, vector<16xf32>,
        %add3A_570 = arith.constant 32 : i32
        %add3A_571 = vector.broadcast %add3A_570 : i32 to vector<16xi32>
        %add3A_572 = arith.addi %shift_left3A_430, %add3A_571 : vector<16xi32>
        %add3A_573 = arith.addi %add3A_572, %and3A_7 : vector<16xi32>
        %gather3A_574 = tpu.vector_load_idx %arg7[%broadcast_in_dim3A_98, %add3A_573] : memref<128x128xf32, #tpu.memory_space<vmem>>[vector<16xi32>, vector<16xi32>], vector<16xf32>,
        %mul3A_575 = arith.mulf %gather3A_574, %bitcast3A : vector<16xf32>
        %add3A_576 = arith.addi %add3A_572, %and3A_13 : vector<16xi32>
        %gather3A_577 = tpu.vector_load_idx %arg7[%broadcast_in_dim3A_98, %add3A_576] : memref<128x128xf32, #tpu.memory_space<vmem>>[vector<16xi32>, vector<16xi32>], vector<16xf32>,
        %mul3A_578 = arith.mulf %gather3A_577, %bitcast3A_386 : vector<16xf32>
        %add3A_579 = arith.addf %mul3A_575, %mul3A_578 : vector<16xf32>
        %add3A_580 = arith.addi %add3A_572, %and3A_19 : vector<16xi32>
        %gather3A_581 = tpu.vector_load_idx %arg7[%broadcast_in_dim3A_98, %add3A_580] : memref<128x128xf32, #tpu.memory_space<vmem>>[vector<16xi32>, vector<16xi32>], vector<16xf32>,
        %mul3A_582 = arith.mulf %gather3A_581, %bitcast3A_389 : vector<16xf32>
        %add3A_583 = arith.addf %add3A_579, %mul3A_582 : vector<16xf32>
        %add3A_584 = arith.addi %add3A_572, %and3A_25 : vector<16xi32>
        %gather3A_585 = tpu.vector_load_idx %arg7[%broadcast_in_dim3A_98, %add3A_584] : memref<128x128xf32, #tpu.memory_space<vmem>>[vector<16xi32>, vector<16xi32>], vector<16xf32>,
        %mul3A_586 = arith.mulf %gather3A_585, %bitcast3A_392 : vector<16xf32>
        %add3A_587 = arith.addf %add3A_583, %mul3A_586 : vector<16xf32>
        %add3A_588 = arith.addi %add3A_572, %and3A_31 : vector<16xi32>
        %gather3A_589 = tpu.vector_load_idx %arg7[%broadcast_in_dim3A_98, %add3A_588] : memref<128x128xf32, #tpu.memory_space<vmem>>[vector<16xi32>, vector<16xi32>], vector<16xf32>,
        %mul3A_590 = arith.mulf %gather3A_589, %bitcast3A_395 : vector<16xf32>
        %add3A_591 = arith.addf %add3A_587, %mul3A_590 : vector<16xf32>
        %add3A_592 = arith.addi %add3A_572, %and3A_37 : vector<16xi32>
        %gather3A_593 = tpu.vector_load_idx %arg7[%broadcast_in_dim3A_98, %add3A_592] : memref<128x128xf32, #tpu.memory_space<vmem>>[vector<16xi32>, vector<16xi32>], vector<16xf32>,
        %mul3A_594 = arith.mulf %gather3A_593, %bitcast3A_398 : vector<16xf32>
        %add3A_595 = arith.addf %add3A_591, %mul3A_594 : vector<16xf32>
        %add3A_596 = arith.addi %add3A_572, %and3A_43 : vector<16xi32>
        %gather3A_597 = tpu.vector_load_idx %arg7[%broadcast_in_dim3A_98, %add3A_596] : memref<128x128xf32, #tpu.memory_space<vmem>>[vector<16xi32>, vector<16xi32>], vector<16xf32>,
        %mul3A_598 = arith.mulf %gather3A_597, %bitcast3A_401 : vector<16xf32>
        %add3A_599 = arith.addf %add3A_595, %mul3A_598 : vector<16xf32>
        %add3A_600 = arith.addi %add3A_572, %and3A_49 : vector<16xi32>
        %gather3A_601 = tpu.vector_load_idx %arg7[%broadcast_in_dim3A_98, %add3A_600] : memref<128x128xf32, #tpu.memory_space<vmem>>[vector<16xi32>, vector<16xi32>], vector<16xf32>,
        %mul3A_602 = arith.mulf %gather3A_601, %bitcast3A_404 : vector<16xf32>
        %add3A_603 = arith.addf %add3A_599, %mul3A_602 : vector<16xf32>
        %add3A_604 = arith.addi %add3A_572, %and3A_55 : vector<16xi32>
        %gather3A_605 = tpu.vector_load_idx %arg7[%broadcast_in_dim3A_98, %add3A_604] : memref<128x128xf32, #tpu.memory_space<vmem>>[vector<16xi32>, vector<16xi32>], vector<16xf32>,
        %mul3A_606 = arith.mulf %gather3A_605, %bitcast3A_407 : vector<16xf32>
        %add3A_607 = arith.addf %add3A_603, %mul3A_606 : vector<16xf32>
        %add3A_608 = arith.addi %add3A_572, %and3A_61 : vector<16xi32>
        %gather3A_609 = tpu.vector_load_idx %arg7[%broadcast_in_dim3A_98, %add3A_608] : memref<128x128xf32, #tpu.memory_space<vmem>>[vector<16xi32>, vector<16xi32>], vector<16xf32>,
        %mul3A_610 = arith.mulf %gather3A_609, %bitcast3A_410 : vector<16xf32>
        %add3A_611 = arith.addf %add3A_607, %mul3A_610 : vector<16xf32>
        %add3A_612 = arith.addi %add3A_572, %and3A_67 : vector<16xi32>
        %gather3A_613 = tpu.vector_load_idx %arg7[%broadcast_in_dim3A_98, %add3A_612] : memref<128x128xf32, #tpu.memory_space<vmem>>[vector<16xi32>, vector<16xi32>], vector<16xf32>,
        %mul3A_614 = arith.mulf %gather3A_613, %bitcast3A_413 : vector<16xf32>
        %add3A_615 = arith.addf %add3A_611, %mul3A_614 : vector<16xf32>
        %add3A_616 = arith.addi %add3A_572, %and3A_73 : vector<16xi32>
        %gather3A_617 = tpu.vector_load_idx %arg7[%broadcast_in_dim3A_98, %add3A_616] : memref<128x128xf32, #tpu.memory_space<vmem>>[vector<16xi32>, vector<16xi32>], vector<16xf32>,
        %mul3A_618 = arith.mulf %gather3A_617, %bitcast3A_416 : vector<16xf32>
        %add3A_619 = arith.addf %add3A_615, %mul3A_618 : vector<16xf32>
        %add3A_620 = arith.addi %add3A_572, %and3A_79 : vector<16xi32>
        %gather3A_621 = tpu.vector_load_idx %arg7[%broadcast_in_dim3A_98, %add3A_620] : memref<128x128xf32, #tpu.memory_space<vmem>>[vector<16xi32>, vector<16xi32>], vector<16xf32>,
        %mul3A_622 = arith.mulf %gather3A_621, %bitcast3A_419 : vector<16xf32>
        %add3A_623 = arith.addf %add3A_619, %mul3A_622 : vector<16xf32>
        %add3A_624 = arith.addi %add3A_572, %and3A_85 : vector<16xi32>
        %gather3A_625 = tpu.vector_load_idx %arg7[%broadcast_in_dim3A_98, %add3A_624] : memref<128x128xf32, #tpu.memory_space<vmem>>[vector<16xi32>, vector<16xi32>], vector<16xf32>,
        %mul3A_626 = arith.mulf %gather3A_625, %bitcast3A_422 : vector<16xf32>
        %add3A_627 = arith.addf %add3A_623, %mul3A_626 : vector<16xf32>
        %add3A_628 = arith.addi %add3A_572, %and3A_91 : vector<16xi32>
        %gather3A_629 = tpu.vector_load_idx %arg7[%broadcast_in_dim3A_98, %add3A_628] : memref<128x128xf32, #tpu.memory_space<vmem>>[vector<16xi32>, vector<16xi32>], vector<16xf32>,
        %mul3A_630 = arith.mulf %gather3A_629, %bitcast3A_425 : vector<16xf32>
        %add3A_631 = arith.addf %add3A_627, %mul3A_630 : vector<16xf32>
        %add3A_632 = arith.addi %add3A_572, %and3A_97 : vector<16xi32>
        %gather3A_633 = tpu.vector_load_idx %arg7[%broadcast_in_dim3A_98, %add3A_632] : memref<128x128xf32, #tpu.memory_space<vmem>>[vector<16xi32>, vector<16xi32>], vector<16xf32>,
        %mul3A_634 = arith.mulf %gather3A_633, %bitcast3A_428 : vector<16xf32>
        %add3A_635 = arith.addf %add3A_631, %mul3A_634 : vector<16xf32>
        %swap3A_636 = arith.constant 2 : i32
        %swap3A_637 = arith.index_cast %swap3A_636 : i32 to index
        %swap3A_638 = arith.index_cast %mul3A_380 : i32 to index
        %swap3A_639 = tpu.vector_load %arg9[%swap3A_637, %swap3A_638] {strides = array<i32>} : memref<8x128xf32, #tpu.memory_space<vmem>>, vector<16xf32>,
        tpu.vector_store %arg9[%swap3A_637, %swap3A_638], %add3A_635 {strides = array<i32>} : memref<8x128xf32, #tpu.memory_space<vmem>>, vector<16xf32>,
        %add3A_640 = arith.constant 48 : i32
        %add3A_641 = vector.broadcast %add3A_640 : i32 to vector<16xi32>
        %add3A_642 = arith.addi %shift_left3A_430, %add3A_641 : vector<16xi32>
        %add3A_643 = arith.addi %add3A_642, %and3A_7 : vector<16xi32>
        %gather3A_644 = tpu.vector_load_idx %arg7[%broadcast_in_dim3A_98, %add3A_643] : memref<128x128xf32, #tpu.memory_space<vmem>>[vector<16xi32>, vector<16xi32>], vector<16xf32>,
        %mul3A_645 = arith.mulf %gather3A_644, %bitcast3A : vector<16xf32>
        %add3A_646 = arith.addi %add3A_642, %and3A_13 : vector<16xi32>
        %gather3A_647 = tpu.vector_load_idx %arg7[%broadcast_in_dim3A_98, %add3A_646] : memref<128x128xf32, #tpu.memory_space<vmem>>[vector<16xi32>, vector<16xi32>], vector<16xf32>,
        %mul3A_648 = arith.mulf %gather3A_647, %bitcast3A_386 : vector<16xf32>
        %add3A_649 = arith.addf %mul3A_645, %mul3A_648 : vector<16xf32>
        %add3A_650 = arith.addi %add3A_642, %and3A_19 : vector<16xi32>
        %gather3A_651 = tpu.vector_load_idx %arg7[%broadcast_in_dim3A_98, %add3A_650] : memref<128x128xf32, #tpu.memory_space<vmem>>[vector<16xi32>, vector<16xi32>], vector<16xf32>,
        %mul3A_652 = arith.mulf %gather3A_651, %bitcast3A_389 : vector<16xf32>
        %add3A_653 = arith.addf %add3A_649, %mul3A_652 : vector<16xf32>
        %add3A_654 = arith.addi %add3A_642, %and3A_25 : vector<16xi32>
        %gather3A_655 = tpu.vector_load_idx %arg7[%broadcast_in_dim3A_98, %add3A_654] : memref<128x128xf32, #tpu.memory_space<vmem>>[vector<16xi32>, vector<16xi32>], vector<16xf32>,
        %mul3A_656 = arith.mulf %gather3A_655, %bitcast3A_392 : vector<16xf32>
        %add3A_657 = arith.addf %add3A_653, %mul3A_656 : vector<16xf32>
        %add3A_658 = arith.addi %add3A_642, %and3A_31 : vector<16xi32>
        %gather3A_659 = tpu.vector_load_idx %arg7[%broadcast_in_dim3A_98, %add3A_658] : memref<128x128xf32, #tpu.memory_space<vmem>>[vector<16xi32>, vector<16xi32>], vector<16xf32>,
        %mul3A_660 = arith.mulf %gather3A_659, %bitcast3A_395 : vector<16xf32>
        %add3A_661 = arith.addf %add3A_657, %mul3A_660 : vector<16xf32>
        %add3A_662 = arith.addi %add3A_642, %and3A_37 : vector<16xi32>
        %gather3A_663 = tpu.vector_load_idx %arg7[%broadcast_in_dim3A_98, %add3A_662] : memref<128x128xf32, #tpu.memory_space<vmem>>[vector<16xi32>, vector<16xi32>], vector<16xf32>,
        %mul3A_664 = arith.mulf %gather3A_663, %bitcast3A_398 : vector<16xf32>
        %add3A_665 = arith.addf %add3A_661, %mul3A_664 : vector<16xf32>
        %add3A_666 = arith.addi %add3A_642, %and3A_43 : vector<16xi32>
        %gather3A_667 = tpu.vector_load_idx %arg7[%broadcast_in_dim3A_98, %add3A_666] : memref<128x128xf32, #tpu.memory_space<vmem>>[vector<16xi32>, vector<16xi32>], vector<16xf32>,
        %mul3A_668 = arith.mulf %gather3A_667, %bitcast3A_401 : vector<16xf32>
        %add3A_669 = arith.addf %add3A_665, %mul3A_668 : vector<16xf32>
        %add3A_670 = arith.addi %add3A_642, %and3A_49 : vector<16xi32>
        %gather3A_671 = tpu.vector_load_idx %arg7[%broadcast_in_dim3A_98, %add3A_670] : memref<128x128xf32, #tpu.memory_space<vmem>>[vector<16xi32>, vector<16xi32>], vector<16xf32>,
        %mul3A_672 = arith.mulf %gather3A_671, %bitcast3A_404 : vector<16xf32>
        %add3A_673 = arith.addf %add3A_669, %mul3A_672 : vector<16xf32>
        %add3A_674 = arith.addi %add3A_642, %and3A_55 : vector<16xi32>
        %gather3A_675 = tpu.vector_load_idx %arg7[%broadcast_in_dim3A_98, %add3A_674] : memref<128x128xf32, #tpu.memory_space<vmem>>[vector<16xi32>, vector<16xi32>], vector<16xf32>,
        %mul3A_676 = arith.mulf %gather3A_675, %bitcast3A_407 : vector<16xf32>
        %add3A_677 = arith.addf %add3A_673, %mul3A_676 : vector<16xf32>
        %add3A_678 = arith.addi %add3A_642, %and3A_61 : vector<16xi32>
        %gather3A_679 = tpu.vector_load_idx %arg7[%broadcast_in_dim3A_98, %add3A_678] : memref<128x128xf32, #tpu.memory_space<vmem>>[vector<16xi32>, vector<16xi32>], vector<16xf32>,
        %mul3A_680 = arith.mulf %gather3A_679, %bitcast3A_410 : vector<16xf32>
        %add3A_681 = arith.addf %add3A_677, %mul3A_680 : vector<16xf32>
        %add3A_682 = arith.addi %add3A_642, %and3A_67 : vector<16xi32>
        %gather3A_683 = tpu.vector_load_idx %arg7[%broadcast_in_dim3A_98, %add3A_682] : memref<128x128xf32, #tpu.memory_space<vmem>>[vector<16xi32>, vector<16xi32>], vector<16xf32>,
        %mul3A_684 = arith.mulf %gather3A_683, %bitcast3A_413 : vector<16xf32>
        %add3A_685 = arith.addf %add3A_681, %mul3A_684 : vector<16xf32>
        %add3A_686 = arith.addi %add3A_642, %and3A_73 : vector<16xi32>
        %gather3A_687 = tpu.vector_load_idx %arg7[%broadcast_in_dim3A_98, %add3A_686] : memref<128x128xf32, #tpu.memory_space<vmem>>[vector<16xi32>, vector<16xi32>], vector<16xf32>,
        %mul3A_688 = arith.mulf %gather3A_687, %bitcast3A_416 : vector<16xf32>
        %add3A_689 = arith.addf %add3A_685, %mul3A_688 : vector<16xf32>
        %add3A_690 = arith.addi %add3A_642, %and3A_79 : vector<16xi32>
        %gather3A_691 = tpu.vector_load_idx %arg7[%broadcast_in_dim3A_98, %add3A_690] : memref<128x128xf32, #tpu.memory_space<vmem>>[vector<16xi32>, vector<16xi32>], vector<16xf32>,
        %mul3A_692 = arith.mulf %gather3A_691, %bitcast3A_419 : vector<16xf32>
        %add3A_693 = arith.addf %add3A_689, %mul3A_692 : vector<16xf32>
        %add3A_694 = arith.addi %add3A_642, %and3A_85 : vector<16xi32>
        %gather3A_695 = tpu.vector_load_idx %arg7[%broadcast_in_dim3A_98, %add3A_694] : memref<128x128xf32, #tpu.memory_space<vmem>>[vector<16xi32>, vector<16xi32>], vector<16xf32>,
        %mul3A_696 = arith.mulf %gather3A_695, %bitcast3A_422 : vector<16xf32>
        %add3A_697 = arith.addf %add3A_693, %mul3A_696 : vector<16xf32>
        %add3A_698 = arith.addi %add3A_642, %and3A_91 : vector<16xi32>
        %gather3A_699 = tpu.vector_load_idx %arg7[%broadcast_in_dim3A_98, %add3A_698] : memref<128x128xf32, #tpu.memory_space<vmem>>[vector<16xi32>, vector<16xi32>], vector<16xf32>,
        %mul3A_700 = arith.mulf %gather3A_699, %bitcast3A_425 : vector<16xf32>
        %add3A_701 = arith.addf %add3A_697, %mul3A_700 : vector<16xf32>
        %add3A_702 = arith.addi %add3A_642, %and3A_97 : vector<16xi32>
        %gather3A_703 = tpu.vector_load_idx %arg7[%broadcast_in_dim3A_98, %add3A_702] : memref<128x128xf32, #tpu.memory_space<vmem>>[vector<16xi32>, vector<16xi32>], vector<16xf32>,
        %mul3A_704 = arith.mulf %gather3A_703, %bitcast3A_428 : vector<16xf32>
        %add3A_705 = arith.addf %add3A_701, %mul3A_704 : vector<16xf32>
        %swap3A_706 = arith.constant 3 : i32
        %swap3A_707 = arith.index_cast %swap3A_706 : i32 to index
        %swap3A_708 = arith.index_cast %mul3A_380 : i32 to index
        %swap3A_709 = tpu.vector_load %arg9[%swap3A_707, %swap3A_708] {strides = array<i32>} : memref<8x128xf32, #tpu.memory_space<vmem>>, vector<16xf32>,
        tpu.vector_store %arg9[%swap3A_707, %swap3A_708], %add3A_705 {strides = array<i32>} : memref<8x128xf32, #tpu.memory_space<vmem>>, vector<16xf32>,
        %add3A_710 = arith.constant 64 : i32
        %add3A_711 = vector.broadcast %add3A_710 : i32 to vector<16xi32>
        %add3A_712 = arith.addi %shift_left3A_430, %add3A_711 : vector<16xi32>
        %add3A_713 = arith.addi %add3A_712, %and3A_7 : vector<16xi32>
        %gather3A_714 = tpu.vector_load_idx %arg7[%broadcast_in_dim3A_98, %add3A_713] : memref<128x128xf32, #tpu.memory_space<vmem>>[vector<16xi32>, vector<16xi32>], vector<16xf32>,
        %mul3A_715 = arith.mulf %gather3A_714, %bitcast3A : vector<16xf32>
        %add3A_716 = arith.addi %add3A_712, %and3A_13 : vector<16xi32>
        %gather3A_717 = tpu.vector_load_idx %arg7[%broadcast_in_dim3A_98, %add3A_716] : memref<128x128xf32, #tpu.memory_space<vmem>>[vector<16xi32>, vector<16xi32>], vector<16xf32>,
        %mul3A_718 = arith.mulf %gather3A_717, %bitcast3A_386 : vector<16xf32>
        %add3A_719 = arith.addf %mul3A_715, %mul3A_718 : vector<16xf32>
        %add3A_720 = arith.addi %add3A_712, %and3A_19 : vector<16xi32>
        %gather3A_721 = tpu.vector_load_idx %arg7[%broadcast_in_dim3A_98, %add3A_720] : memref<128x128xf32, #tpu.memory_space<vmem>>[vector<16xi32>, vector<16xi32>], vector<16xf32>,
        %mul3A_722 = arith.mulf %gather3A_721, %bitcast3A_389 : vector<16xf32>
        %add3A_723 = arith.addf %add3A_719, %mul3A_722 : vector<16xf32>
        %add3A_724 = arith.addi %add3A_712, %and3A_25 : vector<16xi32>
        %gather3A_725 = tpu.vector_load_idx %arg7[%broadcast_in_dim3A_98, %add3A_724] : memref<128x128xf32, #tpu.memory_space<vmem>>[vector<16xi32>, vector<16xi32>], vector<16xf32>,
        %mul3A_726 = arith.mulf %gather3A_725, %bitcast3A_392 : vector<16xf32>
        %add3A_727 = arith.addf %add3A_723, %mul3A_726 : vector<16xf32>
        %add3A_728 = arith.addi %add3A_712, %and3A_31 : vector<16xi32>
        %gather3A_729 = tpu.vector_load_idx %arg7[%broadcast_in_dim3A_98, %add3A_728] : memref<128x128xf32, #tpu.memory_space<vmem>>[vector<16xi32>, vector<16xi32>], vector<16xf32>,
        %mul3A_730 = arith.mulf %gather3A_729, %bitcast3A_395 : vector<16xf32>
        %add3A_731 = arith.addf %add3A_727, %mul3A_730 : vector<16xf32>
        %add3A_732 = arith.addi %add3A_712, %and3A_37 : vector<16xi32>
        %gather3A_733 = tpu.vector_load_idx %arg7[%broadcast_in_dim3A_98, %add3A_732] : memref<128x128xf32, #tpu.memory_space<vmem>>[vector<16xi32>, vector<16xi32>], vector<16xf32>,
        %mul3A_734 = arith.mulf %gather3A_733, %bitcast3A_398 : vector<16xf32>
        %add3A_735 = arith.addf %add3A_731, %mul3A_734 : vector<16xf32>
        %add3A_736 = arith.addi %add3A_712, %and3A_43 : vector<16xi32>
        %gather3A_737 = tpu.vector_load_idx %arg7[%broadcast_in_dim3A_98, %add3A_736] : memref<128x128xf32, #tpu.memory_space<vmem>>[vector<16xi32>, vector<16xi32>], vector<16xf32>,
        %mul3A_738 = arith.mulf %gather3A_737, %bitcast3A_401 : vector<16xf32>
        %add3A_739 = arith.addf %add3A_735, %mul3A_738 : vector<16xf32>
        %add3A_740 = arith.addi %add3A_712, %and3A_49 : vector<16xi32>
        %gather3A_741 = tpu.vector_load_idx %arg7[%broadcast_in_dim3A_98, %add3A_740] : memref<128x128xf32, #tpu.memory_space<vmem>>[vector<16xi32>, vector<16xi32>], vector<16xf32>,
        %mul3A_742 = arith.mulf %gather3A_741, %bitcast3A_404 : vector<16xf32>
        %add3A_743 = arith.addf %add3A_739, %mul3A_742 : vector<16xf32>
        %add3A_744 = arith.addi %add3A_712, %and3A_55 : vector<16xi32>
        %gather3A_745 = tpu.vector_load_idx %arg7[%broadcast_in_dim3A_98, %add3A_744] : memref<128x128xf32, #tpu.memory_space<vmem>>[vector<16xi32>, vector<16xi32>], vector<16xf32>,
        %mul3A_746 = arith.mulf %gather3A_745, %bitcast3A_407 : vector<16xf32>
        %add3A_747 = arith.addf %add3A_743, %mul3A_746 : vector<16xf32>
        %add3A_748 = arith.addi %add3A_712, %and3A_61 : vector<16xi32>
        %gather3A_749 = tpu.vector_load_idx %arg7[%broadcast_in_dim3A_98, %add3A_748] : memref<128x128xf32, #tpu.memory_space<vmem>>[vector<16xi32>, vector<16xi32>], vector<16xf32>,
        %mul3A_750 = arith.mulf %gather3A_749, %bitcast3A_410 : vector<16xf32>
        %add3A_751 = arith.addf %add3A_747, %mul3A_750 : vector<16xf32>
        %add3A_752 = arith.addi %add3A_712, %and3A_67 : vector<16xi32>
        %gather3A_753 = tpu.vector_load_idx %arg7[%broadcast_in_dim3A_98, %add3A_752] : memref<128x128xf32, #tpu.memory_space<vmem>>[vector<16xi32>, vector<16xi32>], vector<16xf32>,
        %mul3A_754 = arith.mulf %gather3A_753, %bitcast3A_413 : vector<16xf32>
        %add3A_755 = arith.addf %add3A_751, %mul3A_754 : vector<16xf32>
        %add3A_756 = arith.addi %add3A_712, %and3A_73 : vector<16xi32>
        %gather3A_757 = tpu.vector_load_idx %arg7[%broadcast_in_dim3A_98, %add3A_756] : memref<128x128xf32, #tpu.memory_space<vmem>>[vector<16xi32>, vector<16xi32>], vector<16xf32>,
        %mul3A_758 = arith.mulf %gather3A_757, %bitcast3A_416 : vector<16xf32>
        %add3A_759 = arith.addf %add3A_755, %mul3A_758 : vector<16xf32>
        %add3A_760 = arith.addi %add3A_712, %and3A_79 : vector<16xi32>
        %gather3A_761 = tpu.vector_load_idx %arg7[%broadcast_in_dim3A_98, %add3A_760] : memref<128x128xf32, #tpu.memory_space<vmem>>[vector<16xi32>, vector<16xi32>], vector<16xf32>,
        %mul3A_762 = arith.mulf %gather3A_761, %bitcast3A_419 : vector<16xf32>
        %add3A_763 = arith.addf %add3A_759, %mul3A_762 : vector<16xf32>
        %add3A_764 = arith.addi %add3A_712, %and3A_85 : vector<16xi32>
        %gather3A_765 = tpu.vector_load_idx %arg7[%broadcast_in_dim3A_98, %add3A_764] : memref<128x128xf32, #tpu.memory_space<vmem>>[vector<16xi32>, vector<16xi32>], vector<16xf32>,
        %mul3A_766 = arith.mulf %gather3A_765, %bitcast3A_422 : vector<16xf32>
        %add3A_767 = arith.addf %add3A_763, %mul3A_766 : vector<16xf32>
        %add3A_768 = arith.addi %add3A_712, %and3A_91 : vector<16xi32>
        %gather3A_769 = tpu.vector_load_idx %arg7[%broadcast_in_dim3A_98, %add3A_768] : memref<128x128xf32, #tpu.memory_space<vmem>>[vector<16xi32>, vector<16xi32>], vector<16xf32>,
        %mul3A_770 = arith.mulf %gather3A_769, %bitcast3A_425 : vector<16xf32>
        %add3A_771 = arith.addf %add3A_767, %mul3A_770 : vector<16xf32>
        %add3A_772 = arith.addi %add3A_712, %and3A_97 : vector<16xi32>
        %gather3A_773 = tpu.vector_load_idx %arg7[%broadcast_in_dim3A_98, %add3A_772] : memref<128x128xf32, #tpu.memory_space<vmem>>[vector<16xi32>, vector<16xi32>], vector<16xf32>,
        %mul3A_774 = arith.mulf %gather3A_773, %bitcast3A_428 : vector<16xf32>
        %add3A_775 = arith.addf %add3A_771, %mul3A_774 : vector<16xf32>
        %swap3A_776 = arith.constant 4 : i32
        %swap3A_777 = arith.index_cast %swap3A_776 : i32 to index
        %swap3A_778 = arith.index_cast %mul3A_380 : i32 to index
        %swap3A_779 = tpu.vector_load %arg9[%swap3A_777, %swap3A_778] {strides = array<i32>} : memref<8x128xf32, #tpu.memory_space<vmem>>, vector<16xf32>,
        tpu.vector_store %arg9[%swap3A_777, %swap3A_778], %add3A_775 {strides = array<i32>} : memref<8x128xf32, #tpu.memory_space<vmem>>, vector<16xf32>,
        %add3A_780 = arith.constant 80 : i32
        %add3A_781 = vector.broadcast %add3A_780 : i32 to vector<16xi32>
        %add3A_782 = arith.addi %shift_left3A_430, %add3A_781 : vector<16xi32>
        %add3A_783 = arith.addi %add3A_782, %and3A_7 : vector<16xi32>
        %gather3A_784 = tpu.vector_load_idx %arg7[%broadcast_in_dim3A_98, %add3A_783] : memref<128x128xf32, #tpu.memory_space<vmem>>[vector<16xi32>, vector<16xi32>], vector<16xf32>,
        %mul3A_785 = arith.mulf %gather3A_784, %bitcast3A : vector<16xf32>
        %add3A_786 = arith.addi %add3A_782, %and3A_13 : vector<16xi32>
        %gather3A_787 = tpu.vector_load_idx %arg7[%broadcast_in_dim3A_98, %add3A_786] : memref<128x128xf32, #tpu.memory_space<vmem>>[vector<16xi32>, vector<16xi32>], vector<16xf32>,
        %mul3A_788 = arith.mulf %gather3A_787, %bitcast3A_386 : vector<16xf32>
        %add3A_789 = arith.addf %mul3A_785, %mul3A_788 : vector<16xf32>
        %add3A_790 = arith.addi %add3A_782, %and3A_19 : vector<16xi32>
        %gather3A_791 = tpu.vector_load_idx %arg7[%broadcast_in_dim3A_98, %add3A_790] : memref<128x128xf32, #tpu.memory_space<vmem>>[vector<16xi32>, vector<16xi32>], vector<16xf32>,
        %mul3A_792 = arith.mulf %gather3A_791, %bitcast3A_389 : vector<16xf32>
        %add3A_793 = arith.addf %add3A_789, %mul3A_792 : vector<16xf32>
        %add3A_794 = arith.addi %add3A_782, %and3A_25 : vector<16xi32>
        %gather3A_795 = tpu.vector_load_idx %arg7[%broadcast_in_dim3A_98, %add3A_794] : memref<128x128xf32, #tpu.memory_space<vmem>>[vector<16xi32>, vector<16xi32>], vector<16xf32>,
        %mul3A_796 = arith.mulf %gather3A_795, %bitcast3A_392 : vector<16xf32>
        %add3A_797 = arith.addf %add3A_793, %mul3A_796 : vector<16xf32>
        %add3A_798 = arith.addi %add3A_782, %and3A_31 : vector<16xi32>
        %gather3A_799 = tpu.vector_load_idx %arg7[%broadcast_in_dim3A_98, %add3A_798] : memref<128x128xf32, #tpu.memory_space<vmem>>[vector<16xi32>, vector<16xi32>], vector<16xf32>,
        %mul3A_800 = arith.mulf %gather3A_799, %bitcast3A_395 : vector<16xf32>
        %add3A_801 = arith.addf %add3A_797, %mul3A_800 : vector<16xf32>
        %add3A_802 = arith.addi %add3A_782, %and3A_37 : vector<16xi32>
        %gather3A_803 = tpu.vector_load_idx %arg7[%broadcast_in_dim3A_98, %add3A_802] : memref<128x128xf32, #tpu.memory_space<vmem>>[vector<16xi32>, vector<16xi32>], vector<16xf32>,
        %mul3A_804 = arith.mulf %gather3A_803, %bitcast3A_398 : vector<16xf32>
        %add3A_805 = arith.addf %add3A_801, %mul3A_804 : vector<16xf32>
        %add3A_806 = arith.addi %add3A_782, %and3A_43 : vector<16xi32>
        %gather3A_807 = tpu.vector_load_idx %arg7[%broadcast_in_dim3A_98, %add3A_806] : memref<128x128xf32, #tpu.memory_space<vmem>>[vector<16xi32>, vector<16xi32>], vector<16xf32>,
        %mul3A_808 = arith.mulf %gather3A_807, %bitcast3A_401 : vector<16xf32>
        %add3A_809 = arith.addf %add3A_805, %mul3A_808 : vector<16xf32>
        %add3A_810 = arith.addi %add3A_782, %and3A_49 : vector<16xi32>
        %gather3A_811 = tpu.vector_load_idx %arg7[%broadcast_in_dim3A_98, %add3A_810] : memref<128x128xf32, #tpu.memory_space<vmem>>[vector<16xi32>, vector<16xi32>], vector<16xf32>,
        %mul3A_812 = arith.mulf %gather3A_811, %bitcast3A_404 : vector<16xf32>
        %add3A_813 = arith.addf %add3A_809, %mul3A_812 : vector<16xf32>
        %add3A_814 = arith.addi %add3A_782, %and3A_55 : vector<16xi32>
        %gather3A_815 = tpu.vector_load_idx %arg7[%broadcast_in_dim3A_98, %add3A_814] : memref<128x128xf32, #tpu.memory_space<vmem>>[vector<16xi32>, vector<16xi32>], vector<16xf32>,
        %mul3A_816 = arith.mulf %gather3A_815, %bitcast3A_407 : vector<16xf32>
        %add3A_817 = arith.addf %add3A_813, %mul3A_816 : vector<16xf32>
        %add3A_818 = arith.addi %add3A_782, %and3A_61 : vector<16xi32>
        %gather3A_819 = tpu.vector_load_idx %arg7[%broadcast_in_dim3A_98, %add3A_818] : memref<128x128xf32, #tpu.memory_space<vmem>>[vector<16xi32>, vector<16xi32>], vector<16xf32>,
        %mul3A_820 = arith.mulf %gather3A_819, %bitcast3A_410 : vector<16xf32>
        %add3A_821 = arith.addf %add3A_817, %mul3A_820 : vector<16xf32>
        %add3A_822 = arith.addi %add3A_782, %and3A_67 : vector<16xi32>
        %gather3A_823 = tpu.vector_load_idx %arg7[%broadcast_in_dim3A_98, %add3A_822] : memref<128x128xf32, #tpu.memory_space<vmem>>[vector<16xi32>, vector<16xi32>], vector<16xf32>,
        %mul3A_824 = arith.mulf %gather3A_823, %bitcast3A_413 : vector<16xf32>
        %add3A_825 = arith.addf %add3A_821, %mul3A_824 : vector<16xf32>
        %add3A_826 = arith.addi %add3A_782, %and3A_73 : vector<16xi32>
        %gather3A_827 = tpu.vector_load_idx %arg7[%broadcast_in_dim3A_98, %add3A_826] : memref<128x128xf32, #tpu.memory_space<vmem>>[vector<16xi32>, vector<16xi32>], vector<16xf32>,
        %mul3A_828 = arith.mulf %gather3A_827, %bitcast3A_416 : vector<16xf32>
        %add3A_829 = arith.addf %add3A_825, %mul3A_828 : vector<16xf32>
        %add3A_830 = arith.addi %add3A_782, %and3A_79 : vector<16xi32>
        %gather3A_831 = tpu.vector_load_idx %arg7[%broadcast_in_dim3A_98, %add3A_830] : memref<128x128xf32, #tpu.memory_space<vmem>>[vector<16xi32>, vector<16xi32>], vector<16xf32>,
        %mul3A_832 = arith.mulf %gather3A_831, %bitcast3A_419 : vector<16xf32>
        %add3A_833 = arith.addf %add3A_829, %mul3A_832 : vector<16xf32>
        %add3A_834 = arith.addi %add3A_782, %and3A_85 : vector<16xi32>
        %gather3A_835 = tpu.vector_load_idx %arg7[%broadcast_in_dim3A_98, %add3A_834] : memref<128x128xf32, #tpu.memory_space<vmem>>[vector<16xi32>, vector<16xi32>], vector<16xf32>,
        %mul3A_836 = arith.mulf %gather3A_835, %bitcast3A_422 : vector<16xf32>
        %add3A_837 = arith.addf %add3A_833, %mul3A_836 : vector<16xf32>
        %add3A_838 = arith.addi %add3A_782, %and3A_91 : vector<16xi32>
        %gather3A_839 = tpu.vector_load_idx %arg7[%broadcast_in_dim3A_98, %add3A_838] : memref<128x128xf32, #tpu.memory_space<vmem>>[vector<16xi32>, vector<16xi32>], vector<16xf32>,
        %mul3A_840 = arith.mulf %gather3A_839, %bitcast3A_425 : vector<16xf32>
        %add3A_841 = arith.addf %add3A_837, %mul3A_840 : vector<16xf32>
        %add3A_842 = arith.addi %add3A_782, %and3A_97 : vector<16xi32>
        %gather3A_843 = tpu.vector_load_idx %arg7[%broadcast_in_dim3A_98, %add3A_842] : memref<128x128xf32, #tpu.memory_space<vmem>>[vector<16xi32>, vector<16xi32>], vector<16xf32>,
        %mul3A_844 = arith.mulf %gather3A_843, %bitcast3A_428 : vector<16xf32>
        %add3A_845 = arith.addf %add3A_841, %mul3A_844 : vector<16xf32>
        %swap3A_846 = arith.constant 5 : i32
        %swap3A_847 = arith.index_cast %swap3A_846 : i32 to index
        %swap3A_848 = arith.index_cast %mul3A_380 : i32 to index
        %swap3A_849 = tpu.vector_load %arg9[%swap3A_847, %swap3A_848] {strides = array<i32>} : memref<8x128xf32, #tpu.memory_space<vmem>>, vector<16xf32>,
        tpu.vector_store %arg9[%swap3A_847, %swap3A_848], %add3A_845 {strides = array<i32>} : memref<8x128xf32, #tpu.memory_space<vmem>>, vector<16xf32>,
        %add3A_850 = arith.constant 96 : i32
        %add3A_851 = vector.broadcast %add3A_850 : i32 to vector<16xi32>
        %add3A_852 = arith.addi %shift_left3A_430, %add3A_851 : vector<16xi32>
        %add3A_853 = arith.addi %add3A_852, %and3A_7 : vector<16xi32>
        %gather3A_854 = tpu.vector_load_idx %arg7[%broadcast_in_dim3A_98, %add3A_853] : memref<128x128xf32, #tpu.memory_space<vmem>>[vector<16xi32>, vector<16xi32>], vector<16xf32>,
        %mul3A_855 = arith.mulf %gather3A_854, %bitcast3A : vector<16xf32>
        %add3A_856 = arith.addi %add3A_852, %and3A_13 : vector<16xi32>
        %gather3A_857 = tpu.vector_load_idx %arg7[%broadcast_in_dim3A_98, %add3A_856] : memref<128x128xf32, #tpu.memory_space<vmem>>[vector<16xi32>, vector<16xi32>], vector<16xf32>,
        %mul3A_858 = arith.mulf %gather3A_857, %bitcast3A_386 : vector<16xf32>
        %add3A_859 = arith.addf %mul3A_855, %mul3A_858 : vector<16xf32>
        %add3A_860 = arith.addi %add3A_852, %and3A_19 : vector<16xi32>
        %gather3A_861 = tpu.vector_load_idx %arg7[%broadcast_in_dim3A_98, %add3A_860] : memref<128x128xf32, #tpu.memory_space<vmem>>[vector<16xi32>, vector<16xi32>], vector<16xf32>,
        %mul3A_862 = arith.mulf %gather3A_861, %bitcast3A_389 : vector<16xf32>
        %add3A_863 = arith.addf %add3A_859, %mul3A_862 : vector<16xf32>
        %add3A_864 = arith.addi %add3A_852, %and3A_25 : vector<16xi32>
        %gather3A_865 = tpu.vector_load_idx %arg7[%broadcast_in_dim3A_98, %add3A_864] : memref<128x128xf32, #tpu.memory_space<vmem>>[vector<16xi32>, vector<16xi32>], vector<16xf32>,
        %mul3A_866 = arith.mulf %gather3A_865, %bitcast3A_392 : vector<16xf32>
        %add3A_867 = arith.addf %add3A_863, %mul3A_866 : vector<16xf32>
        %add3A_868 = arith.addi %add3A_852, %and3A_31 : vector<16xi32>
        %gather3A_869 = tpu.vector_load_idx %arg7[%broadcast_in_dim3A_98, %add3A_868] : memref<128x128xf32, #tpu.memory_space<vmem>>[vector<16xi32>, vector<16xi32>], vector<16xf32>,
        %mul3A_870 = arith.mulf %gather3A_869, %bitcast3A_395 : vector<16xf32>
        %add3A_871 = arith.addf %add3A_867, %mul3A_870 : vector<16xf32>
        %add3A_872 = arith.addi %add3A_852, %and3A_37 : vector<16xi32>
        %gather3A_873 = tpu.vector_load_idx %arg7[%broadcast_in_dim3A_98, %add3A_872] : memref<128x128xf32, #tpu.memory_space<vmem>>[vector<16xi32>, vector<16xi32>], vector<16xf32>,
        %mul3A_874 = arith.mulf %gather3A_873, %bitcast3A_398 : vector<16xf32>
        %add3A_875 = arith.addf %add3A_871, %mul3A_874 : vector<16xf32>
        %add3A_876 = arith.addi %add3A_852, %and3A_43 : vector<16xi32>
        %gather3A_877 = tpu.vector_load_idx %arg7[%broadcast_in_dim3A_98, %add3A_876] : memref<128x128xf32, #tpu.memory_space<vmem>>[vector<16xi32>, vector<16xi32>], vector<16xf32>,
        %mul3A_878 = arith.mulf %gather3A_877, %bitcast3A_401 : vector<16xf32>
        %add3A_879 = arith.addf %add3A_875, %mul3A_878 : vector<16xf32>
        %add3A_880 = arith.addi %add3A_852, %and3A_49 : vector<16xi32>
        %gather3A_881 = tpu.vector_load_idx %arg7[%broadcast_in_dim3A_98, %add3A_880] : memref<128x128xf32, #tpu.memory_space<vmem>>[vector<16xi32>, vector<16xi32>], vector<16xf32>,
        %mul3A_882 = arith.mulf %gather3A_881, %bitcast3A_404 : vector<16xf32>
        %add3A_883 = arith.addf %add3A_879, %mul3A_882 : vector<16xf32>
        %add3A_884 = arith.addi %add3A_852, %and3A_55 : vector<16xi32>
        %gather3A_885 = tpu.vector_load_idx %arg7[%broadcast_in_dim3A_98, %add3A_884] : memref<128x128xf32, #tpu.memory_space<vmem>>[vector<16xi32>, vector<16xi32>], vector<16xf32>,
        %mul3A_886 = arith.mulf %gather3A_885, %bitcast3A_407 : vector<16xf32>
        %add3A_887 = arith.addf %add3A_883, %mul3A_886 : vector<16xf32>
        %add3A_888 = arith.addi %add3A_852, %and3A_61 : vector<16xi32>
        %gather3A_889 = tpu.vector_load_idx %arg7[%broadcast_in_dim3A_98, %add3A_888] : memref<128x128xf32, #tpu.memory_space<vmem>>[vector<16xi32>, vector<16xi32>], vector<16xf32>,
        %mul3A_890 = arith.mulf %gather3A_889, %bitcast3A_410 : vector<16xf32>
        %add3A_891 = arith.addf %add3A_887, %mul3A_890 : vector<16xf32>
        %add3A_892 = arith.addi %add3A_852, %and3A_67 : vector<16xi32>
        %gather3A_893 = tpu.vector_load_idx %arg7[%broadcast_in_dim3A_98, %add3A_892] : memref<128x128xf32, #tpu.memory_space<vmem>>[vector<16xi32>, vector<16xi32>], vector<16xf32>,
        %mul3A_894 = arith.mulf %gather3A_893, %bitcast3A_413 : vector<16xf32>
        %add3A_895 = arith.addf %add3A_891, %mul3A_894 : vector<16xf32>
        %add3A_896 = arith.addi %add3A_852, %and3A_73 : vector<16xi32>
        %gather3A_897 = tpu.vector_load_idx %arg7[%broadcast_in_dim3A_98, %add3A_896] : memref<128x128xf32, #tpu.memory_space<vmem>>[vector<16xi32>, vector<16xi32>], vector<16xf32>,
        %mul3A_898 = arith.mulf %gather3A_897, %bitcast3A_416 : vector<16xf32>
        %add3A_899 = arith.addf %add3A_895, %mul3A_898 : vector<16xf32>
        %add3A_900 = arith.addi %add3A_852, %and3A_79 : vector<16xi32>
        %gather3A_901 = tpu.vector_load_idx %arg7[%broadcast_in_dim3A_98, %add3A_900] : memref<128x128xf32, #tpu.memory_space<vmem>>[vector<16xi32>, vector<16xi32>], vector<16xf32>,
        %mul3A_902 = arith.mulf %gather3A_901, %bitcast3A_419 : vector<16xf32>
        %add3A_903 = arith.addf %add3A_899, %mul3A_902 : vector<16xf32>
        %add3A_904 = arith.addi %add3A_852, %and3A_85 : vector<16xi32>
        %gather3A_905 = tpu.vector_load_idx %arg7[%broadcast_in_dim3A_98, %add3A_904] : memref<128x128xf32, #tpu.memory_space<vmem>>[vector<16xi32>, vector<16xi32>], vector<16xf32>,
        %mul3A_906 = arith.mulf %gather3A_905, %bitcast3A_422 : vector<16xf32>
        %add3A_907 = arith.addf %add3A_903, %mul3A_906 : vector<16xf32>
        %add3A_908 = arith.addi %add3A_852, %and3A_91 : vector<16xi32>
        %gather3A_909 = tpu.vector_load_idx %arg7[%broadcast_in_dim3A_98, %add3A_908] : memref<128x128xf32, #tpu.memory_space<vmem>>[vector<16xi32>, vector<16xi32>], vector<16xf32>,
        %mul3A_910 = arith.mulf %gather3A_909, %bitcast3A_425 : vector<16xf32>
        %add3A_911 = arith.addf %add3A_907, %mul3A_910 : vector<16xf32>
        %add3A_912 = arith.addi %add3A_852, %and3A_97 : vector<16xi32>
        %gather3A_913 = tpu.vector_load_idx %arg7[%broadcast_in_dim3A_98, %add3A_912] : memref<128x128xf32, #tpu.memory_space<vmem>>[vector<16xi32>, vector<16xi32>], vector<16xf32>,
        %mul3A_914 = arith.mulf %gather3A_913, %bitcast3A_428 : vector<16xf32>
        %add3A_915 = arith.addf %add3A_911, %mul3A_914 : vector<16xf32>
        %swap3A_916 = arith.constant 6 : i32
        %swap3A_917 = arith.index_cast %swap3A_916 : i32 to index
        %swap3A_918 = arith.index_cast %mul3A_380 : i32 to index
        %swap3A_919 = tpu.vector_load %arg9[%swap3A_917, %swap3A_918] {strides = array<i32>} : memref<8x128xf32, #tpu.memory_space<vmem>>, vector<16xf32>,
        tpu.vector_store %arg9[%swap3A_917, %swap3A_918], %add3A_915 {strides = array<i32>} : memref<8x128xf32, #tpu.memory_space<vmem>>, vector<16xf32>,
        %add3A_920 = arith.constant 112 : i32
        %add3A_921 = vector.broadcast %add3A_920 : i32 to vector<16xi32>
        %add3A_922 = arith.addi %shift_left3A_430, %add3A_921 : vector<16xi32>
        %add3A_923 = arith.addi %add3A_922, %and3A_7 : vector<16xi32>
        %gather3A_924 = tpu.vector_load_idx %arg7[%broadcast_in_dim3A_98, %add3A_923] : memref<128x128xf32, #tpu.memory_space<vmem>>[vector<16xi32>, vector<16xi32>], vector<16xf32>,
        %mul3A_925 = arith.mulf %gather3A_924, %bitcast3A : vector<16xf32>
        %add3A_926 = arith.addi %add3A_922, %and3A_13 : vector<16xi32>
        %gather3A_927 = tpu.vector_load_idx %arg7[%broadcast_in_dim3A_98, %add3A_926] : memref<128x128xf32, #tpu.memory_space<vmem>>[vector<16xi32>, vector<16xi32>], vector<16xf32>,
        %mul3A_928 = arith.mulf %gather3A_927, %bitcast3A_386 : vector<16xf32>
        %add3A_929 = arith.addf %mul3A_925, %mul3A_928 : vector<16xf32>
        %add3A_930 = arith.addi %add3A_922, %and3A_19 : vector<16xi32>
        %gather3A_931 = tpu.vector_load_idx %arg7[%broadcast_in_dim3A_98, %add3A_930] : memref<128x128xf32, #tpu.memory_space<vmem>>[vector<16xi32>, vector<16xi32>], vector<16xf32>,
        %mul3A_932 = arith.mulf %gather3A_931, %bitcast3A_389 : vector<16xf32>
        %add3A_933 = arith.addf %add3A_929, %mul3A_932 : vector<16xf32>
        %add3A_934 = arith.addi %add3A_922, %and3A_25 : vector<16xi32>
        %gather3A_935 = tpu.vector_load_idx %arg7[%broadcast_in_dim3A_98, %add3A_934] : memref<128x128xf32, #tpu.memory_space<vmem>>[vector<16xi32>, vector<16xi32>], vector<16xf32>,
        %mul3A_936 = arith.mulf %gather3A_935, %bitcast3A_392 : vector<16xf32>
        %add3A_937 = arith.addf %add3A_933, %mul3A_936 : vector<16xf32>
        %add3A_938 = arith.addi %add3A_922, %and3A_31 : vector<16xi32>
        %gather3A_939 = tpu.vector_load_idx %arg7[%broadcast_in_dim3A_98, %add3A_938] : memref<128x128xf32, #tpu.memory_space<vmem>>[vector<16xi32>, vector<16xi32>], vector<16xf32>,
        %mul3A_940 = arith.mulf %gather3A_939, %bitcast3A_395 : vector<16xf32>
        %add3A_941 = arith.addf %add3A_937, %mul3A_940 : vector<16xf32>
        %add3A_942 = arith.addi %add3A_922, %and3A_37 : vector<16xi32>
        %gather3A_943 = tpu.vector_load_idx %arg7[%broadcast_in_dim3A_98, %add3A_942] : memref<128x128xf32, #tpu.memory_space<vmem>>[vector<16xi32>, vector<16xi32>], vector<16xf32>,
        %mul3A_944 = arith.mulf %gather3A_943, %bitcast3A_398 : vector<16xf32>
        %add3A_945 = arith.addf %add3A_941, %mul3A_944 : vector<16xf32>
        %add3A_946 = arith.addi %add3A_922, %and3A_43 : vector<16xi32>
        %gather3A_947 = tpu.vector_load_idx %arg7[%broadcast_in_dim3A_98, %add3A_946] : memref<128x128xf32, #tpu.memory_space<vmem>>[vector<16xi32>, vector<16xi32>], vector<16xf32>,
        %mul3A_948 = arith.mulf %gather3A_947, %bitcast3A_401 : vector<16xf32>
        %add3A_949 = arith.addf %add3A_945, %mul3A_948 : vector<16xf32>
        %add3A_950 = arith.addi %add3A_922, %and3A_49 : vector<16xi32>
        %gather3A_951 = tpu.vector_load_idx %arg7[%broadcast_in_dim3A_98, %add3A_950] : memref<128x128xf32, #tpu.memory_space<vmem>>[vector<16xi32>, vector<16xi32>], vector<16xf32>,
        %mul3A_952 = arith.mulf %gather3A_951, %bitcast3A_404 : vector<16xf32>
        %add3A_953 = arith.addf %add3A_949, %mul3A_952 : vector<16xf32>
        %add3A_954 = arith.addi %add3A_922, %and3A_55 : vector<16xi32>
        %gather3A_955 = tpu.vector_load_idx %arg7[%broadcast_in_dim3A_98, %add3A_954] : memref<128x128xf32, #tpu.memory_space<vmem>>[vector<16xi32>, vector<16xi32>], vector<16xf32>,
        %mul3A_956 = arith.mulf %gather3A_955, %bitcast3A_407 : vector<16xf32>
        %add3A_957 = arith.addf %add3A_953, %mul3A_956 : vector<16xf32>
        %add3A_958 = arith.addi %add3A_922, %and3A_61 : vector<16xi32>
        %gather3A_959 = tpu.vector_load_idx %arg7[%broadcast_in_dim3A_98, %add3A_958] : memref<128x128xf32, #tpu.memory_space<vmem>>[vector<16xi32>, vector<16xi32>], vector<16xf32>,
        %mul3A_960 = arith.mulf %gather3A_959, %bitcast3A_410 : vector<16xf32>
        %add3A_961 = arith.addf %add3A_957, %mul3A_960 : vector<16xf32>
        %add3A_962 = arith.addi %add3A_922, %and3A_67 : vector<16xi32>
        %gather3A_963 = tpu.vector_load_idx %arg7[%broadcast_in_dim3A_98, %add3A_962] : memref<128x128xf32, #tpu.memory_space<vmem>>[vector<16xi32>, vector<16xi32>], vector<16xf32>,
        %mul3A_964 = arith.mulf %gather3A_963, %bitcast3A_413 : vector<16xf32>
        %add3A_965 = arith.addf %add3A_961, %mul3A_964 : vector<16xf32>
        %add3A_966 = arith.addi %add3A_922, %and3A_73 : vector<16xi32>
        %gather3A_967 = tpu.vector_load_idx %arg7[%broadcast_in_dim3A_98, %add3A_966] : memref<128x128xf32, #tpu.memory_space<vmem>>[vector<16xi32>, vector<16xi32>], vector<16xf32>,
        %mul3A_968 = arith.mulf %gather3A_967, %bitcast3A_416 : vector<16xf32>
        %add3A_969 = arith.addf %add3A_965, %mul3A_968 : vector<16xf32>
        %add3A_970 = arith.addi %add3A_922, %and3A_79 : vector<16xi32>
        %gather3A_971 = tpu.vector_load_idx %arg7[%broadcast_in_dim3A_98, %add3A_970] : memref<128x128xf32, #tpu.memory_space<vmem>>[vector<16xi32>, vector<16xi32>], vector<16xf32>,
        %mul3A_972 = arith.mulf %gather3A_971, %bitcast3A_419 : vector<16xf32>
        %add3A_973 = arith.addf %add3A_969, %mul3A_972 : vector<16xf32>
        %add3A_974 = arith.addi %add3A_922, %and3A_85 : vector<16xi32>
        %gather3A_975 = tpu.vector_load_idx %arg7[%broadcast_in_dim3A_98, %add3A_974] : memref<128x128xf32, #tpu.memory_space<vmem>>[vector<16xi32>, vector<16xi32>], vector<16xf32>,
        %mul3A_976 = arith.mulf %gather3A_975, %bitcast3A_422 : vector<16xf32>
        %add3A_977 = arith.addf %add3A_973, %mul3A_976 : vector<16xf32>
        %add3A_978 = arith.addi %add3A_922, %and3A_91 : vector<16xi32>
        %gather3A_979 = tpu.vector_load_idx %arg7[%broadcast_in_dim3A_98, %add3A_978] : memref<128x128xf32, #tpu.memory_space<vmem>>[vector<16xi32>, vector<16xi32>], vector<16xf32>,
        %mul3A_980 = arith.mulf %gather3A_979, %bitcast3A_425 : vector<16xf32>
        %add3A_981 = arith.addf %add3A_977, %mul3A_980 : vector<16xf32>
        %add3A_982 = arith.addi %add3A_922, %and3A_97 : vector<16xi32>
        %gather3A_983 = tpu.vector_load_idx %arg7[%broadcast_in_dim3A_98, %add3A_982] : memref<128x128xf32, #tpu.memory_space<vmem>>[vector<16xi32>, vector<16xi32>], vector<16xf32>,
        %mul3A_984 = arith.mulf %gather3A_983, %bitcast3A_428 : vector<16xf32>
        %add3A_985 = arith.addf %add3A_981, %mul3A_984 : vector<16xf32>
        %swap3A_986 = arith.constant 7 : i32
        %swap3A_987 = arith.index_cast %swap3A_986 : i32 to index
        %swap3A_988 = arith.index_cast %mul3A_380 : i32 to index
        %swap3A_989 = tpu.vector_load %arg9[%swap3A_987, %swap3A_988] {strides = array<i32>} : memref<8x128xf32, #tpu.memory_space<vmem>>, vector<16xf32>,
        tpu.vector_store %arg9[%swap3A_987, %swap3A_988], %add3A_985 {strides = array<i32>} : memref<8x128xf32, #tpu.memory_space<vmem>>, vector<16xf32>,
      }
      %scan3A_286 = arith.constant 8 : i32
      %add3A_287 = arith.addi %mul3A_2, %add3A_258 : i32
      %dma_start3A_288 = arith.constant 0 : i32
      %dma_start3A_289 = arith.constant 0 : i32
      %dma_start3A_290 = tpu.memref_slice %arg4[%add3A_287, %dma_start3A_288, %dma_start3A_289] : memref<2048x8x128xf32, #tpu.memory_space<hbm>> -> memref<1x8x128xf32, #tpu.memory_space<hbm>>
      %dma_start3A_291 = tpu.memref_squeeze %dma_start3A_290 : memref<1x8x128xf32, #tpu.memory_space<hbm>> -> memref<8x128xf32, #tpu.memory_space<hbm>>
      %dma_start3A_292 = arith.constant 0 : i32
      %dma_start3A_293 = arith.constant 0 : i32
      %dma_start3A_294 = tpu.memref_slice %arg4[%add3A_287, %dma_start3A_292, %dma_start3A_293] : memref<2048x8x128xf32, #tpu.memory_space<hbm>> -> memref<1x8x128xf32, #tpu.memory_space<hbm>>
      %dma_start3A_295 = tpu.memref_squeeze %dma_start3A_294 : memref<1x8x128xf32, #tpu.memory_space<hbm>> -> memref<8x128xf32, #tpu.memory_space<hbm>>
      tpu.enqueue_dma source(%arg9 : memref<8x128xf32, #tpu.memory_space<vmem>>) target(%dma_start3A_295 : memref<8x128xf32, #tpu.memory_space<hbm>>) target_semaphore(%arg15 : memref<!tpu.dma_semaphore, #tpu.memory_space<semaphore_mem>>)
      %lt3A = arith.constant 31 : i32
      %lt3A_296 = arith.cmpi slt, %scan3A_254, %lt3A : i32
      %convert_element_type3A_297 = arith.extui %lt3A_296 : i1 to i32
      %cond3A_298 = arith.constant 0 : i32
      %cond3A_299 = arith.cmpi ne, %convert_element_type3A_297, %cond3A_298 : i32
      scf.if %cond3A_299 {
        %add3A_378 = arith.constant 2 : i32
        %add3A_379 = arith.addi %add3A_258, %add3A_378 : i32
        %add3A_380 = arith.addi %mul3A_2, %add3A_379 : i32
        %dma_start3A_381 = arith.constant 0 : i32
        %dma_start3A_382 = tpu.memref_slice %arg3[%add3A_380, %dma_start3A_381] : memref<2048x2176xi32, #tpu.memory_space<hbm>> -> memref<1x2176xi32, #tpu.memory_space<hbm>>
        %dma_start3A_383 = arith.constant 0 : i32
        %dma_start3A_384 = tpu.memref_slice %arg3[%add3A_380, %dma_start3A_383] : memref<2048x2176xi32, #tpu.memory_space<hbm>> -> memref<1x2176xi32, #tpu.memory_space<hbm>>
        tpu.enqueue_dma source(%dma_start3A_384 : memref<1x2176xi32, #tpu.memory_space<hbm>>) target(%arg5 : memref<1x2176xi32, #tpu.memory_space<vmem>>) target_semaphore(%arg11 : memref<!tpu.dma_semaphore, #tpu.memory_space<semaphore_mem>>)
      } else {
      }
      %dma_wait3A_300 = arith.constant 0 : i32
      %dma_wait3A_301 = arith.constant 0 : i32
      %dma_wait3A_302 = tpu.memref_slice %arg3[%dma_wait3A_300, %dma_wait3A_301] : memref<2048x2176xi32, #tpu.memory_space<hbm>> -> memref<1x2176xi32, #tpu.memory_space<hbm>>
      %dma_wait3A_303 = arith.constant 0 : i32
      %dma_wait3A_304 = arith.constant 0 : i32
      %dma_wait3A_305 = tpu.memref_slice %arg3[%dma_wait3A_303, %dma_wait3A_304] : memref<2048x2176xi32, #tpu.memory_space<hbm>> -> memref<1x2176xi32, #tpu.memory_space<hbm>>
      tpu.wait_dma2 semaphore(%arg12 : memref<!tpu.dma_semaphore, #tpu.memory_space<semaphore_mem>>) src(%dma_wait3A_305 : memref<1x2176xi32, #tpu.memory_space<hbm>>) dst(%arg6 : memref<1x2176xi32, #tpu.memory_space<vmem>>)
      %dma_start3A_306 = arith.constant 0 : i32
      %dma_start3A_307 = arith.constant 0 : i32
      %dma_start3A_308 = arith.constant 0 : i32
      %dma_start3A_309 = tpu.memref_slice %arg8[%dma_start3A_307, %dma_start3A_308] : memref<128x128xf32, #tpu.memory_space<vmem>> -> memref<64x128xf32, #tpu.memory_space<vmem>>
      %dma_start3A_310 = arith.constant 0 : i32
      %dma_start3A_311 = tpu.memref_slice %arg6[%dma_start3A_306, %dma_start3A_310] : memref<1x2176xi32, #tpu.memory_space<vmem>> -> memref<1x64xi32, #tpu.memory_space<vmem>>
      %dma_start3A_312 = tpu.memref_squeeze %dma_start3A_311 : memref<1x64xi32, #tpu.memory_space<vmem>> -> memref<64xi32, #tpu.memory_space<vmem>>
      %dma_start3A_313 = arith.constant 0 : i32
      %dma_start3A_314 = arith.constant 0 : i32
      %dma_start3A_315 = tpu.memref_slice %arg2[%dma_start3A_313, %dma_start3A_314] : memref<261121x128xf32, #tpu.memory_space<hbm>> -> memref<261121x128xf32, #tpu.memory_space<hbm>>
      tpu.enqueue_indirect_dma source(%dma_start3A_315 : memref<261121x128xf32, #tpu.memory_space<hbm>>) target(%dma_start3A_309 : memref<64x128xf32, #tpu.memory_space<vmem>>) offsets(%dma_start3A_312 : memref<64xi32, #tpu.memory_space<vmem>>) semaphore(%arg14 : memref<!tpu.dma_semaphore, #tpu.memory_space<semaphore_mem>>)
      %dma_start3A_316 = arith.constant 0 : i32
      %dma_start3A_317 = arith.constant 64 : i32
      %dma_start3A_318 = arith.constant 0 : i32
      %dma_start3A_319 = tpu.memref_slice %arg8[%dma_start3A_317, %dma_start3A_318] : memref<128x128xf32, #tpu.memory_space<vmem>> -> memref<64x128xf32, #tpu.memory_space<vmem>>
      %dma_start3A_320 = arith.constant 64 : i32
      %dma_start3A_321 = tpu.memref_slice %arg6[%dma_start3A_316, %dma_start3A_320] : memref<1x2176xi32, #tpu.memory_space<vmem>> -> memref<1x64xi32, #tpu.memory_space<vmem>>
      %dma_start3A_322 = tpu.memref_squeeze %dma_start3A_321 : memref<1x64xi32, #tpu.memory_space<vmem>> -> memref<64xi32, #tpu.memory_space<vmem>>
      %dma_start3A_323 = arith.constant 0 : i32
      %dma_start3A_324 = arith.constant 0 : i32
      %dma_start3A_325 = tpu.memref_slice %arg2[%dma_start3A_323, %dma_start3A_324] : memref<261121x128xf32, #tpu.memory_space<hbm>> -> memref<261121x128xf32, #tpu.memory_space<hbm>>
      tpu.enqueue_indirect_dma source(%dma_start3A_325 : memref<261121x128xf32, #tpu.memory_space<hbm>>) target(%dma_start3A_319 : memref<64x128xf32, #tpu.memory_space<vmem>>) offsets(%dma_start3A_322 : memref<64xi32, #tpu.memory_space<vmem>>) semaphore(%arg14 : memref<!tpu.dma_semaphore, #tpu.memory_space<semaphore_mem>>)
      %add3A_326 = arith.constant 1 : i32
      %add3A_327 = arith.addi %mul3A_256, %add3A_326 : i32
      %dma_wait3A_328 = arith.constant 0 : i32
      %dma_wait3A_329 = arith.constant 0 : i32
      %dma_wait3A_330 = arith.constant 0 : i32
      %dma_wait3A_331 = tpu.memref_slice %arg8[%dma_wait3A_329, %dma_wait3A_330] : memref<128x128xf32, #tpu.memory_space<vmem>> -> memref<64x128xf32, #tpu.memory_space<vmem>>
      %dma_wait3A_332 = arith.constant 0 : i32
      %dma_wait3A_333 = tpu.memref_slice %arg6[%dma_wait3A_328, %dma_wait3A_332] : memref<1x2176xi32, #tpu.memory_space<vmem>> -> memref<1x64xi32, #tpu.memory_space<vmem>>
      %dma_wait3A_334 = tpu.memref_squeeze %dma_wait3A_333 : memref<1x64xi32, #tpu.memory_space<vmem>> -> memref<64xi32, #tpu.memory_space<vmem>>
      %dma_wait3A_335 = arith.constant 0 : i32
      %dma_wait3A_336 = arith.constant 0 : i32
      %dma_wait3A_337 = tpu.memref_slice %arg2[%dma_wait3A_335, %dma_wait3A_336] : memref<261121x128xf32, #tpu.memory_space<hbm>> -> memref<261121x128xf32, #tpu.memory_space<hbm>>
      tpu.wait_indirect_dma semaphore(%arg14 : memref<!tpu.dma_semaphore, #tpu.memory_space<semaphore_mem>>) src(%dma_wait3A_337 : memref<261121x128xf32, #tpu.memory_space<hbm>>) dst(%dma_wait3A_331 : memref<64x128xf32, #tpu.memory_space<vmem>>)
      %dma_wait3A_338 = arith.constant 0 : i32
      %dma_wait3A_339 = arith.constant 64 : i32
      %dma_wait3A_340 = arith.constant 0 : i32
      %dma_wait3A_341 = tpu.memref_slice %arg8[%dma_wait3A_339, %dma_wait3A_340] : memref<128x128xf32, #tpu.memory_space<vmem>> -> memref<64x128xf32, #tpu.memory_space<vmem>>
      %dma_wait3A_342 = arith.constant 64 : i32
      %dma_wait3A_343 = tpu.memref_slice %arg6[%dma_wait3A_338, %dma_wait3A_342] : memref<1x2176xi32, #tpu.memory_space<vmem>> -> memref<1x64xi32, #tpu.memory_space<vmem>>
      %dma_wait3A_344 = tpu.memref_squeeze %dma_wait3A_343 : memref<1x64xi32, #tpu.memory_space<vmem>> -> memref<64xi32, #tpu.memory_space<vmem>>
      %dma_wait3A_345 = arith.constant 0 : i32
      %dma_wait3A_346 = arith.constant 0 : i32
      %dma_wait3A_347 = tpu.memref_slice %arg2[%dma_wait3A_345, %dma_wait3A_346] : memref<261121x128xf32, #tpu.memory_space<hbm>> -> memref<261121x128xf32, #tpu.memory_space<hbm>>
      tpu.wait_indirect_dma semaphore(%arg14 : memref<!tpu.dma_semaphore, #tpu.memory_space<semaphore_mem>>) src(%dma_wait3A_347 : memref<261121x128xf32, #tpu.memory_space<hbm>>) dst(%dma_wait3A_341 : memref<64x128xf32, #tpu.memory_space<vmem>>)
      %ge3A_348 = arith.constant 1 : i32
      %ge3A_349 = arith.cmpi sge, %scan3A_254, %ge3A_348 : i32
      %convert_element_type3A_350 = arith.extui %ge3A_349 : i1 to i32
      %cond3A_351 = arith.constant 0 : i32
      %cond3A_352 = arith.cmpi ne, %convert_element_type3A_350, %cond3A_351 : i32
      scf.if %cond3A_352 {
        %dma_wait3A_378 = arith.constant 0 : i32
        %dma_wait3A_379 = arith.constant 0 : i32
        %dma_wait3A_380 = arith.constant 0 : i32
        %dma_wait3A_381 = tpu.memref_slice %arg4[%dma_wait3A_378, %dma_wait3A_379, %dma_wait3A_380] : memref<2048x8x128xf32, #tpu.memory_space<hbm>> -> memref<1x8x128xf32, #tpu.memory_space<hbm>>
        %dma_wait3A_382 = tpu.memref_squeeze %dma_wait3A_381 : memref<1x8x128xf32, #tpu.memory_space<hbm>> -> memref<8x128xf32, #tpu.memory_space<hbm>>
        %dma_wait3A_383 = arith.constant 0 : i32
        %dma_wait3A_384 = arith.constant 0 : i32
        %dma_wait3A_385 = tpu.memref_slice %arg4[%dma_wait3A_378, %dma_wait3A_383, %dma_wait3A_384] : memref<2048x8x128xf32, #tpu.memory_space<hbm>> -> memref<1x8x128xf32, #tpu.memory_space<hbm>>
        %dma_wait3A_386 = tpu.memref_squeeze %dma_wait3A_385 : memref<1x8x128xf32, #tpu.memory_space<hbm>> -> memref<8x128xf32, #tpu.memory_space<hbm>>
        tpu.wait_dma2 semaphore(%arg16 : memref<!tpu.dma_semaphore, #tpu.memory_space<semaphore_mem>>) src(%arg10 : memref<8x128xf32, #tpu.memory_space<vmem>>) dst(%dma_wait3A_386 : memref<8x128xf32, #tpu.memory_space<hbm>>)
      } else {
      }
      %scan3A_353 = arith.constant 0 : i32
      %scan3A_354 = arith.constant 0 : i32
      %scan3A_355 = arith.constant 8 : i32
      %scan3A_356 = arith.addi %scan3A_354, %scan3A_355 : i32
      %scan3A_357 = arith.constant 1 : i32
      scf.for %scan3A_378 = %scan3A_354 to %scan3A_356 step %scan3A_357  : i32 {
        %mul3A_379 = arith.constant 16 : i32
        %mul3A_380 = arith.muli %scan3A_378, %mul3A_379 : i32
        %add3A_381 = vector.broadcast %mul3A_380 : i32 to vector<16xi32>
        %add3A_382 = arith.addi %iota3A, %add3A_381 : vector<16xi32>
        %add3A_383 = arith.addi %add3A_104, %add3A_382 : vector<16xi32>
        %gather3A = tpu.vector_load_idx %arg6[%broadcast_in_dim3A_98, %add3A_383] : memref<1x2176xi32, #tpu.memory_space<vmem>>[vector<16xi32>, vector<16xi32>], vector<16xi32>,
        %bitcast3A = vector.bitcast %gather3A : vector<16xi32> to vector<16xf32>
        %add3A_384 = arith.addi %add3A_110, %add3A_382 : vector<16xi32>
        %gather3A_385 = tpu.vector_load_idx %arg6[%broadcast_in_dim3A_98, %add3A_384] : memref<1x2176xi32, #tpu.memory_space<vmem>>[vector<16xi32>, vector<16xi32>], vector<16xi32>,
        %bitcast3A_386 = vector.bitcast %gather3A_385 : vector<16xi32> to vector<16xf32>
        %add3A_387 = arith.addi %add3A_116, %add3A_382 : vector<16xi32>
        %gather3A_388 = tpu.vector_load_idx %arg6[%broadcast_in_dim3A_98, %add3A_387] : memref<1x2176xi32, #tpu.memory_space<vmem>>[vector<16xi32>, vector<16xi32>], vector<16xi32>,
        %bitcast3A_389 = vector.bitcast %gather3A_388 : vector<16xi32> to vector<16xf32>
        %add3A_390 = arith.addi %add3A_122, %add3A_382 : vector<16xi32>
        %gather3A_391 = tpu.vector_load_idx %arg6[%broadcast_in_dim3A_98, %add3A_390] : memref<1x2176xi32, #tpu.memory_space<vmem>>[vector<16xi32>, vector<16xi32>], vector<16xi32>,
        %bitcast3A_392 = vector.bitcast %gather3A_391 : vector<16xi32> to vector<16xf32>
        %add3A_393 = arith.addi %add3A_128, %add3A_382 : vector<16xi32>
        %gather3A_394 = tpu.vector_load_idx %arg6[%broadcast_in_dim3A_98, %add3A_393] : memref<1x2176xi32, #tpu.memory_space<vmem>>[vector<16xi32>, vector<16xi32>], vector<16xi32>,
        %bitcast3A_395 = vector.bitcast %gather3A_394 : vector<16xi32> to vector<16xf32>
        %add3A_396 = arith.addi %add3A_134, %add3A_382 : vector<16xi32>
        %gather3A_397 = tpu.vector_load_idx %arg6[%broadcast_in_dim3A_98, %add3A_396] : memref<1x2176xi32, #tpu.memory_space<vmem>>[vector<16xi32>, vector<16xi32>], vector<16xi32>,
        %bitcast3A_398 = vector.bitcast %gather3A_397 : vector<16xi32> to vector<16xf32>
        %add3A_399 = arith.addi %add3A_140, %add3A_382 : vector<16xi32>
        %gather3A_400 = tpu.vector_load_idx %arg6[%broadcast_in_dim3A_98, %add3A_399] : memref<1x2176xi32, #tpu.memory_space<vmem>>[vector<16xi32>, vector<16xi32>], vector<16xi32>,
        %bitcast3A_401 = vector.bitcast %gather3A_400 : vector<16xi32> to vector<16xf32>
        %add3A_402 = arith.addi %add3A_146, %add3A_382 : vector<16xi32>
        %gather3A_403 = tpu.vector_load_idx %arg6[%broadcast_in_dim3A_98, %add3A_402] : memref<1x2176xi32, #tpu.memory_space<vmem>>[vector<16xi32>, vector<16xi32>], vector<16xi32>,
        %bitcast3A_404 = vector.bitcast %gather3A_403 : vector<16xi32> to vector<16xf32>
        %add3A_405 = arith.addi %add3A_152, %add3A_382 : vector<16xi32>
        %gather3A_406 = tpu.vector_load_idx %arg6[%broadcast_in_dim3A_98, %add3A_405] : memref<1x2176xi32, #tpu.memory_space<vmem>>[vector<16xi32>, vector<16xi32>], vector<16xi32>,
        %bitcast3A_407 = vector.bitcast %gather3A_406 : vector<16xi32> to vector<16xf32>
        %add3A_408 = arith.addi %add3A_158, %add3A_382 : vector<16xi32>
        %gather3A_409 = tpu.vector_load_idx %arg6[%broadcast_in_dim3A_98, %add3A_408] : memref<1x2176xi32, #tpu.memory_space<vmem>>[vector<16xi32>, vector<16xi32>], vector<16xi32>,
        %bitcast3A_410 = vector.bitcast %gather3A_409 : vector<16xi32> to vector<16xf32>
        %add3A_411 = arith.addi %add3A_164, %add3A_382 : vector<16xi32>
        %gather3A_412 = tpu.vector_load_idx %arg6[%broadcast_in_dim3A_98, %add3A_411] : memref<1x2176xi32, #tpu.memory_space<vmem>>[vector<16xi32>, vector<16xi32>], vector<16xi32>,
        %bitcast3A_413 = vector.bitcast %gather3A_412 : vector<16xi32> to vector<16xf32>
        %add3A_414 = arith.addi %add3A_170, %add3A_382 : vector<16xi32>
        %gather3A_415 = tpu.vector_load_idx %arg6[%broadcast_in_dim3A_98, %add3A_414] : memref<1x2176xi32, #tpu.memory_space<vmem>>[vector<16xi32>, vector<16xi32>], vector<16xi32>,
        %bitcast3A_416 = vector.bitcast %gather3A_415 : vector<16xi32> to vector<16xf32>
        %add3A_417 = arith.addi %add3A_176, %add3A_382 : vector<16xi32>
        %gather3A_418 = tpu.vector_load_idx %arg6[%broadcast_in_dim3A_98, %add3A_417] : memref<1x2176xi32, #tpu.memory_space<vmem>>[vector<16xi32>, vector<16xi32>], vector<16xi32>,
        %bitcast3A_419 = vector.bitcast %gather3A_418 : vector<16xi32> to vector<16xf32>
        %add3A_420 = arith.addi %add3A_182, %add3A_382 : vector<16xi32>
        %gather3A_421 = tpu.vector_load_idx %arg6[%broadcast_in_dim3A_98, %add3A_420] : memref<1x2176xi32, #tpu.memory_space<vmem>>[vector<16xi32>, vector<16xi32>], vector<16xi32>,
        %bitcast3A_422 = vector.bitcast %gather3A_421 : vector<16xi32> to vector<16xf32>
        %add3A_423 = arith.addi %add3A_188, %add3A_382 : vector<16xi32>
        %gather3A_424 = tpu.vector_load_idx %arg6[%broadcast_in_dim3A_98, %add3A_423] : memref<1x2176xi32, #tpu.memory_space<vmem>>[vector<16xi32>, vector<16xi32>], vector<16xi32>,
        %bitcast3A_425 = vector.bitcast %gather3A_424 : vector<16xi32> to vector<16xf32>
        %add3A_426 = arith.addi %add3A_194, %add3A_382 : vector<16xi32>
        %gather3A_427 = tpu.vector_load_idx %arg6[%broadcast_in_dim3A_98, %add3A_426] : memref<1x2176xi32, #tpu.memory_space<vmem>>[vector<16xi32>, vector<16xi32>], vector<16xi32>,
        %bitcast3A_428 = vector.bitcast %gather3A_427 : vector<16xi32> to vector<16xf32>
        %shift_left3A = arith.constant 7 : i32
        %shift_left3A_429 = vector.broadcast %shift_left3A : i32 to vector<16xi32>
        %shift_left3A_430 = arith.shli %add3A_382, %shift_left3A_429 : vector<16xi32>
        %add3A_431 = arith.constant 0 : i32
        %add3A_432 = vector.broadcast %add3A_431 : i32 to vector<16xi32>
        %add3A_433 = arith.addi %shift_left3A_430, %add3A_432 : vector<16xi32>
        %add3A_434 = arith.addi %add3A_433, %and3A_7 : vector<16xi32>
        %gather3A_435 = tpu.vector_load_idx %arg8[%broadcast_in_dim3A_98, %add3A_434] : memref<128x128xf32, #tpu.memory_space<vmem>>[vector<16xi32>, vector<16xi32>], vector<16xf32>,
        %mul3A_436 = arith.mulf %gather3A_435, %bitcast3A : vector<16xf32>
        %add3A_437 = arith.addi %add3A_433, %and3A_13 : vector<16xi32>
        %gather3A_438 = tpu.vector_load_idx %arg8[%broadcast_in_dim3A_98, %add3A_437] : memref<128x128xf32, #tpu.memory_space<vmem>>[vector<16xi32>, vector<16xi32>], vector<16xf32>,
        %mul3A_439 = arith.mulf %gather3A_438, %bitcast3A_386 : vector<16xf32>
        %add3A_440 = arith.addf %mul3A_436, %mul3A_439 : vector<16xf32>
        %add3A_441 = arith.addi %add3A_433, %and3A_19 : vector<16xi32>
        %gather3A_442 = tpu.vector_load_idx %arg8[%broadcast_in_dim3A_98, %add3A_441] : memref<128x128xf32, #tpu.memory_space<vmem>>[vector<16xi32>, vector<16xi32>], vector<16xf32>,
        %mul3A_443 = arith.mulf %gather3A_442, %bitcast3A_389 : vector<16xf32>
        %add3A_444 = arith.addf %add3A_440, %mul3A_443 : vector<16xf32>
        %add3A_445 = arith.addi %add3A_433, %and3A_25 : vector<16xi32>
        %gather3A_446 = tpu.vector_load_idx %arg8[%broadcast_in_dim3A_98, %add3A_445] : memref<128x128xf32, #tpu.memory_space<vmem>>[vector<16xi32>, vector<16xi32>], vector<16xf32>,
        %mul3A_447 = arith.mulf %gather3A_446, %bitcast3A_392 : vector<16xf32>
        %add3A_448 = arith.addf %add3A_444, %mul3A_447 : vector<16xf32>
        %add3A_449 = arith.addi %add3A_433, %and3A_31 : vector<16xi32>
        %gather3A_450 = tpu.vector_load_idx %arg8[%broadcast_in_dim3A_98, %add3A_449] : memref<128x128xf32, #tpu.memory_space<vmem>>[vector<16xi32>, vector<16xi32>], vector<16xf32>,
        %mul3A_451 = arith.mulf %gather3A_450, %bitcast3A_395 : vector<16xf32>
        %add3A_452 = arith.addf %add3A_448, %mul3A_451 : vector<16xf32>
        %add3A_453 = arith.addi %add3A_433, %and3A_37 : vector<16xi32>
        %gather3A_454 = tpu.vector_load_idx %arg8[%broadcast_in_dim3A_98, %add3A_453] : memref<128x128xf32, #tpu.memory_space<vmem>>[vector<16xi32>, vector<16xi32>], vector<16xf32>,
        %mul3A_455 = arith.mulf %gather3A_454, %bitcast3A_398 : vector<16xf32>
        %add3A_456 = arith.addf %add3A_452, %mul3A_455 : vector<16xf32>
        %add3A_457 = arith.addi %add3A_433, %and3A_43 : vector<16xi32>
        %gather3A_458 = tpu.vector_load_idx %arg8[%broadcast_in_dim3A_98, %add3A_457] : memref<128x128xf32, #tpu.memory_space<vmem>>[vector<16xi32>, vector<16xi32>], vector<16xf32>,
        %mul3A_459 = arith.mulf %gather3A_458, %bitcast3A_401 : vector<16xf32>
        %add3A_460 = arith.addf %add3A_456, %mul3A_459 : vector<16xf32>
        %add3A_461 = arith.addi %add3A_433, %and3A_49 : vector<16xi32>
        %gather3A_462 = tpu.vector_load_idx %arg8[%broadcast_in_dim3A_98, %add3A_461] : memref<128x128xf32, #tpu.memory_space<vmem>>[vector<16xi32>, vector<16xi32>], vector<16xf32>,
        %mul3A_463 = arith.mulf %gather3A_462, %bitcast3A_404 : vector<16xf32>
        %add3A_464 = arith.addf %add3A_460, %mul3A_463 : vector<16xf32>
        %add3A_465 = arith.addi %add3A_433, %and3A_55 : vector<16xi32>
        %gather3A_466 = tpu.vector_load_idx %arg8[%broadcast_in_dim3A_98, %add3A_465] : memref<128x128xf32, #tpu.memory_space<vmem>>[vector<16xi32>, vector<16xi32>], vector<16xf32>,
        %mul3A_467 = arith.mulf %gather3A_466, %bitcast3A_407 : vector<16xf32>
        %add3A_468 = arith.addf %add3A_464, %mul3A_467 : vector<16xf32>
        %add3A_469 = arith.addi %add3A_433, %and3A_61 : vector<16xi32>
        %gather3A_470 = tpu.vector_load_idx %arg8[%broadcast_in_dim3A_98, %add3A_469] : memref<128x128xf32, #tpu.memory_space<vmem>>[vector<16xi32>, vector<16xi32>], vector<16xf32>,
        %mul3A_471 = arith.mulf %gather3A_470, %bitcast3A_410 : vector<16xf32>
        %add3A_472 = arith.addf %add3A_468, %mul3A_471 : vector<16xf32>
        %add3A_473 = arith.addi %add3A_433, %and3A_67 : vector<16xi32>
        %gather3A_474 = tpu.vector_load_idx %arg8[%broadcast_in_dim3A_98, %add3A_473] : memref<128x128xf32, #tpu.memory_space<vmem>>[vector<16xi32>, vector<16xi32>], vector<16xf32>,
        %mul3A_475 = arith.mulf %gather3A_474, %bitcast3A_413 : vector<16xf32>
        %add3A_476 = arith.addf %add3A_472, %mul3A_475 : vector<16xf32>
        %add3A_477 = arith.addi %add3A_433, %and3A_73 : vector<16xi32>
        %gather3A_478 = tpu.vector_load_idx %arg8[%broadcast_in_dim3A_98, %add3A_477] : memref<128x128xf32, #tpu.memory_space<vmem>>[vector<16xi32>, vector<16xi32>], vector<16xf32>,
        %mul3A_479 = arith.mulf %gather3A_478, %bitcast3A_416 : vector<16xf32>
        %add3A_480 = arith.addf %add3A_476, %mul3A_479 : vector<16xf32>
        %add3A_481 = arith.addi %add3A_433, %and3A_79 : vector<16xi32>
        %gather3A_482 = tpu.vector_load_idx %arg8[%broadcast_in_dim3A_98, %add3A_481] : memref<128x128xf32, #tpu.memory_space<vmem>>[vector<16xi32>, vector<16xi32>], vector<16xf32>,
        %mul3A_483 = arith.mulf %gather3A_482, %bitcast3A_419 : vector<16xf32>
        %add3A_484 = arith.addf %add3A_480, %mul3A_483 : vector<16xf32>
        %add3A_485 = arith.addi %add3A_433, %and3A_85 : vector<16xi32>
        %gather3A_486 = tpu.vector_load_idx %arg8[%broadcast_in_dim3A_98, %add3A_485] : memref<128x128xf32, #tpu.memory_space<vmem>>[vector<16xi32>, vector<16xi32>], vector<16xf32>,
        %mul3A_487 = arith.mulf %gather3A_486, %bitcast3A_422 : vector<16xf32>
        %add3A_488 = arith.addf %add3A_484, %mul3A_487 : vector<16xf32>
        %add3A_489 = arith.addi %add3A_433, %and3A_91 : vector<16xi32>
        %gather3A_490 = tpu.vector_load_idx %arg8[%broadcast_in_dim3A_98, %add3A_489] : memref<128x128xf32, #tpu.memory_space<vmem>>[vector<16xi32>, vector<16xi32>], vector<16xf32>,
        %mul3A_491 = arith.mulf %gather3A_490, %bitcast3A_425 : vector<16xf32>
        %add3A_492 = arith.addf %add3A_488, %mul3A_491 : vector<16xf32>
        %add3A_493 = arith.addi %add3A_433, %and3A_97 : vector<16xi32>
        %gather3A_494 = tpu.vector_load_idx %arg8[%broadcast_in_dim3A_98, %add3A_493] : memref<128x128xf32, #tpu.memory_space<vmem>>[vector<16xi32>, vector<16xi32>], vector<16xf32>,
        %mul3A_495 = arith.mulf %gather3A_494, %bitcast3A_428 : vector<16xf32>
        %add3A_496 = arith.addf %add3A_492, %mul3A_495 : vector<16xf32>
        %swap3A = arith.constant 0 : i32
        %swap3A_497 = arith.index_cast %swap3A : i32 to index
        %swap3A_498 = arith.index_cast %mul3A_380 : i32 to index
        %swap3A_499 = tpu.vector_load %arg10[%swap3A_497, %swap3A_498] {strides = array<i32>} : memref<8x128xf32, #tpu.memory_space<vmem>>, vector<16xf32>,
        tpu.vector_store %arg10[%swap3A_497, %swap3A_498], %add3A_496 {strides = array<i32>} : memref<8x128xf32, #tpu.memory_space<vmem>>, vector<16xf32>,
        %add3A_500 = arith.constant 16 : i32
        %add3A_501 = vector.broadcast %add3A_500 : i32 to vector<16xi32>
        %add3A_502 = arith.addi %shift_left3A_430, %add3A_501 : vector<16xi32>
        %add3A_503 = arith.addi %add3A_502, %and3A_7 : vector<16xi32>
        %gather3A_504 = tpu.vector_load_idx %arg8[%broadcast_in_dim3A_98, %add3A_503] : memref<128x128xf32, #tpu.memory_space<vmem>>[vector<16xi32>, vector<16xi32>], vector<16xf32>,
        %mul3A_505 = arith.mulf %gather3A_504, %bitcast3A : vector<16xf32>
        %add3A_506 = arith.addi %add3A_502, %and3A_13 : vector<16xi32>
        %gather3A_507 = tpu.vector_load_idx %arg8[%broadcast_in_dim3A_98, %add3A_506] : memref<128x128xf32, #tpu.memory_space<vmem>>[vector<16xi32>, vector<16xi32>], vector<16xf32>,
        %mul3A_508 = arith.mulf %gather3A_507, %bitcast3A_386 : vector<16xf32>
        %add3A_509 = arith.addf %mul3A_505, %mul3A_508 : vector<16xf32>
        %add3A_510 = arith.addi %add3A_502, %and3A_19 : vector<16xi32>
        %gather3A_511 = tpu.vector_load_idx %arg8[%broadcast_in_dim3A_98, %add3A_510] : memref<128x128xf32, #tpu.memory_space<vmem>>[vector<16xi32>, vector<16xi32>], vector<16xf32>,
        %mul3A_512 = arith.mulf %gather3A_511, %bitcast3A_389 : vector<16xf32>
        %add3A_513 = arith.addf %add3A_509, %mul3A_512 : vector<16xf32>
        %add3A_514 = arith.addi %add3A_502, %and3A_25 : vector<16xi32>
        %gather3A_515 = tpu.vector_load_idx %arg8[%broadcast_in_dim3A_98, %add3A_514] : memref<128x128xf32, #tpu.memory_space<vmem>>[vector<16xi32>, vector<16xi32>], vector<16xf32>,
        %mul3A_516 = arith.mulf %gather3A_515, %bitcast3A_392 : vector<16xf32>
        %add3A_517 = arith.addf %add3A_513, %mul3A_516 : vector<16xf32>
        %add3A_518 = arith.addi %add3A_502, %and3A_31 : vector<16xi32>
        %gather3A_519 = tpu.vector_load_idx %arg8[%broadcast_in_dim3A_98, %add3A_518] : memref<128x128xf32, #tpu.memory_space<vmem>>[vector<16xi32>, vector<16xi32>], vector<16xf32>,
        %mul3A_520 = arith.mulf %gather3A_519, %bitcast3A_395 : vector<16xf32>
        %add3A_521 = arith.addf %add3A_517, %mul3A_520 : vector<16xf32>
        %add3A_522 = arith.addi %add3A_502, %and3A_37 : vector<16xi32>
        %gather3A_523 = tpu.vector_load_idx %arg8[%broadcast_in_dim3A_98, %add3A_522] : memref<128x128xf32, #tpu.memory_space<vmem>>[vector<16xi32>, vector<16xi32>], vector<16xf32>,
        %mul3A_524 = arith.mulf %gather3A_523, %bitcast3A_398 : vector<16xf32>
        %add3A_525 = arith.addf %add3A_521, %mul3A_524 : vector<16xf32>
        %add3A_526 = arith.addi %add3A_502, %and3A_43 : vector<16xi32>
        %gather3A_527 = tpu.vector_load_idx %arg8[%broadcast_in_dim3A_98, %add3A_526] : memref<128x128xf32, #tpu.memory_space<vmem>>[vector<16xi32>, vector<16xi32>], vector<16xf32>,
        %mul3A_528 = arith.mulf %gather3A_527, %bitcast3A_401 : vector<16xf32>
        %add3A_529 = arith.addf %add3A_525, %mul3A_528 : vector<16xf32>
        %add3A_530 = arith.addi %add3A_502, %and3A_49 : vector<16xi32>
        %gather3A_531 = tpu.vector_load_idx %arg8[%broadcast_in_dim3A_98, %add3A_530] : memref<128x128xf32, #tpu.memory_space<vmem>>[vector<16xi32>, vector<16xi32>], vector<16xf32>,
        %mul3A_532 = arith.mulf %gather3A_531, %bitcast3A_404 : vector<16xf32>
        %add3A_533 = arith.addf %add3A_529, %mul3A_532 : vector<16xf32>
        %add3A_534 = arith.addi %add3A_502, %and3A_55 : vector<16xi32>
        %gather3A_535 = tpu.vector_load_idx %arg8[%broadcast_in_dim3A_98, %add3A_534] : memref<128x128xf32, #tpu.memory_space<vmem>>[vector<16xi32>, vector<16xi32>], vector<16xf32>,
        %mul3A_536 = arith.mulf %gather3A_535, %bitcast3A_407 : vector<16xf32>
        %add3A_537 = arith.addf %add3A_533, %mul3A_536 : vector<16xf32>
        %add3A_538 = arith.addi %add3A_502, %and3A_61 : vector<16xi32>
        %gather3A_539 = tpu.vector_load_idx %arg8[%broadcast_in_dim3A_98, %add3A_538] : memref<128x128xf32, #tpu.memory_space<vmem>>[vector<16xi32>, vector<16xi32>], vector<16xf32>,
        %mul3A_540 = arith.mulf %gather3A_539, %bitcast3A_410 : vector<16xf32>
        %add3A_541 = arith.addf %add3A_537, %mul3A_540 : vector<16xf32>
        %add3A_542 = arith.addi %add3A_502, %and3A_67 : vector<16xi32>
        %gather3A_543 = tpu.vector_load_idx %arg8[%broadcast_in_dim3A_98, %add3A_542] : memref<128x128xf32, #tpu.memory_space<vmem>>[vector<16xi32>, vector<16xi32>], vector<16xf32>,
        %mul3A_544 = arith.mulf %gather3A_543, %bitcast3A_413 : vector<16xf32>
        %add3A_545 = arith.addf %add3A_541, %mul3A_544 : vector<16xf32>
        %add3A_546 = arith.addi %add3A_502, %and3A_73 : vector<16xi32>
        %gather3A_547 = tpu.vector_load_idx %arg8[%broadcast_in_dim3A_98, %add3A_546] : memref<128x128xf32, #tpu.memory_space<vmem>>[vector<16xi32>, vector<16xi32>], vector<16xf32>,
        %mul3A_548 = arith.mulf %gather3A_547, %bitcast3A_416 : vector<16xf32>
        %add3A_549 = arith.addf %add3A_545, %mul3A_548 : vector<16xf32>
        %add3A_550 = arith.addi %add3A_502, %and3A_79 : vector<16xi32>
        %gather3A_551 = tpu.vector_load_idx %arg8[%broadcast_in_dim3A_98, %add3A_550] : memref<128x128xf32, #tpu.memory_space<vmem>>[vector<16xi32>, vector<16xi32>], vector<16xf32>,
        %mul3A_552 = arith.mulf %gather3A_551, %bitcast3A_419 : vector<16xf32>
        %add3A_553 = arith.addf %add3A_549, %mul3A_552 : vector<16xf32>
        %add3A_554 = arith.addi %add3A_502, %and3A_85 : vector<16xi32>
        %gather3A_555 = tpu.vector_load_idx %arg8[%broadcast_in_dim3A_98, %add3A_554] : memref<128x128xf32, #tpu.memory_space<vmem>>[vector<16xi32>, vector<16xi32>], vector<16xf32>,
        %mul3A_556 = arith.mulf %gather3A_555, %bitcast3A_422 : vector<16xf32>
        %add3A_557 = arith.addf %add3A_553, %mul3A_556 : vector<16xf32>
        %add3A_558 = arith.addi %add3A_502, %and3A_91 : vector<16xi32>
        %gather3A_559 = tpu.vector_load_idx %arg8[%broadcast_in_dim3A_98, %add3A_558] : memref<128x128xf32, #tpu.memory_space<vmem>>[vector<16xi32>, vector<16xi32>], vector<16xf32>,
        %mul3A_560 = arith.mulf %gather3A_559, %bitcast3A_425 : vector<16xf32>
        %add3A_561 = arith.addf %add3A_557, %mul3A_560 : vector<16xf32>
        %add3A_562 = arith.addi %add3A_502, %and3A_97 : vector<16xi32>
        %gather3A_563 = tpu.vector_load_idx %arg8[%broadcast_in_dim3A_98, %add3A_562] : memref<128x128xf32, #tpu.memory_space<vmem>>[vector<16xi32>, vector<16xi32>], vector<16xf32>,
        %mul3A_564 = arith.mulf %gather3A_563, %bitcast3A_428 : vector<16xf32>
        %add3A_565 = arith.addf %add3A_561, %mul3A_564 : vector<16xf32>
        %swap3A_566 = arith.constant 1 : i32
        %swap3A_567 = arith.index_cast %swap3A_566 : i32 to index
        %swap3A_568 = arith.index_cast %mul3A_380 : i32 to index
        %swap3A_569 = tpu.vector_load %arg10[%swap3A_567, %swap3A_568] {strides = array<i32>} : memref<8x128xf32, #tpu.memory_space<vmem>>, vector<16xf32>,
        tpu.vector_store %arg10[%swap3A_567, %swap3A_568], %add3A_565 {strides = array<i32>} : memref<8x128xf32, #tpu.memory_space<vmem>>, vector<16xf32>,
        %add3A_570 = arith.constant 32 : i32
        %add3A_571 = vector.broadcast %add3A_570 : i32 to vector<16xi32>
        %add3A_572 = arith.addi %shift_left3A_430, %add3A_571 : vector<16xi32>
        %add3A_573 = arith.addi %add3A_572, %and3A_7 : vector<16xi32>
        %gather3A_574 = tpu.vector_load_idx %arg8[%broadcast_in_dim3A_98, %add3A_573] : memref<128x128xf32, #tpu.memory_space<vmem>>[vector<16xi32>, vector<16xi32>], vector<16xf32>,
        %mul3A_575 = arith.mulf %gather3A_574, %bitcast3A : vector<16xf32>
        %add3A_576 = arith.addi %add3A_572, %and3A_13 : vector<16xi32>
        %gather3A_577 = tpu.vector_load_idx %arg8[%broadcast_in_dim3A_98, %add3A_576] : memref<128x128xf32, #tpu.memory_space<vmem>>[vector<16xi32>, vector<16xi32>], vector<16xf32>,
        %mul3A_578 = arith.mulf %gather3A_577, %bitcast3A_386 : vector<16xf32>
        %add3A_579 = arith.addf %mul3A_575, %mul3A_578 : vector<16xf32>
        %add3A_580 = arith.addi %add3A_572, %and3A_19 : vector<16xi32>
        %gather3A_581 = tpu.vector_load_idx %arg8[%broadcast_in_dim3A_98, %add3A_580] : memref<128x128xf32, #tpu.memory_space<vmem>>[vector<16xi32>, vector<16xi32>], vector<16xf32>,
        %mul3A_582 = arith.mulf %gather3A_581, %bitcast3A_389 : vector<16xf32>
        %add3A_583 = arith.addf %add3A_579, %mul3A_582 : vector<16xf32>
        %add3A_584 = arith.addi %add3A_572, %and3A_25 : vector<16xi32>
        %gather3A_585 = tpu.vector_load_idx %arg8[%broadcast_in_dim3A_98, %add3A_584] : memref<128x128xf32, #tpu.memory_space<vmem>>[vector<16xi32>, vector<16xi32>], vector<16xf32>,
        %mul3A_586 = arith.mulf %gather3A_585, %bitcast3A_392 : vector<16xf32>
        %add3A_587 = arith.addf %add3A_583, %mul3A_586 : vector<16xf32>
        %add3A_588 = arith.addi %add3A_572, %and3A_31 : vector<16xi32>
        %gather3A_589 = tpu.vector_load_idx %arg8[%broadcast_in_dim3A_98, %add3A_588] : memref<128x128xf32, #tpu.memory_space<vmem>>[vector<16xi32>, vector<16xi32>], vector<16xf32>,
        %mul3A_590 = arith.mulf %gather3A_589, %bitcast3A_395 : vector<16xf32>
        %add3A_591 = arith.addf %add3A_587, %mul3A_590 : vector<16xf32>
        %add3A_592 = arith.addi %add3A_572, %and3A_37 : vector<16xi32>
        %gather3A_593 = tpu.vector_load_idx %arg8[%broadcast_in_dim3A_98, %add3A_592] : memref<128x128xf32, #tpu.memory_space<vmem>>[vector<16xi32>, vector<16xi32>], vector<16xf32>,
        %mul3A_594 = arith.mulf %gather3A_593, %bitcast3A_398 : vector<16xf32>
        %add3A_595 = arith.addf %add3A_591, %mul3A_594 : vector<16xf32>
        %add3A_596 = arith.addi %add3A_572, %and3A_43 : vector<16xi32>
        %gather3A_597 = tpu.vector_load_idx %arg8[%broadcast_in_dim3A_98, %add3A_596] : memref<128x128xf32, #tpu.memory_space<vmem>>[vector<16xi32>, vector<16xi32>], vector<16xf32>,
        %mul3A_598 = arith.mulf %gather3A_597, %bitcast3A_401 : vector<16xf32>
        %add3A_599 = arith.addf %add3A_595, %mul3A_598 : vector<16xf32>
        %add3A_600 = arith.addi %add3A_572, %and3A_49 : vector<16xi32>
        %gather3A_601 = tpu.vector_load_idx %arg8[%broadcast_in_dim3A_98, %add3A_600] : memref<128x128xf32, #tpu.memory_space<vmem>>[vector<16xi32>, vector<16xi32>], vector<16xf32>,
        %mul3A_602 = arith.mulf %gather3A_601, %bitcast3A_404 : vector<16xf32>
        %add3A_603 = arith.addf %add3A_599, %mul3A_602 : vector<16xf32>
        %add3A_604 = arith.addi %add3A_572, %and3A_55 : vector<16xi32>
        %gather3A_605 = tpu.vector_load_idx %arg8[%broadcast_in_dim3A_98, %add3A_604] : memref<128x128xf32, #tpu.memory_space<vmem>>[vector<16xi32>, vector<16xi32>], vector<16xf32>,
        %mul3A_606 = arith.mulf %gather3A_605, %bitcast3A_407 : vector<16xf32>
        %add3A_607 = arith.addf %add3A_603, %mul3A_606 : vector<16xf32>
        %add3A_608 = arith.addi %add3A_572, %and3A_61 : vector<16xi32>
        %gather3A_609 = tpu.vector_load_idx %arg8[%broadcast_in_dim3A_98, %add3A_608] : memref<128x128xf32, #tpu.memory_space<vmem>>[vector<16xi32>, vector<16xi32>], vector<16xf32>,
        %mul3A_610 = arith.mulf %gather3A_609, %bitcast3A_410 : vector<16xf32>
        %add3A_611 = arith.addf %add3A_607, %mul3A_610 : vector<16xf32>
        %add3A_612 = arith.addi %add3A_572, %and3A_67 : vector<16xi32>
        %gather3A_613 = tpu.vector_load_idx %arg8[%broadcast_in_dim3A_98, %add3A_612] : memref<128x128xf32, #tpu.memory_space<vmem>>[vector<16xi32>, vector<16xi32>], vector<16xf32>,
        %mul3A_614 = arith.mulf %gather3A_613, %bitcast3A_413 : vector<16xf32>
        %add3A_615 = arith.addf %add3A_611, %mul3A_614 : vector<16xf32>
        %add3A_616 = arith.addi %add3A_572, %and3A_73 : vector<16xi32>
        %gather3A_617 = tpu.vector_load_idx %arg8[%broadcast_in_dim3A_98, %add3A_616] : memref<128x128xf32, #tpu.memory_space<vmem>>[vector<16xi32>, vector<16xi32>], vector<16xf32>,
        %mul3A_618 = arith.mulf %gather3A_617, %bitcast3A_416 : vector<16xf32>
        %add3A_619 = arith.addf %add3A_615, %mul3A_618 : vector<16xf32>
        %add3A_620 = arith.addi %add3A_572, %and3A_79 : vector<16xi32>
        %gather3A_621 = tpu.vector_load_idx %arg8[%broadcast_in_dim3A_98, %add3A_620] : memref<128x128xf32, #tpu.memory_space<vmem>>[vector<16xi32>, vector<16xi32>], vector<16xf32>,
        %mul3A_622 = arith.mulf %gather3A_621, %bitcast3A_419 : vector<16xf32>
        %add3A_623 = arith.addf %add3A_619, %mul3A_622 : vector<16xf32>
        %add3A_624 = arith.addi %add3A_572, %and3A_85 : vector<16xi32>
        %gather3A_625 = tpu.vector_load_idx %arg8[%broadcast_in_dim3A_98, %add3A_624] : memref<128x128xf32, #tpu.memory_space<vmem>>[vector<16xi32>, vector<16xi32>], vector<16xf32>,
        %mul3A_626 = arith.mulf %gather3A_625, %bitcast3A_422 : vector<16xf32>
        %add3A_627 = arith.addf %add3A_623, %mul3A_626 : vector<16xf32>
        %add3A_628 = arith.addi %add3A_572, %and3A_91 : vector<16xi32>
        %gather3A_629 = tpu.vector_load_idx %arg8[%broadcast_in_dim3A_98, %add3A_628] : memref<128x128xf32, #tpu.memory_space<vmem>>[vector<16xi32>, vector<16xi32>], vector<16xf32>,
        %mul3A_630 = arith.mulf %gather3A_629, %bitcast3A_425 : vector<16xf32>
        %add3A_631 = arith.addf %add3A_627, %mul3A_630 : vector<16xf32>
        %add3A_632 = arith.addi %add3A_572, %and3A_97 : vector<16xi32>
        %gather3A_633 = tpu.vector_load_idx %arg8[%broadcast_in_dim3A_98, %add3A_632] : memref<128x128xf32, #tpu.memory_space<vmem>>[vector<16xi32>, vector<16xi32>], vector<16xf32>,
        %mul3A_634 = arith.mulf %gather3A_633, %bitcast3A_428 : vector<16xf32>
        %add3A_635 = arith.addf %add3A_631, %mul3A_634 : vector<16xf32>
        %swap3A_636 = arith.constant 2 : i32
        %swap3A_637 = arith.index_cast %swap3A_636 : i32 to index
        %swap3A_638 = arith.index_cast %mul3A_380 : i32 to index
        %swap3A_639 = tpu.vector_load %arg10[%swap3A_637, %swap3A_638] {strides = array<i32>} : memref<8x128xf32, #tpu.memory_space<vmem>>, vector<16xf32>,
        tpu.vector_store %arg10[%swap3A_637, %swap3A_638], %add3A_635 {strides = array<i32>} : memref<8x128xf32, #tpu.memory_space<vmem>>, vector<16xf32>,
        %add3A_640 = arith.constant 48 : i32
        %add3A_641 = vector.broadcast %add3A_640 : i32 to vector<16xi32>
        %add3A_642 = arith.addi %shift_left3A_430, %add3A_641 : vector<16xi32>
        %add3A_643 = arith.addi %add3A_642, %and3A_7 : vector<16xi32>
        %gather3A_644 = tpu.vector_load_idx %arg8[%broadcast_in_dim3A_98, %add3A_643] : memref<128x128xf32, #tpu.memory_space<vmem>>[vector<16xi32>, vector<16xi32>], vector<16xf32>,
        %mul3A_645 = arith.mulf %gather3A_644, %bitcast3A : vector<16xf32>
        %add3A_646 = arith.addi %add3A_642, %and3A_13 : vector<16xi32>
        %gather3A_647 = tpu.vector_load_idx %arg8[%broadcast_in_dim3A_98, %add3A_646] : memref<128x128xf32, #tpu.memory_space<vmem>>[vector<16xi32>, vector<16xi32>], vector<16xf32>,
        %mul3A_648 = arith.mulf %gather3A_647, %bitcast3A_386 : vector<16xf32>
        %add3A_649 = arith.addf %mul3A_645, %mul3A_648 : vector<16xf32>
        %add3A_650 = arith.addi %add3A_642, %and3A_19 : vector<16xi32>
        %gather3A_651 = tpu.vector_load_idx %arg8[%broadcast_in_dim3A_98, %add3A_650] : memref<128x128xf32, #tpu.memory_space<vmem>>[vector<16xi32>, vector<16xi32>], vector<16xf32>,
        %mul3A_652 = arith.mulf %gather3A_651, %bitcast3A_389 : vector<16xf32>
        %add3A_653 = arith.addf %add3A_649, %mul3A_652 : vector<16xf32>
        %add3A_654 = arith.addi %add3A_642, %and3A_25 : vector<16xi32>
        %gather3A_655 = tpu.vector_load_idx %arg8[%broadcast_in_dim3A_98, %add3A_654] : memref<128x128xf32, #tpu.memory_space<vmem>>[vector<16xi32>, vector<16xi32>], vector<16xf32>,
        %mul3A_656 = arith.mulf %gather3A_655, %bitcast3A_392 : vector<16xf32>
        %add3A_657 = arith.addf %add3A_653, %mul3A_656 : vector<16xf32>
        %add3A_658 = arith.addi %add3A_642, %and3A_31 : vector<16xi32>
        %gather3A_659 = tpu.vector_load_idx %arg8[%broadcast_in_dim3A_98, %add3A_658] : memref<128x128xf32, #tpu.memory_space<vmem>>[vector<16xi32>, vector<16xi32>], vector<16xf32>,
        %mul3A_660 = arith.mulf %gather3A_659, %bitcast3A_395 : vector<16xf32>
        %add3A_661 = arith.addf %add3A_657, %mul3A_660 : vector<16xf32>
        %add3A_662 = arith.addi %add3A_642, %and3A_37 : vector<16xi32>
        %gather3A_663 = tpu.vector_load_idx %arg8[%broadcast_in_dim3A_98, %add3A_662] : memref<128x128xf32, #tpu.memory_space<vmem>>[vector<16xi32>, vector<16xi32>], vector<16xf32>,
        %mul3A_664 = arith.mulf %gather3A_663, %bitcast3A_398 : vector<16xf32>
        %add3A_665 = arith.addf %add3A_661, %mul3A_664 : vector<16xf32>
        %add3A_666 = arith.addi %add3A_642, %and3A_43 : vector<16xi32>
        %gather3A_667 = tpu.vector_load_idx %arg8[%broadcast_in_dim3A_98, %add3A_666] : memref<128x128xf32, #tpu.memory_space<vmem>>[vector<16xi32>, vector<16xi32>], vector<16xf32>,
        %mul3A_668 = arith.mulf %gather3A_667, %bitcast3A_401 : vector<16xf32>
        %add3A_669 = arith.addf %add3A_665, %mul3A_668 : vector<16xf32>
        %add3A_670 = arith.addi %add3A_642, %and3A_49 : vector<16xi32>
        %gather3A_671 = tpu.vector_load_idx %arg8[%broadcast_in_dim3A_98, %add3A_670] : memref<128x128xf32, #tpu.memory_space<vmem>>[vector<16xi32>, vector<16xi32>], vector<16xf32>,
        %mul3A_672 = arith.mulf %gather3A_671, %bitcast3A_404 : vector<16xf32>
        %add3A_673 = arith.addf %add3A_669, %mul3A_672 : vector<16xf32>
        %add3A_674 = arith.addi %add3A_642, %and3A_55 : vector<16xi32>
        %gather3A_675 = tpu.vector_load_idx %arg8[%broadcast_in_dim3A_98, %add3A_674] : memref<128x128xf32, #tpu.memory_space<vmem>>[vector<16xi32>, vector<16xi32>], vector<16xf32>,
        %mul3A_676 = arith.mulf %gather3A_675, %bitcast3A_407 : vector<16xf32>
        %add3A_677 = arith.addf %add3A_673, %mul3A_676 : vector<16xf32>
        %add3A_678 = arith.addi %add3A_642, %and3A_61 : vector<16xi32>
        %gather3A_679 = tpu.vector_load_idx %arg8[%broadcast_in_dim3A_98, %add3A_678] : memref<128x128xf32, #tpu.memory_space<vmem>>[vector<16xi32>, vector<16xi32>], vector<16xf32>,
        %mul3A_680 = arith.mulf %gather3A_679, %bitcast3A_410 : vector<16xf32>
        %add3A_681 = arith.addf %add3A_677, %mul3A_680 : vector<16xf32>
        %add3A_682 = arith.addi %add3A_642, %and3A_67 : vector<16xi32>
        %gather3A_683 = tpu.vector_load_idx %arg8[%broadcast_in_dim3A_98, %add3A_682] : memref<128x128xf32, #tpu.memory_space<vmem>>[vector<16xi32>, vector<16xi32>], vector<16xf32>,
        %mul3A_684 = arith.mulf %gather3A_683, %bitcast3A_413 : vector<16xf32>
        %add3A_685 = arith.addf %add3A_681, %mul3A_684 : vector<16xf32>
        %add3A_686 = arith.addi %add3A_642, %and3A_73 : vector<16xi32>
        %gather3A_687 = tpu.vector_load_idx %arg8[%broadcast_in_dim3A_98, %add3A_686] : memref<128x128xf32, #tpu.memory_space<vmem>>[vector<16xi32>, vector<16xi32>], vector<16xf32>,
        %mul3A_688 = arith.mulf %gather3A_687, %bitcast3A_416 : vector<16xf32>
        %add3A_689 = arith.addf %add3A_685, %mul3A_688 : vector<16xf32>
        %add3A_690 = arith.addi %add3A_642, %and3A_79 : vector<16xi32>
        %gather3A_691 = tpu.vector_load_idx %arg8[%broadcast_in_dim3A_98, %add3A_690] : memref<128x128xf32, #tpu.memory_space<vmem>>[vector<16xi32>, vector<16xi32>], vector<16xf32>,
        %mul3A_692 = arith.mulf %gather3A_691, %bitcast3A_419 : vector<16xf32>
        %add3A_693 = arith.addf %add3A_689, %mul3A_692 : vector<16xf32>
        %add3A_694 = arith.addi %add3A_642, %and3A_85 : vector<16xi32>
        %gather3A_695 = tpu.vector_load_idx %arg8[%broadcast_in_dim3A_98, %add3A_694] : memref<128x128xf32, #tpu.memory_space<vmem>>[vector<16xi32>, vector<16xi32>], vector<16xf32>,
        %mul3A_696 = arith.mulf %gather3A_695, %bitcast3A_422 : vector<16xf32>
        %add3A_697 = arith.addf %add3A_693, %mul3A_696 : vector<16xf32>
        %add3A_698 = arith.addi %add3A_642, %and3A_91 : vector<16xi32>
        %gather3A_699 = tpu.vector_load_idx %arg8[%broadcast_in_dim3A_98, %add3A_698] : memref<128x128xf32, #tpu.memory_space<vmem>>[vector<16xi32>, vector<16xi32>], vector<16xf32>,
        %mul3A_700 = arith.mulf %gather3A_699, %bitcast3A_425 : vector<16xf32>
        %add3A_701 = arith.addf %add3A_697, %mul3A_700 : vector<16xf32>
        %add3A_702 = arith.addi %add3A_642, %and3A_97 : vector<16xi32>
        %gather3A_703 = tpu.vector_load_idx %arg8[%broadcast_in_dim3A_98, %add3A_702] : memref<128x128xf32, #tpu.memory_space<vmem>>[vector<16xi32>, vector<16xi32>], vector<16xf32>,
        %mul3A_704 = arith.mulf %gather3A_703, %bitcast3A_428 : vector<16xf32>
        %add3A_705 = arith.addf %add3A_701, %mul3A_704 : vector<16xf32>
        %swap3A_706 = arith.constant 3 : i32
        %swap3A_707 = arith.index_cast %swap3A_706 : i32 to index
        %swap3A_708 = arith.index_cast %mul3A_380 : i32 to index
        %swap3A_709 = tpu.vector_load %arg10[%swap3A_707, %swap3A_708] {strides = array<i32>} : memref<8x128xf32, #tpu.memory_space<vmem>>, vector<16xf32>,
        tpu.vector_store %arg10[%swap3A_707, %swap3A_708], %add3A_705 {strides = array<i32>} : memref<8x128xf32, #tpu.memory_space<vmem>>, vector<16xf32>,
        %add3A_710 = arith.constant 64 : i32
        %add3A_711 = vector.broadcast %add3A_710 : i32 to vector<16xi32>
        %add3A_712 = arith.addi %shift_left3A_430, %add3A_711 : vector<16xi32>
        %add3A_713 = arith.addi %add3A_712, %and3A_7 : vector<16xi32>
        %gather3A_714 = tpu.vector_load_idx %arg8[%broadcast_in_dim3A_98, %add3A_713] : memref<128x128xf32, #tpu.memory_space<vmem>>[vector<16xi32>, vector<16xi32>], vector<16xf32>,
        %mul3A_715 = arith.mulf %gather3A_714, %bitcast3A : vector<16xf32>
        %add3A_716 = arith.addi %add3A_712, %and3A_13 : vector<16xi32>
        %gather3A_717 = tpu.vector_load_idx %arg8[%broadcast_in_dim3A_98, %add3A_716] : memref<128x128xf32, #tpu.memory_space<vmem>>[vector<16xi32>, vector<16xi32>], vector<16xf32>,
        %mul3A_718 = arith.mulf %gather3A_717, %bitcast3A_386 : vector<16xf32>
        %add3A_719 = arith.addf %mul3A_715, %mul3A_718 : vector<16xf32>
        %add3A_720 = arith.addi %add3A_712, %and3A_19 : vector<16xi32>
        %gather3A_721 = tpu.vector_load_idx %arg8[%broadcast_in_dim3A_98, %add3A_720] : memref<128x128xf32, #tpu.memory_space<vmem>>[vector<16xi32>, vector<16xi32>], vector<16xf32>,
        %mul3A_722 = arith.mulf %gather3A_721, %bitcast3A_389 : vector<16xf32>
        %add3A_723 = arith.addf %add3A_719, %mul3A_722 : vector<16xf32>
        %add3A_724 = arith.addi %add3A_712, %and3A_25 : vector<16xi32>
        %gather3A_725 = tpu.vector_load_idx %arg8[%broadcast_in_dim3A_98, %add3A_724] : memref<128x128xf32, #tpu.memory_space<vmem>>[vector<16xi32>, vector<16xi32>], vector<16xf32>,
        %mul3A_726 = arith.mulf %gather3A_725, %bitcast3A_392 : vector<16xf32>
        %add3A_727 = arith.addf %add3A_723, %mul3A_726 : vector<16xf32>
        %add3A_728 = arith.addi %add3A_712, %and3A_31 : vector<16xi32>
        %gather3A_729 = tpu.vector_load_idx %arg8[%broadcast_in_dim3A_98, %add3A_728] : memref<128x128xf32, #tpu.memory_space<vmem>>[vector<16xi32>, vector<16xi32>], vector<16xf32>,
        %mul3A_730 = arith.mulf %gather3A_729, %bitcast3A_395 : vector<16xf32>
        %add3A_731 = arith.addf %add3A_727, %mul3A_730 : vector<16xf32>
        %add3A_732 = arith.addi %add3A_712, %and3A_37 : vector<16xi32>
        %gather3A_733 = tpu.vector_load_idx %arg8[%broadcast_in_dim3A_98, %add3A_732] : memref<128x128xf32, #tpu.memory_space<vmem>>[vector<16xi32>, vector<16xi32>], vector<16xf32>,
        %mul3A_734 = arith.mulf %gather3A_733, %bitcast3A_398 : vector<16xf32>
        %add3A_735 = arith.addf %add3A_731, %mul3A_734 : vector<16xf32>
        %add3A_736 = arith.addi %add3A_712, %and3A_43 : vector<16xi32>
        %gather3A_737 = tpu.vector_load_idx %arg8[%broadcast_in_dim3A_98, %add3A_736] : memref<128x128xf32, #tpu.memory_space<vmem>>[vector<16xi32>, vector<16xi32>], vector<16xf32>,
        %mul3A_738 = arith.mulf %gather3A_737, %bitcast3A_401 : vector<16xf32>
        %add3A_739 = arith.addf %add3A_735, %mul3A_738 : vector<16xf32>
        %add3A_740 = arith.addi %add3A_712, %and3A_49 : vector<16xi32>
        %gather3A_741 = tpu.vector_load_idx %arg8[%broadcast_in_dim3A_98, %add3A_740] : memref<128x128xf32, #tpu.memory_space<vmem>>[vector<16xi32>, vector<16xi32>], vector<16xf32>,
        %mul3A_742 = arith.mulf %gather3A_741, %bitcast3A_404 : vector<16xf32>
        %add3A_743 = arith.addf %add3A_739, %mul3A_742 : vector<16xf32>
        %add3A_744 = arith.addi %add3A_712, %and3A_55 : vector<16xi32>
        %gather3A_745 = tpu.vector_load_idx %arg8[%broadcast_in_dim3A_98, %add3A_744] : memref<128x128xf32, #tpu.memory_space<vmem>>[vector<16xi32>, vector<16xi32>], vector<16xf32>,
        %mul3A_746 = arith.mulf %gather3A_745, %bitcast3A_407 : vector<16xf32>
        %add3A_747 = arith.addf %add3A_743, %mul3A_746 : vector<16xf32>
        %add3A_748 = arith.addi %add3A_712, %and3A_61 : vector<16xi32>
        %gather3A_749 = tpu.vector_load_idx %arg8[%broadcast_in_dim3A_98, %add3A_748] : memref<128x128xf32, #tpu.memory_space<vmem>>[vector<16xi32>, vector<16xi32>], vector<16xf32>,
        %mul3A_750 = arith.mulf %gather3A_749, %bitcast3A_410 : vector<16xf32>
        %add3A_751 = arith.addf %add3A_747, %mul3A_750 : vector<16xf32>
        %add3A_752 = arith.addi %add3A_712, %and3A_67 : vector<16xi32>
        %gather3A_753 = tpu.vector_load_idx %arg8[%broadcast_in_dim3A_98, %add3A_752] : memref<128x128xf32, #tpu.memory_space<vmem>>[vector<16xi32>, vector<16xi32>], vector<16xf32>,
        %mul3A_754 = arith.mulf %gather3A_753, %bitcast3A_413 : vector<16xf32>
        %add3A_755 = arith.addf %add3A_751, %mul3A_754 : vector<16xf32>
        %add3A_756 = arith.addi %add3A_712, %and3A_73 : vector<16xi32>
        %gather3A_757 = tpu.vector_load_idx %arg8[%broadcast_in_dim3A_98, %add3A_756] : memref<128x128xf32, #tpu.memory_space<vmem>>[vector<16xi32>, vector<16xi32>], vector<16xf32>,
        %mul3A_758 = arith.mulf %gather3A_757, %bitcast3A_416 : vector<16xf32>
        %add3A_759 = arith.addf %add3A_755, %mul3A_758 : vector<16xf32>
        %add3A_760 = arith.addi %add3A_712, %and3A_79 : vector<16xi32>
        %gather3A_761 = tpu.vector_load_idx %arg8[%broadcast_in_dim3A_98, %add3A_760] : memref<128x128xf32, #tpu.memory_space<vmem>>[vector<16xi32>, vector<16xi32>], vector<16xf32>,
        %mul3A_762 = arith.mulf %gather3A_761, %bitcast3A_419 : vector<16xf32>
        %add3A_763 = arith.addf %add3A_759, %mul3A_762 : vector<16xf32>
        %add3A_764 = arith.addi %add3A_712, %and3A_85 : vector<16xi32>
        %gather3A_765 = tpu.vector_load_idx %arg8[%broadcast_in_dim3A_98, %add3A_764] : memref<128x128xf32, #tpu.memory_space<vmem>>[vector<16xi32>, vector<16xi32>], vector<16xf32>,
        %mul3A_766 = arith.mulf %gather3A_765, %bitcast3A_422 : vector<16xf32>
        %add3A_767 = arith.addf %add3A_763, %mul3A_766 : vector<16xf32>
        %add3A_768 = arith.addi %add3A_712, %and3A_91 : vector<16xi32>
        %gather3A_769 = tpu.vector_load_idx %arg8[%broadcast_in_dim3A_98, %add3A_768] : memref<128x128xf32, #tpu.memory_space<vmem>>[vector<16xi32>, vector<16xi32>], vector<16xf32>,
        %mul3A_770 = arith.mulf %gather3A_769, %bitcast3A_425 : vector<16xf32>
        %add3A_771 = arith.addf %add3A_767, %mul3A_770 : vector<16xf32>
        %add3A_772 = arith.addi %add3A_712, %and3A_97 : vector<16xi32>
        %gather3A_773 = tpu.vector_load_idx %arg8[%broadcast_in_dim3A_98, %add3A_772] : memref<128x128xf32, #tpu.memory_space<vmem>>[vector<16xi32>, vector<16xi32>], vector<16xf32>,
        %mul3A_774 = arith.mulf %gather3A_773, %bitcast3A_428 : vector<16xf32>
        %add3A_775 = arith.addf %add3A_771, %mul3A_774 : vector<16xf32>
        %swap3A_776 = arith.constant 4 : i32
        %swap3A_777 = arith.index_cast %swap3A_776 : i32 to index
        %swap3A_778 = arith.index_cast %mul3A_380 : i32 to index
        %swap3A_779 = tpu.vector_load %arg10[%swap3A_777, %swap3A_778] {strides = array<i32>} : memref<8x128xf32, #tpu.memory_space<vmem>>, vector<16xf32>,
        tpu.vector_store %arg10[%swap3A_777, %swap3A_778], %add3A_775 {strides = array<i32>} : memref<8x128xf32, #tpu.memory_space<vmem>>, vector<16xf32>,
        %add3A_780 = arith.constant 80 : i32
        %add3A_781 = vector.broadcast %add3A_780 : i32 to vector<16xi32>
        %add3A_782 = arith.addi %shift_left3A_430, %add3A_781 : vector<16xi32>
        %add3A_783 = arith.addi %add3A_782, %and3A_7 : vector<16xi32>
        %gather3A_784 = tpu.vector_load_idx %arg8[%broadcast_in_dim3A_98, %add3A_783] : memref<128x128xf32, #tpu.memory_space<vmem>>[vector<16xi32>, vector<16xi32>], vector<16xf32>,
        %mul3A_785 = arith.mulf %gather3A_784, %bitcast3A : vector<16xf32>
        %add3A_786 = arith.addi %add3A_782, %and3A_13 : vector<16xi32>
        %gather3A_787 = tpu.vector_load_idx %arg8[%broadcast_in_dim3A_98, %add3A_786] : memref<128x128xf32, #tpu.memory_space<vmem>>[vector<16xi32>, vector<16xi32>], vector<16xf32>,
        %mul3A_788 = arith.mulf %gather3A_787, %bitcast3A_386 : vector<16xf32>
        %add3A_789 = arith.addf %mul3A_785, %mul3A_788 : vector<16xf32>
        %add3A_790 = arith.addi %add3A_782, %and3A_19 : vector<16xi32>
        %gather3A_791 = tpu.vector_load_idx %arg8[%broadcast_in_dim3A_98, %add3A_790] : memref<128x128xf32, #tpu.memory_space<vmem>>[vector<16xi32>, vector<16xi32>], vector<16xf32>,
        %mul3A_792 = arith.mulf %gather3A_791, %bitcast3A_389 : vector<16xf32>
        %add3A_793 = arith.addf %add3A_789, %mul3A_792 : vector<16xf32>
        %add3A_794 = arith.addi %add3A_782, %and3A_25 : vector<16xi32>
        %gather3A_795 = tpu.vector_load_idx %arg8[%broadcast_in_dim3A_98, %add3A_794] : memref<128x128xf32, #tpu.memory_space<vmem>>[vector<16xi32>, vector<16xi32>], vector<16xf32>,
        %mul3A_796 = arith.mulf %gather3A_795, %bitcast3A_392 : vector<16xf32>
        %add3A_797 = arith.addf %add3A_793, %mul3A_796 : vector<16xf32>
        %add3A_798 = arith.addi %add3A_782, %and3A_31 : vector<16xi32>
        %gather3A_799 = tpu.vector_load_idx %arg8[%broadcast_in_dim3A_98, %add3A_798] : memref<128x128xf32, #tpu.memory_space<vmem>>[vector<16xi32>, vector<16xi32>], vector<16xf32>,
        %mul3A_800 = arith.mulf %gather3A_799, %bitcast3A_395 : vector<16xf32>
        %add3A_801 = arith.addf %add3A_797, %mul3A_800 : vector<16xf32>
        %add3A_802 = arith.addi %add3A_782, %and3A_37 : vector<16xi32>
        %gather3A_803 = tpu.vector_load_idx %arg8[%broadcast_in_dim3A_98, %add3A_802] : memref<128x128xf32, #tpu.memory_space<vmem>>[vector<16xi32>, vector<16xi32>], vector<16xf32>,
        %mul3A_804 = arith.mulf %gather3A_803, %bitcast3A_398 : vector<16xf32>
        %add3A_805 = arith.addf %add3A_801, %mul3A_804 : vector<16xf32>
        %add3A_806 = arith.addi %add3A_782, %and3A_43 : vector<16xi32>
        %gather3A_807 = tpu.vector_load_idx %arg8[%broadcast_in_dim3A_98, %add3A_806] : memref<128x128xf32, #tpu.memory_space<vmem>>[vector<16xi32>, vector<16xi32>], vector<16xf32>,
        %mul3A_808 = arith.mulf %gather3A_807, %bitcast3A_401 : vector<16xf32>
        %add3A_809 = arith.addf %add3A_805, %mul3A_808 : vector<16xf32>
        %add3A_810 = arith.addi %add3A_782, %and3A_49 : vector<16xi32>
        %gather3A_811 = tpu.vector_load_idx %arg8[%broadcast_in_dim3A_98, %add3A_810] : memref<128x128xf32, #tpu.memory_space<vmem>>[vector<16xi32>, vector<16xi32>], vector<16xf32>,
        %mul3A_812 = arith.mulf %gather3A_811, %bitcast3A_404 : vector<16xf32>
        %add3A_813 = arith.addf %add3A_809, %mul3A_812 : vector<16xf32>
        %add3A_814 = arith.addi %add3A_782, %and3A_55 : vector<16xi32>
        %gather3A_815 = tpu.vector_load_idx %arg8[%broadcast_in_dim3A_98, %add3A_814] : memref<128x128xf32, #tpu.memory_space<vmem>>[vector<16xi32>, vector<16xi32>], vector<16xf32>,
        %mul3A_816 = arith.mulf %gather3A_815, %bitcast3A_407 : vector<16xf32>
        %add3A_817 = arith.addf %add3A_813, %mul3A_816 : vector<16xf32>
        %add3A_818 = arith.addi %add3A_782, %and3A_61 : vector<16xi32>
        %gather3A_819 = tpu.vector_load_idx %arg8[%broadcast_in_dim3A_98, %add3A_818] : memref<128x128xf32, #tpu.memory_space<vmem>>[vector<16xi32>, vector<16xi32>], vector<16xf32>,
        %mul3A_820 = arith.mulf %gather3A_819, %bitcast3A_410 : vector<16xf32>
        %add3A_821 = arith.addf %add3A_817, %mul3A_820 : vector<16xf32>
        %add3A_822 = arith.addi %add3A_782, %and3A_67 : vector<16xi32>
        %gather3A_823 = tpu.vector_load_idx %arg8[%broadcast_in_dim3A_98, %add3A_822] : memref<128x128xf32, #tpu.memory_space<vmem>>[vector<16xi32>, vector<16xi32>], vector<16xf32>,
        %mul3A_824 = arith.mulf %gather3A_823, %bitcast3A_413 : vector<16xf32>
        %add3A_825 = arith.addf %add3A_821, %mul3A_824 : vector<16xf32>
        %add3A_826 = arith.addi %add3A_782, %and3A_73 : vector<16xi32>
        %gather3A_827 = tpu.vector_load_idx %arg8[%broadcast_in_dim3A_98, %add3A_826] : memref<128x128xf32, #tpu.memory_space<vmem>>[vector<16xi32>, vector<16xi32>], vector<16xf32>,
        %mul3A_828 = arith.mulf %gather3A_827, %bitcast3A_416 : vector<16xf32>
        %add3A_829 = arith.addf %add3A_825, %mul3A_828 : vector<16xf32>
        %add3A_830 = arith.addi %add3A_782, %and3A_79 : vector<16xi32>
        %gather3A_831 = tpu.vector_load_idx %arg8[%broadcast_in_dim3A_98, %add3A_830] : memref<128x128xf32, #tpu.memory_space<vmem>>[vector<16xi32>, vector<16xi32>], vector<16xf32>,
        %mul3A_832 = arith.mulf %gather3A_831, %bitcast3A_419 : vector<16xf32>
        %add3A_833 = arith.addf %add3A_829, %mul3A_832 : vector<16xf32>
        %add3A_834 = arith.addi %add3A_782, %and3A_85 : vector<16xi32>
        %gather3A_835 = tpu.vector_load_idx %arg8[%broadcast_in_dim3A_98, %add3A_834] : memref<128x128xf32, #tpu.memory_space<vmem>>[vector<16xi32>, vector<16xi32>], vector<16xf32>,
        %mul3A_836 = arith.mulf %gather3A_835, %bitcast3A_422 : vector<16xf32>
        %add3A_837 = arith.addf %add3A_833, %mul3A_836 : vector<16xf32>
        %add3A_838 = arith.addi %add3A_782, %and3A_91 : vector<16xi32>
        %gather3A_839 = tpu.vector_load_idx %arg8[%broadcast_in_dim3A_98, %add3A_838] : memref<128x128xf32, #tpu.memory_space<vmem>>[vector<16xi32>, vector<16xi32>], vector<16xf32>,
        %mul3A_840 = arith.mulf %gather3A_839, %bitcast3A_425 : vector<16xf32>
        %add3A_841 = arith.addf %add3A_837, %mul3A_840 : vector<16xf32>
        %add3A_842 = arith.addi %add3A_782, %and3A_97 : vector<16xi32>
        %gather3A_843 = tpu.vector_load_idx %arg8[%broadcast_in_dim3A_98, %add3A_842] : memref<128x128xf32, #tpu.memory_space<vmem>>[vector<16xi32>, vector<16xi32>], vector<16xf32>,
        %mul3A_844 = arith.mulf %gather3A_843, %bitcast3A_428 : vector<16xf32>
        %add3A_845 = arith.addf %add3A_841, %mul3A_844 : vector<16xf32>
        %swap3A_846 = arith.constant 5 : i32
        %swap3A_847 = arith.index_cast %swap3A_846 : i32 to index
        %swap3A_848 = arith.index_cast %mul3A_380 : i32 to index
        %swap3A_849 = tpu.vector_load %arg10[%swap3A_847, %swap3A_848] {strides = array<i32>} : memref<8x128xf32, #tpu.memory_space<vmem>>, vector<16xf32>,
        tpu.vector_store %arg10[%swap3A_847, %swap3A_848], %add3A_845 {strides = array<i32>} : memref<8x128xf32, #tpu.memory_space<vmem>>, vector<16xf32>,
        %add3A_850 = arith.constant 96 : i32
        %add3A_851 = vector.broadcast %add3A_850 : i32 to vector<16xi32>
        %add3A_852 = arith.addi %shift_left3A_430, %add3A_851 : vector<16xi32>
        %add3A_853 = arith.addi %add3A_852, %and3A_7 : vector<16xi32>
        %gather3A_854 = tpu.vector_load_idx %arg8[%broadcast_in_dim3A_98, %add3A_853] : memref<128x128xf32, #tpu.memory_space<vmem>>[vector<16xi32>, vector<16xi32>], vector<16xf32>,
        %mul3A_855 = arith.mulf %gather3A_854, %bitcast3A : vector<16xf32>
        %add3A_856 = arith.addi %add3A_852, %and3A_13 : vector<16xi32>
        %gather3A_857 = tpu.vector_load_idx %arg8[%broadcast_in_dim3A_98, %add3A_856] : memref<128x128xf32, #tpu.memory_space<vmem>>[vector<16xi32>, vector<16xi32>], vector<16xf32>,
        %mul3A_858 = arith.mulf %gather3A_857, %bitcast3A_386 : vector<16xf32>
        %add3A_859 = arith.addf %mul3A_855, %mul3A_858 : vector<16xf32>
        %add3A_860 = arith.addi %add3A_852, %and3A_19 : vector<16xi32>
        %gather3A_861 = tpu.vector_load_idx %arg8[%broadcast_in_dim3A_98, %add3A_860] : memref<128x128xf32, #tpu.memory_space<vmem>>[vector<16xi32>, vector<16xi32>], vector<16xf32>,
        %mul3A_862 = arith.mulf %gather3A_861, %bitcast3A_389 : vector<16xf32>
        %add3A_863 = arith.addf %add3A_859, %mul3A_862 : vector<16xf32>
        %add3A_864 = arith.addi %add3A_852, %and3A_25 : vector<16xi32>
        %gather3A_865 = tpu.vector_load_idx %arg8[%broadcast_in_dim3A_98, %add3A_864] : memref<128x128xf32, #tpu.memory_space<vmem>>[vector<16xi32>, vector<16xi32>], vector<16xf32>,
        %mul3A_866 = arith.mulf %gather3A_865, %bitcast3A_392 : vector<16xf32>
        %add3A_867 = arith.addf %add3A_863, %mul3A_866 : vector<16xf32>
        %add3A_868 = arith.addi %add3A_852, %and3A_31 : vector<16xi32>
        %gather3A_869 = tpu.vector_load_idx %arg8[%broadcast_in_dim3A_98, %add3A_868] : memref<128x128xf32, #tpu.memory_space<vmem>>[vector<16xi32>, vector<16xi32>], vector<16xf32>,
        %mul3A_870 = arith.mulf %gather3A_869, %bitcast3A_395 : vector<16xf32>
        %add3A_871 = arith.addf %add3A_867, %mul3A_870 : vector<16xf32>
        %add3A_872 = arith.addi %add3A_852, %and3A_37 : vector<16xi32>
        %gather3A_873 = tpu.vector_load_idx %arg8[%broadcast_in_dim3A_98, %add3A_872] : memref<128x128xf32, #tpu.memory_space<vmem>>[vector<16xi32>, vector<16xi32>], vector<16xf32>,
        %mul3A_874 = arith.mulf %gather3A_873, %bitcast3A_398 : vector<16xf32>
        %add3A_875 = arith.addf %add3A_871, %mul3A_874 : vector<16xf32>
        %add3A_876 = arith.addi %add3A_852, %and3A_43 : vector<16xi32>
        %gather3A_877 = tpu.vector_load_idx %arg8[%broadcast_in_dim3A_98, %add3A_876] : memref<128x128xf32, #tpu.memory_space<vmem>>[vector<16xi32>, vector<16xi32>], vector<16xf32>,
        %mul3A_878 = arith.mulf %gather3A_877, %bitcast3A_401 : vector<16xf32>
        %add3A_879 = arith.addf %add3A_875, %mul3A_878 : vector<16xf32>
        %add3A_880 = arith.addi %add3A_852, %and3A_49 : vector<16xi32>
        %gather3A_881 = tpu.vector_load_idx %arg8[%broadcast_in_dim3A_98, %add3A_880] : memref<128x128xf32, #tpu.memory_space<vmem>>[vector<16xi32>, vector<16xi32>], vector<16xf32>,
        %mul3A_882 = arith.mulf %gather3A_881, %bitcast3A_404 : vector<16xf32>
        %add3A_883 = arith.addf %add3A_879, %mul3A_882 : vector<16xf32>
        %add3A_884 = arith.addi %add3A_852, %and3A_55 : vector<16xi32>
        %gather3A_885 = tpu.vector_load_idx %arg8[%broadcast_in_dim3A_98, %add3A_884] : memref<128x128xf32, #tpu.memory_space<vmem>>[vector<16xi32>, vector<16xi32>], vector<16xf32>,
        %mul3A_886 = arith.mulf %gather3A_885, %bitcast3A_407 : vector<16xf32>
        %add3A_887 = arith.addf %add3A_883, %mul3A_886 : vector<16xf32>
        %add3A_888 = arith.addi %add3A_852, %and3A_61 : vector<16xi32>
        %gather3A_889 = tpu.vector_load_idx %arg8[%broadcast_in_dim3A_98, %add3A_888] : memref<128x128xf32, #tpu.memory_space<vmem>>[vector<16xi32>, vector<16xi32>], vector<16xf32>,
        %mul3A_890 = arith.mulf %gather3A_889, %bitcast3A_410 : vector<16xf32>
        %add3A_891 = arith.addf %add3A_887, %mul3A_890 : vector<16xf32>
        %add3A_892 = arith.addi %add3A_852, %and3A_67 : vector<16xi32>
        %gather3A_893 = tpu.vector_load_idx %arg8[%broadcast_in_dim3A_98, %add3A_892] : memref<128x128xf32, #tpu.memory_space<vmem>>[vector<16xi32>, vector<16xi32>], vector<16xf32>,
        %mul3A_894 = arith.mulf %gather3A_893, %bitcast3A_413 : vector<16xf32>
        %add3A_895 = arith.addf %add3A_891, %mul3A_894 : vector<16xf32>
        %add3A_896 = arith.addi %add3A_852, %and3A_73 : vector<16xi32>
        %gather3A_897 = tpu.vector_load_idx %arg8[%broadcast_in_dim3A_98, %add3A_896] : memref<128x128xf32, #tpu.memory_space<vmem>>[vector<16xi32>, vector<16xi32>], vector<16xf32>,
        %mul3A_898 = arith.mulf %gather3A_897, %bitcast3A_416 : vector<16xf32>
        %add3A_899 = arith.addf %add3A_895, %mul3A_898 : vector<16xf32>
        %add3A_900 = arith.addi %add3A_852, %and3A_79 : vector<16xi32>
        %gather3A_901 = tpu.vector_load_idx %arg8[%broadcast_in_dim3A_98, %add3A_900] : memref<128x128xf32, #tpu.memory_space<vmem>>[vector<16xi32>, vector<16xi32>], vector<16xf32>,
        %mul3A_902 = arith.mulf %gather3A_901, %bitcast3A_419 : vector<16xf32>
        %add3A_903 = arith.addf %add3A_899, %mul3A_902 : vector<16xf32>
        %add3A_904 = arith.addi %add3A_852, %and3A_85 : vector<16xi32>
        %gather3A_905 = tpu.vector_load_idx %arg8[%broadcast_in_dim3A_98, %add3A_904] : memref<128x128xf32, #tpu.memory_space<vmem>>[vector<16xi32>, vector<16xi32>], vector<16xf32>,
        %mul3A_906 = arith.mulf %gather3A_905, %bitcast3A_422 : vector<16xf32>
        %add3A_907 = arith.addf %add3A_903, %mul3A_906 : vector<16xf32>
        %add3A_908 = arith.addi %add3A_852, %and3A_91 : vector<16xi32>
        %gather3A_909 = tpu.vector_load_idx %arg8[%broadcast_in_dim3A_98, %add3A_908] : memref<128x128xf32, #tpu.memory_space<vmem>>[vector<16xi32>, vector<16xi32>], vector<16xf32>,
        %mul3A_910 = arith.mulf %gather3A_909, %bitcast3A_425 : vector<16xf32>
        %add3A_911 = arith.addf %add3A_907, %mul3A_910 : vector<16xf32>
        %add3A_912 = arith.addi %add3A_852, %and3A_97 : vector<16xi32>
        %gather3A_913 = tpu.vector_load_idx %arg8[%broadcast_in_dim3A_98, %add3A_912] : memref<128x128xf32, #tpu.memory_space<vmem>>[vector<16xi32>, vector<16xi32>], vector<16xf32>,
        %mul3A_914 = arith.mulf %gather3A_913, %bitcast3A_428 : vector<16xf32>
        %add3A_915 = arith.addf %add3A_911, %mul3A_914 : vector<16xf32>
        %swap3A_916 = arith.constant 6 : i32
        %swap3A_917 = arith.index_cast %swap3A_916 : i32 to index
        %swap3A_918 = arith.index_cast %mul3A_380 : i32 to index
        %swap3A_919 = tpu.vector_load %arg10[%swap3A_917, %swap3A_918] {strides = array<i32>} : memref<8x128xf32, #tpu.memory_space<vmem>>, vector<16xf32>,
        tpu.vector_store %arg10[%swap3A_917, %swap3A_918], %add3A_915 {strides = array<i32>} : memref<8x128xf32, #tpu.memory_space<vmem>>, vector<16xf32>,
        %add3A_920 = arith.constant 112 : i32
        %add3A_921 = vector.broadcast %add3A_920 : i32 to vector<16xi32>
        %add3A_922 = arith.addi %shift_left3A_430, %add3A_921 : vector<16xi32>
        %add3A_923 = arith.addi %add3A_922, %and3A_7 : vector<16xi32>
        %gather3A_924 = tpu.vector_load_idx %arg8[%broadcast_in_dim3A_98, %add3A_923] : memref<128x128xf32, #tpu.memory_space<vmem>>[vector<16xi32>, vector<16xi32>], vector<16xf32>,
        %mul3A_925 = arith.mulf %gather3A_924, %bitcast3A : vector<16xf32>
        %add3A_926 = arith.addi %add3A_922, %and3A_13 : vector<16xi32>
        %gather3A_927 = tpu.vector_load_idx %arg8[%broadcast_in_dim3A_98, %add3A_926] : memref<128x128xf32, #tpu.memory_space<vmem>>[vector<16xi32>, vector<16xi32>], vector<16xf32>,
        %mul3A_928 = arith.mulf %gather3A_927, %bitcast3A_386 : vector<16xf32>
        %add3A_929 = arith.addf %mul3A_925, %mul3A_928 : vector<16xf32>
        %add3A_930 = arith.addi %add3A_922, %and3A_19 : vector<16xi32>
        %gather3A_931 = tpu.vector_load_idx %arg8[%broadcast_in_dim3A_98, %add3A_930] : memref<128x128xf32, #tpu.memory_space<vmem>>[vector<16xi32>, vector<16xi32>], vector<16xf32>,
        %mul3A_932 = arith.mulf %gather3A_931, %bitcast3A_389 : vector<16xf32>
        %add3A_933 = arith.addf %add3A_929, %mul3A_932 : vector<16xf32>
        %add3A_934 = arith.addi %add3A_922, %and3A_25 : vector<16xi32>
        %gather3A_935 = tpu.vector_load_idx %arg8[%broadcast_in_dim3A_98, %add3A_934] : memref<128x128xf32, #tpu.memory_space<vmem>>[vector<16xi32>, vector<16xi32>], vector<16xf32>,
        %mul3A_936 = arith.mulf %gather3A_935, %bitcast3A_392 : vector<16xf32>
        %add3A_937 = arith.addf %add3A_933, %mul3A_936 : vector<16xf32>
        %add3A_938 = arith.addi %add3A_922, %and3A_31 : vector<16xi32>
        %gather3A_939 = tpu.vector_load_idx %arg8[%broadcast_in_dim3A_98, %add3A_938] : memref<128x128xf32, #tpu.memory_space<vmem>>[vector<16xi32>, vector<16xi32>], vector<16xf32>,
        %mul3A_940 = arith.mulf %gather3A_939, %bitcast3A_395 : vector<16xf32>
        %add3A_941 = arith.addf %add3A_937, %mul3A_940 : vector<16xf32>
        %add3A_942 = arith.addi %add3A_922, %and3A_37 : vector<16xi32>
        %gather3A_943 = tpu.vector_load_idx %arg8[%broadcast_in_dim3A_98, %add3A_942] : memref<128x128xf32, #tpu.memory_space<vmem>>[vector<16xi32>, vector<16xi32>], vector<16xf32>,
        %mul3A_944 = arith.mulf %gather3A_943, %bitcast3A_398 : vector<16xf32>
        %add3A_945 = arith.addf %add3A_941, %mul3A_944 : vector<16xf32>
        %add3A_946 = arith.addi %add3A_922, %and3A_43 : vector<16xi32>
        %gather3A_947 = tpu.vector_load_idx %arg8[%broadcast_in_dim3A_98, %add3A_946] : memref<128x128xf32, #tpu.memory_space<vmem>>[vector<16xi32>, vector<16xi32>], vector<16xf32>,
        %mul3A_948 = arith.mulf %gather3A_947, %bitcast3A_401 : vector<16xf32>
        %add3A_949 = arith.addf %add3A_945, %mul3A_948 : vector<16xf32>
        %add3A_950 = arith.addi %add3A_922, %and3A_49 : vector<16xi32>
        %gather3A_951 = tpu.vector_load_idx %arg8[%broadcast_in_dim3A_98, %add3A_950] : memref<128x128xf32, #tpu.memory_space<vmem>>[vector<16xi32>, vector<16xi32>], vector<16xf32>,
        %mul3A_952 = arith.mulf %gather3A_951, %bitcast3A_404 : vector<16xf32>
        %add3A_953 = arith.addf %add3A_949, %mul3A_952 : vector<16xf32>
        %add3A_954 = arith.addi %add3A_922, %and3A_55 : vector<16xi32>
        %gather3A_955 = tpu.vector_load_idx %arg8[%broadcast_in_dim3A_98, %add3A_954] : memref<128x128xf32, #tpu.memory_space<vmem>>[vector<16xi32>, vector<16xi32>], vector<16xf32>,
        %mul3A_956 = arith.mulf %gather3A_955, %bitcast3A_407 : vector<16xf32>
        %add3A_957 = arith.addf %add3A_953, %mul3A_956 : vector<16xf32>
        %add3A_958 = arith.addi %add3A_922, %and3A_61 : vector<16xi32>
        %gather3A_959 = tpu.vector_load_idx %arg8[%broadcast_in_dim3A_98, %add3A_958] : memref<128x128xf32, #tpu.memory_space<vmem>>[vector<16xi32>, vector<16xi32>], vector<16xf32>,
        %mul3A_960 = arith.mulf %gather3A_959, %bitcast3A_410 : vector<16xf32>
        %add3A_961 = arith.addf %add3A_957, %mul3A_960 : vector<16xf32>
        %add3A_962 = arith.addi %add3A_922, %and3A_67 : vector<16xi32>
        %gather3A_963 = tpu.vector_load_idx %arg8[%broadcast_in_dim3A_98, %add3A_962] : memref<128x128xf32, #tpu.memory_space<vmem>>[vector<16xi32>, vector<16xi32>], vector<16xf32>,
        %mul3A_964 = arith.mulf %gather3A_963, %bitcast3A_413 : vector<16xf32>
        %add3A_965 = arith.addf %add3A_961, %mul3A_964 : vector<16xf32>
        %add3A_966 = arith.addi %add3A_922, %and3A_73 : vector<16xi32>
        %gather3A_967 = tpu.vector_load_idx %arg8[%broadcast_in_dim3A_98, %add3A_966] : memref<128x128xf32, #tpu.memory_space<vmem>>[vector<16xi32>, vector<16xi32>], vector<16xf32>,
        %mul3A_968 = arith.mulf %gather3A_967, %bitcast3A_416 : vector<16xf32>
        %add3A_969 = arith.addf %add3A_965, %mul3A_968 : vector<16xf32>
        %add3A_970 = arith.addi %add3A_922, %and3A_79 : vector<16xi32>
        %gather3A_971 = tpu.vector_load_idx %arg8[%broadcast_in_dim3A_98, %add3A_970] : memref<128x128xf32, #tpu.memory_space<vmem>>[vector<16xi32>, vector<16xi32>], vector<16xf32>,
        %mul3A_972 = arith.mulf %gather3A_971, %bitcast3A_419 : vector<16xf32>
        %add3A_973 = arith.addf %add3A_969, %mul3A_972 : vector<16xf32>
        %add3A_974 = arith.addi %add3A_922, %and3A_85 : vector<16xi32>
        %gather3A_975 = tpu.vector_load_idx %arg8[%broadcast_in_dim3A_98, %add3A_974] : memref<128x128xf32, #tpu.memory_space<vmem>>[vector<16xi32>, vector<16xi32>], vector<16xf32>,
        %mul3A_976 = arith.mulf %gather3A_975, %bitcast3A_422 : vector<16xf32>
        %add3A_977 = arith.addf %add3A_973, %mul3A_976 : vector<16xf32>
        %add3A_978 = arith.addi %add3A_922, %and3A_91 : vector<16xi32>
        %gather3A_979 = tpu.vector_load_idx %arg8[%broadcast_in_dim3A_98, %add3A_978] : memref<128x128xf32, #tpu.memory_space<vmem>>[vector<16xi32>, vector<16xi32>], vector<16xf32>,
        %mul3A_980 = arith.mulf %gather3A_979, %bitcast3A_425 : vector<16xf32>
        %add3A_981 = arith.addf %add3A_977, %mul3A_980 : vector<16xf32>
        %add3A_982 = arith.addi %add3A_922, %and3A_97 : vector<16xi32>
        %gather3A_983 = tpu.vector_load_idx %arg8[%broadcast_in_dim3A_98, %add3A_982] : memref<128x128xf32, #tpu.memory_space<vmem>>[vector<16xi32>, vector<16xi32>], vector<16xf32>,
        %mul3A_984 = arith.mulf %gather3A_983, %bitcast3A_428 : vector<16xf32>
        %add3A_985 = arith.addf %add3A_981, %mul3A_984 : vector<16xf32>
        %swap3A_986 = arith.constant 7 : i32
        %swap3A_987 = arith.index_cast %swap3A_986 : i32 to index
        %swap3A_988 = arith.index_cast %mul3A_380 : i32 to index
        %swap3A_989 = tpu.vector_load %arg10[%swap3A_987, %swap3A_988] {strides = array<i32>} : memref<8x128xf32, #tpu.memory_space<vmem>>, vector<16xf32>,
        tpu.vector_store %arg10[%swap3A_987, %swap3A_988], %add3A_985 {strides = array<i32>} : memref<8x128xf32, #tpu.memory_space<vmem>>, vector<16xf32>,
      }
      %scan3A_358 = arith.constant 8 : i32
      %add3A_359 = arith.addi %mul3A_2, %add3A_327 : i32
      %dma_start3A_360 = arith.constant 0 : i32
      %dma_start3A_361 = arith.constant 0 : i32
      %dma_start3A_362 = tpu.memref_slice %arg4[%add3A_359, %dma_start3A_360, %dma_start3A_361] : memref<2048x8x128xf32, #tpu.memory_space<hbm>> -> memref<1x8x128xf32, #tpu.memory_space<hbm>>
      %dma_start3A_363 = tpu.memref_squeeze %dma_start3A_362 : memref<1x8x128xf32, #tpu.memory_space<hbm>> -> memref<8x128xf32, #tpu.memory_space<hbm>>
      %dma_start3A_364 = arith.constant 0 : i32
      %dma_start3A_365 = arith.constant 0 : i32
      %dma_start3A_366 = tpu.memref_slice %arg4[%add3A_359, %dma_start3A_364, %dma_start3A_365] : memref<2048x8x128xf32, #tpu.memory_space<hbm>> -> memref<1x8x128xf32, #tpu.memory_space<hbm>>
      %dma_start3A_367 = tpu.memref_squeeze %dma_start3A_366 : memref<1x8x128xf32, #tpu.memory_space<hbm>> -> memref<8x128xf32, #tpu.memory_space<hbm>>
      tpu.enqueue_dma source(%arg10 : memref<8x128xf32, #tpu.memory_space<vmem>>) target(%dma_start3A_367 : memref<8x128xf32, #tpu.memory_space<hbm>>) target_semaphore(%arg16 : memref<!tpu.dma_semaphore, #tpu.memory_space<semaphore_mem>>)
      %lt3A_368 = arith.constant 31 : i32
      %lt3A_369 = arith.cmpi slt, %scan3A_254, %lt3A_368 : i32
      %convert_element_type3A_370 = arith.extui %lt3A_369 : i1 to i32
      %cond3A_371 = arith.constant 0 : i32
      %cond3A_372 = arith.cmpi ne, %convert_element_type3A_370, %cond3A_371 : i32
      scf.if %cond3A_372 {
        %add3A_378 = arith.constant 2 : i32
        %add3A_379 = arith.addi %add3A_327, %add3A_378 : i32
        %add3A_380 = arith.addi %mul3A_2, %add3A_379 : i32
        %dma_start3A_381 = arith.constant 0 : i32
        %dma_start3A_382 = tpu.memref_slice %arg3[%add3A_380, %dma_start3A_381] : memref<2048x2176xi32, #tpu.memory_space<hbm>> -> memref<1x2176xi32, #tpu.memory_space<hbm>>
        %dma_start3A_383 = arith.constant 0 : i32
        %dma_start3A_384 = tpu.memref_slice %arg3[%add3A_380, %dma_start3A_383] : memref<2048x2176xi32, #tpu.memory_space<hbm>> -> memref<1x2176xi32, #tpu.memory_space<hbm>>
        tpu.enqueue_dma source(%dma_start3A_384 : memref<1x2176xi32, #tpu.memory_space<hbm>>) target(%arg6 : memref<1x2176xi32, #tpu.memory_space<vmem>>) target_semaphore(%arg12 : memref<!tpu.dma_semaphore, #tpu.memory_space<semaphore_mem>>)
      } else {
      }
      %lt3A_373 = arith.constant 31 : i32
      %lt3A_374 = arith.cmpi slt, %scan3A_254, %lt3A_373 : i32
      %convert_element_type3A_375 = arith.extui %lt3A_374 : i1 to i32
      %cond3A_376 = arith.constant 0 : i32
      %cond3A_377 = arith.cmpi ne, %convert_element_type3A_375, %cond3A_376 : i32
      scf.if %cond3A_377 {
        %dma_wait3A_378 = arith.constant 0 : i32
        %dma_wait3A_379 = arith.constant 0 : i32
        %dma_wait3A_380 = tpu.memref_slice %arg3[%dma_wait3A_378, %dma_wait3A_379] : memref<2048x2176xi32, #tpu.memory_space<hbm>> -> memref<1x2176xi32, #tpu.memory_space<hbm>>
        %dma_wait3A_381 = arith.constant 0 : i32
        %dma_wait3A_382 = arith.constant 0 : i32
        %dma_wait3A_383 = tpu.memref_slice %arg3[%dma_wait3A_381, %dma_wait3A_382] : memref<2048x2176xi32, #tpu.memory_space<hbm>> -> memref<1x2176xi32, #tpu.memory_space<hbm>>
        tpu.wait_dma2 semaphore(%arg11 : memref<!tpu.dma_semaphore, #tpu.memory_space<semaphore_mem>>) src(%dma_wait3A_383 : memref<1x2176xi32, #tpu.memory_space<hbm>>) dst(%arg5 : memref<1x2176xi32, #tpu.memory_space<vmem>>)
        %dma_start3A_384 = arith.constant 0 : i32
        %dma_start3A_385 = arith.constant 0 : i32
        %dma_start3A_386 = arith.constant 0 : i32
        %dma_start3A_387 = tpu.memref_slice %arg7[%dma_start3A_385, %dma_start3A_386] : memref<128x128xf32, #tpu.memory_space<vmem>> -> memref<64x128xf32, #tpu.memory_space<vmem>>
        %dma_start3A_388 = arith.constant 0 : i32
        %dma_start3A_389 = tpu.memref_slice %arg5[%dma_start3A_384, %dma_start3A_388] : memref<1x2176xi32, #tpu.memory_space<vmem>> -> memref<1x64xi32, #tpu.memory_space<vmem>>
        %dma_start3A_390 = tpu.memref_squeeze %dma_start3A_389 : memref<1x64xi32, #tpu.memory_space<vmem>> -> memref<64xi32, #tpu.memory_space<vmem>>
        %dma_start3A_391 = arith.constant 0 : i32
        %dma_start3A_392 = arith.constant 0 : i32
        %dma_start3A_393 = tpu.memref_slice %arg2[%dma_start3A_391, %dma_start3A_392] : memref<261121x128xf32, #tpu.memory_space<hbm>> -> memref<261121x128xf32, #tpu.memory_space<hbm>>
        tpu.enqueue_indirect_dma source(%dma_start3A_393 : memref<261121x128xf32, #tpu.memory_space<hbm>>) target(%dma_start3A_387 : memref<64x128xf32, #tpu.memory_space<vmem>>) offsets(%dma_start3A_390 : memref<64xi32, #tpu.memory_space<vmem>>) semaphore(%arg13 : memref<!tpu.dma_semaphore, #tpu.memory_space<semaphore_mem>>)
        %dma_start3A_394 = arith.constant 0 : i32
        %dma_start3A_395 = arith.constant 64 : i32
        %dma_start3A_396 = arith.constant 0 : i32
        %dma_start3A_397 = tpu.memref_slice %arg7[%dma_start3A_395, %dma_start3A_396] : memref<128x128xf32, #tpu.memory_space<vmem>> -> memref<64x128xf32, #tpu.memory_space<vmem>>
        %dma_start3A_398 = arith.constant 64 : i32
        %dma_start3A_399 = tpu.memref_slice %arg5[%dma_start3A_394, %dma_start3A_398] : memref<1x2176xi32, #tpu.memory_space<vmem>> -> memref<1x64xi32, #tpu.memory_space<vmem>>
        %dma_start3A_400 = tpu.memref_squeeze %dma_start3A_399 : memref<1x64xi32, #tpu.memory_space<vmem>> -> memref<64xi32, #tpu.memory_space<vmem>>
        %dma_start3A_401 = arith.constant 0 : i32
        %dma_start3A_402 = arith.constant 0 : i32
        %dma_start3A_403 = tpu.memref_slice %arg2[%dma_start3A_401, %dma_start3A_402] : memref<261121x128xf32, #tpu.memory_space<hbm>> -> memref<261121x128xf32, #tpu.memory_space<hbm>>
        tpu.enqueue_indirect_dma source(%dma_start3A_403 : memref<261121x128xf32, #tpu.memory_space<hbm>>) target(%dma_start3A_397 : memref<64x128xf32, #tpu.memory_space<vmem>>) offsets(%dma_start3A_400 : memref<64xi32, #tpu.memory_space<vmem>>) semaphore(%arg13 : memref<!tpu.dma_semaphore, #tpu.memory_space<semaphore_mem>>)
      } else {
      }
    }
    %scan3A_235 = arith.constant 32 : i32
    %dma_wait3A_236 = arith.constant 0 : i32
    %dma_wait3A_237 = arith.constant 0 : i32
    %dma_wait3A_238 = arith.constant 0 : i32
    %dma_wait3A_239 = tpu.memref_slice %arg4[%dma_wait3A_236, %dma_wait3A_237, %dma_wait3A_238] : memref<2048x8x128xf32, #tpu.memory_space<hbm>> -> memref<1x8x128xf32, #tpu.memory_space<hbm>>
    %dma_wait3A_240 = tpu.memref_squeeze %dma_wait3A_239 : memref<1x8x128xf32, #tpu.memory_space<hbm>> -> memref<8x128xf32, #tpu.memory_space<hbm>>
    %dma_wait3A_241 = arith.constant 0 : i32
    %dma_wait3A_242 = arith.constant 0 : i32
    %dma_wait3A_243 = tpu.memref_slice %arg4[%dma_wait3A_236, %dma_wait3A_241, %dma_wait3A_242] : memref<2048x8x128xf32, #tpu.memory_space<hbm>> -> memref<1x8x128xf32, #tpu.memory_space<hbm>>
    %dma_wait3A_244 = tpu.memref_squeeze %dma_wait3A_243 : memref<1x8x128xf32, #tpu.memory_space<hbm>> -> memref<8x128xf32, #tpu.memory_space<hbm>>
    tpu.wait_dma2 semaphore(%arg15 : memref<!tpu.dma_semaphore, #tpu.memory_space<semaphore_mem>>) src(%arg9 : memref<8x128xf32, #tpu.memory_space<vmem>>) dst(%dma_wait3A_244 : memref<8x128xf32, #tpu.memory_space<hbm>>)
    %dma_wait3A_245 = arith.constant 0 : i32
    %dma_wait3A_246 = arith.constant 0 : i32
    %dma_wait3A_247 = arith.constant 0 : i32
    %dma_wait3A_248 = tpu.memref_slice %arg4[%dma_wait3A_245, %dma_wait3A_246, %dma_wait3A_247] : memref<2048x8x128xf32, #tpu.memory_space<hbm>> -> memref<1x8x128xf32, #tpu.memory_space<hbm>>
    %dma_wait3A_249 = tpu.memref_squeeze %dma_wait3A_248 : memref<1x8x128xf32, #tpu.memory_space<hbm>> -> memref<8x128xf32, #tpu.memory_space<hbm>>
    %dma_wait3A_250 = arith.constant 0 : i32
    %dma_wait3A_251 = arith.constant 0 : i32
    %dma_wait3A_252 = tpu.memref_slice %arg4[%dma_wait3A_245, %dma_wait3A_250, %dma_wait3A_251] : memref<2048x8x128xf32, #tpu.memory_space<hbm>> -> memref<1x8x128xf32, #tpu.memory_space<hbm>>
    %dma_wait3A_253 = tpu.memref_squeeze %dma_wait3A_252 : memref<1x8x128xf32, #tpu.memory_space<hbm>> -> memref<8x128xf32, #tpu.memory_space<hbm>>
    tpu.wait_dma2 semaphore(%arg16 : memref<!tpu.dma_semaphore, #tpu.memory_space<semaphore_mem>>) src(%arg10 : memref<8x128xf32, #tpu.memory_space<vmem>>) dst(%dma_wait3A_253 : memref<8x128xf32, #tpu.memory_space<hbm>>)
    return
  }
}

module attributes {stable_mosaic.version = 14 : i64} {
  func.func @_prep_body(%arg0: memref<4xf32, #tpu.memory_space<smem>>, %arg1: memref<2048x128xf32, #tpu.memory_space<vmem>>, %arg2: memref<2048x128xf32, #tpu.memory_space<vmem>>, %arg3: memref<2048x2176xi32, #tpu.memory_space<vmem>>) attributes {dimension_semantics = [], scalar_prefetch = 0 : i64, scratch_operands = 0 : i64, tpu.core_type = #tpu.core_type<tc>} {
    %get3A = arith.constant 0 : index
    %get3A_0 = arith.constant 0 : index
    %get3A_1 = vector.load %arg1[%get3A, %get3A_0] : memref<2048x128xf32, #tpu.memory_space<vmem>>, vector<2048x128xf32>
    %get3A_2 = arith.constant 0 : index
    %get3A_3 = arith.constant 0 : index
    %get3A_4 = vector.load %arg2[%get3A_2, %get3A_3] : memref<2048x128xf32, #tpu.memory_space<vmem>>, vector<2048x128xf32>
    %get3A_5 = arith.constant 0 : index
    %get3A_6 = memref.load %arg0[%get3A_5] : memref<4xf32, #tpu.memory_space<smem>>
    %get3A_7 = arith.constant 1 : index
    %get3A_8 = memref.load %arg0[%get3A_7] : memref<4xf32, #tpu.memory_space<smem>>
    %get3A_9 = arith.constant 2 : index
    %get3A_10 = memref.load %arg0[%get3A_9] : memref<4xf32, #tpu.memory_space<smem>>
    %get3A_11 = arith.constant 3 : index
    %get3A_12 = memref.load %arg0[%get3A_11] : memref<4xf32, #tpu.memory_space<smem>>
    %sub3A = vector.broadcast %get3A_6 : f32 to vector<2048x128xf32>
    %sub3A_13 = arith.subf %get3A_1, %sub3A : vector<2048x128xf32>
    %div3A = vector.broadcast %get3A_8 : f32 to vector<2048x128xf32>
    %div3A_14 = arith.divf %sub3A_13, %div3A : vector<2048x128xf32>
    %log3A = math.log %get3A_4 : vector<2048x128xf32>
    %sub3A_15 = vector.broadcast %get3A_10 : f32 to vector<2048x128xf32>
    %sub3A_16 = arith.subf %log3A, %sub3A_15 : vector<2048x128xf32>
    %div3A_17 = vector.broadcast %get3A_12 : f32 to vector<2048x128xf32>
    %div3A_18 = arith.divf %sub3A_16, %div3A_17 : vector<2048x128xf32>
    %floor3A = math.floor %div3A_14 : vector<2048x128xf32>
    %convert_element_type3A = arith.fptosi %floor3A : vector<2048x128xf32> to vector<2048x128xi32>
    %jit3A = arith.constant 0 : i32
    %jit3A_19 = arith.constant 510 : i32
    %max3A = vector.broadcast %jit3A : i32 to vector<2048x128xi32>
    %max3A_20 = arith.maxsi %max3A, %convert_element_type3A : vector<2048x128xi32>
    %min3A = vector.broadcast %jit3A_19 : i32 to vector<2048x128xi32>
    %min3A_21 = arith.minsi %min3A, %max3A_20 : vector<2048x128xi32>
    %floor3A_22 = math.floor %div3A_18 : vector<2048x128xf32>
    %convert_element_type3A_23 = arith.fptosi %floor3A_22 : vector<2048x128xf32> to vector<2048x128xi32>
    %jit3A_24 = arith.constant 0 : i32
    %jit3A_25 = arith.constant 510 : i32
    %max3A_26 = vector.broadcast %jit3A_24 : i32 to vector<2048x128xi32>
    %max3A_27 = arith.maxsi %max3A_26, %convert_element_type3A_23 : vector<2048x128xi32>
    %min3A_28 = vector.broadcast %jit3A_25 : i32 to vector<2048x128xi32>
    %min3A_29 = arith.minsi %min3A_28, %max3A_27 : vector<2048x128xi32>
    %mul3A = arith.constant 511 : i32
    %mul3A_30 = vector.broadcast %mul3A : i32 to vector<2048x128xi32>
    %mul3A_31 = arith.muli %min3A_21, %mul3A_30 : vector<2048x128xi32>
    %add3A = arith.addi %mul3A_31, %min3A_29 : vector<2048x128xi32>
    %convert_element_type3A_32 = arith.sitofp %min3A_21 : vector<2048x128xi32> to vector<2048x128xf32>
    %sub3A_33 = arith.subf %div3A_14, %convert_element_type3A_32 : vector<2048x128xf32>
    %convert_element_type3A_34 = arith.sitofp %min3A_29 : vector<2048x128xi32> to vector<2048x128xf32>
    %sub3A_35 = arith.subf %div3A_18, %convert_element_type3A_34 : vector<2048x128xf32>
    %broadcast_in_dim3A = arith.constant 1.000000e+00 : f32
    %broadcast_in_dim3A_36 = vector.broadcast %broadcast_in_dim3A : f32 to vector<2048x128xf32>
    %mul3A_37 = arith.mulf %sub3A_33, %sub3A_33 : vector<2048x128xf32>
    %mul3A_38 = arith.mulf %sub3A_33, %sub3A_33 : vector<2048x128xf32>
    %mul3A_39 = arith.mulf %mul3A_38, %sub3A_33 : vector<2048x128xf32>
    %mul3A_40 = arith.mulf %sub3A_35, %sub3A_35 : vector<2048x128xf32>
    %mul3A_41 = arith.mulf %sub3A_35, %sub3A_35 : vector<2048x128xf32>
    %mul3A_42 = arith.mulf %mul3A_41, %sub3A_35 : vector<2048x128xf32>
    %mul3A_43 = arith.mulf %sub3A_35, %sub3A_33 : vector<2048x128xf32>
    %mul3A_44 = arith.mulf %sub3A_35, %mul3A_37 : vector<2048x128xf32>
    %mul3A_45 = arith.mulf %sub3A_35, %mul3A_39 : vector<2048x128xf32>
    %mul3A_46 = arith.mulf %mul3A_40, %sub3A_33 : vector<2048x128xf32>
    %mul3A_47 = arith.mulf %mul3A_40, %mul3A_37 : vector<2048x128xf32>
    %mul3A_48 = arith.mulf %mul3A_40, %mul3A_39 : vector<2048x128xf32>
    %mul3A_49 = arith.mulf %mul3A_42, %sub3A_33 : vector<2048x128xf32>
    %mul3A_50 = arith.mulf %mul3A_42, %mul3A_37 : vector<2048x128xf32>
    %mul3A_51 = arith.mulf %mul3A_42, %mul3A_39 : vector<2048x128xf32>
    %bitcast_convert_type3A = tpu.bitcast %broadcast_in_dim3A_36 : vector<2048x128xf32> -> vector<2048x128xi32>
    %bitcast_convert_type3A_52 = tpu.bitcast %sub3A_33 : vector<2048x128xf32> -> vector<2048x128xi32>
    %bitcast_convert_type3A_53 = tpu.bitcast %mul3A_37 : vector<2048x128xf32> -> vector<2048x128xi32>
    %bitcast_convert_type3A_54 = tpu.bitcast %mul3A_39 : vector<2048x128xf32> -> vector<2048x128xi32>
    %bitcast_convert_type3A_55 = tpu.bitcast %sub3A_35 : vector<2048x128xf32> -> vector<2048x128xi32>
    %bitcast_convert_type3A_56 = tpu.bitcast %mul3A_43 : vector<2048x128xf32> -> vector<2048x128xi32>
    %bitcast_convert_type3A_57 = tpu.bitcast %mul3A_44 : vector<2048x128xf32> -> vector<2048x128xi32>
    %bitcast_convert_type3A_58 = tpu.bitcast %mul3A_45 : vector<2048x128xf32> -> vector<2048x128xi32>
    %bitcast_convert_type3A_59 = tpu.bitcast %mul3A_40 : vector<2048x128xf32> -> vector<2048x128xi32>
    %bitcast_convert_type3A_60 = tpu.bitcast %mul3A_46 : vector<2048x128xf32> -> vector<2048x128xi32>
    %bitcast_convert_type3A_61 = tpu.bitcast %mul3A_47 : vector<2048x128xf32> -> vector<2048x128xi32>
    %bitcast_convert_type3A_62 = tpu.bitcast %mul3A_48 : vector<2048x128xf32> -> vector<2048x128xi32>
    %bitcast_convert_type3A_63 = tpu.bitcast %mul3A_42 : vector<2048x128xf32> -> vector<2048x128xi32>
    %bitcast_convert_type3A_64 = tpu.bitcast %mul3A_49 : vector<2048x128xf32> -> vector<2048x128xi32>
    %bitcast_convert_type3A_65 = tpu.bitcast %mul3A_50 : vector<2048x128xf32> -> vector<2048x128xi32>
    %bitcast_convert_type3A_66 = tpu.bitcast %mul3A_51 : vector<2048x128xf32> -> vector<2048x128xi32>
    %concatenate3A = tpu.concatenate %add3A, %bitcast_convert_type3A, %bitcast_convert_type3A_52, %bitcast_convert_type3A_53, %bitcast_convert_type3A_54, %bitcast_convert_type3A_55, %bitcast_convert_type3A_56, %bitcast_convert_type3A_57, %bitcast_convert_type3A_58, %bitcast_convert_type3A_59, %bitcast_convert_type3A_60, %bitcast_convert_type3A_61, %bitcast_convert_type3A_62, %bitcast_convert_type3A_63, %bitcast_convert_type3A_64, %bitcast_convert_type3A_65, %bitcast_convert_type3A_66 in 1 : vector<2048x128xi32>, vector<2048x128xi32>, vector<2048x128xi32>, vector<2048x128xi32>, vector<2048x128xi32>, vector<2048x128xi32>, vector<2048x128xi32>, vector<2048x128xi32>, vector<2048x128xi32>, vector<2048x128xi32>, vector<2048x128xi32>, vector<2048x128xi32>, vector<2048x128xi32>, vector<2048x128xi32>, vector<2048x128xi32>, vector<2048x128xi32>, vector<2048x128xi32> -> vector<2048x2176xi32>
    %swap3A = arith.constant 0 : index
    %swap3A_67 = arith.constant 0 : index
    %swap3A_68 = vector.load %arg3[%swap3A, %swap3A_67] : memref<2048x2176xi32, #tpu.memory_space<vmem>>, vector<2048x2176xi32>
    tpu.vector_store %arg3[%swap3A, %swap3A_67], %concatenate3A {strides = array<i32>} : memref<2048x2176xi32, #tpu.memory_space<vmem>>, vector<2048x2176xi32>,
    return
  }
}

</mosaic_0001>

<sc_bundles>
// kernel: kernel.4.cloned.1.call-start
scs
__scs_entry_jumppad:
0x0: {  	(pc) =	sbr.rel $0x88, $3  }
0x1: {  	(tag) =	ssettag $0x0;
	lr =	simm.s32 $0x1  }
0x2: {  	[smem:$0x3F9C] =	sst lr;
	_ =	strace $0xD0000000  }
0x3: {  	_ = 	snop  }
0x4: {  	_ = 	snop  }
0x5: {  	_ = 	snop  }
0x6: {  	_ = 	snop  }
0x7: {  	_ = 	snop  }
__scs_overlays_trampoline_lowered:
0x8: {  	[smem:$0x3FAB] =	sst s0  }
0x9: {  	[smem:$0x3FAC] =	sst s1  }
0xa: {  	[smem:$0x3FAD] =	sst s2  }
0xb: {  	[smem:$0x3FAE] =	sst s3  }
0xc: {  	[smem:$0x3FAF] =	sst s4  }
0xd: {  	[smem:$0x3FB0] =	sst s5  }
0xe: {  	[smem:$0x3FB1] =	sst s6  }
0xf: {  	[smem:$0x3FB2] =	sst s7  }
0x10: {  	[smem:$0x3FB3] =	sst s8  }
0x11: {  	[smem:$0x3FB4] =	sst s9;
	s0 =	simm.s32 @!p0 $0x0  }
0x12: {  	s1 =	sld [smem:$0x3F9A];
	s0 =	simm.s32 @p0 $0x1  }
0x13: {  	[smem:$0x3FB5] =	sst s0;
	s0 =	simm.s32 @!p1 $0x0  }
0x14: {  	s2 =	sld [smem:$0x3F99];
	s0 =	simm.s32 @p1 $0x1  }
0x15: {  	[smem:$0x3FB6] =	sst s0;
	s0 =	simm.s32 @!p2 $0x0  }
0x16: {  	s3 =	sld [smem:$0x3FDB];
	s0 =	simm.s32 @p2 $0x1  }
0x17: {  	s4 =	simm.s32 $0x1BF5;
	[smem:$0x3FB8] =	sst s0  }
0x18: {  	s0 =	sld [smem:$0x3F9B];
	_ =	swait.ge [sflag:s4], $0x0  }
0x19: {  	s7 =	sld [smem:$0x3F9C]  }
0x1a: {  	s8 =	sadd.s32 $0xFFFFE003, lr  }
0x1b: {  	s9 =	sadd.s32 $0xFFFFFEF7, lr;
	s5 =	simm.s32 $0xFFFFFFFF;
	p2 =	slt.u32 s8, $0xFFFFF086  }
0x1c: {  	p1 =	slt.u32 s9, $0xF7A;
	s5 =	simm.s32 @!p2 $0x0  }
0x1d: {  	s5 =	simm.s32 @p1 $0x1;
	p0 =	seq.s32 s7, s2  }
0x1e: {  	s7 =	smul.u32 @!p0 $0xF7A, s2;
	p2 =	seq.s32 @!p0 s5, $0x0  }
0x1f: {  	s9 =	smul.u32 $0xF7A, s1;
	s8 =	simm.s32 @!p0 $0x1BF5;
	p2 =	por !p2, p0  }
0x20: {  	[sflag:s8] =	ssyncset.s32 @!p0 $0xFFFFF086;
	s6 =	sadd.s32 @!p0 s3, s7;
	s7 =	simm.s32 @!p0 $0x108  }
0x21: {  	s3 =	sadd.s32 s3, s9;
	s6 =	sadd.s32 @!p0 $0x88, s6;
	s7 =	simm.s32 @p2 $0x1082  }
0x22: {  	[simem:s7], [sflag:s8] =	dma.local @!p0 [hbm:s6], $0xF7A  }
0x23: {  	s9 =	sor.u32 $0xD0000000, s2;
	s6 =	simm.s32 $0x108;
	_ =	swait.ge @!p0 [sflag:s8], $0x0  }
0x24: {  	s3 =	sadd.s32 $0x88, s3;
	s6 =	simm.s32 @!p1 $0x1082;
	[sflag:s4] =	ssyncset.s32 $0xFFFFF086  }
0x25: {  	[simem:s6], [sflag:s4] =	dma.local [hbm:s3], $0xF7A  }
0x26: {  	[smem:$0x3F9C] =	sst s1;
	(tag) =	ssettag s2;
	_ =	strace s9  }
0x27: {  	s1 =	sld [smem:$0x3FAC]  }
0x28: {  	s2 =	sld [smem:$0x3FAD]  }
0x29: {  	s4 =	sld [smem:$0x3FAF]  }
0x2a: {  	p0 =	seq.s32 s5, $0x0;
	s5 =	sld [smem:$0x3FB0]  }
0x2b: {  	s6 =	sld [smem:$0x3FB1]  }
0x2c: {  	s7 =	sld [smem:$0x3FB2]  }
0x2d: {  	s3 =	simm.s32 $0x108;
	s8 =	sld [smem:$0x3FB3]  }
0x2e: {  	s3 =	simm.s32 @!p0 $0x1082;
	s9 =	sld [smem:$0x3FB4]  }
0x2f: {  	lr =	sadd.s32 s0, s3;
	s0 =	sld [smem:$0x3FAB]  }
0x30: {  	s3 =	sld [smem:$0x3FAE]  }
0x31: {  	[smem:$0x3FB7] =	sst s10  }
0x32: {  	s10 =	sld [smem:$0x3FB5];
	_ =	sdelay $0x3  }
0x33: {  	p0 =	seq.s32 s10, $0x1;
	s10 =	sld [smem:$0x3FB7];
	_ =	sdelay $0x3  }
0x34: {  	[smem:$0x3FB7] =	sst s10  }
0x35: {  	s10 =	sld [smem:$0x3FB6];
	_ =	sdelay $0x3  }
0x36: {  	p1 =	seq.s32 s10, $0x1;
	s10 =	sld [smem:$0x3FB7];
	_ =	sdelay $0x3  }
0x37: {  	[smem:$0x3FB7] =	sst s10  }
0x38: {  	s10 =	sld [smem:$0x3FB8]  }
0x39: {  	_ = 	snop;
	(pc) =	sbr.ind lr, $3  }
0x3a: {  	_ = 	snop  }
0x3b: {  	_ = 	snop  }
0x3c: {  	p2 =	seq.s32 s10, $0x1;
	s10 =	sld [smem:$0x3FB7]  }
0x3d: {  	_ =	shalt  }
0x3e: {  	_ =	shalt  }
0x3f: {  	_ =	shalt  }
0x40: {  	_ =	shalt  }
0x41: {  	_ =	shalt  }
0x42: {  	_ =	shalt  }
0x43: {  	_ =	shalt  }
0x44: {  	_ =	shalt  }
0x45: {  	_ =	shalt  }
0x46: {  	_ =	shalt  }
0x47: {  	_ =	shalt  }
0x48: {  	_ =	shalt  }
0x49: {  	_ =	shalt  }
0x4a: {  	_ =	shalt  }
0x4b: {  	_ =	shalt  }
0x4c: {  	_ =	shalt  }
0x4d: {  	_ =	shalt  }
0x4e: {  	_ =	shalt  }
0x4f: {  	_ =	shalt  }
0x50: {  	_ =	shalt  }
0x51: {  	_ =	shalt  }
0x52: {  	_ =	shalt  }
0x53: {  	_ =	shalt  }
0x54: {  	_ =	shalt  }
0x55: {  	_ =	shalt  }
0x56: {  	_ =	shalt  }
0x57: {  	_ =	shalt  }
0x58: {  	_ =	shalt  }
0x59: {  	_ =	shalt  }
0x5a: {  	_ =	shalt  }
0x5b: {  	_ =	shalt  }
0x5c: {  	_ =	shalt  }
0x5d: {  	_ =	shalt  }
0x5e: {  	_ =	shalt  }
0x5f: {  	_ =	shalt  }
0x60: {  	_ =	shalt  }
0x61: {  	_ =	shalt  }
0x62: {  	_ =	shalt  }
0x63: {  	_ =	shalt  }
0x64: {  	_ =	shalt  }
0x65: {  	_ =	shalt  }
0x66: {  	_ =	shalt  }
0x67: {  	_ =	shalt  }
0x68: {  	_ =	shalt  }
0x69: {  	_ =	shalt  }
0x6a: {  	_ =	shalt  }
0x6b: {  	_ =	shalt  }
0x6c: {  	_ =	shalt  }
0x6d: {  	_ =	shalt  }
0x6e: {  	_ =	shalt  }
0x6f: {  	_ =	shalt  }
0x70: {  	_ =	shalt  }
0x71: {  	_ =	shalt  }
0x72: {  	_ =	shalt  }
0x73: {  	_ =	shalt  }
0x74: {  	_ =	shalt  }
0x75: {  	_ =	shalt  }
0x76: {  	_ =	shalt  }
0x77: {  	_ =	shalt  }
0x78: {  	_ =	shalt  }
0x79: {  	_ =	shalt  }
0x7a: {  	_ =	shalt  }
0x7b: {  	_ =	shalt  }
0x7c: {  	_ =	shalt  }
0x7d: {  	_ =	shalt  }
0x7e: {  	_ =	shalt  }
0x7f: {  	_ =	shalt  }
0x80: {  	_ =	shalt  }
0x81: {  	_ =	shalt  }
0x82: {  	_ =	shalt  }
0x83: {  	_ =	shalt  }
0x84: {  	_ =	shalt  }
0x85: {  	_ =	shalt  }
0x86: {  	_ =	shalt  }
0x87: {  	_ =	shalt  }
.Lfunc_end0:
.L_simem_size_0:
called_computation.2_lowered:
.L_overlay_start_0:
0x88: {  	s2 =	sld [smem:$0x3FD9]  }
0x89: {  	s3 =	sld [smem:$0x3FFE];
	_ =	sdelay $0x1  }
0x8a: {  	s1 =	srdreg.scid  }
0x8b: {  	s0 =	sand.u32 $0x1, s1  }
0x8c: {  	s17 =	sshll.u32 s0, $0xA;
	s2 =	sadd.s32 s3, s2  }
0x8d: {  	s2 =	sadd.s32 s2, s17  }
0x8e: {  	[smem:$0x3FC3] =	sst s2  }
0x8f: {  	_ = 	snop  }
0x90: {  	s2 =	sld [smem:$0x3FD0];
	(tm) =	ssettm $0x1  }
0x91: {  	s18 =	sld [smem:$0x3FFB];
	_ =	sdelay $0x3  }
0x92: {  	_ =	strace s18  }
0x93: {  	s3 =	sld [smem:$0x3FFC];
	_ =	sdelay $0x3  }
0x94: {  	_ =	strace s3  }
0x95: {  	s3 =	sld [smem:$0x3FFD];
	_ =	sdelay $0x3  }
0x96: {  	_ =	strace s3  }
0x97: {  	_ =	strace $0x8FFFFFFF  }
0x98: {  	s19 =	sld [smem:$0x3FDB];
	_ =	sdelay $0x1  }
0x99: {  	s4 =	simm.s32 $_scs_section_size  }
0x9a: {  	s5 =	simm.s32 $_size__tile_overlayer_lowered;
	s6 =	simm.s32 $_tile_overlayer_lowered  }
0x9b: {  	s22 =	simm.s32 $0x1BFF;
	s21 =	sshll.u32 s6, $0x1;
	s3 =	sadd.s32 s4, s19  }
0x9c: {  	s7 =	simm.s32 $0x0;
	s20 =	sshll.u32 s5, $0x1;
	s5 =	sadd.s32 s21, s3  }
0x9d: {  	[timem:s7], [sflag:s22] =	dma.local [hbm:s5], s20  }
0x9e: {  	_ =	swait.ge [sflag:s22], s20  }
0x9f: {  	s4 =	ssub.s32 $0x0, s20;
	[sflag:s22] =	ssyncset.done $0x0  }
0xa0: {  	[sflag:s22] =	ssyncadd.s32 s4;
	_ =	sdelay $0x1  }
0xa1: {  	s23 =	simm.s32 $0x1B8B  }
0xa2: {  	_ =	swait.ge [sflag:s23], $0x1  }
0xa3: {  	[sflag:s23] =	ssyncset.done $0x0  }
0xa4: {  	s25 =	simm.s32 $0x1B8E;
	s24 =	sld [smem:$0x3FFE];
	[sflag:s23] =	ssyncadd.s32 $0xFFFFFFFF  }
0xa5: {  	s26 =	simm.s32 $execute0_lowered;
	[smem:$0x3FD2] =	sst s25  }
0xa6: {  	s5 =	sshll.u32 s26, $0x1;
	_ =	strace $0x8000004C;
	[dreg:$0x1] =	wrdreg $0xFFFFFFFF  }
0xa7: {  	s28 =	simm.s32 $_size_execute0_lowered;
	s3 =	sadd.s32 s3, s5;
	[dreg:$0x0] =	wrdreg $0x0  }
0xa8: {  	s5 =	sshll.u32 s28, $0x1;
	[dreg:$0x2] =	wrdreg s3  }
0xa9: {  	[dreg:$0x3] =	wrdreg s5  }
0xaa: {  	[dreg:$0x4] =	wrdreg $0xC0  }
0xab: {  	_ =	task [dreg:s7], $0x5FFFF  }
0xac: {  	[dreg:$0x1] =	wrdreg $0xFFFFFFFF  }
0xad: {  	[dreg:$0x0] =	wrdreg $0x60  }
0xae: {  	[dreg:$0x2] =	wrdreg s24  }
0xaf: {  	[dreg:$0x3] =	wrdreg s2  }
0xb0: {  	[dreg:$0x4] =	wrdreg $0x9  }
0xb1: {  	_ =	task.clear_ibuf [dreg:s7], $0x5FFFF;
	_ =	strace $0x9000004C  }
0xb2: {  	s29 =	simm.s32 $0x9;
	_ =	strace $0x8000004E  }
0xb3: {  	_ =	swait.ge [sflag:s29], $0x1  }
0xb4: {  	[sflag:s29] =	ssyncadd.s32 $0xFFFFFFFF  }
0xb5: {  	_ =	strace $0x9000004E  }
0xb6: {  	_ =	sfence  }
0xb7: {  	s30 =	sld [smem:$0x0];
	_ =	sdelay $0x2  }
0xb8: {  	s31 =	sshll.u32 s1, $0xD;
	s1 =	sshrl.u32 s1, $0x2  }
0xb9: {  	s3 =	sand.u32 $0x4000, s31;
	s1 =	sadd.s32 s1, s30  }
0xba: {  	s0 =	sor.u32 s3, s0;
	s1 =	sshll.u32 s1, $0x11  }
0xbb: {  	s0 =	sor.u32 s1, s0  }
0xbc: {  	s0 =	sadd.s32 $0x8F2B, s0  }
0xbd: {  	[sflag:s0] =	ssyncadd.remote.s32 $0x1  }
0xbe: {  	_ =	sfence.sel $0xFFFF  }
0xbf: {  	[dreg:$0x0] =	wrdreg $0xFFFFFFFF;
	(pc) =	sbr.abs _section_cstart, $3  }
0xc0: {  	[dreg:$0x1] =	wrdreg $0xFFFFFFFF  }
0xc1: {  	_ =	task.clear_ibuf [dreg:s7], $0x2FFFF;
	_ =	strace $0x9FFFFFFF  }
0xc2: {  	(tm) =	ssettm $0x7FFFFFFF  }
0xc3: {  	_ =	shalt  }
tec
execute0_lowered:
.L_overlay_start_1:
0x0: {  	(tag) =	ssettag $0x1  }
0x1: {  	v0 =	vimm.s32 $0x8F;
	vm8 =	vcmask $0x300  }
0x2: {  	vm7 =	vcmask $0x704;
	vm6 =	vcmask $0xB08;
	vm3 =	vcmask $0xF0C  }
0x3: {  	v62 =	vlaneseq.u32;
	vm4 =	vcmask $0x1310;
	vm5 =	vcmask $0x1714  }
0x4: {  	vm0 =	vcmask $0x1B18;
	v2 =	vimm.s32 $0x10F;
	vm1 =	vcmask $0x1F1C  }
0x5: {  	vm2 =	vcmask $0x2320;
	vm9 =	vcmask $0x2724;
	vm10 =	vcmask $0x2B28  }
0x6: {  	vm11 =	vcmask $0x2F2C;
	vm12 =	vcmask $0x3330;
	vm13 =	vcmask $0x3734  }
0x7: {  	vm14 =	vcmask $0x3B38;
	v3 =	vimm.s32 $0xFEDCBA9;
	v4 =	vimm.s32 $0x87654321  }
0x8: {  	v5 =	vimm.s32 $0x210FEDCB;
	v6 =	vimm.s32 $0xA9876543;
	v57 =	vimm.s32 $0x3210FEDC  }
0x9: {  	v7 =	vimm.s32 $0xBA987654;
	v8 =	vimm.s32 $0x43210FED;
	v9 =	vimm.s32 $0xCBA98765  }
0xa: {  	v34 =	vimm.s32 $0x543210FE;
	v13 =	vimm.s32 $0xDCBA9876;
	v14 =	vimm.s32 $0x6543210F  }
0xb: {  	v15 =	vimm.s32 $0xFEDCBA98;
	v16 =	vimm.s32 $0xEDCBA987;
	v17 =	vimm.s32 $0x76543210  }
0xc: {  	v0 =	vsel vm8, $0x100, v0;
	v1 =	vmul.u32 $0x81, v62;
	v2 =	vsel vm8, $0x180, v2  }
0xd: {  	v3 =	vunpack.c.l.s4.s8 v3;
	v4 =	vunpack.c.l.s4.s8 v4;
	v5 =	vunpack.c.l.s4.s8 v5  }
0xe: {  	v7 =	vunpack.c.l.s4.s8 v7;
	v8 =	vunpack.c.l.s4.s8 v8;
	v9 =	vunpack.c.l.s4.s8 v9  }
0xf: {  	v13 =	vunpack.c.l.s4.s8 v13;
	v15 =	vunpack.c.l.s4.s8 v15;
	v14 =	vunpack.c.l.s4.s8 v14  }
0x10: {  	v16 =	vunpack.c.l.s4.s8 v16;
	v17 =	vunpack.c.l.s4.s8 v17;
	v0 =	vsel vm7, $0x181, v0  }
0x11: {  	v2 =	vsel vm7, $0x201, v2;
	v0 =	vsel vm6, $0x202, v0;
	v63 =	vadd.s32 $0x80, v1  }
0x12: {  	v1 =	vsel vm6, $0x282, v2;
	v2 =	vimm.s32 $0x18F;
	v3 =	vunpack.c.0.s8.s32 v3  }
0x13: {  	v4 =	vunpack.c.0.s8.s32 v4;
	v5 =	vunpack.c.0.s8.s32 v5;
	v7 =	vunpack.c.0.s8.s32 v7  }
0x14: {  	v8 =	vunpack.c.0.s8.s32 v8;
	v9 =	vunpack.c.0.s8.s32 v9;
	v13 =	vunpack.c.0.s8.s32 v13  }
0x15: {  	v15 =	vunpack.c.0.s8.s32 v15;
	v14 =	vunpack.c.0.s8.s32 v14;
	v0 =	vsel vm3, $0x283, v0  }
0x16: {  	v1 =	vsel vm3, $0x303, v1;
	v2 =	vsel vm8, $0x200, v2;
	v0 =	vsel vm4, $0x304, v0  }
0x17: {  	v1 =	vsel vm4, $0x384, v1;
	v2 =	vsel vm7, $0x281, v2;
	v0 =	vsel vm5, $0x385, v0  }
0x18: {  	v1 =	vsel vm5, $0x405, v1;
	v2 =	vsel vm6, $0x302, v2;
	v0 =	vsel vm0, $0x406, v0  }
0x19: {  	v1 =	vsel vm0, $0x486, v1;
	v2 =	vsel vm3, $0x383, v2;
	v0 =	vsel vm1, $0x487, v0  }
0x1a: {  	v1 =	vsel vm1, $0x507, v1;
	v2 =	vsel vm4, $0x404, v2;
	v0 =	vsel vm2, $0x508, v0  }
0x1b: {  	v1 =	vsel vm2, $0x588, v1;
	v2 =	vsel vm5, $0x485, v2;
	v0 =	vsel vm9, $0x589, v0  }
0x1c: {  	v1 =	vsel vm9, $0x609, v1;
	v2 =	vsel vm0, $0x506, v2;
	v0 =	vsel vm10, $0x60A, v0  }
0x1d: {  	v1 =	vsel vm10, $0x68A, v1;
	v2 =	vsel vm1, $0x587, v2;
	v0 =	vsel vm11, $0x68B, v0  }
0x1e: {  	v1 =	vsel vm11, $0x70B, v1;
	v2 =	vsel vm2, $0x608, v2;
	v0 =	vsel vm12, $0x70C, v0  }
0x1f: {  	v1 =	vsel vm12, $0x78C, v1;
	v2 =	vsel vm9, $0x689, v2;
	v0 =	vsel vm13, $0x78D, v0  }
0x20: {  	v1 =	vsel vm13, $0x80D, v1;
	v32 =	vsel vm14, $0x80E, v0;
	v0 =	vsel vm10, $0x70A, v2  }
0x21: {  	v33 =	vsel vm14, $0x8E, v1;
	v1 =	vimm.s32 $0x20F;
	v0 =	vsel vm11, $0x78B, v0  }
0x22: {  	v2 =	vimm.s32 $0x28F;
	v1 =	vsel vm8, $0x280, v1;
	v0 =	vsel vm12, $0x80C, v0  }
0x23: {  	v2 =	vsel vm8, $0x300, v2;
	v1 =	vsel vm7, $0x301, v1;
	v0 =	vsel vm13, $0x8D, v0  }
0x24: {  	v2 =	vsel vm7, $0x381, v2;
	v59 =	vsel vm14, $0x10E, v0;
	v0 =	vsel vm6, $0x382, v1  }
0x25: {  	v1 =	vsel vm6, $0x402, v2;
	v2 =	vimm.s32 $0x30F;
	v0 =	vsel vm3, $0x403, v0  }
0x26: {  	v1 =	vsel vm3, $0x483, v1;
	v2 =	vsel vm8, $0x380, v2;
	v0 =	vsel vm4, $0x484, v0  }
0x27: {  	v1 =	vsel vm4, $0x504, v1;
	v2 =	vsel vm7, $0x401, v2;
	v0 =	vsel vm5, $0x505, v0  }
0x28: {  	v1 =	vsel vm5, $0x585, v1;
	v2 =	vsel vm6, $0x482, v2;
	v0 =	vsel vm0, $0x586, v0  }
0x29: {  	v1 =	vsel vm0, $0x606, v1;
	v2 =	vsel vm3, $0x503, v2;
	v0 =	vsel vm1, $0x607, v0  }
0x2a: {  	v1 =	vsel vm1, $0x687, v1;
	v2 =	vsel vm4, $0x584, v2;
	v0 =	vsel vm2, $0x688, v0  }
0x2b: {  	v1 =	vsel vm2, $0x708, v1;
	v2 =	vsel vm5, $0x605, v2;
	v0 =	vsel vm9, $0x709, v0  }
0x2c: {  	v1 =	vsel vm9, $0x789, v1;
	v2 =	vsel vm0, $0x686, v2;
	v0 =	vsel vm10, $0x78A, v0  }
0x2d: {  	v1 =	vsel vm10, $0x80A, v1;
	v2 =	vsel vm1, $0x707, v2;
	v0 =	vsel vm11, $0x80B, v0  }
0x2e: {  	v1 =	vsel vm11, $0x8B, v1;
	v2 =	vsel vm2, $0x788, v2;
	v0 =	vsel vm12, $0x8C, v0  }
0x2f: {  	v1 =	vsel vm12, $0x10C, v1;
	v2 =	vsel vm9, $0x809, v2;
	v0 =	vsel vm13, $0x10D, v0  }
0x30: {  	v1 =	vsel vm13, $0x18D, v1;
	v60 =	vsel vm14, $0x18E, v0;
	v0 =	vsel vm10, $0x8A, v2  }
0x31: {  	v61 =	vsel vm14, $0x20E, v1;
	v1 =	vimm.s32 $0x38F;
	v0 =	vsel vm11, $0x10B, v0  }
0x32: {  	v2 =	vimm.s32 $0x40F;
	v1 =	vsel vm8, $0x400, v1;
	v0 =	vsel vm12, $0x18C, v0  }
0x33: {  	v2 =	vsel vm8, $0x480, v2;
	v1 =	vsel vm7, $0x481, v1;
	v0 =	vsel vm13, $0x20D, v0  }
0x34: {  	v2 =	vsel vm7, $0x501, v2;
	v37 =	vsel vm14, $0x28E, v0;
	v0 =	vsel vm6, $0x502, v1  }
0x35: {  	v1 =	vsel vm6, $0x582, v2;
	v2 =	vimm.s32 $0x48F;
	v0 =	vsel vm3, $0x583, v0  }
0x36: {  	v1 =	vsel vm3, $0x603, v1;
	v2 =	vsel vm8, $0x500, v2;
	v0 =	vsel vm4, $0x604, v0  }
0x37: {  	v1 =	vsel vm4, $0x684, v1;
	v2 =	vsel vm7, $0x581, v2;
	v0 =	vsel vm5, $0x685, v0  }
0x38: {  	v1 =	vsel vm5, $0x705, v1;
	v2 =	vsel vm6, $0x602, v2;
	v0 =	vsel vm0, $0x706, v0  }
0x39: {  	v1 =	vsel vm0, $0x786, v1;
	v2 =	vsel vm3, $0x683, v2;
	v0 =	vsel vm1, $0x787, v0  }
0x3a: {  	v1 =	vsel vm1, $0x807, v1;
	v2 =	vsel vm4, $0x704, v2;
	v0 =	vsel vm2, $0x808, v0  }
0x3b: {  	v1 =	vsel vm2, $0x88, v1;
	v2 =	vsel vm5, $0x785, v2;
	v0 =	vsel vm9, $0x89, v0  }
0x3c: {  	v1 =	vsel vm9, $0x109, v1;
	v2 =	vsel vm0, $0x806, v2;
	v0 =	vsel vm10, $0x10A, v0  }
0x3d: {  	v1 =	vsel vm10, $0x18A, v1;
	v2 =	vsel vm1, $0x87, v2;
	v0 =	vsel vm11, $0x18B, v0  }
0x3e: {  	v1 =	vsel vm11, $0x20B, v1;
	v2 =	vsel vm2, $0x108, v2;
	v0 =	vsel vm12, $0x20C, v0  }
0x3f: {  	v1 =	vsel vm12, $0x28C, v1;
	v2 =	vsel vm9, $0x189, v2;
	v0 =	vsel vm13, $0x28D, v0  }
0x40: {  	v1 =	vsel vm13, $0x30D, v1;
	v38 =	vsel vm14, $0x30E, v0;
	v0 =	vsel vm10, $0x20A, v2  }
0x41: {  	v50 =	vsel vm14, $0x38E, v1;
	v1 =	vimm.s32 $0x50F;
	v0 =	vsel vm11, $0x28B, v0  }
0x42: {  	v2 =	vimm.s32 $0x58F;
	v1 =	vsel vm8, $0x580, v1;
	v0 =	vsel vm12, $0x30C, v0  }
0x43: {  	v2 =	vsel vm8, $0x600, v2;
	v1 =	vsel vm7, $0x601, v1;
	v0 =	vsel vm13, $0x38D, v0  }
0x44: {  	v2 =	vsel vm7, $0x681, v2;
	v49 =	vsel vm14, $0x40E, v0;
	v0 =	vsel vm6, $0x682, v1  }
0x45: {  	v1 =	vsel vm6, $0x702, v2;
	v2 =	vimm.s32 $0x60F;
	v0 =	vsel vm3, $0x703, v0  }
0x46: {  	v1 =	vsel vm3, $0x783, v1;
	v2 =	vsel vm8, $0x680, v2;
	v0 =	vsel vm4, $0x784, v0  }
0x47: {  	v1 =	vsel vm4, $0x804, v1;
	v2 =	vsel vm7, $0x701, v2;
	v0 =	vsel vm5, $0x805, v0  }
0x48: {  	v1 =	vsel vm5, $0x85, v1;
	v2 =	vsel vm6, $0x782, v2;
	v0 =	vsel vm0, $0x86, v0  }
0x49: {  	v1 =	vsel vm0, $0x106, v1;
	v2 =	vsel vm3, $0x803, v2;
	v0 =	vsel vm1, $0x107, v0  }
0x4a: {  	v1 =	vsel vm1, $0x187, v1;
	v2 =	vsel vm4, $0x84, v2;
	v0 =	vsel vm2, $0x188, v0  }
0x4b: {  	v1 =	vsel vm2, $0x208, v1;
	v2 =	vsel vm5, $0x105, v2;
	v0 =	vsel vm9, $0x209, v0  }
0x4c: {  	v1 =	vsel vm9, $0x289, v1;
	v2 =	vsel vm0, $0x186, v2;
	v0 =	vsel vm10, $0x28A, v0  }
0x4d: {  	v1 =	vsel vm10, $0x30A, v1;
	v2 =	vsel vm1, $0x207, v2;
	v0 =	vsel vm11, $0x30B, v0  }
0x4e: {  	v1 =	vsel vm11, $0x38B, v1;
	v2 =	vsel vm2, $0x288, v2;
	v0 =	vsel vm12, $0x38C, v0  }
0x4f: {  	v1 =	vsel vm12, $0x40C, v1;
	v2 =	vsel vm9, $0x309, v2;
	v0 =	vsel vm13, $0x40D, v0  }
0x50: {  	v1 =	vsel vm13, $0x48D, v1;
	v41 =	vsel vm14, $0x48E, v0;
	v0 =	vsel vm10, $0x38A, v2  }
0x51: {  	v16 =	vunpack.c.0.s8.s32 v16;
	v42 =	vsel vm14, $0x50E, v1;
	v0 =	vsel vm11, $0x40B, v0  }
0x52: {  	v1 =	vimm.s32 $0x68F;
	v2 =	vimm.s32 $0x70F;
	v0 =	vsel vm12, $0x48C, v0  }
0x53: {  	v1 =	vsel vm8, $0x700, v1;
	v2 =	vsel vm8, $0x780, v2;
	v0 =	vsel vm13, $0x50D, v0  }
0x54: {  	v1 =	vsel vm7, $0x781, v1;
	v2 =	vsel vm7, $0x801, v2;
	v43 =	vsel vm14, $0x58E, v0  }
0x55: {  	v0 =	vsel vm6, $0x802, v1;
	v1 =	vsel vm6, $0x82, v2;
	v2 =	vimm.s32 $0x78F  }
0x56: {  	v17 =	vunpack.c.0.s8.s32 v17;
	v12 =	vcombine.low v9, v8;
	v2 =	vsel vm8, $0x800, v2  }
0x57: {  	v0 =	vsel vm3, $0x83, v0;
	v1 =	vsel vm3, $0x103, v1;
	v2 =	vsel vm7, $0x81, v2  }
0x58: {  	v0 =	vsel vm4, $0x104, v0;
	v1 =	vsel vm4, $0x184, v1;
	v2 =	vsel vm6, $0x102, v2  }
0x59: {  	v0 =	vsel vm5, $0x185, v0;
	v1 =	vsel vm5, $0x205, v1;
	v2 =	vsel vm3, $0x183, v2  }
0x5a: {  	v0 =	vsel vm0, $0x206, v0;
	v1 =	vsel vm0, $0x286, v1;
	v2 =	vsel vm4, $0x204, v2  }
0x5b: {  	v0 =	vsel vm1, $0x287, v0;
	v1 =	vsel vm1, $0x307, v1;
	v2 =	vsel vm5, $0x285, v2  }
0x5c: {  	v0 =	vsel vm2, $0x308, v0;
	v1 =	vsel vm2, $0x388, v1;
	v2 =	vsel vm0, $0x306, v2  }
0x5d: {  	v0 =	vsel vm9, $0x389, v0;
	v1 =	vsel vm9, $0x409, v1;
	v2 =	vsel vm1, $0x387, v2  }
0x5e: {  	v0 =	vsel vm10, $0x40A, v0;
	v1 =	vsel vm10, $0x48A, v1;
	v2 =	vsel vm2, $0x408, v2  }
0x5f: {  	v0 =	vsel vm11, $0x48B, v0;
	v1 =	vsel vm11, $0x50B, v1;
	v2 =	vsel vm9, $0x489, v2  }
0x60: {  	v0 =	vsel vm12, $0x50C, v0;
	v1 =	vsel vm12, $0x58C, v1;
	v2 =	vsel vm10, $0x50A, v2  }
0x61: {  	v0 =	vsel vm13, $0x58D, v0;
	v1 =	vsel vm13, $0x60D, v1;
	v2 =	vsel vm11, $0x58B, v2  }
0x62: {  	v45 =	vsel vm14, $0x68E, v1;
	v1 =	vimm.s32 $0x10FEDCBA;
	v2 =	vsel vm12, $0x60C, v2  }
0x63: {  	v44 =	vsel vm14, $0x60E, v0;
	v1 =	vunpack.c.l.s4.s8 v1;
	v0 =	vsel vm13, $0x68D, v2  }
0x64: {  	v2 =	vimm.s32 $0x98765432;
	v46 =	vsel vm14, $0x70E, v0;
	v0 =	vcombine.low v4, v3  }
0x65: {  	v15 =	vand.u32 $0xF, v15;
	v36 =	vcombine.low v16, v14;
	v2 =	vunpack.c.l.s4.s8 v2  }
0x66: {  	v52 =	vcombine.low v15, v17;
	v20 =	vand.u32 $0xF, v0;
	v0 =	vunpack.c.0.s8.s32 v1  }
0x67: {  	v1 =	vunpack.c.l.s4.s8 v6;
	v2 =	vunpack.c.0.s8.s32 v2;
	v6 =	vunpack.c.l.s4.s8 v57  }
0x68: {  	v31 =	vand.u32 $0xF, v12;
	v51 =	vand.u32 $0xF, v36;
	v3 =	vcombine.low v3, v4  }
0x69: {  	v1 =	vunpack.c.0.s8.s32 v1;
	v10 =	vcombine.low v2, v0;
	v6 =	vunpack.c.0.s8.s32 v6  }
0x6a: {  	v53 =	vand.u32 $0xF, v3;
	v3 =	vcombine.low v8, v9;
	v0 =	vcombine.low v0, v2  }
0x6b: {  	v11 =	vcombine.low v1, v5;
	v23 =	vand.u32 $0xF, v10;
	v58 =	vcombine.low v7, v6  }
0x6c: {  	v1 =	vcombine.low v5, v1;
	v54 =	vand.u32 $0xF, v0;
	v0 =	vcombine.low v14, v16  }
0x6d: {  	v2 =	vcombine.low v6, v7;
	v47 =	vand.u32 $0xF, v11;
	v11 =	vunpack.c.l.s4.s8 v34  }
0x6e: {  	v55 =	vand.u32 $0xF, v1;
	v0 =	vand.u32 $0xF, v0;
	v1 =	vimm.s32 $0x101F1E1D  }
0x6f: {  	v26 =	vand.u32 $0xF, v58;
	[tilespmem:$0x1F6D0] =	vst v0;
	v0 =	vimm.s32 $0x1C1B1A19;
	v4 =	vunpack.c.0.s8.s32 v1  }
0x70: {  	v1 =	vimm.s32 $0x1D1C1B1A;
	v40 =	vunpack.c.0.s8.s32 v0;
	v0 =	vimm.s32 $0x14131211  }
0x71: {  	v11 =	vunpack.c.0.s8.s32 v11;
	v5 =	vunpack.c.0.s8.s32 v0;
	v0 =	vimm.s32 $0x18171615  }
0x72: {  	v7 =	vunpack.c.0.s8.s32 v1;
	v6 =	vunpack.c.0.s8.s32 v0;
	v0 =	vimm.s32 $0x11101F1E  }
0x73: {  	v1 =	vimm.s32 $0x19181716;
	v8 =	vunpack.c.0.s8.s32 v0;
	v0 =	vimm.s32 $0x15141312  }
0x74: {  	v35 =	vcombine.low v13, v11;
	v9 =	vunpack.c.0.s8.s32 v0;
	v0 =	vimm.s32 $0x1E1D1C1B  }
0x75: {  	v39 =	vcombine.low v11, v13;
	v11 =	vunpack.c.0.s8.s32 v0;
	v0 =	vimm.s32 $0x1211101F  }
0x76: {  	v10 =	vunpack.c.0.s8.s32 v1;
	v12 =	vunpack.c.0.s8.s32 v0;
	v0 =	vimm.s32 $0x1A191817  }
0x77: {  	v1 =	vimm.s32 $0x16151413;
	v14 =	vunpack.c.0.s8.s32 v0;
	v0 =	vimm.s32 $0x1F1E1D1C  }
0x78: {  	v13 =	vunpack.c.0.s8.s32 v1;
	v15 =	vunpack.c.0.s8.s32 v0;
	v0 =	vimm.s32 $0x17161514  }
0x79: {  	v1 =	vimm.s32 $0x13121110;
	v17 =	vunpack.c.0.s8.s32 v0;
	v0 =	vimm.s32 $0x1B1A1918  }
0x7a: {  	v16 =	vunpack.c.0.s8.s32 v1;
	v18 =	vunpack.c.0.s8.s32 v0;
	v0 =	vimm.s32 $0x202F2E2D  }
0x7b: {  	v1 =	vimm.s32 $0x2C2B2A29;
	v21 =	vunpack.c.0.s8.s32 v0;
	v0 =	vimm.s32 $0x24232221  }
0x7c: {  	v48 =	vand.u32 $0xF, v35;
	v22 =	vunpack.c.0.s8.s32 v0;
	v0 =	vimm.s32 $0x2D2C2B2A  }
0x7d: {  	v58 =	vand.u32 $0xF, v39;
	v25 =	vunpack.c.0.s8.s32 v0;
	v0 =	vimm.s32 $0x21202F2E  }
0x7e: {  	v19 =	vunpack.c.0.s8.s32 v1;
	v27 =	vunpack.c.0.s8.s32 v0;
	v0 =	vimm.s32 $0x29282726  }
0x7f: {  	v1 =	vimm.s32 $0x28272625;
	v29 =	vunpack.c.0.s8.s32 v0;
	v0 =	vimm.s32 $0x2E2D2C2B  }
0x80: {  	v24 =	vunpack.c.0.s8.s32 v1;
	v30 =	vunpack.c.0.s8.s32 v0;
	v0 =	vimm.s32 $0x26252423  }
0x81: {  	v1 =	vimm.s32 $0x25242322;
	v35 =	vunpack.c.0.s8.s32 v0;
	v0 =	vimm.s32 $0x2A292827  }
0x82: {  	v28 =	vunpack.c.0.s8.s32 v1;
	v36 =	vunpack.c.0.s8.s32 v0;
	v0 =	vimm.s32 $0x23222120  }
0x83: {  	v1 =	vimm.s32 $0x2221202F;
	v39 =	vunpack.c.0.s8.s32 v0;
	v0 =	vimm.s32 $0x27262524  }
0x84: {  	v34 =	vunpack.c.0.s8.s32 v1;
	v1 =	vimm.s32 $0x2F2E2D2C;
	v0 =	vunpack.c.0.s8.s32 v0  }
0x85: {  	v57 =	vand.u32 $0xF, v3;
	v3 =	vunpack.c.0.s8.s32 v1;
	v1 =	vimm.s32 $0x2B2A2928  }
0x86: {  	[tilespmem:$0x1F700] =	vst v0;
	v0 =	vunpack.c.0.s8.s32 v1;
	_ =	sdelay $0x1  }
0x87: {  	[tilespmem:$0x1F710] =	vst v0;
	v0 =	vimm.s32 $0x3C3B3A39  }
0x88: {  	v0 =	vunpack.c.0.s8.s32 v0;
	_ =	sdelay $0x1  }
0x89: {  	[tilespmem:$0x1F720] =	vst v0;
	v0 =	vimm.s32 $0x303F3E3D  }
0x8a: {  	v0 =	vunpack.c.0.s8.s32 v0  }
0x8b: {  	v1 =	vimm.s32 $0x34333231  }
0x8c: {  	[tilespmem:$0x1F730] =	vst v0;
	v0 =	vunpack.c.0.s8.s32 v1;
	_ =	sdelay $0x1  }
0x8d: {  	[tilespmem:$0x1F740] =	vst v0;
	v0 =	vimm.s32 $0x38373635  }
0x8e: {  	v0 =	vunpack.c.0.s8.s32 v0;
	_ =	sdelay $0x1  }
0x8f: {  	[tilespmem:$0x1F750] =	vst v0;
	v0 =	vimm.s32 $0x3D3C3B3A  }
0x90: {  	v0 =	vunpack.c.0.s8.s32 v0  }
0x91: {  	v1 =	vimm.s32 $0x31303F3E  }
0x92: {  	[tilespmem:$0x1F760] =	vst v0;
	v0 =	vunpack.c.0.s8.s32 v1;
	_ =	sdelay $0x1  }
0x93: {  	[tilespmem:$0x1F770] =	vst v0;
	v0 =	vimm.s32 $0x35343332  }
0x94: {  	v0 =	vunpack.c.0.s8.s32 v0;
	_ =	sdelay $0x1  }
0x95: {  	[tilespmem:$0x1F780] =	vst v0;
	v0 =	vimm.s32 $0x39383736  }
0x96: {  	v0 =	vunpack.c.0.s8.s32 v0  }
0x97: {  	v1 =	vimm.s32 $0x3E3D3C3B  }
0x98: {  	[tilespmem:$0x1F790] =	vst v0;
	v0 =	vunpack.c.0.s8.s32 v1;
	_ =	sdelay $0x1  }
0x99: {  	[tilespmem:$0x1F7A0] =	vst v0;
	v0 =	vimm.s32 $0x3231303F  }
0x9a: {  	v0 =	vunpack.c.0.s8.s32 v0;
	_ =	sdelay $0x1  }
0x9b: {  	[tilespmem:$0x1F7B0] =	vst v0;
	v0 =	vimm.s32 $0x36353433  }
0x9c: {  	v0 =	vunpack.c.0.s8.s32 v0  }
0x9d: {  	v1 =	vimm.s32 $0x3A393837  }
0x9e: {  	[tilespmem:$0x1F7C0] =	vst v0;
	v0 =	vunpack.c.0.s8.s32 v1;
	_ =	sdelay $0x1  }
0x9f: {  	[tilespmem:$0x1F7D0] =	vst v0;
	v0 =	vimm.s32 $0x3F3E3D3C  }
0xa0: {  	v0 =	vunpack.c.0.s8.s32 v0;
	_ =	sdelay $0x1  }
0xa1: {  	[tilespmem:$0x1F7E0] =	vst v0;
	v0 =	vimm.s32 $0x33323130  }
0xa2: {  	v0 =	vunpack.c.0.s8.s32 v0  }
0xa3: {  	v1 =	vimm.s32 $0x37363534  }
0xa4: {  	[tilespmem:$0x1F7F0] =	vst v0;
	v0 =	vunpack.c.0.s8.s32 v1;
	_ =	sdelay $0x1  }
0xa5: {  	[tilespmem:$0x1F800] =	vst v0;
	v0 =	vimm.s32 $0x3B3A3938  }
0xa6: {  	v0 =	vunpack.c.0.s8.s32 v0;
	_ =	sdelay $0x1  }
0xa7: {  	[tilespmem:$0x1F810] =	vst v0;
	v0 =	vimm.s32 $0x4C4B4A49  }
0xa8: {  	v0 =	vunpack.c.0.s8.s32 v0  }
0xa9: {  	v1 =	vimm.s32 $0x404F4E4D  }
0xaa: {  	[tilespmem:$0x1F820] =	vst v0;
	v0 =	vunpack.c.0.s8.s32 v1;
	_ =	sdelay $0x1  }
0xab: {  	[tilespmem:$0x1F830] =	vst v0;
	v0 =	vimm.s32 $0x44434241  }
0xac: {  	v0 =	vunpack.c.0.s8.s32 v0;
	_ =	sdelay $0x1  }
0xad: {  	[tilespmem:$0x1F840] =	vst v0;
	v0 =	vimm.s32 $0x48474645  }
0xae: {  	v0 =	vunpack.c.0.s8.s32 v0  }
0xaf: {  	v1 =	vimm.s32 $0x4D4C4B4A  }
0xb0: {  	[tilespmem:$0x1F850] =	vst v0;
	v0 =	vunpack.c.0.s8.s32 v1;
	_ =	sdelay $0x1  }
0xb1: {  	[tilespmem:$0x1F860] =	vst v0;
	v0 =	vimm.s32 $0x41404F4E  }
0xb2: {  	v0 =	vunpack.c.0.s8.s32 v0;
	_ =	sdelay $0x1  }
0xb3: {  	[tilespmem:$0x1F870] =	vst v0;
	v0 =	vimm.s32 $0x45444342  }
0xb4: {  	v0 =	vunpack.c.0.s8.s32 v0  }
0xb5: {  	v1 =	vimm.s32 $0x49484746  }
0xb6: {  	[tilespmem:$0x1F880] =	vst v0;
	v0 =	vunpack.c.0.s8.s32 v1;
	_ =	sdelay $0x1  }
0xb7: {  	[tilespmem:$0x1F890] =	vst v0;
	v0 =	vimm.s32 $0x4E4D4C4B  }
0xb8: {  	v0 =	vunpack.c.0.s8.s32 v0;
	_ =	sdelay $0x1  }
0xb9: {  	[tilespmem:$0x1F8A0] =	vst v0;
	v0 =	vimm.s32 $0x4241404F  }
0xba: {  	v0 =	vunpack.c.0.s8.s32 v0  }
0xbb: {  	v1 =	vimm.s32 $0x46454443  }
0xbc: {  	[tilespmem:$0x1F8B0] =	vst v0;
	v0 =	vunpack.c.0.s8.s32 v1;
	_ =	sdelay $0x1  }
0xbd: {  	[tilespmem:$0x1F8C0] =	vst v0;
	v0 =	vimm.s32 $0x4A494847  }
0xbe: {  	v0 =	vunpack.c.0.s8.s32 v0;
	_ =	sdelay $0x1  }
0xbf: {  	[tilespmem:$0x1F8D0] =	vst v0;
	v0 =	vimm.s32 $0x4F4E4D4C  }
0xc0: {  	v0 =	vunpack.c.0.s8.s32 v0  }
0xc1: {  	v1 =	vimm.s32 $0x43424140  }
0xc2: {  	[tilespmem:$0x1F8E0] =	vst v0;
	v0 =	vunpack.c.0.s8.s32 v1;
	_ =	sdelay $0x1  }
0xc3: {  	[tilespmem:$0x1F8F0] =	vst v0;
	v0 =	vimm.s32 $0x47464544  }
0xc4: {  	v0 =	vunpack.c.0.s8.s32 v0;
	_ =	sdelay $0x1  }
0xc5: {  	[tilespmem:$0x1F900] =	vst v0;
	v0 =	vimm.s32 $0x4B4A4948  }
0xc6: {  	v0 =	vunpack.c.0.s8.s32 v0  }
0xc7: {  	v1 =	vimm.s32 $0x5C5B5A59  }
0xc8: {  	[tilespmem:$0x1F910] =	vst v0;
	v0 =	vunpack.c.0.s8.s32 v1;
	_ =	sdelay $0x1  }
0xc9: {  	[tilespmem:$0x1F920] =	vst v0;
	v0 =	vimm.s32 $0x505F5E5D  }
0xca: {  	v0 =	vunpack.c.0.s8.s32 v0;
	_ =	sdelay $0x1  }
0xcb: {  	[tilespmem:$0x1F930] =	vst v0;
	v0 =	vimm.s32 $0x54535251  }
0xcc: {  	v0 =	vunpack.c.0.s8.s32 v0  }
0xcd: {  	v1 =	vimm.s32 $0x58575655  }
0xce: {  	[tilespmem:$0x1F940] =	vst v0;
	v0 =	vunpack.c.0.s8.s32 v1;
	_ =	sdelay $0x1  }
0xcf: {  	[tilespmem:$0x1F950] =	vst v0;
	v0 =	vimm.s32 $0x5D5C5B5A  }
0xd0: {  	v0 =	vunpack.c.0.s8.s32 v0;
	_ =	sdelay $0x1  }
0xd1: {  	[tilespmem:$0x1F960] =	vst v0;
	v0 =	vimm.s32 $0x51505F5E  }
0xd2: {  	v0 =	vunpack.c.0.s8.s32 v0  }
0xd3: {  	v1 =	vimm.s32 $0x55545352  }
0xd4: {  	[tilespmem:$0x1F970] =	vst v0;
	v0 =	vunpack.c.0.s8.s32 v1;
	_ =	sdelay $0x1  }
0xd5: {  	[tilespmem:$0x1F980] =	vst v0;
	v0 =	vimm.s32 $0x59585756  }
0xd6: {  	v0 =	vunpack.c.0.s8.s32 v0;
	_ =	sdelay $0x1  }
0xd7: {  	[tilespmem:$0x1F990] =	vst v0;
	v0 =	vimm.s32 $0x5E5D5C5B  }
0xd8: {  	v0 =	vunpack.c.0.s8.s32 v0  }
0xd9: {  	v1 =	vimm.s32 $0x5251505F  }
0xda: {  	[tilespmem:$0x1F9A0] =	vst v0;
	v0 =	vunpack.c.0.s8.s32 v1;
	_ =	sdelay $0x1  }
0xdb: {  	[tilespmem:$0x1F9B0] =	vst v0;
	v0 =	vimm.s32 $0x56555453  }
0xdc: {  	v0 =	vunpack.c.0.s8.s32 v0;
	_ =	sdelay $0x1  }
0xdd: {  	[tilespmem:$0x1F9C0] =	vst v0;
	v0 =	vimm.s32 $0x5A595857  }
0xde: {  	v0 =	vunpack.c.0.s8.s32 v0  }
0xdf: {  	v1 =	vimm.s32 $0x5F5E5D5C  }
0xe0: {  	[tilespmem:$0x1F9D0] =	vst v0;
	v0 =	vunpack.c.0.s8.s32 v1;
	_ =	sdelay $0x1  }
0xe1: {  	[tilespmem:$0x1F9E0] =	vst v0;
	v0 =	vimm.s32 $0x53525150  }
0xe2: {  	v0 =	vunpack.c.0.s8.s32 v0;
	_ =	sdelay $0x1  }
0xe3: {  	[tilespmem:$0x1F9F0] =	vst v0;
	v0 =	vimm.s32 $0x57565554  }
0xe4: {  	v0 =	vunpack.c.0.s8.s32 v0  }
0xe5: {  	v1 =	vimm.s32 $0x5B5A5958  }
0xe6: {  	[tilespmem:$0x1FA00] =	vst v0;
	v0 =	vunpack.c.0.s8.s32 v1;
	_ =	sdelay $0x1  }
0xe7: {  	[tilespmem:$0x1FA10] =	vst v0;
	v0 =	vimm.s32 $0x6C6B6A69  }
0xe8: {  	v0 =	vunpack.c.0.s8.s32 v0;
	_ =	sdelay $0x1  }
0xe9: {  	[tilespmem:$0x1FA20] =	vst v0;
	v0 =	vimm.s32 $0x606F6E6D  }
0xea: {  	v0 =	vunpack.c.0.s8.s32 v0  }
0xeb: {  	v1 =	vimm.s32 $0x64636261  }
0xec: {  	[tilespmem:$0x1FA30] =	vst v0;
	v0 =	vunpack.c.0.s8.s32 v1;
	_ =	sdelay $0x1  }
0xed: {  	[tilespmem:$0x1FA40] =	vst v0;
	v0 =	vimm.s32 $0x68676665  }
0xee: {  	v0 =	vunpack.c.0.s8.s32 v0;
	_ =	sdelay $0x1  }
0xef: {  	[tilespmem:$0x1FA50] =	vst v0;
	v0 =	vimm.s32 $0x6D6C6B6A  }
0xf0: {  	v0 =	vunpack.c.0.s8.s32 v0  }
0xf1: {  	v1 =	vimm.s32 $0x61606F6E  }
0xf2: {  	[tilespmem:$0x1FA60] =	vst v0;
	v0 =	vunpack.c.0.s8.s32 v1;
	_ =	sdelay $0x1  }
0xf3: {  	[tilespmem:$0x1FA70] =	vst v0;
	v0 =	vimm.s32 $0x65646362  }
0xf4: {  	v0 =	vunpack.c.0.s8.s32 v0;
	_ =	sdelay $0x1  }
0xf5: {  	[tilespmem:$0x1FA80] =	vst v0;
	v0 =	vimm.s32 $0x69686766  }
0xf6: {  	v0 =	vunpack.c.0.s8.s32 v0  }
0xf7: {  	v1 =	vimm.s32 $0x6E6D6C6B  }
0xf8: {  	[tilespmem:$0x1FA90] =	vst v0;
	v0 =	vunpack.c.0.s8.s32 v1;
	_ =	sdelay $0x1  }
0xf9: {  	[tilespmem:$0x1FAA0] =	vst v0;
	v0 =	vimm.s32 $0x6261606F  }
0xfa: {  	v0 =	vunpack.c.0.s8.s32 v0;
	_ =	sdelay $0x1  }
0xfb: {  	[tilespmem:$0x1FAB0] =	vst v0;
	v0 =	vimm.s32 $0x66656463  }
0xfc: {  	v0 =	vunpack.c.0.s8.s32 v0  }
0xfd: {  	v1 =	vimm.s32 $0x6A696867  }
0xfe: {  	[tilespmem:$0x1FAC0] =	vst v0;
	v0 =	vunpack.c.0.s8.s32 v1;
	_ =	sdelay $0x1  }
0xff: {  	[tilespmem:$0x1FAD0] =	vst v0;
	v0 =	vimm.s32 $0x6F6E6D6C  }
0x100: {  	v0 =	vunpack.c.0.s8.s32 v0;
	_ =	sdelay $0x1  }
0x101: {  	[tilespmem:$0x1FAE0] =	vst v0;
	v0 =	vimm.s32 $0x63626160  }
0x102: {  	v0 =	vunpack.c.0.s8.s32 v0  }
0x103: {  	v1 =	vimm.s32 $0x67666564  }
0x104: {  	[tilespmem:$0x1FAF0] =	vst v0;
	v0 =	vunpack.c.0.s8.s32 v1;
	_ =	sdelay $0x1  }
0x105: {  	[tilespmem:$0x1FB00] =	vst v0;
	v0 =	vimm.s32 $0x6B6A6968  }
0x106: {  	v0 =	vunpack.c.0.s8.s32 v0;
	_ =	sdelay $0x1  }
0x107: {  	[tilespmem:$0x1FB10] =	vst v0;
	v0 =	vimm.s32 $0x7C7B7A79  }
0x108: {  	v0 =	vunpack.c.0.s8.s32 v0  }
0x109: {  	v1 =	vimm.s32 $0x707F7E7D  }
0x10a: {  	[tilespmem:$0x1FB20] =	vst v0;
	v0 =	vunpack.c.0.s8.s32 v1;
	_ =	sdelay $0x1  }
0x10b: {  	[tilespmem:$0x1FB30] =	vst v0;
	v0 =	vimm.s32 $0x74737271  }
0x10c: {  	v0 =	vunpack.c.0.s8.s32 v0;
	_ =	sdelay $0x1  }
0x10d: {  	[tilespmem:$0x1FB40] =	vst v0;
	v0 =	vimm.s32 $0x78777675  }
0x10e: {  	v0 =	vunpack.c.0.s8.s32 v0  }
0x10f: {  	v1 =	vimm.s32 $0x7D7C7B7A  }
0x110: {  	[tilespmem:$0x1FB50] =	vst v0;
	v0 =	vunpack.c.0.s8.s32 v1;
	_ =	sdelay $0x1  }
0x111: {  	[tilespmem:$0x1FB60] =	vst v0;
	v0 =	vimm.s32 $0x71707F7E  }
0x112: {  	s3 =	stileid.u32;
	[tilespmem:$0x1F6F0] =	vst v4;
	v0 =	vunpack.c.0.s8.s32 v0  }
0x113: {  	s1 =	rddreg [dreg:$0x0];
	s4 =	sshll.u32 s3, $0x7;
	s3 =	simm.s32 $0x0;
	v56 =	vand.u32 $0xF, v2;
	v2 =	vmul.u32 $0x80, v62;
	[tilespmem:$0x1F6E0] =	vst v40  }
0x114: {  	[smem:$0x7FF] =	sst s3;
	[tilespmem:$0x1FB70] =	vst v0  }
0x115: {  	s2 =	rddreg [dreg:$0x1];
	_ =	strace $0x8000004D;
	[tilespmem:$0x1FC00] =	vst v2  }
0x116: {  	[tilespmem:$0x1FC80] =	vst v32  }
0x117: {  	[tilespmem:$0x1FC90] =	vst v33  }
0x118: {  	[tilespmem:$0x1FCA0] =	vst v37  }
0x119: {  	[tilespmem:$0x1FCB0] =	vst v38  }
0x11a: {  	[tilespmem:$0x1FCC0] =	vst v50  }
0x11b: {  	[tilespmem:$0x1FCD0] =	vst v49  }
0x11c: {  	[tilespmem:$0x1FCE0] =	vst v41  }
0x11d: {  	[tilespmem:$0x1FCF0] =	vst v42  }
0x11e: {  	[tilespmem:$0x1FD00] =	vst v43  }
0x11f: {  	[tilespmem:$0x1FD10] =	vst v44  }
0x120: {  	[tilespmem:$0x1FD20] =	vst v45  }
0x121: {  	[tilespmem:$0x1FD30] =	vst v46  }
0x122: {  	[tilespmem:$0x1FD40] =	vst v20  }
0x123: {  	[tilespmem:$0x1FD50] =	vst v23  }
0x124: {  	[tilespmem:$0x1FD60] =	vst v47  }
0x125: {  	[tilespmem:$0x1FD70] =	vst v26  }
0x126: {  	[tilespmem:$0x1FD80] =	vst v31  }
0x127: {  	[tilespmem:$0x1FD90] =	vst v52  }
0x128: {  	[tilespmem:$0x1FDA0] =	vst v48  }
0x129: {  	[tilespmem:$0x1FDB0] =	vst v51  }
0x12a: {  	[tilespmem:$0x1FDC0] =	vst v53  }
0x12b: {  	[tilespmem:$0x1FDD0] =	vst v54  }
0x12c: {  	[tilespmem:$0x1FDE0] =	vst v55  }
0x12d: {  	[tilespmem:$0x1FDF0] =	vst v56  }
0x12e: {  	[tilespmem:$0x1FE00] =	vst v57  }
0x12f: {  	[tilespmem:$0x1FE10] =	vst v58  }
0x130: {  	[tilespmem:$0x1FE20] =	vst v5  }
0x131: {  	[tilespmem:$0x1FE30] =	vst v6  }
0x132: {  	[tilespmem:$0x1FE40] =	vst v7  }
0x133: {  	[tilespmem:$0x1FE50] =	vst v8  }
0x134: {  	[tilespmem:$0x1FE60] =	vst v9  }
0x135: {  	[tilespmem:$0x1FE70] =	vst v10  }
0x136: {  	[tilespmem:$0x1FE80] =	vst v11  }
0x137: {  	[tilespmem:$0x1FE90] =	vst v12  }
0x138: {  	[tilespmem:$0x1FEA0] =	vst v13  }
0x139: {  	[tilespmem:$0x1FEB0] =	vst v14  }
0x13a: {  	[tilespmem:$0x1FEC0] =	vst v15  }
0x13b: {  	[tilespmem:$0x1FED0] =	vst v16  }
0x13c: {  	[tilespmem:$0x1FEE0] =	vst v17  }
0x13d: {  	[tilespmem:$0x1FEF0] =	vst v18  }
0x13e: {  	[tilespmem:$0x1FF00] =	vst v19  }
0x13f: {  	[tilespmem:$0x1FF10] =	vst v21  }
0x140: {  	[tilespmem:$0x1FF20] =	vst v22  }
0x141: {  	[tilespmem:$0x1FF30] =	vst v24  }
0x142: {  	[tilespmem:$0x1FF40] =	vst v25  }
0x143: {  	v0 =	vimm.s32 $0x75747372;
	[tilespmem:$0x1FF50] =	vst v27  }
0x144: {  	v0 =	vunpack.c.0.s8.s32 v0;
	[tilespmem:$0x1FF60] =	vst v28  }
0x145: {  	vm0 =	vcmask $0x1F10;
	v1 =	vimm.s32 $0x79787776;
	[tilespmem:$0x1FF70] =	vst v29  }
0x146: {  	v2 =	vsel vm0, v4, v40;
	[tilespmem:$0x1FB80] =	vst v0;
	v0 =	vunpack.c.0.s8.s32 v1  }
0x147: {  	[tilespmem:$0x1FC30] =	vst v2  }
0x148: {  	v2 =	vsel vm0, v6, v5;
	[tilespmem:$0x1FB90] =	vst v0;
	v0 =	vimm.s32 $0x7E7D7C7B  }
0x149: {  	[tilespmem:$0x1FC20] =	vst v2;
	v2 =	vsel vm0, v8, v7;
	v0 =	vunpack.c.0.s8.s32 v0  }
0x14a: {  	[tilespmem:$0x1FC60] =	vst v2  }
0x14b: {  	v2 =	vsel vm0, v10, v9;
	[tilespmem:$0x1FBA0] =	vst v0;
	v0 =	vimm.s32 $0x7271707F  }
0x14c: {  	v40 =	vld [tilespmem:$0x1FC30];
	[tilespmem:$0x1FC50] =	vst v2;
	v2 =	vor.u32 $0x10, v62;
	v0 =	vunpack.c.0.s8.s32 v0  }
0x14d: {  	v1 =	vimm.s32 $0x76757473;
	[tilespmem:$0x1FC10] =	vst v2;
	v2 =	vld [tilespmem:$0x1FC20]  }
0x14e: {  	[tilespmem:$0x1FBB0] =	vst v0;
	v0 =	vunpack.c.0.s8.s32 v1  }
0x14f: {  	[tilespmem:$0x1FF80] =	vst v30  }
0x150: {  	[tilespmem:$0x1FBC0] =	vst v0;
	v0 =	vimm.s32 $0x7A797877  }
0x151: {  	s0 =	srdreg.scid;
	[tilespmem:$0x1FF90] =	vst v34;
	v0 =	vunpack.c.0.s8.s32 v0  }
0x152: {  	s12 =	simm.s32 $0x880;
	s13 =	simm.s32 $0x1;
	s14 =	simm.s32 $0x40;
	[tilespmem:$0x1FFA0] =	vst v35;
	v2 =	vcombine.low v2, v40  }
0x153: {  	s15 =	simm.s32 $0x1100;
	s16 =	simm.s32 $0x3100;
	s17 =	simm.s32 $0x3;
	v4 =	vld [tilespmem:$0x1FC60];
	[tilespmem:$0x1FBD0] =	vst v0;
	v0 =	vimm.s32 $0x7F7E7D7C  }
0x154: {  	s18 =	simm.s32 $0x9100;
	s19 =	simm.s32 $0x2;
	s0 =	sand.u32 $0x1, s0;
	[tilespmem:$0x1FC40] =	vst v2;
	v2 =	vld [tilespmem:$0x1FC50];
	v0 =	vunpack.c.0.s8.s32 v0  }
0x155: {  	s20 =	simm.s32 $0x5100;
	s21 =	simm.s32 $0x8C0;
	s5 =	sshll.u32 s0, $0x6;
	[tilespmem:$0x1FFB0] =	vst v36  }
0x156: {  	s22 =	simm.s32 $0x7100;
	s23 =	simm.s32 $0x4;
	s4 =	sor.u32 s5, s4;
	[tilespmem:$0x1FBE0] =	vst v0;
	v0 =	vimm.s32 $0x77767574  }
0x157: {  	s24 =	simm.s32 $0x9500;
	s25 =	simm.s32 $0x5;
	s7 =	smul.u32 $0x110, s4;
	[tilespmem:$0x1FFC0] =	vst v3;
	v1 =	vimm.s32 $0x73727170;
	v0 =	vunpack.c.0.s8.s32 v0  }
.Ltmp0:
0x158: {  	s0 =	ssub.s32 $0x2, s0;
	s5 =	sadd.s32 $0x7FE000, s1;
	[tilespmem:$0x1FFD0] =	vst v39;
	v1 =	vunpack.c.0.s8.s32 v1;
	(pc) =	sbr.rel .LBB2_1-.Ltmp0, $4  }
0x159: {  	s26 =	simm.s32 $0x6;
	s30 =	sshrl.u32 s0, $0x1;
	s7 =	sadd.s32 s5, s7;
	v2 =	vcombine.low v2, v4;
	[tilespmem:$0x1FBF0] =	vst v0;
	v0 =	vimm.s32 $0x7B7A7978  }
0x15a: {  	s28 =	simm.s32 $0x0;
	s0 =	ssub.s32 s0, s30;
	s31 =	sadd.s32 $0x110, s7;
	[tilespmem:$0x1FFE0] =	vst v1;
	v0 =	vunpack.c.0.s8.s32 v0  }
0x15b: {  	s6 =	sadd.s32 $0x1800, s1;
	s0 =	smax.u32 s0, $0x1;
	[dreg:$0x3] =	wrdreg s31;
	[tilespmem:$0x1FC70] =	vst v2  }
0x15c: {  	s9 =	sor.u32 $0x2, s4;
	s10 =	sor.u32 $0x3, s4;
	[dreg:$0x4] =	wrdreg s0;
	[tilespmem:$0x1FFF0] =	vst v0  }
.LBB2_8:
0x15d: {  	_ =	swait.ge [sflag:s25], $0x400  }
0x15e: {  	[sflag:s25] =	ssyncset.done $0x0  }
0x15f: {  	[sflag:s25] =	ssyncadd.s32 $0xFFFFFC00  }
0x160: {  	_ =	swait.ge [sflag:s26], $0x400  }
0x161: {  	v37 =	vld [tilespmem:$0x1FCA0]  }
0x162: {  	v38 =	vld [tilespmem:$0x1FCB0]  }
0x163: {  	v50 =	vld [tilespmem:$0x1FCC0]  }
0x164: {  	v49 =	vld [tilespmem:$0x1FCD0]  }
0x165: {  	v41 =	vld [tilespmem:$0x1FCE0]  }
0x166: {  	v42 =	vld [tilespmem:$0x1FCF0]  }
0x167: {  	v43 =	vld [tilespmem:$0x1FD00]  }
0x168: {  	v44 =	vld [tilespmem:$0x1FD10]  }
0x169: {  	v45 =	vld [tilespmem:$0x1FD20]  }
0x16a: {  	v46 =	vld [tilespmem:$0x1FD30]  }
0x16b: {  	v20 =	vld [tilespmem:$0x1FD40]  }
0x16c: {  	v23 =	vld [tilespmem:$0x1FD50]  }
0x16d: {  	v47 =	vld [tilespmem:$0x1FD60]  }
0x16e: {  	v26 =	vld [tilespmem:$0x1FD70]  }
0x16f: {  	v31 =	vld [tilespmem:$0x1FD80]  }
0x170: {  	v52 =	vld [tilespmem:$0x1FD90]  }
0x171: {  	v48 =	vld [tilespmem:$0x1FDA0]  }
0x172: {  	v51 =	vld [tilespmem:$0x1FDB0]  }
0x173: {  	s28 =	sadd.s32 $0x1, s28;
	s0 =	rddreg [dreg:$0x4];
	v53 =	vld [tilespmem:$0x1FDC0]  }
0x174: {  	v54 =	vld [tilespmem:$0x1FDD0];
	p0 =	sne.s32 s28, s0  }
.Ltmp1:
0x175: {  	v55 =	vld [tilespmem:$0x1FDE0];
	(pc) =	sbr.rel @!p0 .LBB2_9-.Ltmp1, $4  }
0x176: {  	v56 =	vld [tilespmem:$0x1FDF0]  }
0x177: {  	v57 =	vld [tilespmem:$0x1FE00]  }
0x178: {  	[sflag:s26] =	ssyncset.done $0x0;
	v58 =	vld [tilespmem:$0x1FE10]  }
0x179: {  	v0 =	vld [tilespmem:$0x1FFF0];
	[sflag:s26] =	ssyncadd.s32 $0xFFFFFC00  }
.LBB2_1:
0x17a: {  	[tilespmem:s3], [sflag:$0x1] =	stream.linear.gather [hbm4b:s7+s3], $0x880, $0x38;
	[tilespmem:$0x9900] =	vst v63  }
0x17b: {  	s0 =	rddreg [dreg:$0x3]  }
0x17c: {  	[tilespmem:s12], [sflag:$0x2] =	stream.linear.gather [hbm4b:s0+s3], $0x880, $0x38;
	[tilespmem:$0x9900] =	vst v63  }
0x17d: {  	_ =	swait.ge [sflag:s13], $0x880  }
0x17e: {  	[sflag:s13] =	ssyncset.done $0x0  }
0x17f: {  	[sflag:s13] =	ssyncadd.s32 $0xFFFFF780  }
0x180: {  	[tilespmem:s15], [sflag:$0x3] =	stream.indirect.gather [hbm4b:s6+s14], $0x80, s3, s14, $0xb8;
	[tilespmem:$0x9900] =	vst v63  }
0x181: {  	s29 =	simm.s32 $0x0  }
0x182: {  	[tilespmem:s16], [sflag:$0x3] =	stream.indirect.gather [hbm4b:s6+s14], $0x80, s14, s14, $0xb8;
	[tilespmem:$0x9900] =	vst v63  }
.LBB2_2:
0x183: {  	_ =	swait.ge [sflag:s17], $0x2000  }
0x184: {  	[sflag:s17] =	ssyncset.done $0x0  }
0x185: {  	[sflag:s17] =	ssyncadd.s32 $0xFFFFE000  }
0x186: {  	_ =	swait.ge [sflag:s17], $0x2000  }
0x187: {  	p1 =	seq.s32 s29, $0x0;
	[sflag:s17] =	ssyncset.done $0x0  }
0x188: {  	s0 =	simm.s32 @!p1 $0x5;
	[sflag:s17] =	ssyncadd.s32 $0xFFFFE000  }
0x189: {  	_ =	swait.ge @!p1 [sflag:s0], $0x400  }
0x18a: {  	s30 =	sshll.u32 s29, $0x1;
	[sflag:s0] =	ssyncset.done @!p1 $0x0  }
0x18b: {  	s1 =	simm.s32 $0x9300;
	v40 =	vmov v0;
	[sflag:s0] =	ssyncadd.s32 @!p1 $0xFFFFFC00;
	s0 =	simm.s32 $0x0  }
.LBB2_3:
0x18c: {  	v1 =	vor.u32 s0, v63;
	v3 =	vld [tilespmem:$0x1FC00]  }
0x18d: {  	v39 =	vor.u32 s0, v59;
	v25 =	vld [tilespmem:$0x1F6F0]  }
0x18e: {  	v6 =	vor.u32 s0, v60;
	v28 =	vld [tilespmem:$0x1F6E0]  }
0x18f: {  	v12 =	vor.u32 s0, v61;
	v29 =	vld [tilespmem:$0x1FE60]  }
0x190: {  	v2 =	vor.u32 s0, v32;
	v14 =	vor.u32 s0, v38;
	v38 =	vld [tilespmem:$0x1F6D0]  }
0x191: {  	v4 =	vor.u32 s0, v33;
	v7 =	vld.idx.msk [tilespmem:v1+s3+$0x0], $0xffff  }
0x192: {  	v13 =	vor.u32 s0, v37;
	v10 =	vld.idx.msk [tilespmem:v39+s3+$0x0], $0xffff  }
0x193: {  	v0 =	vmov s0;
	v11 =	vld.idx.msk [tilespmem:v6+s3+$0x0], $0xffff  }
0x194: {  	v0 =	vshll.u32 v0, $0x7;
	v15 =	vor.u32 s0, v50;
	v12 =	vld.idx.msk [tilespmem:v12+s3+$0x0], $0xffff  }
0x195: {  	v16 =	vor.u32 s0, v49;
	v17 =	vor.u32 v3, v0;
	v8 =	vld.idx.msk [tilespmem:v2+s3+$0x0], $0xffff  }
0x196: {  	v0 =	vor.u32 v62, v17;
	v9 =	vld.idx.msk [tilespmem:v4+s3+$0x0], $0xffff  }
0x197: {  	v3 =	vor.u32 v20, v17;
	v13 =	vld.idx.msk [tilespmem:v13+s3+$0x0], $0xffff  }
0x198: {  	v18 =	vor.u32 s0, v41;
	v14 =	vld.idx.msk [tilespmem:v14+s3+$0x0], $0xffff  }
0x199: {  	v36 =	vor.u32 v23, v17;
	v15 =	vld.idx.msk [tilespmem:v15+s3+$0x0], $0xffff  }
0x19a: {  	v5 =	vor.u32 v47, v17;
	v16 =	vld.idx.msk [tilespmem:v16+s3+$0x0], $0xffff  }
0x19b: {  	v19 =	vor.u32 s0, v42;
	v0 =	vld.idx.msk [tilespmem:v0+s15+$0x0], $0xffff  }
0x19c: {  	v4 =	vor.u32 v26, v17;
	v3 =	vld.idx.msk [tilespmem:v3+s15+$0x0], $0xffff  }
0x19d: {  	v21 =	vor.u32 s0, v44;
	v18 =	vld.idx.msk [tilespmem:v18+s3+$0x0], $0xffff  }
0x19e: {  	v22 =	vor.u32 s0, v45;
	v1 =	vld.idx.msk [tilespmem:v36+s15+$0x0], $0xffff  }
0x19f: {  	v47 =	vor.u32 v31, v17;
	v5 =	vld.idx.msk [tilespmem:v5+s15+$0x0], $0xffff  }
0x1a0: {  	v19 =	vld.idx.msk [tilespmem:v19+s3+$0x0], $0xffff  }
0x1a1: {  	v6 =	vor.u32 v48, v17;
	v4 =	vld.idx.msk [tilespmem:v4+s15+$0x0], $0xffff;
	v0 =	vmul.f32 v7, v0;
	v3 =	vmul.f32 v8, v3  }
0x1a2: {  	v20 =	vor.u32 s0, v43;
	v21 =	vld.idx.msk [tilespmem:v21+s3+$0x0], $0xffff  }
0x1a3: {  	v48 =	vor.u32 v51, v17;
	v22 =	vld.idx.msk [tilespmem:v22+s3+$0x0], $0xffff;
	v1 =	vmul.f32 v9, v1;
	v0 =	vadd.f32 v3, v0  }
0x1a4: {  	v2 =	vld.idx.msk [tilespmem:v47+s15+$0x0], $0xffff;
	v51 =	vmul.f32 v10, v5;
	v5 =	vor.u32 v52, v17  }
0x1a5: {  	v26 =	vld [tilespmem:$0x1FE20];
	v0 =	vadd.f32 v1, v0  }
0x1a6: {  	v6 =	vld.idx.msk [tilespmem:v6+s15+$0x0], $0xffff;
	v52 =	vmul.f32 v11, v4;
	v4 =	vor.u32 v53, v17  }
0x1a7: {  	v20 =	vld.idx.msk [tilespmem:v20+s3+$0x0], $0xffff;
	v0 =	vadd.f32 v51, v0  }
0x1a8: {  	v3 =	vld.idx.msk [tilespmem:v48+s15+$0x0], $0xffff  }
0x1a9: {  	v54 =	vor.u32 v54, v17;
	v53 =	vmul.f32 v12, v2;
	v5 =	vld.idx.msk [tilespmem:v5+s15+$0x0], $0xffff;
	v0 =	vadd.f32 v52, v0  }
0x1aa: {  	v25 =	vsel vm0, v26, v25;
	v26 =	vld [tilespmem:$0x1FE30]  }
0x1ab: {  	v32 =	vmul.f32 v13, v6;
	v6 =	vor.u32 v55, v17;
	v4 =	vld.idx.msk [tilespmem:v4+s15+$0x0], $0xffff;
	v0 =	vadd.f32 v53, v0  }
0x1ac: {  	v34 =	vor.u32 v56, v17;
	v47 =	vld [tilespmem:$0x1FE80]  }
0x1ad: {  	v48 =	vld [tilespmem:$0x1FE90];
	v33 =	vmul.f32 v14, v3;
	v0 =	vadd.f32 v32, v0  }
0x1ae: {  	v2 =	vld.idx.msk [tilespmem:v54+s15+$0x0], $0xffff;
	v35 =	vmul.f32 v15, v5;
	v5 =	vor.u32 v57, v17  }
0x1af: {  	v26 =	vsel vm0, v28, v26;
	v28 =	vld [tilespmem:$0x1FE50];
	v0 =	vadd.f32 v33, v0  }
0x1b0: {  	v6 =	vld.idx.msk [tilespmem:v6+s15+$0x0], $0xffff;
	v36 =	vmul.f32 v16, v4;
	v4 =	vor.u32 v58, v17  }
0x1b1: {  	v3 =	vld.idx.msk [tilespmem:v34+s15+$0x0], $0xffff;
	v0 =	vadd.f32 v35, v0  }
0x1b2: {  	v23 =	vor.u32 s0, v46;
	v34 =	vld [tilespmem:$0x1FEA0]  }
0x1b3: {  	v37 =	vmul.f32 v18, v2;
	v2 =	vor.u32 v38, v17;
	v5 =	vld.idx.msk [tilespmem:v5+s15+$0x0], $0xffff;
	v0 =	vadd.f32 v36, v0  }
0x1b4: {  	v35 =	vld [tilespmem:$0x1FEB0]  }
0x1b5: {  	v39 =	vmul.f32 v19, v6;
	v4 =	vld.idx.msk [tilespmem:v4+s15+$0x0], $0xffff;
	v0 =	vadd.f32 v37, v0;
	_ =	sdelay $0x1  }
0x1b6: {  	v23 =	vld.idx.msk [tilespmem:v23+s3+$0x0], $0xffff;
	v41 =	vmul.f32 v20, v3;
	v0 =	vadd.f32 v39, v0  }
0x1b7: {  	v2 =	vld.idx.msk [tilespmem:v2+s15+$0x0], $0xffff  }
0x1b8: {  	v31 =	vld [tilespmem:$0x1FE70];
	v49 =	vsel vm0, v48, v47;
	v42 =	vmul.f32 v21, v5;
	v0 =	vadd.f32 v41, v0  }
0x1b9: {  	v28 =	vsel vm0, v29, v28;
	v29 =	vld [tilespmem:$0x1FE40];
	v43 =	vmul.f32 v22, v4;
	v4 =	vsel vm0, v35, v34  }
0x1ba: {  	v45 =	vld [tilespmem:$0x1FC10];
	v24 =	vcombine.low v4, v49;
	v0 =	vadd.f32 v42, v0  }
0x1bb: {  	v50 =	vld [tilespmem:$0x1FC70]  }
0x1bc: {  	v46 =	vld [tilespmem:$0x1FC40];
	v44 =	vmul.f32 v23, v2;
	[tilespmem:$0x1F0B0] =	vst v24;
	v24 =	vor.u32 v24, v17;
	v0 =	vadd.f32 v43, v0  }
0x1bd: {  	v51 =	vld [tilespmem:$0x1FED0]  }
0x1be: {  	v52 =	vld [tilespmem:$0x1FEE0];
	v29 =	vsel vm0, v29, v31;
	v0 =	vadd.f32 v44, v0  }
0x1bf: {  	v31 =	vcombine.low v29, v28;
	v36 =	vld [tilespmem:$0x1FEC0]  }
0x1c0: {  	v2 =	vor.u32 v45, v17;
	v39 =	vld [tilespmem:$0x1FEF0];
	[tilespmem:s1+$0xFFFFFE00] =	vst v0  }
0x1c1: {  	[tilespmem:$0x1F0E0] =	vst v31;
	v31 =	vor.u32 v31, v17;
	v24 =	vld.idx.msk [tilespmem:v24+s15+$0x0], $0xffff;
	_ =	sdelay $0x1  }
0x1c2: {  	v3 =	vor.u32 v46, v17  }
0x1c3: {  	v56 =	vld [tilespmem:$0x1FC20]  }
0x1c4: {  	v5 =	vsel vm0, v51, v36;
	v6 =	vsel vm0, v39, v52;
	v0 =	vor.u32 v50, v17;
	v2 =	vld.idx.msk [tilespmem:v2+s15+$0x0], $0xffff  }
0x1c5: {  	v27 =	vcombine.low v6, v5;
	v55 =	vmul.f32 v10, v24;
	v24 =	vld.idx.msk [tilespmem:v31+s15+$0x0], $0xffff  }
0x1c6: {  	v30 =	vcombine.low v26, v25;
	v32 =	vsel vm0, v34, v48;
	v31 =	vld [tilespmem:$0x1FC30]  }
0x1c7: {  	v33 =	vsel vm0, v47, v35;
	[tilespmem:$0x1F0C0] =	vst v27;
	v27 =	vor.u32 v27, v17;
	v3 =	vld.idx.msk [tilespmem:v3+s15+$0x0], $0xffff  }
0x1c8: {  	v35 =	vcombine.low v33, v32  }
0x1c9: {  	[tilespmem:$0x1F0D0] =	vst v30;
	v30 =	vor.u32 v30, v17;
	v4 =	vcombine.low v49, v4;
	v0 =	vld.idx.msk [tilespmem:v0+s15+$0x0], $0xffff  }
0x1ca: {  	[tilespmem:$0x1F0F0] =	vst v35  }
0x1cb: {  	v35 =	vor.u32 v35, v17;
	[tilespmem:$0x1F130] =	vst v4;
	v54 =	vsel vm0, v36, v39;
	v36 =	vld [tilespmem:$0x1FC50];
	v31 =	vcombine.low v31, v56  }
0x1cc: {  	v4 =	vor.u32 v4, v17;
	v53 =	vld.idx.msk [tilespmem:v27+s15+$0x0], $0xffff;
	v2 =	vmul.f32 v7, v2;
	v3 =	vmul.f32 v8, v3  }
0x1cd: {  	v5 =	vcombine.low v5, v6;
	v27 =	vsel vm0, v52, v51;
	[tilespmem:$0x1F110] =	vst v31;
	v58 =	vor.u32 v31, v17;
	v31 =	vld [tilespmem:$0x1FC60]  }
0x1ce: {  	v30 =	vld.idx.msk [tilespmem:v30+s15+$0x0], $0xffff;
	v27 =	vcombine.low v54, v27;
	v2 =	vadd.f32 v3, v2;
	v0 =	vmul.f32 v9, v0  }
0x1cf: {  	[tilespmem:$0x1F140] =	vst v5;
	v5 =	vor.u32 v5, v17  }
0x1d0: {  	[tilespmem:$0x1F100] =	vst v27;
	v27 =	vor.u32 v27, v17;
	v0 =	vadd.f32 v0, v2;
	_ =	sdelay $0x1  }
0x1d1: {  	v4 =	vld.idx.msk [tilespmem:v4+s15+$0x0], $0xffff;
	v57 =	vmul.f32 v11, v53;
	v0 =	vadd.f32 v55, v0;
	v31 =	vcombine.low v31, v36  }
0x1d2: {  	v37 =	vmul.f32 v12, v30;
	v30 =	vld.idx.msk [tilespmem:v35+s15+$0x0], $0xffff  }
0x1d3: {  	v44 =	vld.idx.msk [tilespmem:v5+s15+$0x0], $0xffff;
	v0 =	vadd.f32 v57, v0;
	[tilespmem:$0x1F120] =	vst v31;
	v31 =	vor.u32 v31, v17  }
0x1d4: {  	v39 =	vld.idx.msk [tilespmem:v27+s15+$0x0], $0xffff  }
0x1d5: {  	v54 =	vld [tilespmem:$0x1FF60];
	v38 =	vmul.f32 v13, v24;
	v0 =	vadd.f32 v37, v0  }
0x1d6: {  	v24 =	vcombine.low v25, v26;
	v41 =	vld.idx.msk [tilespmem:v58+s15+$0x0], $0xffff  }
0x1d7: {  	v35 =	vld [tilespmem:$0x1FF40];
	v42 =	vmul.f32 v14, v30;
	v0 =	vadd.f32 v38, v0  }
0x1d8: {  	[tilespmem:$0x1F150] =	vst v24;
	v43 =	vor.u32 v24, v17;
	v24 =	vcombine.low v28, v29;
	v6 =	vld.idx.msk [tilespmem:v31+s15+$0x0], $0xffff  }
0x1d9: {  	v30 =	vld [tilespmem:$0x1FF00];
	v2 =	vmul.f32 v15, v39;
	v0 =	vadd.f32 v42, v0  }
0x1da: {  	v56 =	vld [tilespmem:$0x1FF90];
	v5 =	vor.u32 v24, v17  }
0x1db: {  	v29 =	vld [tilespmem:$0x1FF10];
	[tilespmem:$0x1F160] =	vst v24;
	v24 =	vcombine.low v32, v33;
	v1 =	vmul.f32 v16, v41;
	v0 =	vadd.f32 v2, v0  }
0x1dc: {  	v55 =	vld [tilespmem:$0x1FF70]  }
0x1dd: {  	v32 =	vld [tilespmem:$0x1FF20];
	v0 =	vadd.f32 v1, v0;
	v45 =	vmul.f32 v18, v6;
	v6 =	vor.u32 v24, v17  }
0x1de: {  	v3 =	vld.idx.msk [tilespmem:v43+s15+$0x0], $0xffff  }
0x1df: {  	v46 =	vmul.f32 v19, v4;
	v33 =	vld [tilespmem:$0x1FF30];
	v0 =	vadd.f32 v45, v0  }
0x1e0: {  	v48 =	vld.idx.msk [tilespmem:v5+s15+$0x0], $0xffff  }
0x1e1: {  	v47 =	vmul.f32 v20, v44;
	v39 =	vld [tilespmem:$0x1FF80];
	v0 =	vadd.f32 v46, v0  }
0x1e2: {  	v50 =	vld.idx.msk [tilespmem:v6+s15+$0x0], $0xffff  }
0x1e3: {  	v57 =	vld [tilespmem:$0x1FFA0];
	v49 =	vmul.f32 v21, v3;
	v0 =	vadd.f32 v47, v0  }
0x1e4: {  	v36 =	vld [tilespmem:$0x1FF50]  }
0x1e5: {  	v58 =	vld [tilespmem:$0x1FFB0];
	v51 =	vmul.f32 v22, v48;
	v0 =	vadd.f32 v49, v0  }
0x1e6: {  	v4 =	vsel vm0, v33, v32;
	v5 =	vor.u32 $0x20, v62;
	v2 =	vsel vm0, v29, v30;
	v49 =	vld [tilespmem:$0x1FFC0]  }
0x1e7: {  	[tilespmem:$0x1F170] =	vst v24;
	v6 =	vcombine.low v4, v2;
	v0 =	vadd.f32 v51, v0;
	v52 =	vmul.f32 v23, v50;
	v50 =	vld [tilespmem:$0x1FFD0]  }
0x1e8: {  	[tilespmem:$0x1F180] =	vst v5;
	v53 =	vor.u32 v5, v17;
	v24 =	vsel vm0, v55, v54;
	v51 =	vld [tilespmem:$0x1F700]  }
0x1e9: {  	[tilespmem:$0x1F190] =	vst v6;
	v5 =	vor.u32 v6, v17;
	v6 =	vsel vm0, v36, v35;
	v0 =	vadd.f32 v52, v0;
	v52 =	vld [tilespmem:$0x1F710]  }
0x1ea: {  	v26 =	vcombine.low v24, v6;
	_ =	sdelay $0x1  }
0x1eb: {  	v25 =	vsel vm0, v58, v57;
	v1 =	vsel vm0, v56, v39;
	[tilespmem:$0x1F1A0] =	vst v26  }
0x1ec: {  	v28 =	vcombine.low v25, v1;
	[tilespmem:s1+$0xFFFFFE80] =	vst v0  }
0x1ed: {  	v48 =	vor.u32 v26, v17;
	v3 =	vld.idx.msk [tilespmem:v53+s15+$0x0], $0xffff;
	v26 =	vsel vm0, v50, v49;
	v27 =	vsel vm0, v52, v51  }
0x1ee: {  	v29 =	vsel vm0, v32, v29;
	v5 =	vld.idx.msk [tilespmem:v5+s15+$0x0], $0xffff;
	v31 =	vcombine.low v27, v26  }
0x1ef: {  	v56 =	vsel vm0, v57, v56;
	v57 =	vsel vm0, v39, v58;
	[tilespmem:$0x1F1B0] =	vst v28;
	v28 =	vor.u32 v28, v17  }
0x1f0: {  	v30 =	vsel vm0, v30, v33;
	v39 =	vcombine.low v57, v56;
	[tilespmem:$0x1F1C0] =	vst v31;
	v31 =	vor.u32 v31, v17  }
0x1f1: {  	v54 =	vsel vm0, v54, v36;
	v55 =	vsel vm0, v35, v55;
	v53 =	vcombine.low v30, v29  }
0x1f2: {  	[tilespmem:$0x1F1F0] =	vst v39;
	v39 =	vor.u32 v39, v17;
	v35 =	vcombine.low v55, v54;
	v0 =	vld.idx.msk [tilespmem:v48+s15+$0x0], $0xffff  }
0x1f3: {  	v34 =	vor.u32 v53, v17;
	v3 =	vmul.f32 v7, v3;
	v5 =	vmul.f32 v8, v5  }
0x1f4: {  	v4 =	vcombine.low v2, v4;
	v28 =	vld.idx.msk [tilespmem:v28+s15+$0x0], $0xffff  }
0x1f5: {  	[tilespmem:$0x1F1E0] =	vst v35;
	v35 =	vor.u32 v35, v17;
	v3 =	vadd.f32 v5, v3;
	v5 =	vld.idx.msk [tilespmem:v31+s15+$0x0], $0xffff  }
0x1f6: {  	[tilespmem:$0x1F210] =	vst v4;
	v58 =	vsel vm0, v49, v52;
	v31 =	vsel vm0, v51, v50  }
0x1f7: {  	v43 =	vor.u32 v4, v17;
	v4 =	vld.idx.msk [tilespmem:v39+s15+$0x0], $0xffff;
	v0 =	vmul.f32 v9, v0;
	v31 =	vcombine.low v58, v31  }
0x1f8: {  	v34 =	vld.idx.msk [tilespmem:v34+s15+$0x0], $0xffff  }
0x1f9: {  	v32 =	vld [tilespmem:$0x1F740];
	v41 =	vmul.f32 v10, v28;
	v0 =	vadd.f32 v0, v3;
	[tilespmem:$0x1F200] =	vst v31;
	v31 =	vor.u32 v31, v17  }
0x1fa: {  	v28 =	vld.idx.msk [tilespmem:v35+s15+$0x0], $0xffff;
	v42 =	vmul.f32 v11, v5;
	v5 =	vcombine.low v6, v24  }
0x1fb: {  	v36 =	vld [tilespmem:$0x1F770];
	v0 =	vadd.f32 v41, v0  }
0x1fc: {  	v47 =	vld.idx.msk [tilespmem:v43+s15+$0x0], $0xffff;
	v6 =	vcombine.low v1, v25;
	[tilespmem:$0x1F220] =	vst v5;
	v5 =	vor.u32 v5, v17  }
0x1fd: {  	v39 =	vld [tilespmem:$0x1F7A0];
	v44 =	vmul.f32 v12, v34;
	v24 =	vcombine.low v26, v27;
	v0 =	vadd.f32 v42, v0  }
0x1fe: {  	v48 =	vmul.f32 v14, v4;
	[tilespmem:$0x1F230] =	vst v6;
	v6 =	vor.u32 v6, v17;
	v46 =	vld.idx.msk [tilespmem:v31+s15+$0x0], $0xffff  }
0x1ff: {  	v35 =	vld [tilespmem:$0x1F760];
	v45 =	vmul.f32 v13, v28;
	v4 =	vor.u32 v24, v17;
	v0 =	vadd.f32 v44, v0  }
0x200: {  	v58 =	vld [tilespmem:$0x1F750];
	[tilespmem:$0x1F240] =	vst v24;
	v24 =	vcombine.low v29, v30  }
0x201: {  	v0 =	vadd.f32 v45, v0;
	v5 =	vld.idx.msk [tilespmem:v5+s15+$0x0], $0xffff  }
0x202: {  	v30 =	vld [tilespmem:$0x1F720];
	[tilespmem:$0x1F250] =	vst v24;
	v49 =	vor.u32 v24, v17;
	v24 =	vcombine.low v54, v55  }
0x203: {  	v6 =	vld.idx.msk [tilespmem:v6+s15+$0x0], $0xffff;
	v0 =	vadd.f32 v48, v0;
	v2 =	vmul.f32 v15, v46  }
0x204: {  	[tilespmem:$0x1F260] =	vst v24;
	v50 =	vld.idx.msk [tilespmem:v4+s15+$0x0], $0xffff;
	v4 =	vor.u32 v24, v17;
	v24 =	vcombine.low v56, v57  }
0x205: {  	v1 =	vmul.f32 v16, v47;
	v29 =	vld [tilespmem:$0x1F730];
	v0 =	vadd.f32 v2, v0  }
0x206: {  	v48 =	vld [tilespmem:$0x1F780];
	v51 =	vmul.f32 v18, v5;
	v5 =	vor.u32 v24, v17  }
0x207: {  	v3 =	vld.idx.msk [tilespmem:v49+s15+$0x0], $0xffff;
	v0 =	vadd.f32 v1, v0  }
0x208: {  	v49 =	vld [tilespmem:$0x1F790]  }
0x209: {  	v52 =	vmul.f32 v19, v6;
	v54 =	vld.idx.msk [tilespmem:v4+s15+$0x0], $0xffff;
	v0 =	vadd.f32 v51, v0  }
0x20a: {  	[tilespmem:$0x1F1D0] =	vst v53;
	v53 =	vmul.f32 v20, v50;
	v50 =	vld [tilespmem:$0x1F7B0]  }
0x20b: {  	v0 =	vadd.f32 v52, v0;
	v56 =	vld.idx.msk [tilespmem:v5+s15+$0x0], $0xffff  }
0x20c: {  	v51 =	vld [tilespmem:$0x1F7C0]  }
0x20d: {  	v55 =	vmul.f32 v21, v3;
	v52 =	vld [tilespmem:$0x1F7D0];
	v0 =	vadd.f32 v53, v0  }
0x20e: {  	v2 =	vsel vm0, v29, v30;
	v4 =	vsel vm0, v58, v32;
	v57 =	vmul.f32 v22, v54;
	v54 =	vld [tilespmem:$0x1F7E0]  }
0x20f: {  	v6 =	vcombine.low v4, v2;
	v0 =	vadd.f32 v55, v0;
	v55 =	vld [tilespmem:$0x1F7F0]  }
0x210: {  	[tilespmem:$0x1F270] =	vst v24;
	v5 =	vor.u32 $0x30, v62;
	v46 =	vmul.f32 v23, v56;
	v56 =	vld [tilespmem:$0x1F800]  }
0x211: {  	[tilespmem:$0x1F290] =	vst v6;
	v47 =	vor.u32 v5, v17;
	v0 =	vadd.f32 v57, v0;
	v57 =	vld [tilespmem:$0x1F810]  }
0x212: {  	v24 =	vsel vm0, v49, v48;
	[tilespmem:$0x1F280] =	vst v5;
	v5 =	vor.u32 v6, v17;
	v6 =	vsel vm0, v36, v35  }
0x213: {  	v26 =	vcombine.low v24, v6;
	v0 =	vadd.f32 v46, v0  }
0x214: {  	v1 =	vsel vm0, v50, v39;
	v25 =	vsel vm0, v52, v51  }
0x215: {  	v53 =	vor.u32 v26, v17;
	v28 =	vcombine.low v25, v1;
	[tilespmem:s1+$0xFFFFFF00] =	vst v0  }
0x216: {  	[tilespmem:$0x1F2A0] =	vst v26;
	v26 =	vsel vm0, v55, v54;
	v3 =	vld.idx.msk [tilespmem:v47+s15+$0x0], $0xffff;
	v27 =	vsel vm0, v57, v56  }
0x217: {  	[tilespmem:$0x1F2B0] =	vst v28;
	v28 =	vor.u32 v28, v17;
	v5 =	vld.idx.msk [tilespmem:v5+s15+$0x0], $0xffff;
	v31 =	vcombine.low v27, v26  }
0x218: {  	v29 =	vsel vm0, v32, v29;
	v30 =	vsel vm0, v30, v58  }
0x219: {  	v58 =	vcombine.low v30, v29;
	[tilespmem:$0x1F2C0] =	vst v31;
	v31 =	vor.u32 v31, v17  }
0x21a: {  	v48 =	vsel vm0, v48, v36;
	v49 =	vsel vm0, v35, v49;
	v0 =	vld.idx.msk [tilespmem:v53+s15+$0x0], $0xffff  }
0x21b: {  	v34 =	vor.u32 v58, v17;
	v35 =	vcombine.low v49, v48;
	v50 =	vsel vm0, v51, v50  }
0x21c: {  	v51 =	vsel vm0, v39, v52;
	v28 =	vld.idx.msk [tilespmem:v28+s15+$0x0], $0xffff;
	v3 =	vmul.f32 v7, v3;
	v5 =	vmul.f32 v8, v5  }
0x21d: {  	[tilespmem:$0x1F2E0] =	vst v35;
	v35 =	vor.u32 v35, v17;
	v39 =	vcombine.low v51, v50  }
0x21e: {  	v24 =	vcombine.low v6, v24;
	v52 =	vsel vm0, v54, v57;
	v3 =	vadd.f32 v5, v3;
	v5 =	vld.idx.msk [tilespmem:v31+s15+$0x0], $0xffff  }
0x21f: {  	v53 =	vor.u32 v39, v17;
	v0 =	vmul.f32 v9, v0;
	v31 =	vsel vm0, v56, v55  }
0x220: {  	v38 =	vcombine.low v52, v31;
	v31 =	vld.idx.msk [tilespmem:v34+s15+$0x0], $0xffff  }
0x221: {  	v33 =	vld [tilespmem:$0x1F850];
	[tilespmem:$0x1F2D0] =	vst v58;
	v58 =	vor.u32 v24, v17;
	v54 =	vmul.f32 v10, v28;
	v0 =	vadd.f32 v0, v3  }
0x222: {  	v28 =	vcombine.low v2, v4;
	v55 =	vld.idx.msk [tilespmem:v35+s15+$0x0], $0xffff;
	v4 =	vor.u32 v38, v17  }
0x223: {  	v32 =	vld [tilespmem:$0x1F840];
	v0 =	vadd.f32 v54, v0;
	v56 =	vmul.f32 v11, v5  }
0x224: {  	v6 =	vld.idx.msk [tilespmem:v53+s15+$0x0], $0xffff;
	v5 =	vor.u32 v28, v17  }
0x225: {  	v36 =	vld [tilespmem:$0x1F870];
	v57 =	vmul.f32 v12, v31;
	v0 =	vadd.f32 v56, v0  }
0x226: {  	[tilespmem:$0x1F320] =	vst v24;
	v25 =	vcombine.low v1, v25;
	v1 =	vld.idx.msk [tilespmem:v58+s15+$0x0], $0xffff  }
0x227: {  	v24 =	vcombine.low v26, v27;
	v2 =	vmul.f32 v13, v55;
	v34 =	vld.idx.msk [tilespmem:v4+s15+$0x0], $0xffff;
	v0 =	vadd.f32 v57, v0  }
0x228: {  	[tilespmem:$0x1F330] =	vst v25;
	v58 =	vld [tilespmem:$0x1F910];
	v4 =	vor.u32 v25, v17;
	v25 =	vcombine.low v29, v30  }
0x229: {  	v35 =	vld.idx.msk [tilespmem:v5+s15+$0x0], $0xffff;
	v5 =	vmul.f32 v14, v6;
	v6 =	vor.u32 v24, v17;
	v0 =	vadd.f32 v2, v0  }
0x22a: {  	v53 =	vld [tilespmem:$0x1F8D0]  }
0x22b: {  	[tilespmem:$0x1F340] =	vst v24;
	v52 =	vld [tilespmem:$0x1F8C0];
	v0 =	vadd.f32 v5, v0;
	v5 =	vor.u32 v25, v17  }
0x22c: {  	[tilespmem:$0x1F300] =	vst v38;
	v55 =	vld [tilespmem:$0x1F8E0];
	v24 =	vcombine.low v48, v49;
	v3 =	vmul.f32 v15, v34  }
0x22d: {  	[tilespmem:$0x1F350] =	vst v25;
	v4 =	vld.idx.msk [tilespmem:v4+s15+$0x0], $0xffff;
	v25 =	vcombine.low v50, v51  }
0x22e: {  	v0 =	vadd.f32 v3, v0;
	v2 =	vmul.f32 v16, v35;
	v38 =	vld.idx.msk [tilespmem:v6+s15+$0x0], $0xffff;
	v6 =	vor.u32 v24, v17  }
0x22f: {  	[tilespmem:$0x1F2F0] =	vst v39;
	v30 =	vld [tilespmem:$0x1F820]  }
0x230: {  	v1 =	vmul.f32 v18, v1;
	v0 =	vadd.f32 v2, v0;
	v39 =	vld.idx.msk [tilespmem:v5+s15+$0x0], $0xffff;
	v5 =	vor.u32 v25, v17  }
0x231: {  	v29 =	vld [tilespmem:$0x1F830]  }
0x232: {  	v49 =	vld [tilespmem:$0x1F880];
	v41 =	vmul.f32 v19, v4;
	v0 =	vadd.f32 v1, v0  }
0x233: {  	v43 =	vld.idx.msk [tilespmem:v6+s15+$0x0], $0xffff  }
0x234: {  	v50 =	vld [tilespmem:$0x1F890];
	v42 =	vmul.f32 v20, v38;
	v0 =	vadd.f32 v41, v0  }
0x235: {  	v45 =	vld.idx.msk [tilespmem:v5+s15+$0x0], $0xffff  }
0x236: {  	v35 =	vld [tilespmem:$0x1F860];
	v0 =	vadd.f32 v42, v0;
	v44 =	vmul.f32 v21, v39  }
0x237: {  	v51 =	vld [tilespmem:$0x1F8B0];
	v3 =	vsel vm0, v29, v30;
	v4 =	vsel vm0, v33, v32  }
0x238: {  	v6 =	vcombine.low v4, v3;
	v39 =	vld [tilespmem:$0x1F8A0];
	v0 =	vadd.f32 v44, v0;
	v46 =	vmul.f32 v22, v43  }
0x239: {  	v56 =	vld [tilespmem:$0x1F8F0];
	[tilespmem:$0x1F360] =	vst v24;
	v5 =	vor.u32 $0x40, v62  }
0x23a: {  	v57 =	vld [tilespmem:$0x1F900];
	[tilespmem:$0x1F390] =	vst v6;
	v48 =	vor.u32 v5, v17;
	v0 =	vadd.f32 v46, v0;
	v47 =	vmul.f32 v23, v45  }
0x23b: {  	v24 =	vsel vm0, v50, v49;
	[tilespmem:$0x1F380] =	vst v5;
	v5 =	vor.u32 v6, v17;
	v6 =	vsel vm0, v36, v35  }
0x23c: {  	[tilespmem:$0x1F310] =	vst v28;
	v26 =	vcombine.low v24, v6;
	v0 =	vadd.f32 v47, v0  }
0x23d: {  	[tilespmem:$0x1F370] =	vst v25;
	v25 =	vsel vm0, v53, v52;
	v1 =	vsel vm0, v51, v39  }
0x23e: {  	v54 =	vor.u32 v26, v17;
	v28 =	vcombine.low v25, v1;
	[tilespmem:s1+$0xFFFFFF80] =	vst v0  }
0x23f: {  	v27 =	vsel vm0, v58, v57;
	[tilespmem:$0x1F3A0] =	vst v26;
	v26 =	vsel vm0, v56, v55;
	v2 =	vld.idx.msk [tilespmem:v48+s15+$0x0], $0xffff  }
0x240: {  	v31 =	vcombine.low v27, v26;
	[tilespmem:$0x1F3B0] =	vst v28;
	v28 =	vor.u32 v28, v17;
	v5 =	vld.idx.msk [tilespmem:v5+s15+$0x0], $0xffff  }
0x241: {  	v29 =	vsel vm0, v32, v29;
	v30 =	vsel vm0, v30, v33  }
0x242: {  	[tilespmem:$0x1F3C0] =	vst v31;
	v31 =	vor.u32 v31, v17;
	v48 =	vcombine.low v30, v29  }
0x243: {  	v49 =	vsel vm0, v49, v36;
	v50 =	vsel vm0, v35, v50;
	v0 =	vld.idx.msk [tilespmem:v54+s15+$0x0], $0xffff  }
0x244: {  	v35 =	vcombine.low v50, v49;
	v51 =	vsel vm0, v52, v51;
	v34 =	vor.u32 v48, v17  }
0x245: {  	v52 =	vsel vm0, v39, v53;
	v28 =	vld.idx.msk [tilespmem:v28+s15+$0x0], $0xffff;
	v2 =	vmul.f32 v7, v2;
	v5 =	vmul.f32 v8, v5  }
0x246: {  	[tilespmem:$0x1F3E0] =	vst v35;
	v35 =	vor.u32 v35, v17;
	v39 =	vcombine.low v52, v51  }
0x247: {  	v53 =	vsel vm0, v55, v58;
	v2 =	vadd.f32 v5, v2;
	v5 =	vld.idx.msk [tilespmem:v31+s15+$0x0], $0xffff  }
0x248: {  	v54 =	vor.u32 v39, v17;
	v0 =	vmul.f32 v9, v0;
	v31 =	vsel vm0, v57, v56  }
0x249: {  	v38 =	vcombine.low v53, v31;
	v31 =	vld.idx.msk [tilespmem:v34+s15+$0x0], $0xffff  }
0x24a: {  	v55 =	vmul.f32 v10, v28;
	v0 =	vadd.f32 v0, v2  }
0x24b: {  	v56 =	vld.idx.msk [tilespmem:v35+s15+$0x0], $0xffff;
	v28 =	vcombine.low v3, v4;
	v4 =	vor.u32 v38, v17  }
0x24c: {  	v24 =	vcombine.low v6, v24;
	v0 =	vadd.f32 v55, v0;
	v57 =	vmul.f32 v11, v5  }
0x24d: {  	v6 =	vld.idx.msk [tilespmem:v54+s15+$0x0], $0xffff;
	v5 =	vor.u32 v28, v17  }
0x24e: {  	v32 =	vld [tilespmem:$0x1F940];
	[tilespmem:$0x1F420] =	vst v24;
	v58 =	vmul.f32 v12, v31;
	v0 =	vadd.f32 v57, v0  }
0x24f: {  	v33 =	vld [tilespmem:$0x1F950];
	v25 =	vcombine.low v1, v25;
	[tilespmem:$0x1F3F0] =	vst v39;
	v35 =	vor.u32 v24, v17;
	v24 =	vcombine.low v26, v27  }
0x250: {  	[tilespmem:$0x1F400] =	vst v38;
	v38 =	vmul.f32 v13, v56;
	v39 =	vld.idx.msk [tilespmem:v4+s15+$0x0], $0xffff;
	v0 =	vadd.f32 v58, v0  }
0x251: {  	v36 =	vld [tilespmem:$0x1F970];
	[tilespmem:$0x1F430] =	vst v25;
	v4 =	vor.u32 v25, v17;
	v25 =	vcombine.low v29, v30  }
0x252: {  	v41 =	vld.idx.msk [tilespmem:v5+s15+$0x0], $0xffff;
	v5 =	vmul.f32 v14, v6;
	v6 =	vor.u32 v24, v17;
	v0 =	vadd.f32 v38, v0  }
0x253: {  	v54 =	vld [tilespmem:$0x1F9B0]  }
0x254: {  	v1 =	vld.idx.msk [tilespmem:v35+s15+$0x0], $0xffff;
	v0 =	vadd.f32 v5, v0;
	v5 =	vor.u32 v25, v17  }
0x255: {  	v53 =	vld [tilespmem:$0x1F990];
	[tilespmem:$0x1F440] =	vst v24;
	v24 =	vcombine.low v49, v50;
	v3 =	vmul.f32 v15, v39  }
0x256: {  	[tilespmem:$0x1F450] =	vst v25;
	v4 =	vld.idx.msk [tilespmem:v4+s15+$0x0], $0xffff;
	v25 =	vcombine.low v51, v52  }
0x257: {  	v0 =	vadd.f32 v3, v0;
	v2 =	vmul.f32 v16, v41;
	v42 =	vld.idx.msk [tilespmem:v6+s15+$0x0], $0xffff;
	v6 =	vor.u32 v24, v17  }
0x258: {  	v55 =	vld [tilespmem:$0x1F9C0]  }
0x259: {  	v1 =	vmul.f32 v18, v1;
	v0 =	vadd.f32 v2, v0;
	v43 =	vld.idx.msk [tilespmem:v5+s15+$0x0], $0xffff;
	v5 =	vor.u32 v25, v17  }
0x25a: {  	v56 =	vld [tilespmem:$0x1F9D0]  }
0x25b: {  	v30 =	vld [tilespmem:$0x1F920];
	v44 =	vmul.f32 v19, v4;
	v0 =	vadd.f32 v1, v0  }
0x25c: {  	v46 =	vld.idx.msk [tilespmem:v6+s15+$0x0], $0xffff  }
0x25d: {  	v29 =	vld [tilespmem:$0x1F930];
	v45 =	vmul.f32 v20, v42;
	v0 =	vadd.f32 v44, v0  }
0x25e: {  	[tilespmem:$0x1F3D0] =	vst v48;
	v48 =	vld.idx.msk [tilespmem:v5+s15+$0x0], $0xffff  }
0x25f: {  	v52 =	vld [tilespmem:$0x1F980];
	v0 =	vadd.f32 v45, v0;
	v47 =	vmul.f32 v21, v43  }
0x260: {  	v39 =	vld [tilespmem:$0x1F9A0]  }
0x261: {  	v35 =	vld [tilespmem:$0x1F960];
	v0 =	vadd.f32 v47, v0;
	v49 =	vmul.f32 v22, v46  }
0x262: {  	[tilespmem:$0x1F410] =	vst v28;
	v58 =	vld [tilespmem:$0x1F9E0];
	v3 =	vsel vm0, v29, v30;
	v4 =	vsel vm0, v33, v32  }
0x263: {  	[tilespmem:$0x1F460] =	vst v24;
	v6 =	vcombine.low v4, v3;
	v0 =	vadd.f32 v49, v0;
	v49 =	vld [tilespmem:$0x1FA00];
	v50 =	vmul.f32 v23, v48  }
0x264: {  	[tilespmem:$0x1F470] =	vst v25;
	v24 =	vsel vm0, v53, v52;
	v25 =	vsel vm0, v56, v55;
	v5 =	vor.u32 $0x50, v62;
	v48 =	vld [tilespmem:$0x1F9F0]  }
0x265: {  	v1 =	vsel vm0, v54, v39;
	[tilespmem:$0x1F490] =	vst v6;
	v51 =	vor.u32 v5, v17;
	v0 =	vadd.f32 v50, v0;
	v50 =	vld [tilespmem:$0x1FA10]  }
0x266: {  	v28 =	vcombine.low v25, v1;
	[tilespmem:$0x1F480] =	vst v5;
	v5 =	vor.u32 v6, v17;
	v6 =	vsel vm0, v36, v35  }
0x267: {  	v26 =	vcombine.low v24, v6  }
0x268: {  	[tilespmem:$0x1F4B0] =	vst v28  }
0x269: {  	v28 =	vor.u32 v28, v17;
	v57 =	vor.u32 v26, v17;
	[tilespmem:s1+$0x0] =	vst v0  }
0x26a: {  	[tilespmem:$0x1F4A0] =	vst v26;
	v2 =	vld.idx.msk [tilespmem:v51+s15+$0x0], $0xffff;
	v26 =	vsel vm0, v48, v58;
	v27 =	vsel vm0, v50, v49  }
0x26b: {  	v5 =	vld.idx.msk [tilespmem:v5+s15+$0x0], $0xffff;
	v31 =	vcombine.low v27, v26  }
0x26c: {  	v29 =	vsel vm0, v32, v29;
	v30 =	vsel vm0, v30, v33  }
0x26d: {  	v52 =	vsel vm0, v52, v36;
	v51 =	vcombine.low v30, v29;
	[tilespmem:$0x1F4C0] =	vst v31;
	v31 =	vor.u32 v31, v17  }
0x26e: {  	v53 =	vsel vm0, v35, v53;
	v54 =	vsel vm0, v55, v54;
	v55 =	vsel vm0, v39, v56;
	v0 =	vld.idx.msk [tilespmem:v57+s15+$0x0], $0xffff  }
0x26f: {  	v39 =	vcombine.low v55, v54;
	v35 =	vcombine.low v53, v52;
	v28 =	vld.idx.msk [tilespmem:v28+s15+$0x0], $0xffff;
	v34 =	vor.u32 v51, v17  }
0x270: {  	v2 =	vmul.f32 v7, v2;
	v5 =	vmul.f32 v8, v5  }
0x271: {  	v24 =	vcombine.low v6, v24;
	[tilespmem:$0x1F4E0] =	vst v35;
	v35 =	vor.u32 v35, v17;
	v57 =	vor.u32 v39, v17  }
0x272: {  	v56 =	vsel vm0, v58, v50;
	v2 =	vadd.f32 v5, v2;
	v5 =	vld.idx.msk [tilespmem:v31+s15+$0x0], $0xffff;
	v31 =	vsel vm0, v49, v48  }
0x273: {  	v0 =	vmul.f32 v9, v0;
	v38 =	vcombine.low v56, v31  }
0x274: {  	v43 =	vor.u32 v24, v17;
	v58 =	vmul.f32 v10, v28;
	v31 =	vld.idx.msk [tilespmem:v34+s15+$0x0], $0xffff  }
0x275: {  	v37 =	vld [tilespmem:$0x1FA70];
	v28 =	vcombine.low v3, v4;
	v0 =	vadd.f32 v0, v2;
	v4 =	vor.u32 v38, v17  }
0x276: {  	[tilespmem:$0x1F4F0] =	vst v39;
	v39 =	vld.idx.msk [tilespmem:v35+s15+$0x0], $0xffff  }
0x277: {  	v6 =	vld.idx.msk [tilespmem:v57+s15+$0x0], $0xffff;
	v0 =	vadd.f32 v58, v0;
	v41 =	vmul.f32 v11, v5;
	v5 =	vor.u32 v28, v17  }
0x278: {  	v36 =	vld [tilespmem:$0x1FA60]  }
0x279: {  	v25 =	vcombine.low v1, v25;
	v1 =	vld.idx.msk [tilespmem:v43+s15+$0x0], $0xffff;
	v42 =	vmul.f32 v12, v31;
	v0 =	vadd.f32 v41, v0  }
0x27a: {  	[tilespmem:$0x1F520] =	vst v24;
	v24 =	vcombine.low v26, v27;
	v45 =	vld.idx.msk [tilespmem:v4+s15+$0x0], $0xffff  }
0x27b: {  	v35 =	vld [tilespmem:$0x1FA50];
	v44 =	vmul.f32 v13, v39;
	v4 =	vor.u32 v25, v17;
	v0 =	vadd.f32 v42, v0  }
0x27c: {  	v46 =	vld.idx.msk [tilespmem:v5+s15+$0x0], $0xffff;
	v5 =	vmul.f32 v14, v6;
	v6 =	vor.u32 v24, v17  }
0x27d: {  	[tilespmem:$0x1F530] =	vst v25;
	v39 =	vld [tilespmem:$0x1FA90];
	v25 =	vcombine.low v29, v30;
	v0 =	vadd.f32 v44, v0  }
0x27e: {  	[tilespmem:$0x1F540] =	vst v24;
	v57 =	vld [tilespmem:$0x1FAD0];
	v24 =	vcombine.low v52, v53  }
0x27f: {  	v34 =	vld [tilespmem:$0x1FA40];
	v0 =	vadd.f32 v5, v0;
	v3 =	vmul.f32 v15, v45;
	v5 =	vor.u32 v25, v17  }
0x280: {  	[tilespmem:$0x1F500] =	vst v38;
	v4 =	vld.idx.msk [tilespmem:v4+s15+$0x0], $0xffff  }
0x281: {  	v0 =	vadd.f32 v3, v0;
	v2 =	vmul.f32 v16, v46;
	v47 =	vld.idx.msk [tilespmem:v6+s15+$0x0], $0xffff;
	v6 =	vor.u32 v24, v17  }
0x282: {  	v38 =	vld [tilespmem:$0x1FA80];
	[tilespmem:$0x1F550] =	vst v25;
	v25 =	vcombine.low v54, v55  }
0x283: {  	v1 =	vmul.f32 v18, v1;
	v30 =	vld [tilespmem:$0x1FA20];
	v0 =	vadd.f32 v2, v0  }
0x284: {  	v48 =	vld.idx.msk [tilespmem:v5+s15+$0x0], $0xffff;
	v5 =	vor.u32 v25, v17  }
0x285: {  	v29 =	vld [tilespmem:$0x1FA30];
	v49 =	vmul.f32 v19, v4;
	v0 =	vadd.f32 v1, v0  }
0x286: {  	[tilespmem:$0x1F4D0] =	vst v51;
	v51 =	vld.idx.msk [tilespmem:v6+s15+$0x0], $0xffff  }
0x287: {  	v41 =	vld [tilespmem:$0x1FAA0];
	v50 =	vmul.f32 v20, v47;
	v0 =	vadd.f32 v49, v0  }
0x288: {  	v44 =	vld [tilespmem:$0x1FAB0]  }
0x289: {  	v0 =	vadd.f32 v50, v0;
	v52 =	vmul.f32 v21, v48;
	v53 =	vld.idx.msk [tilespmem:v5+s15+$0x0], $0xffff  }
0x28a: {  	v45 =	vld [tilespmem:$0x1FAC0];
	v3 =	vsel vm0, v29, v30  }
0x28b: {  	v4 =	vsel vm0, v35, v34;
	v0 =	vadd.f32 v52, v0;
	v54 =	vmul.f32 v22, v51;
	v51 =	vld [tilespmem:$0x1FAE0]  }
0x28c: {  	v6 =	vcombine.low v4, v3;
	v52 =	vld [tilespmem:$0x1FAF0]  }
0x28d: {  	[tilespmem:$0x1F560] =	vst v24;
	v5 =	vor.u32 $0x60, v62;
	v0 =	vadd.f32 v54, v0;
	v54 =	vld [tilespmem:$0x1FB10]  }
0x28e: {  	[tilespmem:$0x1F590] =	vst v6;
	v56 =	vor.u32 v5, v17;
	v55 =	vmul.f32 v23, v53;
	v53 =	vld [tilespmem:$0x1FB00]  }
0x28f: {  	v24 =	vsel vm0, v39, v38;
	[tilespmem:$0x1F580] =	vst v5;
	v5 =	vor.u32 v6, v17;
	v6 =	vsel vm0, v37, v36  }
0x290: {  	[tilespmem:$0x1F510] =	vst v28;
	v26 =	vcombine.low v24, v6;
	v0 =	vadd.f32 v55, v0  }
0x291: {  	[tilespmem:$0x1F570] =	vst v25;
	v25 =	vsel vm0, v57, v45;
	v1 =	vsel vm0, v44, v41  }
0x292: {  	v28 =	vcombine.low v25, v1;
	v58 =	vor.u32 v26, v17;
	[tilespmem:s1+$0x80] =	vst v0  }
0x293: {  	[tilespmem:$0x1F5A0] =	vst v26;
	v26 =	vsel vm0, v52, v51;
	v2 =	vld.idx.msk [tilespmem:v56+s15+$0x0], $0xffff;
	v27 =	vsel vm0, v54, v53  }
0x294: {  	[tilespmem:$0x1F5B0] =	vst v28;
	v28 =	vor.u32 v28, v17;
	v5 =	vld.idx.msk [tilespmem:v5+s15+$0x0], $0xffff;
	v31 =	vcombine.low v27, v26  }
0x295: {  	v29 =	vsel vm0, v34, v29;
	v30 =	vsel vm0, v30, v35  }
0x296: {  	v34 =	vcombine.low v30, v29;
	[tilespmem:$0x1F5C0] =	vst v31;
	v31 =	vor.u32 v31, v17  }
0x297: {  	v47 =	vsel vm0, v38, v37;
	v48 =	vsel vm0, v36, v39;
	v0 =	vld.idx.msk [tilespmem:v58+s15+$0x0], $0xffff  }
0x298: {  	v57 =	vsel vm0, v41, v57;
	v38 =	vor.u32 v34, v17;
	v50 =	vcombine.low v48, v47  }
0x299: {  	v28 =	vld.idx.msk [tilespmem:v28+s15+$0x0], $0xffff;
	v56 =	vsel vm0, v45, v44;
	v2 =	vmul.f32 v7, v2;
	v5 =	vmul.f32 v8, v5  }
0x29a: {  	v55 =	vor.u32 v50, v17;
	v58 =	vcombine.low v57, v56  }
0x29b: {  	v35 =	vsel vm0, v51, v54;
	v2 =	vadd.f32 v5, v2;
	v5 =	vld.idx.msk [tilespmem:v31+s15+$0x0], $0xffff  }
0x29c: {  	v37 =	vor.u32 v58, v17;
	v0 =	vmul.f32 v9, v0;
	v31 =	vsel vm0, v53, v52  }
0x29d: {  	v36 =	vcombine.low v35, v31;
	v31 =	vld.idx.msk [tilespmem:v38+s15+$0x0], $0xffff  }
0x29e: {  	v0 =	vadd.f32 v0, v2;
	v38 =	vmul.f32 v10, v28  }
0x29f: {  	v39 =	vld.idx.msk [tilespmem:v55+s15+$0x0], $0xffff;
	v28 =	vcombine.low v3, v4;
	v4 =	vor.u32 v36, v17  }
0x2a0: {  	v0 =	vadd.f32 v38, v0;
	v41 =	vmul.f32 v11, v5  }
0x2a1: {  	v24 =	vcombine.low v6, v24;
	v6 =	vld.idx.msk [tilespmem:v37+s15+$0x0], $0xffff;
	v5 =	vor.u32 v28, v17  }
0x2a2: {  	v25 =	vcombine.low v1, v25;
	v42 =	vmul.f32 v12, v31;
	v0 =	vadd.f32 v41, v0  }
0x2a3: {  	v43 =	vor.u32 v24, v17  }
0x2a4: {  	[tilespmem:$0x1F630] =	vst v25;
	v44 =	vmul.f32 v13, v39;
	v45 =	vld.idx.msk [tilespmem:v4+s15+$0x0], $0xffff;
	v0 =	vadd.f32 v42, v0  }
0x2a5: {  	[tilespmem:$0x1F620] =	vst v24;
	v24 =	vcombine.low v26, v27;
	v4 =	vor.u32 v25, v17  }
0x2a6: {  	v25 =	vcombine.low v29, v30;
	v46 =	vld.idx.msk [tilespmem:v5+s15+$0x0], $0xffff;
	v5 =	vmul.f32 v14, v6;
	v0 =	vadd.f32 v44, v0  }
0x2a7: {  	v6 =	vor.u32 v24, v17  }
0x2a8: {  	[tilespmem:$0x1F5D0] =	vst v34;
	v1 =	vld.idx.msk [tilespmem:v43+s15+$0x0], $0xffff;
	v0 =	vadd.f32 v5, v0;
	v5 =	vor.u32 v25, v17  }
0x2a9: {  	v34 =	vld [tilespmem:$0x1FB30];
	[tilespmem:$0x1F640] =	vst v24;
	v24 =	vcombine.low v47, v48;
	v3 =	vmul.f32 v15, v45  }
0x2aa: {  	v48 =	vcombine.low v56, v57;
	v4 =	vld.idx.msk [tilespmem:v4+s15+$0x0], $0xffff  }
0x2ab: {  	v54 =	vld [tilespmem:$0x1FB40];
	[tilespmem:$0x1F660] =	vst v24;
	v24 =	vor.u32 v24, v17;
	v3 =	vadd.f32 v3, v0;
	v2 =	vmul.f32 v16, v46  }
0x2ac: {  	v6 =	vld.idx.msk [tilespmem:v6+s15+$0x0], $0xffff  }
0x2ad: {  	v1 =	vmul.f32 v18, v1;
	v2 =	vadd.f32 v2, v3;
	v49 =	vld.idx.msk [tilespmem:v5+s15+$0x0], $0xffff;
	v5 =	vor.u32 v48, v17  }
0x2ae: {  	v43 =	vld [tilespmem:$0x1FBD0]  }
0x2af: {  	[tilespmem:$0x1F5E0] =	vst v50;
	v39 =	vld [tilespmem:$0x1FB90];
	v50 =	vmul.f32 v19, v4;
	v1 =	vadd.f32 v1, v2  }
0x2b0: {  	v4 =	vld.idx.msk [tilespmem:v24+s15+$0x0], $0xffff  }
0x2b1: {  	v37 =	vld [tilespmem:$0x1FB70];
	v51 =	vmul.f32 v20, v6;
	v1 =	vadd.f32 v50, v1  }
0x2b2: {  	v53 =	vld.idx.msk [tilespmem:v5+s15+$0x0], $0xffff  }
0x2b3: {  	[tilespmem:$0x1F600] =	vst v36;
	v36 =	vld [tilespmem:$0x1FB50];
	v1 =	vadd.f32 v51, v1;
	v52 =	vmul.f32 v21, v49  }
0x2b4: {  	v38 =	vld [tilespmem:$0x1FB80]  }
0x2b5: {  	v41 =	vld [tilespmem:$0x1FBB0];
	v4 =	vmul.f32 v22, v4;
	v5 =	vadd.f32 v52, v1  }
0x2b6: {  	v55 =	vor.u32 $0x70, v62;
	v2 =	vld [tilespmem:$0x1FB20]  }
0x2b7: {  	v42 =	vld [tilespmem:$0x1FBC0];
	v4 =	vadd.f32 v4, v5;
	v5 =	vor.u32 v55, v17;
	v3 =	vmul.f32 v23, v53  }
0x2b8: {  	v44 =	vld [tilespmem:$0x1FBF0]  }
0x2b9: {  	v1 =	vld [tilespmem:$0x1FB60];
	v4 =	vadd.f32 v3, v4  }
0x2ba: {  	[tilespmem:$0x1F650] =	vst v25;
	v3 =	vld [tilespmem:$0x1FBA0]  }
0x2bb: {  	v25 =	vsel vm0, v36, v54;
	v24 =	vsel vm0, v34, v2;
	[tilespmem:s1+$0x100] =	vst v4;
	v4 =	vld [tilespmem:$0x1FBE0]  }
0x2bc: {  	v56 =	vcombine.low v25, v24;
	v31 =	vld.idx.msk [tilespmem:v5+s15+$0x0], $0xffff  }
0x2bd: {  	v5 =	vld [tilespmem:$0x1FFE0]  }
0x2be: {  	v27 =	vsel vm0, v39, v38;
	v6 =	vor.u32 v56, v17;
	v26 =	vsel vm0, v37, v1  }
0x2bf: {  	v57 =	vcombine.low v27, v26  }
0x2c0: {  	[tilespmem:$0x1F610] =	vst v28;
	v29 =	vsel vm0, v43, v42;
	v28 =	vsel vm0, v41, v3  }
0x2c1: {  	[tilespmem:$0x1F5F0] =	vst v58;
	v30 =	vor.u32 v57, v17;
	v58 =	vcombine.low v29, v28  }
0x2c2: {  	v33 =	vld [tilespmem:$0x1FC90];
	[tilespmem:$0x1F670] =	vst v48;
	v49 =	vsel vm0, v40, v44;
	v52 =	vsel vm0, v54, v34;
	v48 =	vsel vm0, v5, v4  }
0x2c3: {  	v53 =	vsel vm0, v2, v36;
	v50 =	vld.idx.msk [tilespmem:v6+s15+$0x0], $0xffff;
	v51 =	vor.u32 v58, v17;
	v45 =	vcombine.low v49, v48  }
0x2c4: {  	v32 =	vld [tilespmem:$0x1FC80];
	[tilespmem:$0x1F680] =	vst v55;
	v6 =	vcombine.low v53, v52  }
0x2c5: {  	v54 =	vld [tilespmem:$0x1FDD0];
	[tilespmem:$0x1F690] =	vst v56;
	v46 =	vor.u32 v45, v17  }
0x2c6: {  	v55 =	vsel vm0, v38, v37;
	v56 =	vsel vm0, v1, v39;
	v47 =	vor.u32 v6, v17;
	v30 =	vld.idx.msk [tilespmem:v30+s15+$0x0], $0xffff  }
0x2c7: {  	v34 =	vmovc v59;
	v59 =	vsel vm0, v3, v43;
	v43 =	vld [tilespmem:$0x1FD00];
	v31 =	vmul.f32 v7, v31;
	v7 =	vcombine.low v56, v55  }
0x2c8: {  	[tilespmem:$0x1F6B0] =	vst v58;
	v50 =	vmul.f32 v8, v50;
	v58 =	vsel vm0, v42, v41;
	v51 =	vld.idx.msk [tilespmem:v51+s15+$0x0], $0xffff  }
0x2c9: {  	v42 =	vld [tilespmem:$0x1FCF0];
	v8 =	vcombine.low v59, v58;
	v0 =	vor.u32 v7, v17  }
0x2ca: {  	v3 =	vsel vm0, v4, v40;
	v2 =	vsel vm0, v44, v5;
	v31 =	vadd.f32 v50, v31;
	v1 =	vld.idx.msk [tilespmem:v46+s15+$0x0], $0xffff  }
0x2cb: {  	v41 =	vld [tilespmem:$0x1FCE0];
	v37 =	vor.u32 v8, v17;
	v30 =	vmul.f32 v9, v30;
	v9 =	vcombine.low v3, v2  }
0x2cc: {  	[tilespmem:$0x1F6A0] =	vst v57;
	v57 =	vld.idx.msk [tilespmem:v47+s15+$0x0], $0xffff  }
0x2cd: {  	v44 =	vld [tilespmem:$0x1FD10];
	v30 =	vadd.f32 v30, v31;
	v38 =	vor.u32 v9, v17;
	v31 =	vmul.f32 v10, v51  }
0x2ce: {  	v10 =	vcombine.low v24, v25;
	v24 =	vld.idx.msk [tilespmem:v0+s15+$0x0], $0xffff  }
0x2cf: {  	v50 =	vld [tilespmem:$0x1FCC0];
	v25 =	vadd.f32 v31, v30;
	v30 =	vmul.f32 v11, v1  }
0x2d0: {  	v11 =	vcombine.low v26, v27;
	v26 =	vld.idx.msk [tilespmem:v37+s15+$0x0], $0xffff;
	v27 =	vor.u32 v10, v17  }
0x2d1: {  	v47 =	vld [tilespmem:$0x1FD60];
	v25 =	vadd.f32 v30, v25;
	v30 =	vmul.f32 v12, v57  }
0x2d2: {  	v12 =	vcombine.low v28, v29;
	v28 =	vld.idx.msk [tilespmem:v38+s15+$0x0], $0xffff;
	v29 =	vor.u32 v11, v17  }
0x2d3: {  	[tilespmem:$0x1F6C0] =	vst v45;
	v45 =	vld [tilespmem:$0x1FD20];
	v24 =	vmul.f32 v13, v24;
	v25 =	vadd.f32 v30, v25  }
0x2d4: {  	v46 =	vld [tilespmem:$0x1FD30];
	v13 =	vcombine.low v48, v49;
	v30 =	vor.u32 v12, v17  }
0x2d5: {  	v24 =	vadd.f32 v24, v25;
	v25 =	vmul.f32 v14, v26;
	v26 =	vld.idx.msk [tilespmem:v27+s15+$0x0], $0xffff  }
0x2d6: {  	v51 =	vld [tilespmem:$0x1FDB0];
	v14 =	vcombine.low v52, v53;
	v27 =	vor.u32 v13, v17  }
0x2d7: {  	v24 =	vadd.f32 v25, v24;
	v25 =	vmul.f32 v15, v28;
	v28 =	vld.idx.msk [tilespmem:v29+s15+$0x0], $0xffff  }
0x2d8: {  	v31 =	vld [tilespmem:$0x1FD80];
	v15 =	vcombine.low v55, v56;
	v29 =	vor.u32 v14, v17  }
0x2d9: {  	v24 =	vadd.f32 v25, v24;
	v25 =	vld.idx.msk [tilespmem:v30+s15+$0x0], $0xffff  }
0x2da: {  	v37 =	vld [tilespmem:$0x1FCA0];
	v30 =	vor.u32 v15, v17;
	v26 =	vmul.f32 v16, v26;
	v16 =	vcombine.low v58, v59  }
0x2db: {  	v27 =	vld.idx.msk [tilespmem:v27+s15+$0x0], $0xffff  }
0x2dc: {  	v57 =	vld [tilespmem:$0x1FE00];
	v24 =	vadd.f32 v26, v24;
	v18 =	vmul.f32 v18, v28;
	v17 =	vor.u32 v16, v17  }
0x2dd: {  	v26 =	vld.idx.msk [tilespmem:v29+s15+$0x0], $0xffff  }
0x2de: {  	v48 =	vld [tilespmem:$0x1FDA0];
	v18 =	vadd.f32 v18, v24;
	v19 =	vmul.f32 v19, v25  }
0x2df: {  	v24 =	vld.idx.msk [tilespmem:v30+s15+$0x0], $0xffff  }
0x2e0: {  	v38 =	vld [tilespmem:$0x1FCB0];
	v18 =	vadd.f32 v19, v18;
	v19 =	vmul.f32 v20, v27  }
0x2e1: {  	v17 =	vld.idx.msk [tilespmem:v17+s15+$0x0], $0xffff  }
0x2e2: {  	v49 =	vld [tilespmem:$0x1FCD0];
	v18 =	vadd.f32 v19, v18;
	v19 =	vmul.f32 v21, v26  }
0x2e3: {  	v53 =	vld [tilespmem:$0x1FDC0]  }
0x2e4: {  	v52 =	vld [tilespmem:$0x1FD90];
	v18 =	vadd.f32 v19, v18;
	v19 =	vmul.f32 v22, v24  }
0x2e5: {  	p0 =	sne.s32 s0, $0x70;
	v56 =	vld [tilespmem:$0x1FDF0]  }
.Ltmp2:
0x2e6: {  	v55 =	vld [tilespmem:$0x1FDE0];
	v18 =	vadd.f32 v19, v18;
	v17 =	vmul.f32 v23, v17;
	(pc) =	sbr.rel @p0 .LBB2_3-.Ltmp2, $4  }
0x2e7: {  	v58 =	vld [tilespmem:$0x1FE10]  }
0x2e8: {  	v20 =	vld [tilespmem:$0x1FD40];
	v17 =	vadd.f32 v17, v18  }
0x2e9: {  	v35 =	vmov v60;
	v36 =	vmov v61;
	v26 =	vld [tilespmem:$0x1FD70]  }
0x2ea: {  	s0 =	sadd.s32 $0x10, s0;
	v60 =	vmov v35;
	v61 =	vmov v36;
	v59 =	vmov v34;
	v23 =	vld [tilespmem:$0x1FD50];
	[tilespmem:s1+$0x180] =	vst v17;
	s1 =	sadd.s32 $0x10, s1  }
0x2eb: {  	s0 =	sadd.s32 s4, s30;
	p0 =	seq.s32 s29, $0x1F  }
0x2ec: {  	s0 =	sshll.u32 s0, $0x7;
	s1 =	sadd.s32 @!p0 s30, s9  }
0x2ed: {  	s0 =	sadd.s32 s2, s0;
	s1 =	smul.u32 @!p0 $0x110, s1  }
0x2ee: {  	[hbm4b:s0+s3] =	stream.linear.scatter [tilespmem:s18], [sflag:$0x5], $0x400, $0x38;
	[tilespmem:$0x9900] =	vst v63  }
0x2ef: {  	s0 =	sadd.s32 @!p0 s5, s1;
	s1 =	simm.s32 @!p0 $0x0  }
0x2f0: {  	[tilespmem:s1], [sflag:$0x1] =	stream.linear.gather @!p0 [hbm4b:s0+s1], $0x880, $0x38;
	[tilespmem:$0x9900] =	vst v63  }
0x2f1: {  	_ =	swait.ge [sflag:s19], $0x880  }
0x2f2: {  	[sflag:s19] =	ssyncset.done $0x0  }
0x2f3: {  	[sflag:s19] =	ssyncadd.s32 $0xFFFFF780  }
0x2f4: {  	[tilespmem:s20], [sflag:$0x4] =	stream.indirect.gather [hbm4b:s6+s14], $0x80, s12, s14, $0xb8;
	[tilespmem:$0x9900] =	vst v63  }
0x2f5: {  	_ = 	snop  }
0x2f6: {  	[tilespmem:s22], [sflag:$0x4] =	stream.indirect.gather [hbm4b:s6+s14], $0x80, s21, s14, $0xb8;
	[tilespmem:$0x9900] =	vst v63  }
0x2f7: {  	_ =	swait.ge [sflag:s23], $0x2000  }
0x2f8: {  	[sflag:s23] =	ssyncset.done $0x0  }
0x2f9: {  	[sflag:s23] =	ssyncadd.s32 $0xFFFFE000  }
0x2fa: {  	_ =	swait.ge [sflag:s23], $0x2000  }
0x2fb: {  	v0 =	vld [tilespmem:$0x1FC00];
	_ =	sdelay $0x1  }
0x2fc: {  	s11 =	simm.s32 $0x0  }
0x2fd: {  	v17 =	vmov s11  }
0x2fe: {  	v19 =	vor.u32 s11, v32;
	v17 =	vshll.u32 v17, $0x7;
	[sflag:s23] =	ssyncset.done $0x0  }
0x2ff: {  	v18 =	vor.u32 s11, v63;
	s1 =	simm.s32 @!p1 $0x6;
	[sflag:s23] =	ssyncadd.s32 $0xFFFFE000;
	v22 =	vor.u32 v0, v17  }
0x300: {  	_ =	swait.ge @!p1 [sflag:s1], $0x400;
	v17 =	vor.u32 v62, v22  }
0x301: {  	[sflag:s1] =	ssyncset.done @!p1 $0x0;
	v20 =	vor.u32 v20, v22  }
0x302: {  	v21 =	vor.u32 s11, v33;
	[sflag:s1] =	ssyncadd.s32 @!p1 $0xFFFFFC00  }
0x303: {  	v24 =	vld.idx.msk [tilespmem:v19+s12+$0x0], $0xffff;
	v25 =	vor.u32 v23, v22  }
0x304: {  	v23 =	vld.idx.msk [tilespmem:v18+s12+$0x0], $0xffff;
	v18 =	vor.u32 s11, v59  }
0x305: {  	v19 =	vor.u32 v47, v22;
	v17 =	vld.idx.msk [tilespmem:v17+s20+$0x0], $0xffff  }
0x306: {  	v27 =	vor.u32 s11, v60;
	v20 =	vld.idx.msk [tilespmem:v20+s20+$0x0], $0xffff  }
0x307: {  	v28 =	vld.idx.msk [tilespmem:v21+s12+$0x0], $0xffff;
	v29 =	vor.u32 v26, v22  }
0x308: {  	v21 =	vor.u32 s11, v61;
	v30 =	vld.idx.msk [tilespmem:v25+s20+$0x0], $0xffff  }
0x309: {  	v3 =	vmov v31;
	v31 =	vor.u32 v31, v22;
	v26 =	vld.idx.msk [tilespmem:v18+s12+$0x0], $0xffff  }
0x30a: {  	v40 =	vmov v48;
	v18 =	vld.idx.msk [tilespmem:v19+s20+$0x0], $0xffff;
	v19 =	vor.u32 s11, v37  }
0x30b: {  	v48 =	vor.u32 v48, v22;
	v25 =	vld.idx.msk [tilespmem:v27+s12+$0x0], $0xffff;
	v17 =	vmul.f32 v23, v17;
	v20 =	vmul.f32 v24, v20  }
0x30c: {  	v47 =	vor.u32 v51, v22;
	v0 =	vld.idx.msk [tilespmem:v29+s20+$0x0], $0xffff  }
0x30d: {  	v1 =	vor.u32 s11, v38;
	v29 =	vld.idx.msk [tilespmem:v21+s12+$0x0], $0xffff;
	v21 =	vmul.f32 v28, v30;
	v17 =	vadd.f32 v20, v17  }
0x30e: {  	v4 =	vmov v52;
	v52 =	vor.u32 v52, v22;
	v20 =	vld.idx.msk [tilespmem:v31+s20+$0x0], $0xffff  }
0x30f: {  	v27 =	vld.idx.msk [tilespmem:v19+s12+$0x0], $0xffff;
	v18 =	vmul.f32 v26, v18;
	v31 =	vor.u32 s11, v50;
	v17 =	vadd.f32 v21, v17  }
0x310: {  	v5 =	vmov v53;
	v53 =	vor.u32 v53, v22;
	v19 =	vor.u32 s11, v49;
	v21 =	vld.idx.msk [tilespmem:v48+s20+$0x0], $0xffff  }
0x311: {  	v37 =	vmov v38;
	v38 =	vld.idx.msk [tilespmem:v47+s20+$0x0], $0xffff;
	v17 =	vadd.f32 v18, v17;
	v18 =	vmul.f32 v25, v0  }
0x312: {  	v30 =	vld.idx.msk [tilespmem:v1+s12+$0x0], $0xffff  }
0x313: {  	v52 =	vld.idx.msk [tilespmem:v52+s20+$0x0], $0xffff;
	v20 =	vmul.f32 v29, v20;
	v17 =	vadd.f32 v18, v17  }
0x314: {  	v47 =	vor.u32 v54, v22;
	v31 =	vld.idx.msk [tilespmem:v31+s12+$0x0], $0xffff  }
0x315: {  	v48 =	vld.idx.msk [tilespmem:v19+s12+$0x0], $0xffff;
	v18 =	vor.u32 s11, v42;
	v19 =	vmul.f32 v27, v21;
	v17 =	vadd.f32 v20, v17  }
0x316: {  	v21 =	vld.idx.msk [tilespmem:v53+s20+$0x0], $0xffff;
	v20 =	vor.u32 s11, v43  }
0x317: {  	v50 =	vmul.f32 v30, v38;
	v53 =	vor.u32 v56, v22;
	v19 =	vadd.f32 v19, v17;
	_ =	sdelay $0x1  }
0x318: {  	v39 =	vmov v51;
	v51 =	vld.idx.msk [tilespmem:v47+s20+$0x0], $0xffff;
	v47 =	vmul.f32 v31, v52;
	v19 =	vadd.f32 v50, v19  }
0x319: {  	v49 =	vor.u32 s11, v41;
	v0 =	vmov v54;
	v17 =	vld.idx.msk [tilespmem:v18+s12+$0x0], $0xffff  }
0x31a: {  	v54 =	vor.u32 v55, v22;
	v18 =	vld.idx.msk [tilespmem:v20+s12+$0x0], $0xffff;
	v20 =	vmul.f32 v48, v21;
	v19 =	vadd.f32 v47, v19  }
0x31b: {  	v2 =	vmovc v57;
	v1 =	vmov v56;
	v56 =	vor.u32 v57, v22;
	v57 =	vor.u32 v58, v22;
	v50 =	vld.idx.msk [tilespmem:v53+s20+$0x0], $0xffff  }
0x31c: {  	v52 =	vor.u32 s11, v45;
	v53 =	vadd.f32 v20, v19;
	v19 =	vld [tilespmem:$0x1F6D0]  }
0x31d: {  	v38 =	vmov v55;
	v55 =	vor.u32 s11, v44  }
0x31e: {  	v49 =	vld.idx.msk [tilespmem:v49+s12+$0x0], $0xffff  }
0x31f: {  	v54 =	vld.idx.msk [tilespmem:v54+s20+$0x0], $0xffff  }
0x320: {  	v57 =	vld.idx.msk [tilespmem:v57+s20+$0x0], $0xffff;
	v21 =	vor.u32 s11, v46  }
0x321: {  	v47 =	vmov v58;
	v20 =	vld.idx.msk [tilespmem:v52+s12+$0x0], $0xffff;
	v58 =	vor.u32 v19, v22  }
0x322: {  	v19 =	vld.idx.msk [tilespmem:v55+s12+$0x0], $0xffff  }
0x323: {  	v51 =	vmul.f32 v49, v51;
	v55 =	vld.idx.msk [tilespmem:v56+s20+$0x0], $0xffff;
	_ =	sdelay $0x1  }
0x324: {  	v51 =	vadd.f32 v51, v53;
	v21 =	vld.idx.msk [tilespmem:v21+s12+$0x0], $0xffff;
	v56 =	vmul.f32 v17, v54  }
0x325: {  	v58 =	vld.idx.msk [tilespmem:v58+s20+$0x0], $0xffff  }
0x326: {  	v50 =	vmul.f32 v18, v50;
	v51 =	vadd.f32 v56, v51  }
0x327: {  	v54 =	vmul.f32 v19, v55;
	v55 =	vmul.f32 v20, v57;
	v57 =	vld [tilespmem:$0x1FC10]  }
0x328: {  	v50 =	vadd.f32 v50, v51;
	_ =	sdelay $0x1  }
0x329: {  	v50 =	vadd.f32 v54, v50;
	v56 =	vmul.f32 v21, v58;
	v58 =	vld [tilespmem:$0x1FC40];
	_ =	sdelay $0x1  }
0x32a: {  	v50 =	vadd.f32 v55, v50;
	v55 =	vld [tilespmem:$0x1FC70];
	v52 =	vor.u32 v57, v22;
	_ =	sdelay $0x1  }
0x32b: {  	v50 =	vadd.f32 v56, v50;
	v56 =	vld [tilespmem:$0x1F0B0]  }
0x32c: {  	s31 =	simm.s32 $0x9700;
	v53 =	vor.u32 v58, v22  }
0x32d: {  	v57 =	vld [tilespmem:$0x1F0C0];
	[tilespmem:s31+$0xFFFFFE00] =	vst v50  }
0x32e: {  	v51 =	vor.u32 v55, v22;
	v50 =	vld.idx.msk [tilespmem:v52+s20+$0x0], $0xffff  }
0x32f: {  	v58 =	vld [tilespmem:$0x1F0D0]  }
0x330: {  	v52 =	vor.u32 v56, v22;
	v56 =	vld [tilespmem:$0x1F0E0]  }
0x331: {  	v53 =	vld.idx.msk [tilespmem:v53+s20+$0x0], $0xffff  }
0x332: {  	v54 =	vor.u32 v57, v22  }
0x333: {  	v51 =	vld.idx.msk [tilespmem:v51+s20+$0x0], $0xffff  }
0x334: {  	v55 =	vor.u32 v58, v22  }
0x335: {  	v52 =	vld.idx.msk [tilespmem:v52+s20+$0x0], $0xffff;
	v56 =	vor.u32 v56, v22  }
0x336: {  	v57 =	vld [tilespmem:$0x1F0F0];
	v50 =	vmul.f32 v23, v50;
	v53 =	vmul.f32 v24, v53  }
0x337: {  	v54 =	vld.idx.msk [tilespmem:v54+s20+$0x0], $0xffff  }
0x338: {  	v58 =	vld [tilespmem:$0x1F100];
	v51 =	vmul.f32 v28, v51;
	v50 =	vadd.f32 v53, v50  }
0x339: {  	v55 =	vld.idx.msk [tilespmem:v55+s20+$0x0], $0xffff  }
0x33a: {  	v52 =	vmul.f32 v26, v52;
	v56 =	vld.idx.msk [tilespmem:v56+s20+$0x0], $0xffff;
	v50 =	vadd.f32 v51, v50  }
0x33b: {  	v53 =	vor.u32 v57, v22;
	v57 =	vld [tilespmem:$0x1F110]  }
0x33c: {  	v54 =	vmul.f32 v25, v54;
	v50 =	vadd.f32 v52, v50  }
0x33d: {  	v51 =	vor.u32 v58, v22;
	v58 =	vld [tilespmem:$0x1F120]  }
0x33e: {  	v55 =	vmul.f32 v29, v55;
	v50 =	vadd.f32 v54, v50;
	_ =	sdelay $0x1  }
0x33f: {  	v52 =	vor.u32 v57, v22;
	v57 =	vld [tilespmem:$0x1F130];
	v56 =	vmul.f32 v27, v56;
	v50 =	vadd.f32 v55, v50  }
0x340: {  	v53 =	vld.idx.msk [tilespmem:v53+s20+$0x0], $0xffff  }
0x341: {  	v54 =	vor.u32 v58, v22;
	v50 =	vadd.f32 v56, v50;
	v56 =	vld [tilespmem:$0x1F140]  }
0x342: {  	v58 =	vld [tilespmem:$0x1F150]  }
0x343: {  	v51 =	vld.idx.msk [tilespmem:v51+s20+$0x0], $0xffff  }
0x344: {  	v55 =	vor.u32 v57, v22;
	v52 =	vld.idx.msk [tilespmem:v52+s20+$0x0], $0xffff  }
0x345: {  	v53 =	vmul.f32 v30, v53;
	v57 =	vld [tilespmem:$0x1F160]  }
0x346: {  	v54 =	vld.idx.msk [tilespmem:v54+s20+$0x0], $0xffff;
	v56 =	vor.u32 v56, v22  }
0x347: {  	v50 =	vadd.f32 v53, v50;
	v53 =	vor.u32 v58, v22;
	v58 =	vld [tilespmem:$0x1F170]  }
0x348: {  	v51 =	vmul.f32 v31, v51  }
0x349: {  	v55 =	vld.idx.msk [tilespmem:v55+s20+$0x0], $0xffff  }
0x34a: {  	v50 =	vadd.f32 v51, v50;
	v51 =	vor.u32 v57, v22;
	v52 =	vmul.f32 v48, v52  }
0x34b: {  	v56 =	vld.idx.msk [tilespmem:v56+s20+$0x0], $0xffff  }
0x34c: {  	v50 =	vadd.f32 v52, v50;
	v52 =	vor.u32 v58, v22;
	v54 =	vmul.f32 v49, v54  }
0x34d: {  	v53 =	vld.idx.msk [tilespmem:v53+s20+$0x0], $0xffff  }
0x34e: {  	v50 =	vadd.f32 v54, v50;
	v57 =	vmul.f32 v17, v55  }
0x34f: {  	v51 =	vld.idx.msk [tilespmem:v51+s20+$0x0], $0xffff  }
0x350: {  	v50 =	vadd.f32 v57, v50;
	v58 =	vmul.f32 v18, v56  }
0x351: {  	v52 =	vld.idx.msk [tilespmem:v52+s20+$0x0], $0xffff  }
0x352: {  	v53 =	vmul.f32 v19, v53;
	v57 =	vld [tilespmem:$0x1F180];
	v50 =	vadd.f32 v58, v50  }
0x353: {  	v58 =	vld [tilespmem:$0x1F190]  }
0x354: {  	v51 =	vmul.f32 v20, v51;
	v50 =	vadd.f32 v53, v50;
	_ =	sdelay $0x1  }
0x355: {  	v55 =	vld [tilespmem:$0x1F1A0];
	v56 =	vmul.f32 v21, v52;
	v50 =	vadd.f32 v51, v50  }
0x356: {  	v52 =	vor.u32 v57, v22  }
0x357: {  	v53 =	vor.u32 v58, v22;
	v50 =	vadd.f32 v56, v50;
	v56 =	vld [tilespmem:$0x1F1B0];
	_ =	sdelay $0x1  }
0x358: {  	v57 =	vld [tilespmem:$0x1F1C0]  }
0x359: {  	v51 =	vor.u32 v55, v22;
	v58 =	vld [tilespmem:$0x1F1D0];
	[tilespmem:s31+$0xFFFFFE80] =	vst v50  }
0x35a: {  	v50 =	vld.idx.msk [tilespmem:v52+s20+$0x0], $0xffff  }
0x35b: {  	v53 =	vld.idx.msk [tilespmem:v53+s20+$0x0], $0xffff;
	v52 =	vor.u32 v56, v22  }
0x35c: {  	v56 =	vld [tilespmem:$0x1F1E0]  }
0x35d: {  	v54 =	vor.u32 v57, v22  }
0x35e: {  	v51 =	vld.idx.msk [tilespmem:v51+s20+$0x0], $0xffff  }
0x35f: {  	v57 =	vld [tilespmem:$0x1F1F0];
	v55 =	vor.u32 v58, v22  }
0x360: {  	v52 =	vld.idx.msk [tilespmem:v52+s20+$0x0], $0xffff  }
0x361: {  	v50 =	vmul.f32 v23, v50;
	v53 =	vmul.f32 v24, v53;
	v56 =	vor.u32 v56, v22  }
0x362: {  	v54 =	vld.idx.msk [tilespmem:v54+s20+$0x0], $0xffff  }
0x363: {  	v58 =	vld [tilespmem:$0x1F200];
	v51 =	vmul.f32 v28, v51;
	v50 =	vadd.f32 v53, v50  }
0x364: {  	v55 =	vld.idx.msk [tilespmem:v55+s20+$0x0], $0xffff  }
0x365: {  	v53 =	vor.u32 v57, v22;
	v57 =	vld [tilespmem:$0x1F210];
	v50 =	vadd.f32 v51, v50;
	v52 =	vmul.f32 v26, v52  }
0x366: {  	v56 =	vld.idx.msk [tilespmem:v56+s20+$0x0], $0xffff  }
0x367: {  	v54 =	vmul.f32 v25, v54;
	v50 =	vadd.f32 v52, v50  }
0x368: {  	v51 =	vor.u32 v58, v22;
	v58 =	vld [tilespmem:$0x1F220]  }
0x369: {  	v55 =	vmul.f32 v29, v55;
	v50 =	vadd.f32 v54, v50;
	_ =	sdelay $0x1  }
0x36a: {  	v52 =	vor.u32 v57, v22;
	v57 =	vld [tilespmem:$0x1F230];
	v56 =	vmul.f32 v27, v56;
	v50 =	vadd.f32 v55, v50  }
0x36b: {  	v53 =	vld.idx.msk [tilespmem:v53+s20+$0x0], $0xffff  }
0x36c: {  	v54 =	vor.u32 v58, v22;
	v50 =	vadd.f32 v56, v50;
	v56 =	vld [tilespmem:$0x1F240]  }
0x36d: {  	v58 =	vld [tilespmem:$0x1F250]  }
0x36e: {  	v51 =	vld.idx.msk [tilespmem:v51+s20+$0x0], $0xffff  }
0x36f: {  	v55 =	vor.u32 v57, v22;
	v52 =	vld.idx.msk [tilespmem:v52+s20+$0x0], $0xffff  }
0x370: {  	v53 =	vmul.f32 v30, v53;
	v57 =	vld [tilespmem:$0x1F260]  }
0x371: {  	v54 =	vld.idx.msk [tilespmem:v54+s20+$0x0], $0xffff;
	v56 =	vor.u32 v56, v22  }
0x372: {  	v50 =	vadd.f32 v53, v50;
	v53 =	vor.u32 v58, v22;
	v58 =	vld [tilespmem:$0x1F270]  }
0x373: {  	v51 =	vmul.f32 v31, v51  }
0x374: {  	v55 =	vld.idx.msk [tilespmem:v55+s20+$0x0], $0xffff  }
0x375: {  	v50 =	vadd.f32 v51, v50;
	v51 =	vor.u32 v57, v22;
	v52 =	vmul.f32 v48, v52  }
0x376: {  	v56 =	vld.idx.msk [tilespmem:v56+s20+$0x0], $0xffff  }
0x377: {  	v50 =	vadd.f32 v52, v50;
	v54 =	vmul.f32 v49, v54;
	v52 =	vor.u32 v58, v22  }
0x378: {  	v53 =	vld.idx.msk [tilespmem:v53+s20+$0x0], $0xffff  }
0x379: {  	v50 =	vadd.f32 v54, v50;
	v57 =	vmul.f32 v17, v55  }
0x37a: {  	v51 =	vld.idx.msk [tilespmem:v51+s20+$0x0], $0xffff  }
0x37b: {  	v50 =	vadd.f32 v57, v50;
	v58 =	vmul.f32 v18, v56  }
0x37c: {  	v52 =	vld.idx.msk [tilespmem:v52+s20+$0x0], $0xffff  }
0x37d: {  	v57 =	vld [tilespmem:$0x1F280];
	v53 =	vmul.f32 v19, v53;
	v50 =	vadd.f32 v58, v50  }
0x37e: {  	v58 =	vld [tilespmem:$0x1F290]  }
0x37f: {  	v51 =	vmul.f32 v20, v51;
	v50 =	vadd.f32 v53, v50;
	_ =	sdelay $0x1  }
0x380: {  	v55 =	vld [tilespmem:$0x1F2A0];
	v56 =	vmul.f32 v21, v52;
	v50 =	vadd.f32 v51, v50  }
0x381: {  	v52 =	vor.u32 v57, v22  }
0x382: {  	v53 =	vor.u32 v58, v22;
	v50 =	vadd.f32 v56, v50;
	v56 =	vld [tilespmem:$0x1F2B0];
	_ =	sdelay $0x1  }
0x383: {  	v57 =	vld [tilespmem:$0x1F2C0]  }
0x384: {  	v51 =	vor.u32 v55, v22;
	v58 =	vld [tilespmem:$0x1F2D0];
	[tilespmem:s31+$0xFFFFFF00] =	vst v50  }
0x385: {  	v50 =	vld.idx.msk [tilespmem:v52+s20+$0x0], $0xffff  }
0x386: {  	v53 =	vld.idx.msk [tilespmem:v53+s20+$0x0], $0xffff;
	v52 =	vor.u32 v56, v22  }
0x387: {  	v56 =	vld [tilespmem:$0x1F2E0]  }
0x388: {  	v54 =	vor.u32 v57, v22  }
0x389: {  	v51 =	vld.idx.msk [tilespmem:v51+s20+$0x0], $0xffff  }
0x38a: {  	v57 =	vld [tilespmem:$0x1F2F0];
	v55 =	vor.u32 v58, v22  }
0x38b: {  	v52 =	vld.idx.msk [tilespmem:v52+s20+$0x0], $0xffff  }
0x38c: {  	v50 =	vmul.f32 v23, v50;
	v53 =	vmul.f32 v24, v53;
	v56 =	vor.u32 v56, v22  }
0x38d: {  	v54 =	vld.idx.msk [tilespmem:v54+s20+$0x0], $0xffff  }
0x38e: {  	v58 =	vld [tilespmem:$0x1F300];
	v51 =	vmul.f32 v28, v51;
	v50 =	vadd.f32 v53, v50  }
0x38f: {  	v55 =	vld.idx.msk [tilespmem:v55+s20+$0x0], $0xffff  }
0x390: {  	v53 =	vor.u32 v57, v22;
	v57 =	vld [tilespmem:$0x1F310];
	v50 =	vadd.f32 v51, v50;
	v52 =	vmul.f32 v26, v52  }
0x391: {  	v56 =	vld.idx.msk [tilespmem:v56+s20+$0x0], $0xffff  }
0x392: {  	v54 =	vmul.f32 v25, v54;
	v50 =	vadd.f32 v52, v50  }
0x393: {  	v51 =	vor.u32 v58, v22;
	v58 =	vld [tilespmem:$0x1F320]  }
0x394: {  	v55 =	vmul.f32 v29, v55;
	v50 =	vadd.f32 v54, v50;
	_ =	sdelay $0x1  }
0x395: {  	v52 =	vor.u32 v57, v22;
	v57 =	vld [tilespmem:$0x1F330];
	v56 =	vmul.f32 v27, v56;
	v50 =	vadd.f32 v55, v50  }
0x396: {  	v53 =	vld.idx.msk [tilespmem:v53+s20+$0x0], $0xffff  }
0x397: {  	v54 =	vor.u32 v58, v22;
	v50 =	vadd.f32 v56, v50;
	v56 =	vld [tilespmem:$0x1F340]  }
0x398: {  	v58 =	vld [tilespmem:$0x1F350]  }
0x399: {  	v51 =	vld.idx.msk [tilespmem:v51+s20+$0x0], $0xffff  }
0x39a: {  	v55 =	vor.u32 v57, v22;
	v52 =	vld.idx.msk [tilespmem:v52+s20+$0x0], $0xffff  }
0x39b: {  	v53 =	vmul.f32 v30, v53;
	v57 =	vld [tilespmem:$0x1F360]  }
0x39c: {  	v54 =	vld.idx.msk [tilespmem:v54+s20+$0x0], $0xffff;
	v56 =	vor.u32 v56, v22  }
0x39d: {  	v50 =	vadd.f32 v53, v50;
	v53 =	vor.u32 v58, v22;
	v58 =	vld [tilespmem:$0x1F370]  }
0x39e: {  	v51 =	vmul.f32 v31, v51  }
0x39f: {  	v55 =	vld.idx.msk [tilespmem:v55+s20+$0x0], $0xffff  }
0x3a0: {  	v50 =	vadd.f32 v51, v50;
	v51 =	vor.u32 v57, v22;
	v52 =	vmul.f32 v48, v52  }
0x3a1: {  	v56 =	vld.idx.msk [tilespmem:v56+s20+$0x0], $0xffff  }
0x3a2: {  	v50 =	vadd.f32 v52, v50;
	v54 =	vmul.f32 v49, v54;
	v52 =	vor.u32 v58, v22  }
0x3a3: {  	v53 =	vld.idx.msk [tilespmem:v53+s20+$0x0], $0xffff  }
0x3a4: {  	v50 =	vadd.f32 v54, v50;
	v57 =	vmul.f32 v17, v55  }
0x3a5: {  	v51 =	vld.idx.msk [tilespmem:v51+s20+$0x0], $0xffff  }
0x3a6: {  	v50 =	vadd.f32 v57, v50;
	v58 =	vmul.f32 v18, v56  }
0x3a7: {  	v52 =	vld.idx.msk [tilespmem:v52+s20+$0x0], $0xffff  }
0x3a8: {  	v57 =	vld [tilespmem:$0x1F380];
	v53 =	vmul.f32 v19, v53;
	v50 =	vadd.f32 v58, v50  }
0x3a9: {  	v58 =	vld [tilespmem:$0x1F390]  }
0x3aa: {  	v51 =	vmul.f32 v20, v51;
	v50 =	vadd.f32 v53, v50;
	_ =	sdelay $0x1  }
0x3ab: {  	v55 =	vld [tilespmem:$0x1F3A0];
	v56 =	vmul.f32 v21, v52;
	v50 =	vadd.f32 v51, v50  }
0x3ac: {  	v52 =	vor.u32 v57, v22  }
0x3ad: {  	v53 =	vor.u32 v58, v22;
	v50 =	vadd.f32 v56, v50;
	v56 =	vld [tilespmem:$0x1F3B0];
	_ =	sdelay $0x1  }
0x3ae: {  	v57 =	vld [tilespmem:$0x1F3C0]  }
0x3af: {  	v51 =	vor.u32 v55, v22;
	v58 =	vld [tilespmem:$0x1F3D0];
	[tilespmem:s31+$0xFFFFFF80] =	vst v50  }
0x3b0: {  	v50 =	vld.idx.msk [tilespmem:v52+s20+$0x0], $0xffff  }
0x3b1: {  	v53 =	vld.idx.msk [tilespmem:v53+s20+$0x0], $0xffff;
	v52 =	vor.u32 v56, v22  }
0x3b2: {  	v56 =	vld [tilespmem:$0x1F3E0]  }
0x3b3: {  	v54 =	vor.u32 v57, v22  }
0x3b4: {  	v51 =	vld.idx.msk [tilespmem:v51+s20+$0x0], $0xffff  }
0x3b5: {  	v57 =	vld [tilespmem:$0x1F3F0];
	v55 =	vor.u32 v58, v22  }
0x3b6: {  	v52 =	vld.idx.msk [tilespmem:v52+s20+$0x0], $0xffff  }
0x3b7: {  	v50 =	vmul.f32 v23, v50;
	v53 =	vmul.f32 v24, v53;
	v56 =	vor.u32 v56, v22  }
0x3b8: {  	v54 =	vld.idx.msk [tilespmem:v54+s20+$0x0], $0xffff  }
0x3b9: {  	v58 =	vld [tilespmem:$0x1F400];
	v51 =	vmul.f32 v28, v51;
	v50 =	vadd.f32 v53, v50  }
0x3ba: {  	v55 =	vld.idx.msk [tilespmem:v55+s20+$0x0], $0xffff  }
0x3bb: {  	v53 =	vor.u32 v57, v22;
	v57 =	vld [tilespmem:$0x1F410];
	v50 =	vadd.f32 v51, v50;
	v52 =	vmul.f32 v26, v52  }
0x3bc: {  	v56 =	vld.idx.msk [tilespmem:v56+s20+$0x0], $0xffff  }
0x3bd: {  	v54 =	vmul.f32 v25, v54;
	v50 =	vadd.f32 v52, v50  }
0x3be: {  	v51 =	vor.u32 v58, v22;
	v58 =	vld [tilespmem:$0x1F420]  }
0x3bf: {  	v55 =	vmul.f32 v29, v55;
	v50 =	vadd.f32 v54, v50;
	_ =	sdelay $0x1  }
0x3c0: {  	v52 =	vor.u32 v57, v22;
	v57 =	vld [tilespmem:$0x1F430];
	v56 =	vmul.f32 v27, v56;
	v50 =	vadd.f32 v55, v50  }
0x3c1: {  	v53 =	vld.idx.msk [tilespmem:v53+s20+$0x0], $0xffff  }
0x3c2: {  	v54 =	vor.u32 v58, v22;
	v50 =	vadd.f32 v56, v50;
	v56 =	vld [tilespmem:$0x1F440]  }
0x3c3: {  	v58 =	vld [tilespmem:$0x1F450]  }
0x3c4: {  	v51 =	vld.idx.msk [tilespmem:v51+s20+$0x0], $0xffff  }
0x3c5: {  	v55 =	vor.u32 v57, v22;
	v52 =	vld.idx.msk [tilespmem:v52+s20+$0x0], $0xffff  }
0x3c6: {  	v53 =	vmul.f32 v30, v53;
	v57 =	vld [tilespmem:$0x1F460]  }
0x3c7: {  	v54 =	vld.idx.msk [tilespmem:v54+s20+$0x0], $0xffff;
	v56 =	vor.u32 v56, v22  }
0x3c8: {  	v50 =	vadd.f32 v53, v50;
	v53 =	vor.u32 v58, v22;
	v58 =	vld [tilespmem:$0x1F470]  }
0x3c9: {  	v51 =	vmul.f32 v31, v51  }
0x3ca: {  	v55 =	vld.idx.msk [tilespmem:v55+s20+$0x0], $0xffff  }
0x3cb: {  	v50 =	vadd.f32 v51, v50;
	v51 =	vor.u32 v57, v22;
	v52 =	vmul.f32 v48, v52  }
0x3cc: {  	v56 =	vld.idx.msk [tilespmem:v56+s20+$0x0], $0xffff  }
0x3cd: {  	v50 =	vadd.f32 v52, v50;
	v54 =	vmul.f32 v49, v54;
	v52 =	vor.u32 v58, v22  }
0x3ce: {  	v53 =	vld.idx.msk [tilespmem:v53+s20+$0x0], $0xffff  }
0x3cf: {  	v50 =	vadd.f32 v54, v50;
	v57 =	vmul.f32 v17, v55  }
0x3d0: {  	v51 =	vld.idx.msk [tilespmem:v51+s20+$0x0], $0xffff  }
0x3d1: {  	v50 =	vadd.f32 v57, v50;
	v58 =	vmul.f32 v18, v56  }
0x3d2: {  	v52 =	vld.idx.msk [tilespmem:v52+s20+$0x0], $0xffff  }
0x3d3: {  	v57 =	vld [tilespmem:$0x1F480];
	v53 =	vmul.f32 v19, v53;
	v50 =	vadd.f32 v58, v50  }
0x3d4: {  	v58 =	vld [tilespmem:$0x1F490]  }
0x3d5: {  	v51 =	vmul.f32 v20, v51;
	v50 =	vadd.f32 v53, v50;
	_ =	sdelay $0x1  }
0x3d6: {  	v55 =	vld [tilespmem:$0x1F4A0];
	v56 =	vmul.f32 v21, v52;
	v50 =	vadd.f32 v51, v50  }
0x3d7: {  	v52 =	vor.u32 v57, v22  }
0x3d8: {  	v53 =	vor.u32 v58, v22;
	v50 =	vadd.f32 v56, v50;
	v56 =	vld [tilespmem:$0x1F4B0];
	_ =	sdelay $0x1  }
0x3d9: {  	v57 =	vld [tilespmem:$0x1F4C0]  }
0x3da: {  	v51 =	vor.u32 v55, v22;
	v58 =	vld [tilespmem:$0x1F4D0];
	[tilespmem:s31+$0x0] =	vst v50  }
0x3db: {  	v52 =	vld.idx.msk [tilespmem:v52+s20+$0x0], $0xffff  }
0x3dc: {  	v53 =	vld.idx.msk [tilespmem:v53+s20+$0x0], $0xffff;
	v50 =	vor.u32 v56, v22  }
0x3dd: {  	v56 =	vld [tilespmem:$0x1F4E0]  }
0x3de: {  	v54 =	vor.u32 v57, v22  }
0x3df: {  	v51 =	vld.idx.msk [tilespmem:v51+s20+$0x0], $0xffff  }
0x3e0: {  	v57 =	vld [tilespmem:$0x1F4F0];
	v55 =	vor.u32 v58, v22  }
0x3e1: {  	v50 =	vld.idx.msk [tilespmem:v50+s20+$0x0], $0xffff  }
0x3e2: {  	v52 =	vmul.f32 v23, v52;
	v53 =	vmul.f32 v24, v53;
	v56 =	vor.u32 v56, v22  }
0x3e3: {  	v54 =	vld.idx.msk [tilespmem:v54+s20+$0x0], $0xffff  }
0x3e4: {  	v58 =	vld [tilespmem:$0x1F500];
	v51 =	vmul.f32 v28, v51;
	v52 =	vadd.f32 v53, v52  }
0x3e5: {  	v55 =	vld.idx.msk [tilespmem:v55+s20+$0x0], $0xffff  }
0x3e6: {  	v53 =	vor.u32 v57, v22;
	v57 =	vld [tilespmem:$0x1F510];
	v51 =	vadd.f32 v51, v52;
	v50 =	vmul.f32 v26, v50  }
0x3e7: {  	v56 =	vld.idx.msk [tilespmem:v56+s20+$0x0], $0xffff  }
0x3e8: {  	v54 =	vmul.f32 v25, v54;
	v50 =	vadd.f32 v50, v51  }
0x3e9: {  	v52 =	vor.u32 v58, v22;
	v58 =	vld [tilespmem:$0x1F520]  }
0x3ea: {  	v55 =	vmul.f32 v29, v55;
	v50 =	vadd.f32 v54, v50;
	_ =	sdelay $0x1  }
0x3eb: {  	v51 =	vor.u32 v57, v22;
	v57 =	vld [tilespmem:$0x1F530];
	v56 =	vmul.f32 v27, v56;
	v50 =	vadd.f32 v55, v50  }
0x3ec: {  	v53 =	vld.idx.msk [tilespmem:v53+s20+$0x0], $0xffff  }
0x3ed: {  	v54 =	vor.u32 v58, v22;
	v50 =	vadd.f32 v56, v50;
	v56 =	vld [tilespmem:$0x1F540]  }
0x3ee: {  	v58 =	vld [tilespmem:$0x1F550]  }
0x3ef: {  	v52 =	vld.idx.msk [tilespmem:v52+s20+$0x0], $0xffff  }
0x3f0: {  	v55 =	vor.u32 v57, v22;
	v51 =	vld.idx.msk [tilespmem:v51+s20+$0x0], $0xffff  }
0x3f1: {  	v53 =	vmul.f32 v30, v53;
	v57 =	vld [tilespmem:$0x1F560]  }
0x3f2: {  	v54 =	vld.idx.msk [tilespmem:v54+s20+$0x0], $0xffff;
	v56 =	vor.u32 v56, v22  }
0x3f3: {  	v50 =	vadd.f32 v53, v50;
	v53 =	vor.u32 v58, v22;
	v58 =	vld [tilespmem:$0x1F570]  }
0x3f4: {  	v52 =	vmul.f32 v31, v52  }
0x3f5: {  	v55 =	vld.idx.msk [tilespmem:v55+s20+$0x0], $0xffff  }
0x3f6: {  	v50 =	vadd.f32 v52, v50;
	v52 =	vor.u32 v57, v22;
	v51 =	vmul.f32 v48, v51  }
0x3f7: {  	v56 =	vld.idx.msk [tilespmem:v56+s20+$0x0], $0xffff  }
0x3f8: {  	v50 =	vadd.f32 v51, v50;
	v54 =	vmul.f32 v49, v54;
	v51 =	vor.u32 v58, v22  }
0x3f9: {  	v53 =	vld.idx.msk [tilespmem:v53+s20+$0x0], $0xffff  }
0x3fa: {  	v50 =	vadd.f32 v54, v50;
	v57 =	vmul.f32 v17, v55  }
0x3fb: {  	v52 =	vld.idx.msk [tilespmem:v52+s20+$0x0], $0xffff  }
0x3fc: {  	v50 =	vadd.f32 v57, v50;
	v57 =	vld [tilespmem:$0x1F580];
	v58 =	vmul.f32 v18, v56  }
0x3fd: {  	v51 =	vld.idx.msk [tilespmem:v51+s20+$0x0], $0xffff  }
0x3fe: {  	v53 =	vmul.f32 v19, v53;
	v50 =	vadd.f32 v58, v50;
	v58 =	vld [tilespmem:$0x1F590];
	_ =	sdelay $0x1  }
0x3ff: {  	v55 =	vld [tilespmem:$0x1F5A0];
	v52 =	vmul.f32 v20, v52;
	v50 =	vadd.f32 v53, v50  }
0x400: {  	v56 =	vld [tilespmem:$0x1F5B0]  }
0x401: {  	v51 =	vmul.f32 v21, v51;
	v50 =	vadd.f32 v52, v50;
	v52 =	vor.u32 v57, v22  }
0x402: {  	v53 =	vor.u32 v58, v22  }
0x403: {  	v57 =	vld [tilespmem:$0x1F5C0];
	v50 =	vadd.f32 v51, v50  }
0x404: {  	v58 =	vld [tilespmem:$0x1F5D0];
	v51 =	vor.u32 v55, v22  }
0x405: {  	[tilespmem:s31+$0x80] =	vst v50;
	v50 =	vor.u32 v56, v22;
	v56 =	vld [tilespmem:$0x1F5E0]  }
0x406: {  	v52 =	vld.idx.msk [tilespmem:v52+s20+$0x0], $0xffff  }
0x407: {  	v53 =	vld.idx.msk [tilespmem:v53+s20+$0x0], $0xffff  }
0x408: {  	v54 =	vor.u32 v57, v22  }
0x409: {  	v51 =	vld.idx.msk [tilespmem:v51+s20+$0x0], $0xffff  }
0x40a: {  	v57 =	vld [tilespmem:$0x1F5F0];
	v55 =	vor.u32 v58, v22  }
0x40b: {  	v50 =	vld.idx.msk [tilespmem:v50+s20+$0x0], $0xffff  }
0x40c: {  	v58 =	vld [tilespmem:$0x1F600];
	v56 =	vor.u32 v56, v22;
	v52 =	vmul.f32 v23, v52;
	v53 =	vmul.f32 v24, v53  }
0x40d: {  	v54 =	vld.idx.msk [tilespmem:v54+s20+$0x0], $0xffff  }
0x40e: {  	v51 =	vmul.f32 v28, v51;
	v52 =	vadd.f32 v53, v52  }
0x40f: {  	v55 =	vld.idx.msk [tilespmem:v55+s20+$0x0], $0xffff  }
0x410: {  	v53 =	vor.u32 v57, v22;
	v57 =	vld [tilespmem:$0x1F610];
	v50 =	vmul.f32 v26, v50;
	v51 =	vadd.f32 v51, v52  }
0x411: {  	v56 =	vld.idx.msk [tilespmem:v56+s20+$0x0], $0xffff  }
0x412: {  	v52 =	vor.u32 v58, v22;
	v54 =	vmul.f32 v25, v54;
	v58 =	vld [tilespmem:$0x1F620];
	v50 =	vadd.f32 v50, v51;
	_ =	sdelay $0x1  }
0x413: {  	v55 =	vmul.f32 v29, v55;
	v50 =	vadd.f32 v54, v50  }
0x414: {  	v53 =	vld.idx.msk [tilespmem:v53+s20+$0x0], $0xffff  }
0x415: {  	v51 =	vor.u32 v57, v22;
	v57 =	vld [tilespmem:$0x1F630];
	v56 =	vmul.f32 v27, v56;
	v50 =	vadd.f32 v55, v50  }
0x416: {  	v54 =	vor.u32 v58, v22;
	v58 =	vld [tilespmem:$0x1F650]  }
0x417: {  	v50 =	vadd.f32 v56, v50;
	v56 =	vld [tilespmem:$0x1F640]  }
0x418: {  	v52 =	vld.idx.msk [tilespmem:v52+s20+$0x0], $0xffff;
	_ =	sdelay $0x1  }
0x419: {  	v55 =	vor.u32 v57, v22;
	v51 =	vld.idx.msk [tilespmem:v51+s20+$0x0], $0xffff;
	v53 =	vmul.f32 v30, v53  }
0x41a: {  	v57 =	vld [tilespmem:$0x1F660]  }
0x41b: {  	v50 =	vadd.f32 v53, v50;
	v53 =	vor.u32 v58, v22;
	v58 =	vld [tilespmem:$0x1F670];
	v56 =	vor.u32 v56, v22  }
0x41c: {  	v54 =	vld.idx.msk [tilespmem:v54+s20+$0x0], $0xffff;
	v52 =	vmul.f32 v31, v52;
	_ =	sdelay $0x1  }
0x41d: {  	v50 =	vadd.f32 v52, v50;
	v55 =	vld.idx.msk [tilespmem:v55+s20+$0x0], $0xffff;
	v51 =	vmul.f32 v48, v51  }
0x41e: {  	v52 =	vor.u32 v57, v22  }
0x41f: {  	v50 =	vadd.f32 v51, v50;
	v51 =	vor.u32 v58, v22;
	v56 =	vld.idx.msk [tilespmem:v56+s20+$0x0], $0xffff  }
0x420: {  	v54 =	vmul.f32 v49, v54  }
0x421: {  	v53 =	vld.idx.msk [tilespmem:v53+s20+$0x0], $0xffff  }
0x422: {  	v50 =	vadd.f32 v54, v50;
	v57 =	vmul.f32 v17, v55  }
0x423: {  	v52 =	vld.idx.msk [tilespmem:v52+s20+$0x0], $0xffff  }
0x424: {  	v50 =	vadd.f32 v57, v50;
	v51 =	vld.idx.msk [tilespmem:v51+s20+$0x0], $0xffff;
	v58 =	vmul.f32 v18, v56  }
0x425: {  	v57 =	vld [tilespmem:$0x1F680]  }
0x426: {  	v53 =	vmul.f32 v19, v53;
	v50 =	vadd.f32 v58, v50;
	v58 =	vld [tilespmem:$0x1F690];
	_ =	sdelay $0x1  }
0x427: {  	v55 =	vld [tilespmem:$0x1F6A0];
	v52 =	vmul.f32 v20, v52;
	v50 =	vadd.f32 v53, v50;
	_ =	sdelay $0x1  }
0x428: {  	v56 =	vld [tilespmem:$0x1F6B0];
	v51 =	vmul.f32 v21, v51;
	v50 =	vadd.f32 v52, v50;
	v52 =	vor.u32 v57, v22  }
0x429: {  	v53 =	vor.u32 v58, v22  }
0x42a: {  	v57 =	vld [tilespmem:$0x1F6C0];
	v50 =	vadd.f32 v51, v50  }
0x42b: {  	v51 =	vor.u32 v55, v22  }
0x42c: {  	[tilespmem:s31+$0x100] =	vst v50  }
0x42d: {  	v50 =	vor.u32 v56, v22;
	v52 =	vld.idx.msk [tilespmem:v52+s20+$0x0], $0xffff  }
0x42e: {  	v53 =	vld.idx.msk [tilespmem:v53+s20+$0x0], $0xffff  }
0x42f: {  	v54 =	vor.u32 v57, v22  }
0x430: {  	v51 =	vld.idx.msk [tilespmem:v51+s20+$0x0], $0xffff  }
0x431: {  	v58 =	vor.u32 v6, v22  }
0x432: {  	v50 =	vld.idx.msk [tilespmem:v50+s20+$0x0], $0xffff  }
0x433: {  	v23 =	vmul.f32 v23, v52;
	v52 =	vor.u32 v7, v22;
	v24 =	vmul.f32 v24, v53  }
0x434: {  	v57 =	vld.idx.msk [tilespmem:v54+s20+$0x0], $0xffff  }
0x435: {  	v28 =	vmul.f32 v28, v51;
	v23 =	vadd.f32 v24, v23;
	v24 =	vor.u32 v8, v22  }
0x436: {  	v58 =	vld.idx.msk [tilespmem:v58+s20+$0x0], $0xffff  }
0x437: {  	v26 =	vmul.f32 v26, v50;
	v23 =	vadd.f32 v28, v23;
	v28 =	vor.u32 v9, v22  }
0x438: {  	v56 =	vor.u32 v10, v22;
	v52 =	vld.idx.msk [tilespmem:v52+s20+$0x0], $0xffff  }
0x439: {  	v25 =	vmul.f32 v25, v57;
	v23 =	vadd.f32 v26, v23;
	v26 =	vor.u32 v11, v22  }
0x43a: {  	v53 =	vor.u32 v12, v22;
	v24 =	vld.idx.msk [tilespmem:v24+s20+$0x0], $0xffff  }
0x43b: {  	v29 =	vmul.f32 v29, v58;
	v51 =	vor.u32 v13, v22;
	v23 =	vadd.f32 v25, v23  }
0x43c: {  	v25 =	vld.idx.msk [tilespmem:v28+s20+$0x0], $0xffff;
	v28 =	vor.u32 v14, v22  }
0x43d: {  	v50 =	vld.idx.msk [tilespmem:v56+s20+$0x0], $0xffff;
	v27 =	vmul.f32 v27, v52;
	v23 =	vadd.f32 v29, v23;
	v29 =	vor.u32 v15, v22  }
0x43e: {  	v58 =	vor.u32 v16, v22;
	v57 =	vld.idx.msk [tilespmem:v26+s20+$0x0], $0xffff  }
0x43f: {  	v26 =	vld.idx.msk [tilespmem:v53+s20+$0x0], $0xffff;
	v22 =	vadd.f32 v27, v23;
	v23 =	vmul.f32 v30, v24  }
0x440: {  	v24 =	vld.idx.msk [tilespmem:v51+s20+$0x0], $0xffff  }
0x441: {  	v23 =	vadd.f32 v23, v22;
	v27 =	vmul.f32 v31, v25;
	v25 =	vld.idx.msk [tilespmem:v28+s20+$0x0], $0xffff  }
0x442: {  	v22 =	vld.idx.msk [tilespmem:v29+s20+$0x0], $0xffff  }
0x443: {  	s8 =	simm.s32 $0x10;
	s0 =	simm.s32 $0x9700;
	s1 =	sor.u32 $0x1, s30;
	v28 =	vmul.f32 v48, v50;
	v29 =	vmul.f32 v49, v57;
	v27 =	vadd.f32 v27, v23;
	v23 =	vld.idx.msk [tilespmem:v58+s20+$0x0], $0xffff  }
.LBB2_5:
0x444: {  	_ = 	snop  }
0x445: {  	v27 =	vadd.f32 v28, v27;
	_ =	sdelay $0x1  }
0x446: {  	v27 =	vadd.f32 v29, v27;
	v17 =	vmul.f32 v17, v26;
	_ =	sdelay $0x1  }
0x447: {  	v18 =	vmul.f32 v18, v24;
	v17 =	vadd.f32 v17, v27;
	_ =	sdelay $0x1  }
0x448: {  	v17 =	vadd.f32 v18, v17;
	v18 =	vmul.f32 v19, v25;
	_ =	sdelay $0x1  }
0x449: {  	v17 =	vadd.f32 v18, v17;
	v18 =	vmul.f32 v20, v22;
	v22 =	vld [tilespmem:$0x1FC00]  }
0x44a: {  	v24 =	vld [tilespmem:$0x1FD40]  }
0x44b: {  	s11 =	smov.u32 s8  }
0x44c: {  	v21 =	vmul.f32 v21, v23;
	v19 =	vmov s11  }
0x44d: {  	v19 =	vshll.u32 v19, $0x7;
	v17 =	vadd.f32 v18, v17;
	v18 =	vor.u32 s11, v33  }
0x44e: {  	v22 =	vor.u32 v22, v19  }
0x44f: {  	v17 =	vadd.f32 v21, v17;
	v25 =	vor.u32 v24, v22;
	v24 =	vld [tilespmem:$0x1FD60];
	_ =	sdelay $0x1  }
0x450: {  	[tilespmem:s0+$0x180] =	vst v17  }
0x451: {  	v29 =	vld.idx.msk [tilespmem:v18+s12+$0x0], $0xffff;
	v18 =	vor.u32 s11, v59  }
0x452: {  	v21 =	vld [tilespmem:$0x1FD50]  }
0x453: {  	v23 =	vor.u32 s11, v32;
	v27 =	vor.u32 v24, v22;
	v24 =	vld [tilespmem:$0x1FD70];
	_ =	sdelay $0x1  }
0x454: {  	v20 =	vor.u32 s11, v63;
	v56 =	vld.idx.msk [tilespmem:v25+s20+$0x0], $0xffff  }
0x455: {  	v19 =	vor.u32 v62, v22;
	v25 =	vld.idx.msk [tilespmem:v18+s12+$0x0], $0xffff  }
0x456: {  	v18 =	vld [tilespmem:$0x1FCA0]  }
0x457: {  	v21 =	vor.u32 v21, v22;
	v28 =	vor.u32 v24, v22;
	v24 =	vld.idx.msk [tilespmem:v23+s12+$0x0], $0xffff  }
0x458: {  	v17 =	vor.u32 s11, v60;
	v23 =	vld [tilespmem:$0x1F6D0]  }
0x459: {  	v26 =	vld.idx.msk [tilespmem:v20+s12+$0x0], $0xffff  }
0x45a: {  	v19 =	vld.idx.msk [tilespmem:v19+s20+$0x0], $0xffff;
	_ =	sdelay $0x1  }
0x45b: {  	v21 =	vld.idx.msk [tilespmem:v21+s20+$0x0], $0xffff;
	v18 =	vor.u32 s11, v18  }
0x45c: {  	v55 =	vor.u32 v23, v22;
	v23 =	vld.idx.msk [tilespmem:v17+s12+$0x0], $0xffff  }
0x45d: {  	v30 =	vor.u32 s11, v61;
	v17 =	vld.idx.msk [tilespmem:v27+s20+$0x0], $0xffff  }
0x45e: {  	v57 =	vor.u32 v3, v22;
	v19 =	vmul.f32 v26, v19;
	v27 =	vmul.f32 v24, v56;
	v60 =	vld.idx.msk [tilespmem:v28+s20+$0x0], $0xffff  }
0x45f: {  	v28 =	vld [tilespmem:$0x1FCC0]  }
0x460: {  	v31 =	vor.u32 v40, v22;
	v19 =	vadd.f32 v27, v19;
	v27 =	vld.idx.msk [tilespmem:v18+s12+$0x0], $0xffff  }
0x461: {  	v48 =	vor.u32 v39, v22;
	v18 =	vld [tilespmem:$0x1FCD0]  }
0x462: {  	v58 =	vor.u32 s11, v37;
	v30 =	vld.idx.msk [tilespmem:v30+s12+$0x0], $0xffff;
	v21 =	vmul.f32 v29, v21  }
0x463: {  	v49 =	vor.u32 v4, v22;
	v57 =	vld.idx.msk [tilespmem:v57+s20+$0x0], $0xffff  }
0x464: {  	v59 =	vld [tilespmem:$0x1FC40];
	v19 =	vadd.f32 v21, v19;
	v61 =	vor.u32 s11, v28;
	v17 =	vmul.f32 v25, v17  }
0x465: {  	v50 =	vor.u32 v5, v22;
	v21 =	vld.idx.msk [tilespmem:v31+s20+$0x0], $0xffff  }
0x466: {  	v33 =	vld.idx.msk [tilespmem:v48+s20+$0x0], $0xffff;
	v18 =	vor.u32 s11, v18;
	v17 =	vadd.f32 v17, v19;
	v19 =	vmul.f32 v23, v60  }
0x467: {  	v51 =	vor.u32 v0, v22;
	v28 =	vld.idx.msk [tilespmem:v58+s12+$0x0], $0xffff  }
0x468: {  	v62 =	vor.u32 s11, v41;
	v57 =	vmul.f32 v30, v57;
	v17 =	vadd.f32 v19, v17;
	v19 =	vld.idx.msk [tilespmem:v49+s20+$0x0], $0xffff  }
0x469: {  	v20 =	vor.u32 v38, v22;
	v31 =	vld.idx.msk [tilespmem:v61+s12+$0x0], $0xffff  }
0x46a: {  	v50 =	vld.idx.msk [tilespmem:v50+s20+$0x0], $0xffff;
	v60 =	vor.u32 s11, v42;
	v21 =	vmul.f32 v27, v21;
	v17 =	vadd.f32 v57, v17  }
0x46b: {  	v52 =	vor.u32 v1, v22;
	v48 =	vld.idx.msk [tilespmem:v18+s12+$0x0], $0xffff  }
0x46c: {  	v51 =	vld.idx.msk [tilespmem:v51+s20+$0x0], $0xffff;
	v56 =	vmul.f32 v28, v33;
	v18 =	vor.u32 s11, v43;
	v21 =	vadd.f32 v21, v17  }
0x46d: {  	v49 =	vld.idx.msk [tilespmem:v62+s12+$0x0], $0xffff;
	v61 =	vor.u32 s11, v44  }
0x46e: {  	v53 =	vor.u32 v2, v22;
	v32 =	vld.idx.msk [tilespmem:v20+s20+$0x0], $0xffff;
	v21 =	vadd.f32 v56, v21;
	v19 =	vmul.f32 v31, v19  }
0x46f: {  	v62 =	vor.u32 s11, v45;
	v17 =	vld.idx.msk [tilespmem:v60+s12+$0x0], $0xffff  }
0x470: {  	v54 =	vor.u32 v47, v22;
	v60 =	vld.idx.msk [tilespmem:v52+s20+$0x0], $0xffff;
	v20 =	vadd.f32 v19, v21;
	v21 =	vmul.f32 v48, v50  }
0x471: {  	v18 =	vld.idx.msk [tilespmem:v18+s12+$0x0], $0xffff  }
0x472: {  	v33 =	vor.u32 s11, v46;
	v51 =	vmul.f32 v49, v51;
	v19 =	vld.idx.msk [tilespmem:v61+s12+$0x0], $0xffff;
	v21 =	vadd.f32 v21, v20  }
0x473: {  	v61 =	vld.idx.msk [tilespmem:v53+s20+$0x0], $0xffff  }
0x474: {  	v20 =	vld.idx.msk [tilespmem:v62+s12+$0x0], $0xffff;
	v62 =	vmul.f32 v17, v32;
	v51 =	vadd.f32 v51, v21  }
0x475: {  	v54 =	vld.idx.msk [tilespmem:v54+s20+$0x0], $0xffff  }
0x476: {  	v32 =	vld.idx.msk [tilespmem:v55+s20+$0x0], $0xffff;
	v50 =	vmul.f32 v18, v60;
	v51 =	vadd.f32 v62, v51  }
0x477: {  	v21 =	vld.idx.msk [tilespmem:v33+s12+$0x0], $0xffff  }
0x478: {  	v33 =	vmul.f32 v19, v61;
	v50 =	vadd.f32 v50, v51;
	_ =	sdelay $0x1  }
0x479: {  	v57 =	vld [tilespmem:$0x1FC10];
	v55 =	vmul.f32 v20, v54;
	v50 =	vadd.f32 v33, v50;
	_ =	sdelay $0x1  }
0x47a: {  	v60 =	vor.u32 v59, v22;
	v59 =	vld [tilespmem:$0x1F0C0];
	v56 =	vmul.f32 v21, v32;
	v50 =	vadd.f32 v55, v50;
	_ =	sdelay $0x1  }
0x47b: {  	v61 =	vld [tilespmem:$0x1FC70];
	v50 =	vadd.f32 v56, v50  }
0x47c: {  	s31 =	sadd.s32 $0x10, s31;
	v58 =	vor.u32 v57, v22  }
0x47d: {  	v57 =	vld [tilespmem:$0x1F0B0];
	[tilespmem:s31+$0xFFFFFE00] =	vst v50  }
0x47e: {  	v53 =	vld.idx.msk [tilespmem:v60+s20+$0x0], $0xffff;
	v60 =	vor.u32 v59, v22;
	_ =	sdelay $0x1  }
0x47f: {  	v62 =	vor.u32 v61, v22;
	v61 =	vld [tilespmem:$0x1F0D0]  }
0x480: {  	v50 =	vld.idx.msk [tilespmem:v58+s20+$0x0], $0xffff  }
0x481: {  	v58 =	vor.u32 v57, v22;
	v59 =	vld [tilespmem:$0x1F0E0]  }
0x482: {  	v54 =	vld.idx.msk [tilespmem:v60+s20+$0x0], $0xffff  }
0x483: {  	v60 =	vld [tilespmem:$0x1F0F0]  }
0x484: {  	v51 =	vld.idx.msk [tilespmem:v62+s20+$0x0], $0xffff  }
0x485: {  	v62 =	vor.u32 v61, v22  }
0x486: {  	v52 =	vld.idx.msk [tilespmem:v58+s20+$0x0], $0xffff;
	v56 =	vor.u32 v59, v22  }
0x487: {  	v50 =	vmul.f32 v26, v50;
	v53 =	vmul.f32 v24, v53  }
0x488: {  	v57 =	vor.u32 v60, v22  }
0x489: {  	v61 =	vld [tilespmem:$0x1F100];
	v51 =	vmul.f32 v29, v51;
	v50 =	vadd.f32 v53, v50  }
0x48a: {  	v53 =	vld.idx.msk [tilespmem:v62+s20+$0x0], $0xffff  }
0x48b: {  	v50 =	vadd.f32 v51, v50;
	v62 =	vmul.f32 v25, v52;
	v52 =	vld.idx.msk [tilespmem:v56+s20+$0x0], $0xffff  }
0x48c: {  	v60 =	vld [tilespmem:$0x1F110]  }
0x48d: {  	v50 =	vadd.f32 v62, v50;
	v62 =	vld.idx.msk [tilespmem:v57+s20+$0x0], $0xffff  }
0x48e: {  	v55 =	vor.u32 v61, v22;
	v57 =	vld [tilespmem:$0x1F120]  }
0x48f: {  	v61 =	vmul.f32 v23, v54  }
0x490: {  	v59 =	vld [tilespmem:$0x1F130]  }
0x491: {  	v58 =	vmul.f32 v30, v53;
	v50 =	vadd.f32 v61, v50;
	v56 =	vor.u32 v60, v22  }
0x492: {  	v61 =	vld [tilespmem:$0x1F140]  }
0x493: {  	v53 =	vld.idx.msk [tilespmem:v55+s20+$0x0], $0xffff;
	v60 =	vmul.f32 v27, v52;
	v50 =	vadd.f32 v58, v50;
	v57 =	vor.u32 v57, v22  }
0x494: {  	v58 =	vld [tilespmem:$0x1F150]  }
0x495: {  	v55 =	vor.u32 v59, v22;
	v50 =	vadd.f32 v60, v50;
	v60 =	vld [tilespmem:$0x1F160];
	v62 =	vmul.f32 v28, v62  }
0x496: {  	v52 =	vld.idx.msk [tilespmem:v56+s20+$0x0], $0xffff  }
0x497: {  	v56 =	vor.u32 v61, v22;
	v50 =	vadd.f32 v62, v50;
	v62 =	vld [tilespmem:$0x1F170]  }
0x498: {  	v54 =	vld.idx.msk [tilespmem:v57+s20+$0x0], $0xffff  }
0x499: {  	v59 =	vmul.f32 v31, v53;
	v57 =	vor.u32 v58, v22  }
0x49a: {  	v53 =	vld.idx.msk [tilespmem:v55+s20+$0x0], $0xffff  }
0x49b: {  	v55 =	vor.u32 v60, v22;
	v50 =	vadd.f32 v59, v50;
	v61 =	vmul.f32 v48, v52  }
0x49c: {  	v52 =	vld.idx.msk [tilespmem:v56+s20+$0x0], $0xffff;
	v33 =	vor.u32 v62, v22  }
0x49d: {  	v50 =	vadd.f32 v61, v50;
	v59 =	vmul.f32 v49, v54  }
0x49e: {  	v60 =	vld.idx.msk [tilespmem:v57+s20+$0x0], $0xffff  }
0x49f: {  	v61 =	vmul.f32 v17, v53;
	v50 =	vadd.f32 v59, v50  }
0x4a0: {  	v62 =	vld.idx.msk [tilespmem:v55+s20+$0x0], $0xffff  }
0x4a1: {  	v32 =	vmul.f32 v18, v52;
	v33 =	vld.idx.msk [tilespmem:v33+s20+$0x0], $0xffff;
	v50 =	vadd.f32 v61, v50  }
0x4a2: {  	v59 =	vld [tilespmem:$0x1F190]  }
0x4a3: {  	v54 =	vmul.f32 v19, v60;
	v50 =	vadd.f32 v32, v50;
	_ =	sdelay $0x1  }
0x4a4: {  	v57 =	vld [tilespmem:$0x1F180];
	v55 =	vmul.f32 v20, v62;
	v50 =	vadd.f32 v54, v50;
	_ =	sdelay $0x1  }
0x4a5: {  	v56 =	vmul.f32 v21, v33;
	v60 =	vor.u32 v59, v22;
	v59 =	vld [tilespmem:$0x1F1C0];
	v50 =	vadd.f32 v55, v50;
	_ =	sdelay $0x1  }
0x4a6: {  	v61 =	vld [tilespmem:$0x1F1A0];
	v50 =	vadd.f32 v56, v50  }
0x4a7: {  	v58 =	vor.u32 v57, v22  }
0x4a8: {  	v57 =	vld [tilespmem:$0x1F1B0];
	[tilespmem:s31+$0xFFFFFE80] =	vst v50  }
0x4a9: {  	v53 =	vld.idx.msk [tilespmem:v60+s20+$0x0], $0xffff;
	v60 =	vor.u32 v59, v22;
	_ =	sdelay $0x1  }
0x4aa: {  	v62 =	vor.u32 v61, v22;
	v61 =	vld [tilespmem:$0x1F1D0]  }
0x4ab: {  	v50 =	vld.idx.msk [tilespmem:v58+s20+$0x0], $0xffff  }
0x4ac: {  	v58 =	vor.u32 v57, v22;
	v59 =	vld [tilespmem:$0x1F1E0]  }
0x4ad: {  	v54 =	vld.idx.msk [tilespmem:v60+s20+$0x0], $0xffff  }
0x4ae: {  	v60 =	vld [tilespmem:$0x1F1F0]  }
0x4af: {  	v51 =	vld.idx.msk [tilespmem:v62+s20+$0x0], $0xffff  }
0x4b0: {  	v62 =	vor.u32 v61, v22  }
0x4b1: {  	v52 =	vld.idx.msk [tilespmem:v58+s20+$0x0], $0xffff;
	v56 =	vor.u32 v59, v22  }
0x4b2: {  	v50 =	vmul.f32 v26, v50;
	v53 =	vmul.f32 v24, v53  }
0x4b3: {  	v57 =	vor.u32 v60, v22  }
0x4b4: {  	v61 =	vld [tilespmem:$0x1F200];
	v51 =	vmul.f32 v29, v51;
	v50 =	vadd.f32 v53, v50  }
0x4b5: {  	v53 =	vld.idx.msk [tilespmem:v62+s20+$0x0], $0xffff  }
0x4b6: {  	v50 =	vadd.f32 v51, v50;
	v62 =	vmul.f32 v25, v52;
	v52 =	vld.idx.msk [tilespmem:v56+s20+$0x0], $0xffff  }
0x4b7: {  	v60 =	vld [tilespmem:$0x1F210]  }
0x4b8: {  	v50 =	vadd.f32 v62, v50;
	v62 =	vld.idx.msk [tilespmem:v57+s20+$0x0], $0xffff  }
0x4b9: {  	v55 =	vor.u32 v61, v22;
	v57 =	vld [tilespmem:$0x1F220]  }
0x4ba: {  	v61 =	vmul.f32 v23, v54  }
0x4bb: {  	v59 =	vld [tilespmem:$0x1F230]  }
0x4bc: {  	v58 =	vmul.f32 v30, v53;
	v50 =	vadd.f32 v61, v50;
	v56 =	vor.u32 v60, v22  }
0x4bd: {  	v61 =	vld [tilespmem:$0x1F240]  }
0x4be: {  	v53 =	vld.idx.msk [tilespmem:v55+s20+$0x0], $0xffff;
	v60 =	vmul.f32 v27, v52;
	v50 =	vadd.f32 v58, v50;
	v57 =	vor.u32 v57, v22  }
0x4bf: {  	v58 =	vld [tilespmem:$0x1F250]  }
0x4c0: {  	v55 =	vor.u32 v59, v22;
	v50 =	vadd.f32 v60, v50;
	v60 =	vld [tilespmem:$0x1F260];
	v62 =	vmul.f32 v28, v62  }
0x4c1: {  	v52 =	vld.idx.msk [tilespmem:v56+s20+$0x0], $0xffff  }
0x4c2: {  	v56 =	vor.u32 v61, v22;
	v50 =	vadd.f32 v62, v50;
	v62 =	vld [tilespmem:$0x1F270]  }
0x4c3: {  	v54 =	vld.idx.msk [tilespmem:v57+s20+$0x0], $0xffff  }
0x4c4: {  	v59 =	vmul.f32 v31, v53;
	v57 =	vor.u32 v58, v22  }
0x4c5: {  	v53 =	vld.idx.msk [tilespmem:v55+s20+$0x0], $0xffff  }
0x4c6: {  	v55 =	vor.u32 v60, v22;
	v50 =	vadd.f32 v59, v50;
	v61 =	vmul.f32 v48, v52  }
0x4c7: {  	v52 =	vld.idx.msk [tilespmem:v56+s20+$0x0], $0xffff;
	v33 =	vor.u32 v62, v22  }
0x4c8: {  	v50 =	vadd.f32 v61, v50;
	v59 =	vmul.f32 v49, v54  }
0x4c9: {  	v60 =	vld.idx.msk [tilespmem:v57+s20+$0x0], $0xffff  }
0x4ca: {  	v61 =	vmul.f32 v17, v53;
	v50 =	vadd.f32 v59, v50  }
0x4cb: {  	v62 =	vld.idx.msk [tilespmem:v55+s20+$0x0], $0xffff  }
0x4cc: {  	v32 =	vmul.f32 v18, v52;
	v33 =	vld.idx.msk [tilespmem:v33+s20+$0x0], $0xffff;
	v50 =	vadd.f32 v61, v50  }
0x4cd: {  	v59 =	vld [tilespmem:$0x1F280]  }
0x4ce: {  	v56 =	vmul.f32 v19, v60;
	v50 =	vadd.f32 v32, v50;
	_ =	sdelay $0x1  }
0x4cf: {  	v57 =	vmul.f32 v20, v62;
	v61 =	vld [tilespmem:$0x1F290];
	v50 =	vadd.f32 v56, v50;
	_ =	sdelay $0x1  }
0x4d0: {  	v58 =	vmul.f32 v21, v33;
	v60 =	vor.u32 v59, v22;
	v59 =	vld [tilespmem:$0x1F2C0];
	v50 =	vadd.f32 v57, v50;
	_ =	sdelay $0x1  }
0x4d1: {  	v55 =	vld [tilespmem:$0x1F2A0];
	v50 =	vadd.f32 v58, v50  }
0x4d2: {  	v62 =	vor.u32 v61, v22  }
0x4d3: {  	v57 =	vld [tilespmem:$0x1F2B0];
	[tilespmem:s31+$0xFFFFFF00] =	vst v50  }
0x4d4: {  	v50 =	vld.idx.msk [tilespmem:v60+s20+$0x0], $0xffff;
	v60 =	vor.u32 v59, v22;
	_ =	sdelay $0x1  }
0x4d5: {  	v56 =	vor.u32 v55, v22;
	v61 =	vld [tilespmem:$0x1F2D0]  }
0x4d6: {  	v53 =	vld.idx.msk [tilespmem:v62+s20+$0x0], $0xffff  }
0x4d7: {  	v58 =	vor.u32 v57, v22;
	v59 =	vld [tilespmem:$0x1F2E0]  }
0x4d8: {  	v54 =	vld.idx.msk [tilespmem:v60+s20+$0x0], $0xffff  }
0x4d9: {  	v60 =	vld [tilespmem:$0x1F2F0]  }
0x4da: {  	v51 =	vld.idx.msk [tilespmem:v56+s20+$0x0], $0xffff  }
0x4db: {  	v62 =	vor.u32 v61, v22  }
0x4dc: {  	v52 =	vld.idx.msk [tilespmem:v58+s20+$0x0], $0xffff;
	v56 =	vor.u32 v59, v22  }
0x4dd: {  	v50 =	vmul.f32 v26, v50;
	v53 =	vmul.f32 v24, v53  }
0x4de: {  	v57 =	vor.u32 v60, v22  }
0x4df: {  	v61 =	vld [tilespmem:$0x1F300];
	v51 =	vmul.f32 v29, v51;
	v50 =	vadd.f32 v53, v50  }
0x4e0: {  	v53 =	vld.idx.msk [tilespmem:v62+s20+$0x0], $0xffff  }
0x4e1: {  	v50 =	vadd.f32 v51, v50;
	v62 =	vmul.f32 v25, v52;
	v52 =	vld.idx.msk [tilespmem:v56+s20+$0x0], $0xffff  }
0x4e2: {  	v60 =	vld [tilespmem:$0x1F310]  }
0x4e3: {  	v50 =	vadd.f32 v62, v50;
	v62 =	vld.idx.msk [tilespmem:v57+s20+$0x0], $0xffff  }
0x4e4: {  	v55 =	vor.u32 v61, v22;
	v57 =	vld [tilespmem:$0x1F320]  }
0x4e5: {  	v61 =	vmul.f32 v23, v54  }
0x4e6: {  	v59 =	vld [tilespmem:$0x1F330]  }
0x4e7: {  	v58 =	vmul.f32 v30, v53;
	v50 =	vadd.f32 v61, v50;
	v56 =	vor.u32 v60, v22  }
0x4e8: {  	v61 =	vld [tilespmem:$0x1F340]  }
0x4e9: {  	v53 =	vld.idx.msk [tilespmem:v55+s20+$0x0], $0xffff;
	v60 =	vmul.f32 v27, v52;
	v50 =	vadd.f32 v58, v50;
	v57 =	vor.u32 v57, v22  }
0x4ea: {  	v58 =	vld [tilespmem:$0x1F350]  }
0x4eb: {  	v55 =	vor.u32 v59, v22;
	v50 =	vadd.f32 v60, v50;
	v60 =	vld [tilespmem:$0x1F360];
	v62 =	vmul.f32 v28, v62  }
0x4ec: {  	v52 =	vld.idx.msk [tilespmem:v56+s20+$0x0], $0xffff  }
0x4ed: {  	v56 =	vor.u32 v61, v22;
	v50 =	vadd.f32 v62, v50;
	v62 =	vld [tilespmem:$0x1F370]  }
0x4ee: {  	v54 =	vld.idx.msk [tilespmem:v57+s20+$0x0], $0xffff  }
0x4ef: {  	v59 =	vmul.f32 v31, v53;
	v57 =	vor.u32 v58, v22  }
0x4f0: {  	v53 =	vld.idx.msk [tilespmem:v55+s20+$0x0], $0xffff  }
0x4f1: {  	v55 =	vor.u32 v60, v22;
	v50 =	vadd.f32 v59, v50;
	v61 =	vmul.f32 v48, v52  }
0x4f2: {  	v52 =	vld.idx.msk [tilespmem:v56+s20+$0x0], $0xffff;
	v33 =	vor.u32 v62, v22  }
0x4f3: {  	v50 =	vadd.f32 v61, v50;
	v59 =	vmul.f32 v49, v54  }
0x4f4: {  	v60 =	vld.idx.msk [tilespmem:v57+s20+$0x0], $0xffff  }
0x4f5: {  	v61 =	vmul.f32 v17, v53;
	v50 =	vadd.f32 v59, v50  }
0x4f6: {  	v62 =	vld.idx.msk [tilespmem:v55+s20+$0x0], $0xffff  }
0x4f7: {  	v32 =	vmul.f32 v18, v52;
	v33 =	vld.idx.msk [tilespmem:v33+s20+$0x0], $0xffff;
	v50 =	vadd.f32 v61, v50  }
0x4f8: {  	v59 =	vld [tilespmem:$0x1F380]  }
0x4f9: {  	v56 =	vmul.f32 v19, v60;
	v50 =	vadd.f32 v32, v50;
	_ =	sdelay $0x1  }
0x4fa: {  	v57 =	vmul.f32 v20, v62;
	v50 =	vadd.f32 v56, v50  }
0x4fb: {  	v61 =	vld [tilespmem:$0x1F390]  }
0x4fc: {  	v58 =	vmul.f32 v21, v33;
	v60 =	vor.u32 v59, v22;
	v59 =	vld [tilespmem:$0x1F3C0];
	v50 =	vadd.f32 v57, v50;
	_ =	sdelay $0x1  }
0x4fd: {  	v55 =	vld [tilespmem:$0x1F3A0];
	v50 =	vadd.f32 v58, v50;
	_ =	sdelay $0x1  }
0x4fe: {  	v62 =	vor.u32 v61, v22;
	v57 =	vld [tilespmem:$0x1F3B0];
	[tilespmem:s31+$0xFFFFFF80] =	vst v50  }
0x4ff: {  	v50 =	vld.idx.msk [tilespmem:v60+s20+$0x0], $0xffff;
	v60 =	vor.u32 v59, v22;
	_ =	sdelay $0x1  }
0x500: {  	v56 =	vor.u32 v55, v22  }
0x501: {  	v61 =	vld [tilespmem:$0x1F3D0]  }
0x502: {  	v58 =	vor.u32 v57, v22;
	v53 =	vld.idx.msk [tilespmem:v62+s20+$0x0], $0xffff  }
0x503: {  	v54 =	vld.idx.msk [tilespmem:v60+s20+$0x0], $0xffff  }
0x504: {  	v60 =	vld [tilespmem:$0x1F3F0]  }
0x505: {  	v51 =	vld.idx.msk [tilespmem:v56+s20+$0x0], $0xffff  }
0x506: {  	v59 =	vld [tilespmem:$0x1F3E0]  }
0x507: {  	v62 =	vor.u32 v61, v22;
	v52 =	vld.idx.msk [tilespmem:v58+s20+$0x0], $0xffff  }
0x508: {  	v50 =	vmul.f32 v26, v50;
	v53 =	vmul.f32 v24, v53  }
0x509: {  	v61 =	vld [tilespmem:$0x1F400];
	v57 =	vor.u32 v60, v22  }
0x50a: {  	v51 =	vmul.f32 v29, v51;
	v50 =	vadd.f32 v53, v50  }
0x50b: {  	v56 =	vor.u32 v59, v22;
	v59 =	vld [tilespmem:$0x1F430]  }
0x50c: {  	v53 =	vld.idx.msk [tilespmem:v62+s20+$0x0], $0xffff;
	v50 =	vadd.f32 v51, v50;
	v62 =	vmul.f32 v25, v52  }
0x50d: {  	v60 =	vld [tilespmem:$0x1F410]  }
0x50e: {  	v55 =	vor.u32 v61, v22;
	v50 =	vadd.f32 v62, v50;
	v62 =	vld.idx.msk [tilespmem:v57+s20+$0x0], $0xffff  }
0x50f: {  	v57 =	vld [tilespmem:$0x1F420];
	_ =	sdelay $0x2  }
0x510: {  	v52 =	vld.idx.msk [tilespmem:v56+s20+$0x0], $0xffff  }
0x511: {  	v61 =	vmul.f32 v23, v54;
	v58 =	vmul.f32 v30, v53;
	v53 =	vld.idx.msk [tilespmem:v55+s20+$0x0], $0xffff;
	v56 =	vor.u32 v60, v22  }
0x512: {  	v55 =	vor.u32 v59, v22;
	v59 =	vld [tilespmem:$0x1F450];
	v57 =	vor.u32 v57, v22  }
0x513: {  	v50 =	vadd.f32 v61, v50;
	v61 =	vld [tilespmem:$0x1F440];
	_ =	sdelay $0x2  }
0x514: {  	v60 =	vmul.f32 v27, v52;
	v52 =	vld.idx.msk [tilespmem:v56+s20+$0x0], $0xffff  }
0x515: {  	v54 =	vld.idx.msk [tilespmem:v57+s20+$0x0], $0xffff  }
0x516: {  	v50 =	vadd.f32 v58, v50;
	v56 =	vor.u32 v61, v22;
	v57 =	vor.u32 v59, v22;
	v59 =	vld [tilespmem:$0x1F470]  }
0x517: {  	v61 =	vld [tilespmem:$0x1F460]  }
0x518: {  	v50 =	vadd.f32 v60, v50;
	v62 =	vmul.f32 v28, v62;
	_ =	sdelay $0x1  }
0x519: {  	v60 =	vmul.f32 v31, v53;
	v53 =	vld.idx.msk [tilespmem:v55+s20+$0x0], $0xffff;
	v50 =	vadd.f32 v62, v50  }
0x51a: {  	v62 =	vmul.f32 v48, v52;
	v52 =	vld.idx.msk [tilespmem:v56+s20+$0x0], $0xffff;
	v56 =	vor.u32 v59, v22  }
0x51b: {  	v50 =	vadd.f32 v60, v50;
	v55 =	vor.u32 v61, v22;
	_ =	sdelay $0x1  }
0x51c: {  	v50 =	vadd.f32 v62, v50;
	v60 =	vmul.f32 v49, v54;
	v61 =	vld.idx.msk [tilespmem:v57+s20+$0x0], $0xffff;
	_ =	sdelay $0x1  }
0x51d: {  	v62 =	vmul.f32 v17, v53;
	v50 =	vadd.f32 v60, v50;
	v57 =	vld.idx.msk [tilespmem:v56+s20+$0x0], $0xffff  }
0x51e: {  	v32 =	vld.idx.msk [tilespmem:v55+s20+$0x0], $0xffff  }
0x51f: {  	v33 =	vmul.f32 v18, v52;
	v50 =	vadd.f32 v62, v50  }
0x520: {  	v58 =	vmul.f32 v19, v61;
	v61 =	vld [tilespmem:$0x1F480]  }
0x521: {  	v56 =	vld [tilespmem:$0x1F4A0];
	v50 =	vadd.f32 v33, v50  }
0x522: {  	v60 =	vmul.f32 v21, v57;
	v57 =	vld [tilespmem:$0x1F490]  }
0x523: {  	v59 =	vmul.f32 v20, v32;
	v50 =	vadd.f32 v58, v50  }
0x524: {  	v58 =	vld [tilespmem:$0x1F4B0]  }
0x525: {  	v50 =	vadd.f32 v59, v50;
	v62 =	vor.u32 v61, v22;
	v59 =	vld [tilespmem:$0x1F4C0]  }
0x526: {  	v53 =	vor.u32 v56, v22  }
0x527: {  	v61 =	vld [tilespmem:$0x1F4D0];
	v50 =	vadd.f32 v60, v50;
	v51 =	vor.u32 v57, v22  }
0x528: {  	v56 =	vld [tilespmem:$0x1F4E0]  }
0x529: {  	v54 =	vor.u32 v58, v22;
	v58 =	vld [tilespmem:$0x1F500];
	[tilespmem:s31+$0x0] =	vst v50  }
0x52a: {  	v60 =	vor.u32 v59, v22;
	v52 =	vld.idx.msk [tilespmem:v62+s20+$0x0], $0xffff  }
0x52b: {  	v53 =	vld.idx.msk [tilespmem:v53+s20+$0x0], $0xffff  }
0x52c: {  	v51 =	vld.idx.msk [tilespmem:v51+s20+$0x0], $0xffff  }
0x52d: {  	v57 =	vld [tilespmem:$0x1F4F0]  }
0x52e: {  	v54 =	vld.idx.msk [tilespmem:v54+s20+$0x0], $0xffff  }
0x52f: {  	v62 =	vor.u32 v61, v22;
	v50 =	vld.idx.msk [tilespmem:v60+s20+$0x0], $0xffff  }
0x530: {  	v60 =	vld [tilespmem:$0x1F520]  }
0x531: {  	v32 =	vld [tilespmem:$0x1F560];
	v56 =	vor.u32 v56, v22;
	v52 =	vmul.f32 v26, v52;
	v51 =	vmul.f32 v24, v51  }
0x532: {  	v59 =	vld [tilespmem:$0x1F510]  }
0x533: {  	v33 =	vmovc v63;
	v63 =	vld [tilespmem:$0x1F550];
	v57 =	vor.u32 v57, v22;
	v53 =	vmul.f32 v29, v53;
	v51 =	vadd.f32 v51, v52  }
0x534: {  	v58 =	vor.u32 v58, v22;
	v55 =	vld.idx.msk [tilespmem:v62+s20+$0x0], $0xffff  }
0x535: {  	v61 =	vld [tilespmem:$0x1F530];
	v60 =	vor.u32 v60, v22;
	v51 =	vadd.f32 v53, v51;
	v53 =	vmul.f32 v25, v54  }
0x536: {  	v56 =	vld.idx.msk [tilespmem:v56+s20+$0x0], $0xffff  }
0x537: {  	v59 =	vor.u32 v59, v22;
	v62 =	vld [tilespmem:$0x1F540];
	v50 =	vmul.f32 v23, v50;
	v51 =	vadd.f32 v53, v51  }
0x538: {  	v57 =	vld.idx.msk [tilespmem:v57+s20+$0x0], $0xffff  }
0x539: {  	v58 =	vld.idx.msk [tilespmem:v58+s20+$0x0], $0xffff;
	v55 =	vmul.f32 v30, v55;
	v50 =	vadd.f32 v50, v51  }
0x53a: {  	v52 =	vld.idx.msk [tilespmem:v60+s20+$0x0], $0xffff  }
0x53b: {  	v61 =	vor.u32 v61, v22;
	v60 =	vld [tilespmem:$0x1F570];
	v50 =	vadd.f32 v55, v50;
	v55 =	vmul.f32 v27, v56  }
0x53c: {  	v59 =	vld.idx.msk [tilespmem:v59+s20+$0x0], $0xffff  }
0x53d: {  	v62 =	vor.u32 v62, v22;
	v56 =	vmul.f32 v28, v57;
	v50 =	vadd.f32 v55, v50;
	_ =	sdelay $0x1  }
0x53e: {  	v63 =	vor.u32 v63, v22;
	v57 =	vmul.f32 v31, v58;
	v50 =	vadd.f32 v56, v50  }
0x53f: {  	v61 =	vld.idx.msk [tilespmem:v61+s20+$0x0], $0xffff;
	v60 =	vor.u32 v60, v22  }
0x540: {  	v32 =	vor.u32 v32, v22;
	v58 =	vmul.f32 v48, v59;
	v50 =	vadd.f32 v57, v50  }
0x541: {  	v54 =	vld.idx.msk [tilespmem:v62+s20+$0x0], $0xffff  }
0x542: {  	v59 =	vmul.f32 v49, v52;
	v50 =	vadd.f32 v58, v50  }
0x543: {  	v62 =	vld.idx.msk [tilespmem:v63+s20+$0x0], $0xffff  }
0x544: {  	v63 =	vld.idx.msk [tilespmem:v60+s20+$0x0], $0xffff;
	v60 =	vmul.f32 v17, v61;
	v50 =	vadd.f32 v59, v50  }
0x545: {  	v32 =	vld.idx.msk [tilespmem:v32+s20+$0x0], $0xffff  }
0x546: {  	v56 =	vld [tilespmem:$0x1F580];
	v61 =	vmul.f32 v18, v54;
	v50 =	vadd.f32 v60, v50  }
0x547: {  	v57 =	vld [tilespmem:$0x1F590]  }
0x548: {  	v62 =	vmul.f32 v19, v62;
	v58 =	vld [tilespmem:$0x1F5A0];
	v50 =	vadd.f32 v61, v50  }
0x549: {  	v61 =	vld [tilespmem:$0x1F5D0]  }
0x54a: {  	v32 =	vmul.f32 v20, v32;
	v59 =	vld [tilespmem:$0x1F5B0];
	v50 =	vadd.f32 v62, v50  }
0x54b: {  	v60 =	vld [tilespmem:$0x1F5C0]  }
0x54c: {  	v51 =	vor.u32 v56, v22;
	v63 =	vmul.f32 v21, v63;
	v32 =	vadd.f32 v32, v50  }
0x54d: {  	v52 =	vor.u32 v57, v22;
	v62 =	vld [tilespmem:$0x1F5E0]  }
0x54e: {  	v54 =	vor.u32 v61, v22;
	v61 =	vld [tilespmem:$0x1F610];
	v32 =	vadd.f32 v63, v32  }
0x54f: {  	v50 =	vor.u32 v58, v22;
	v63 =	vld [tilespmem:$0x1F5F0]  }
0x550: {  	v53 =	vor.u32 v59, v22;
	[tilespmem:s31+$0x80] =	vst v32;
	v32 =	vor.u32 v60, v22;
	v60 =	vld [tilespmem:$0x1F600]  }
0x551: {  	v51 =	vld.idx.msk [tilespmem:v51+s20+$0x0], $0xffff  }
0x552: {  	v52 =	vld.idx.msk [tilespmem:v52+s20+$0x0], $0xffff  }
0x553: {  	v55 =	vor.u32 v62, v22;
	v62 =	vld [tilespmem:$0x1F620]  }
0x554: {  	v50 =	vld.idx.msk [tilespmem:v50+s20+$0x0], $0xffff  }
0x555: {  	v53 =	vld.idx.msk [tilespmem:v53+s20+$0x0], $0xffff  }
0x556: {  	v57 =	vor.u32 v60, v22;
	v60 =	vld [tilespmem:$0x1F630]  }
0x557: {  	v58 =	vor.u32 v61, v22;
	v61 =	vld [tilespmem:$0x1F640];
	v51 =	vmul.f32 v26, v51;
	v52 =	vmul.f32 v24, v52  }
0x558: {  	v32 =	vld.idx.msk [tilespmem:v32+s20+$0x0], $0xffff  }
0x559: {  	v56 =	vor.u32 v63, v22;
	v50 =	vmul.f32 v29, v50;
	v51 =	vadd.f32 v52, v51  }
0x55a: {  	v54 =	vld.idx.msk [tilespmem:v54+s20+$0x0], $0xffff  }
0x55b: {  	v63 =	vld [tilespmem:$0x1F660];
	v60 =	vor.u32 v60, v22;
	v50 =	vadd.f32 v50, v51;
	v51 =	vmul.f32 v25, v53  }
0x55c: {  	v55 =	vld.idx.msk [tilespmem:v55+s20+$0x0], $0xffff;
	v61 =	vor.u32 v61, v22  }
0x55d: {  	v59 =	vor.u32 v62, v22;
	v62 =	vld [tilespmem:$0x1F650];
	v32 =	vmul.f32 v23, v32;
	v50 =	vadd.f32 v51, v50  }
0x55e: {  	v56 =	vld.idx.msk [tilespmem:v56+s20+$0x0], $0xffff  }
0x55f: {  	v57 =	vld.idx.msk [tilespmem:v57+s20+$0x0], $0xffff;
	v53 =	vmul.f32 v30, v54;
	v32 =	vadd.f32 v32, v50  }
0x560: {  	v54 =	vld.idx.msk [tilespmem:v60+s20+$0x0], $0xffff  }
0x561: {  	v60 =	vld.idx.msk [tilespmem:v61+s20+$0x0], $0xffff;
	v61 =	vmul.f32 v27, v55;
	v32 =	vadd.f32 v53, v32  }
0x562: {  	v52 =	vld.idx.msk [tilespmem:v58+s20+$0x0], $0xffff  }
0x563: {  	v58 =	vor.u32 v63, v22;
	v63 =	vld [tilespmem:$0x1F670];
	v32 =	vadd.f32 v61, v32;
	v61 =	vmul.f32 v28, v56  }
0x564: {  	v59 =	vld.idx.msk [tilespmem:v59+s20+$0x0], $0xffff  }
0x565: {  	v62 =	vor.u32 v62, v22;
	v56 =	vmul.f32 v31, v57;
	v32 =	vadd.f32 v61, v32;
	_ =	sdelay $0x1  }
0x566: {  	v52 =	vmul.f32 v48, v52;
	v32 =	vadd.f32 v56, v32;
	_ =	sdelay $0x1  }
0x567: {  	v63 =	vor.u32 v63, v22;
	v58 =	vld.idx.msk [tilespmem:v58+s20+$0x0], $0xffff;
	v57 =	vmul.f32 v49, v59;
	v32 =	vadd.f32 v52, v32  }
0x568: {  	v51 =	vld.idx.msk [tilespmem:v62+s20+$0x0], $0xffff  }
0x569: {  	v59 =	vmul.f32 v17, v54;
	v32 =	vadd.f32 v57, v32;
	_ =	sdelay $0x1  }
0x56a: {  	v55 =	vld [tilespmem:$0x1F680];
	v61 =	vmul.f32 v18, v60;
	v32 =	vadd.f32 v59, v32  }
0x56b: {  	v50 =	vld.idx.msk [tilespmem:v63+s20+$0x0], $0xffff  }
0x56c: {  	v51 =	vmul.f32 v19, v51;
	v54 =	vmul.f32 v20, v58;
	v58 =	vld [tilespmem:$0x1F690];
	v32 =	vadd.f32 v61, v32  }
0x56d: {  	v56 =	vld [tilespmem:$0x1F6A0]  }
0x56e: {  	v32 =	vadd.f32 v51, v32  }
0x56f: {  	v57 =	vld [tilespmem:$0x1F6B0]  }
0x570: {  	v50 =	vmul.f32 v21, v50;
	v59 =	vld [tilespmem:$0x1F6C0];
	v51 =	vor.u32 v55, v22;
	v32 =	vadd.f32 v54, v32  }
0x571: {  	v53 =	vor.u32 v58, v22  }
0x572: {  	v52 =	vor.u32 v56, v22;
	v32 =	vadd.f32 v50, v32  }
0x573: {  	v61 =	vor.u32 v9, v22  }
0x574: {  	v50 =	vor.u32 v57, v22;
	[tilespmem:s31+$0x100] =	vst v32  }
0x575: {  	v32 =	vor.u32 v59, v22;
	v51 =	vld.idx.msk [tilespmem:v51+s20+$0x0], $0xffff  }
0x576: {  	v55 =	vor.u32 v7, v22;
	v53 =	vld.idx.msk [tilespmem:v53+s20+$0x0], $0xffff  }
0x577: {  	v60 =	vor.u32 v8, v22;
	v52 =	vld.idx.msk [tilespmem:v52+s20+$0x0], $0xffff  }
0x578: {  	v58 =	vor.u32 v10, v22;
	v57 =	vld.idx.msk [tilespmem:v61+s20+$0x0], $0xffff  }
0x579: {  	v54 =	vor.u32 v6, v22;
	v50 =	vld.idx.msk [tilespmem:v50+s20+$0x0], $0xffff  }
0x57a: {  	v56 =	vor.u32 v13, v22;
	v32 =	vld.idx.msk [tilespmem:v32+s20+$0x0], $0xffff  }
0x57b: {  	v59 =	vor.u32 v11, v22;
	v26 =	vmul.f32 v26, v51;
	v51 =	vld.idx.msk [tilespmem:v55+s20+$0x0], $0xffff;
	v24 =	vmul.f32 v24, v53  }
0x57c: {  	v61 =	vor.u32 v16, v22;
	v55 =	vor.u32 v12, v22;
	v29 =	vmul.f32 v29, v52;
	v52 =	vld.idx.msk [tilespmem:v60+s20+$0x0], $0xffff  }
0x57d: {  	v60 =	vor.u32 v14, v22;
	v53 =	vld.idx.msk [tilespmem:v58+s20+$0x0], $0xffff;
	v58 =	vor.u32 v15, v22;
	v22 =	vadd.f32 v24, v26  }
0x57e: {  	v54 =	vld.idx.msk [tilespmem:v54+s20+$0x0], $0xffff  }
0x57f: {  	v50 =	vmul.f32 v25, v50;
	v29 =	vadd.f32 v29, v22;
	_ =	sdelay $0x1  }
0x580: {  	v32 =	vmul.f32 v23, v32;
	v50 =	vadd.f32 v50, v29;
	_ =	sdelay $0x1  }
0x581: {  	v30 =	vmul.f32 v30, v54;
	v32 =	vadd.f32 v32, v50  }
0x582: {  	v63 =	vmov v33;
	v33 =	vld [tilespmem:$0x1FC90]  }
0x583: {  	v59 =	vld.idx.msk [tilespmem:v59+s20+$0x0], $0xffff;
	v27 =	vmul.f32 v27, v51;
	v30 =	vadd.f32 v30, v32  }
0x584: {  	p1 =	sne.s32 s8, $0x70;
	v24 =	vld.idx.msk [tilespmem:v56+s20+$0x0], $0xffff  }
.Ltmp3:
0x585: {  	v23 =	vld.idx.msk [tilespmem:v61+s20+$0x0], $0xffff;
	v28 =	vmul.f32 v28, v52;
	v27 =	vadd.f32 v27, v30;
	(pc) =	sbr.rel @p1 .LBB2_5-.Ltmp3, $4  }
0x586: {  	v26 =	vld.idx.msk [tilespmem:v55+s20+$0x0], $0xffff  }
0x587: {  	v25 =	vld.idx.msk [tilespmem:v60+s20+$0x0], $0xffff;
	v27 =	vadd.f32 v28, v27;
	v28 =	vmul.f32 v31, v57  }
0x588: {  	v62 =	vlaneseq.u32;
	v61 =	vmov v36;
	v60 =	vmov v35;
	v22 =	vld.idx.msk [tilespmem:v58+s20+$0x0], $0xffff  }
0x589: {  	s8 =	sadd.s32 $0x10, s8;
	s0 =	smov.u32 s31;
	v29 =	vmul.f32 v49, v59;
	v59 =	vmovc v34;
	v32 =	vld [tilespmem:$0x1FC80];
	v27 =	vadd.f32 v28, v27;
	v28 =	vmul.f32 v48, v53  }
0x58a: {  	_ = 	snop  }
0x58b: {  	v0 =	vadd.f32 v28, v27;
	_ =	sdelay $0x1  }
0x58c: {  	v1 =	vmul.f32 v17, v26;
	v0 =	vadd.f32 v29, v0;
	_ =	sdelay $0x1  }
0x58d: {  	v56 =	vmul.f32 v18, v24;
	v0 =	vadd.f32 v1, v0;
	_ =	sdelay $0x1  }
0x58e: {  	v57 =	vmul.f32 v19, v25;
	v0 =	vadd.f32 v56, v0;
	_ =	sdelay $0x1  }
0x58f: {  	v58 =	vmul.f32 v20, v22;
	v0 =	vadd.f32 v57, v0;
	_ =	sdelay $0x1  }
0x590: {  	v2 =	vmul.f32 v21, v23;
	v0 =	vadd.f32 v58, v0  }
.Ltmp4:
0x591: {  	_ = 	snop;
	(pc) =	sbr.rel @p0 .LBB2_8-.Ltmp4, $4  }
0x592: {  	s1 =	sadd.s32 s4, s1;
	v0 =	vadd.f32 v2, v0  }
0x593: {  	s1 =	sshll.u32 s1, $0x7  }
0x594: {  	s31 =	sadd.s32 s2, s1;
	[tilespmem:s0+$0x180] =	vst v0  }
0x595: {  	[hbm4b:s31+s3] =	stream.linear.scatter [tilespmem:s24], [sflag:$0x6], $0x400, $0x38;
	[tilespmem:$0x9900] =	vst v63  }
0x596: {  	s0 =	sadd.s32 s30, s10  }
0x597: {  	s0 =	smul.u32 $0x110, s0;
	_ =	sdelay $0x1  }
0x598: {  	s0 =	sadd.s32 s5, s0  }
0x599: {  	[tilespmem:s12], [sflag:$0x2] =	stream.linear.gather [hbm4b:s0+s3], $0x880, $0x38;
	[tilespmem:$0x9900] =	vst v63  }
0x59a: {  	_ =	swait.ge [sflag:s13], $0x880  }
0x59b: {  	v37 =	vld [tilespmem:$0x1FCA0]  }
0x59c: {  	v38 =	vld [tilespmem:$0x1FCB0]  }
0x59d: {  	v50 =	vld [tilespmem:$0x1FCC0]  }
0x59e: {  	v49 =	vld [tilespmem:$0x1FCD0]  }
0x59f: {  	v41 =	vld [tilespmem:$0x1FCE0]  }
0x5a0: {  	v42 =	vld [tilespmem:$0x1FCF0]  }
0x5a1: {  	v43 =	vld [tilespmem:$0x1FD00]  }
0x5a2: {  	v44 =	vld [tilespmem:$0x1FD10]  }
0x5a3: {  	v45 =	vld [tilespmem:$0x1FD20]  }
0x5a4: {  	v46 =	vld [tilespmem:$0x1FD30]  }
0x5a5: {  	v20 =	vld [tilespmem:$0x1FD40]  }
0x5a6: {  	v23 =	vld [tilespmem:$0x1FD50]  }
0x5a7: {  	v47 =	vld [tilespmem:$0x1FD60]  }
0x5a8: {  	v26 =	vld [tilespmem:$0x1FD70]  }
0x5a9: {  	v31 =	vld [tilespmem:$0x1FD80]  }
0x5aa: {  	v52 =	vld [tilespmem:$0x1FD90]  }
0x5ab: {  	v48 =	vld [tilespmem:$0x1FDA0]  }
0x5ac: {  	v51 =	vld [tilespmem:$0x1FDB0]  }
0x5ad: {  	v53 =	vld [tilespmem:$0x1FDC0]  }
0x5ae: {  	v54 =	vld [tilespmem:$0x1FDD0]  }
.Ltmp5:
0x5af: {  	[sflag:s13] =	ssyncset.done $0x0;
	v55 =	vld [tilespmem:$0x1FDE0];
	(pc) =	sbr.rel .LBB2_2-.Ltmp5, $4  }
0x5b0: {  	v56 =	vld [tilespmem:$0x1FDF0];
	[sflag:s13] =	ssyncadd.s32 $0xFFFFF780  }
0x5b1: {  	v57 =	vld [tilespmem:$0x1FE00];
	[tilespmem:s15], [sflag:$0x3] =	stream.indirect.gather [hbm4b:s6+s14], $0x80, s3, s14, $0xb8  }
0x5b2: {  	s29 =	sadd.s32 $0x1, s29;
	v58 =	vld [tilespmem:$0x1FE10]  }
0x5b3: {  	v0 =	vld [tilespmem:$0x1FFF0];
	[tilespmem:s16], [sflag:$0x3] =	stream.indirect.gather [hbm4b:s6+s14], $0x80, s14, s14, $0xb8  }
.LBB2_9:
0x5b4: {  	_ =	sfence.sel $0x180000  }
0x5b5: {  	[bflag:$0x0] =	sbarrier.arrive $0xFFFF  }
0x5b6: {  	_ =	strace $0x9000004D  }
0x5b7: {  	s0 =	stileid.u32;
	[bflag:$0x2] =	sbarrier.arrive $0xFFFF  }
0x5b8: {  	p0 =	sne.s32 s0, $0x0;
	s0 =	rddreg [dreg:$0x2]  }
0x5b9: {  	s0 =	sadd.s32 @!p0 $0x100000, s0  }
0x5ba: {  	[sflag:s0] =	ssyncadd.tile.s32 @!p0 $0x1;
	_ =	shalt  }
.Lfunc_end2:
_tile_overlayer_lowered:
.L_overlay_start_2:
0x5bb: {  	(tag) =	ssettag $0x2  }
0x5bc: {  	s0 =	rddreg [dreg:$0x0];
	s2 =	stileid.u32  }
0x5bd: {  	s1 =	rddreg [dreg:$0x1];
	p0 =	sne.s32 s2, $0x0  }
0x5be: {  	s3 =	rddreg [dreg:$0x2];
	[bflag:$0x3] =	sbarrier.arrive $0xFFFF;
	s2 =	simm.s32 @!p0 $0x1C07  }
0x5bf: {  	[timem:s3], [sflag:s2] =	dma.local @!p0 [hbm:s0], s1  }
0x5c0: {  	s0 =	simm.s32 @!p0 $0x7  }
0x5c1: {  	_ =	swait.ge @!p0 [sflag:s0], s1  }
0x5c2: {  	s1 =	ssub.s32 @!p0 $0x0, s1;
	[sflag:s0] =	ssyncset.done @!p0 $0x0  }
0x5c3: {  	[sflag:s0] =	ssyncadd.s32 @!p0 s1  }
0x5c4: {  	[bflag:$0x3] =	sbarrier.arrive $0xFFFF  }
0x5c5: {  	_ =	shalt  }

// kernel: sparse-core-data-format-call.1.cloned.1.call-start
scs
called_computation.1_lowered:
.L_overlay_start_0:
0x0: {  	s2 =	sld [smem:$0x3FD9]  }
0x1: {  	s3 =	sld [smem:$0x3FFE];
	_ =	sdelay $0x1  }
0x2: {  	s1 =	srdreg.scid  }
0x3: {  	s0 =	sand.u32 $0x1, s1  }
0x4: {  	s18 =	sshll.u32 s0, $0xA;
	s2 =	sadd.s32 s3, s2  }
0x5: {  	s2 =	sadd.s32 s2, s18  }
0x6: {  	[smem:$0x3FC3] =	sst s2  }
0x7: {  	_ = 	snop  }
0x8: {  	s2 =	sld [smem:$0x3FC7];
	(tm) =	ssettm $0x1  }
0x9: {  	s19 =	sld [smem:$0x3FFB];
	_ =	sdelay $0x3  }
0xa: {  	_ =	strace s19  }
0xb: {  	s3 =	sld [smem:$0x3FFC];
	_ =	sdelay $0x3  }
0xc: {  	_ =	strace s3  }
0xd: {  	s3 =	sld [smem:$0x3FFD];
	_ =	sdelay $0x3  }
0xe: {  	_ =	strace s3  }
0xf: {  	_ =	strace $0x8FFFFFFF  }
0x10: {  	s20 =	sld [smem:$0x3FDB];
	_ =	sdelay $0x1  }
0x11: {  	s4 =	simm.s32 $_scs_section_size  }
0x12: {  	s5 =	simm.s32 $_size__tile_overlayer_lowered;
	s6 =	simm.s32 $_tile_overlayer_lowered  }
0x13: {  	s23 =	simm.s32 $0x1BFF;
	s22 =	sshll.u32 s6, $0x1;
	s3 =	sadd.s32 s4, s20  }
0x14: {  	s7 =	simm.s32 $0x0;
	s21 =	sshll.u32 s5, $0x1;
	s5 =	sadd.s32 s22, s3  }
0x15: {  	[timem:s7], [sflag:s23] =	dma.local [hbm:s5], s21  }
0x16: {  	_ =	swait.ge [sflag:s23], s21  }
0x17: {  	s4 =	ssub.s32 $0x0, s21;
	[sflag:s23] =	ssyncset.done $0x0  }
0x18: {  	[sflag:s23] =	ssyncadd.s32 s4;
	_ =	sdelay $0x1  }
0x19: {  	s24 =	simm.s32 $0x1B8B  }
0x1a: {  	_ =	swait.ge [sflag:s24], $0x1  }
0x1b: {  	[sflag:s24] =	ssyncset.done $0x0  }
0x1c: {  	s26 =	simm.s32 $0x1B8E;
	s25 =	sld [smem:$0x3FFE];
	[sflag:s24] =	ssyncadd.s32 $0xFFFFFFFF  }
0x1d: {  	s27 =	simm.s32 $execute0_lowered;
	[smem:$0x3FD2] =	sst s26  }
0x1e: {  	s5 =	sshll.u32 s27, $0x1;
	_ =	strace $0x80000046;
	[dreg:$0x1] =	wrdreg $0xFFFFFFFF  }
0x1f: {  	s28 =	simm.s32 $_size_execute0_lowered;
	s3 =	sadd.s32 s3, s5;
	[dreg:$0x0] =	wrdreg $0x0  }
0x20: {  	s5 =	sshll.u32 s28, $0x1;
	[dreg:$0x2] =	wrdreg s3  }
0x21: {  	[dreg:$0x3] =	wrdreg s5  }
0x22: {  	[dreg:$0x4] =	wrdreg $0xC0  }
0x23: {  	_ =	task [dreg:s7], $0x5FFFF  }
0x24: {  	[dreg:$0x1] =	wrdreg $0xFFFFFFFF  }
0x25: {  	[dreg:$0x0] =	wrdreg $0x60  }
0x26: {  	[dreg:$0x2] =	wrdreg s2  }
0x27: {  	[dreg:$0x3] =	wrdreg s25  }
0x28: {  	[dreg:$0x4] =	wrdreg $0x9  }
0x29: {  	_ =	task.clear_ibuf [dreg:s7], $0x5FFFF;
	_ =	strace $0x90000046  }
0x2a: {  	s29 =	simm.s32 $0x9;
	_ =	strace $0x80000048  }
0x2b: {  	_ =	swait.ge [sflag:s29], $0x1  }
0x2c: {  	[sflag:s29] =	ssyncadd.s32 $0xFFFFFFFF  }
0x2d: {  	_ =	strace $0x90000048  }
0x2e: {  	_ =	sfence  }
0x2f: {  	s30 =	sld [smem:$0x0];
	_ =	sdelay $0x2  }
0x30: {  	s31 =	sshll.u32 s1, $0xD;
	s1 =	sshrl.u32 s1, $0x2  }
0x31: {  	s3 =	sand.u32 $0x4000, s31;
	s1 =	sadd.s32 s1, s30  }
0x32: {  	s0 =	sor.u32 s3, s0;
	s1 =	sshll.u32 s1, $0x11  }
0x33: {  	s0 =	sor.u32 s1, s0  }
0x34: {  	s0 =	sadd.s32 $0x8F2B, s0  }
0x35: {  	[sflag:s0] =	ssyncadd.remote.s32 $0x1  }
0x36: {  	_ =	sfence.sel $0xFFFF  }
0x37: {  	[dreg:$0x0] =	wrdreg $0xFFFFFFFF;
	(pc) =	sbr.abs _section_cstart, $3  }
0x38: {  	[dreg:$0x1] =	wrdreg $0xFFFFFFFF  }
0x39: {  	_ =	task.clear_ibuf [dreg:s7], $0x2FFFF;
	_ =	strace $0x9FFFFFFF  }
0x3a: {  	(tm) =	ssettm $0x7FFFFFFF  }
0x3b: {  	_ =	shalt  }
tec
execute0_lowered:
.L_overlay_start_1:
0x0: {  	(tag) =	ssettag $0x1  }
0x1: {  	s2 =	rddreg [dreg:$0x0]  }
0x2: {  	s3 =	rddreg [dreg:$0x1]  }
0x3: {  	s0 =	rddreg [dreg:$0x2];
	s4 =	srdreg.scid  }
0x4: {  	_ =	strace $0x80000047;
	s1 =	stileid.u32;
	s7 =	simm.s32 $0x2  }
0x5: {  	s14 =	simm.s32 $0x0;
	p0 =	por $0x0, $0x0;
	s8 =	simm.s32 $0x40000  }
0x6: {  	s15 =	simm.s32 $0x0;
	s17 =	simm.s32 $0x0;
	s16 =	simm.s32 $0x0  }
.Ltmp0:
0x7: {  	s10 =	simm.s32 $0x0;
	s11 =	simm.s32 $0x0;
	(pc) =	sbr.rel .LBB1_1-.Ltmp0, $4  }
0x8: {  	s9 =	simm.s32 $0x0;
	s4 =	sshll.u32 s4, $0x4;
	s3 =	sadd.s32 $0x1800, s3  }
0x9: {  	s5 =	sand.u32 $0x7, s1;
	s6 =	sor.u32 s1, s4;
	s4 =	simm.s32 $0x1  }
0xa: {  	s13 =	smov.u32 s5;
	[sflag:s4] =	ssyncpa.u1 $0x0;
	s6 =	sand.u32 $0x18, s6  }
0xb: {  	[sflag:s7] =	ssyncpa.u1 $0x0;
	s7 =	simm.s32 $0x2000;
	s12 =	smov.u32 s6  }
.LBB1_3:
0xc: {  	p1 =	seq.s32 s9, $0x0  }
0xd: {  	p2 =	seq.s32 @!p1 s9, $0x41  }
0xe: {  	p1 =	por p1, p2  }
.Ltmp1:
0xf: {  	_ = 	snop;
	(pc) =	sbr.rel @!p1 .LBB1_4-.Ltmp1, $1  }
0x10: {  	_ =	sdelay $0x3  }
.LBB1_9:
0x11: {  	s18 =	sadd.s32 $0x100, s10  }
0x12: {  	s14 =	sadd.s32 $0x8, s11;
	s19 =	smov.u32 s11;
	p2 =	sgt.s32 s18, $0x1FE  }
0x13: {  	s19 =	smov.u32 @p2 s14  }
0x14: {  	s20 =	smov.u32 s12;
	s14 =	sadd.s32 $0x20, s12;
	p3 =	sgt.s32 s19, $0xF  }
0x15: {  	s20 =	smov.u32 @p3 s14  }
0x16: {  	s21 =	smov.u32 s13;
	s14 =	sadd.s32 $0x8, s13;
	p4 =	sgt.s32 s20, $0x1FE  }
0x17: {  	p1 =	slt.u32 s9, $0x2;
	s21 =	smov.u32 @p4 s14  }
0x18: {  	s9 =	sadd.s32 $0x1, s9;
	s18 =	simm.s32 @p2 $0x0;
	p2 =	sgt.s32 s21, $0x7  }
0x19: {  	s22 =	simm.s32 @!p1 $0x2;
	s21 =	smov.u32 @p2 s5;
	p2 =	sne.s32 s9, $0x42  }
.Ltmp2:
0x1a: {  	s15 =	smov.u32 s11;
	_ =	swait.ge @!p1 [sflag:s22], $0x4000;
	(pc) =	sbr.rel @!p2 .LBB1_10-.Ltmp2, $4  }
0x1b: {  	s17 =	smov.u32 s12;
	s16 =	smov.u32 s13;
	[sflag:s22] =	ssyncset.done @!p1 $0x0  }
0x1c: {  	p0 =	por !p0, !p0;
	s19 =	simm.s32 @p3 $0x0;
	[sflag:s22] =	ssyncadd.s32 @!p1 $0xFFFFC000  }
0x1d: {  	s11 =	smov.u32 s19;
	s20 =	smov.u32 @p4 s6;
	s14 =	smov.u32 s10  }
0x1e: {  	s10 =	smov.u32 s18;
	s12 =	smov.u32 s20;
	s13 =	smov.u32 s21  }
.LBB1_1:
0x1f: {  	p1 =	sgt.u32 s9, $0x3F  }
.Ltmp3:
0x20: {  	_ = 	snop;
	(pc) =	sbr.rel @p1 .LBB1_3-.Ltmp3, $1  }
0x21: {  	_ =	sdelay $0x3  }
0x22: {  	s18 =	sshll.u32 s11, $0x9;
	s19 =	sshll.u32 s10, $0x3  }
0x23: {  	s28 =	sshll.u32 s11, $0x7;
	p1 =	sgt.s32 s13, $0x7;
	s21 =	smov.u32 s13  }
0x24: {  	s22 =	sshra.s32 s13, $0x1F;
	s30 =	sshra.s32 s12, $0x1F;
	s24 =	sshra.s32 s11, $0x1F  }
0x25: {  	s31 =	sand.u32 $0x78, s10;
	s27 =	smul.u32 $0x7FC00, s13;
	s18 =	sand.u32 $0x1000, s18  }
0x26: {  	s19 =	sand.u32 $0x1C00, s19;
	s20 =	sand.u32 $0x200, s28;
	s21 =	simm.s32 @!p1 $0x7  }
0x27: {  	s29 =	sand.u32 s22, s13;
	p1 =	sgt.s32 s12, $0x1F7;
	s22 =	sand.u32 s30, s12  }
0x28: {  	s24 =	sand.u32 s24, s11;
	s18 =	sadd.s32 s18, s19;
	s19 =	sand.u32 $0x180, s28  }
0x29: {  	s28 =	sshll.u32 s12, $0xA;
	s18 =	sor.u32 s20, s18;
	s20 =	ssub.s32 s21, s29  }
0x2a: {  	s21 =	smov.u32 s12;
	s19 =	sor.u32 s31, s19;
	s29 =	sand.u32 $0x7, s10  }
0x2b: {  	s23 =	sadd.s32 $0xFFFFFFF9, s20;
	s21 =	simm.s32 @!p1 $0x1F7;
	p1 =	sgt.s32 s11, $0x8  }
0x2c: {  	s20 =	ssub.s32 $0x8, s20;
	s18 =	sshrl.u32 s18, $0x3;
	s21 =	ssub.s32 s21, s22  }
0x2d: {  	s19 =	sshrl.u32 s19, $0x3;
	s22 =	smov.u32 s11;
	s25 =	sadd.s32 $0xFFFFFE09, s21  }
0x2e: {  	s22 =	simm.s32 @!p1 $0x8;
	p1 =	sgt.s32 s23, $0x0;
	s21 =	ssub.s32 $0x1FF, s21  }
0x2f: {  	p2 =	sgt.s32 s25, $0x7;
	s22 =	ssub.s32 s22, s24;
	s20 =	simm.s32 @p1 $0x0  }
0x30: {  	s24 =	sshra.s32 s10, $0x1F;
	s21 =	simm.s32 @p2 $0x0;
	s23 =	sadd.s32 $0xFFFFFFF8, s22  }
0x31: {  	p2 =	sgt.s32 s10, $0x100;
	s20 =	smul.u32 s20, s21;
	s21 =	smov.u32 s10  }
0x32: {  	p1 =	sgt.s32 s23, $0x7;
	s23 =	sand.u32 s24, s10;
	s21 =	simm.s32 @!p2 $0x100  }
0x33: {  	s30 =	sshll.u32 s29, $0x12;
	s22 =	ssub.s32 $0x10, s22;
	s21 =	ssub.s32 s21, s23  }
0x34: {  	s18 =	sand.u32 $0x3C0, s18;
	s22 =	simm.s32 @p1 $0x0;
	s26 =	sadd.s32 $0xFFFFFF00, s21  }
0x35: {  	s20 =	smul.u32 s22, s20;
	s21 =	ssub.s32 $0x200, s21;
	p1 =	sgt.s32 s26, $0xFF  }
.Ltmp4:
0x36: {  	s22 =	sadd.s32 s2, s27;
	s21 =	simm.s32 @p1 $0x0;
	(pc) =	sbr.rel .LBB1_3-.Ltmp4, $4  }
0x37: {  	s25 =	sxor.u32 $0xFFFFFFFF, s9;
	s20 =	smul.u32 s21, s20;
	s21 =	sadd.s32 s28, s22  }
0x38: {  	s31 =	sor.u32 $0x800, s30;
	s23 =	sshll.u32 s25, $0xE;
	s19 =	sadd.s32 s19, s21  }
0x39: {  	s23 =	sand.u32 $0x4000, s23;
	s20 =	sand.u32 $0x3FFFFFFF, s20;
	s18 =	sadd.s32 s18, s19  }
0x3a: {  	[tilespmem:s23], [sflag:$0x1] =	stream.strided.gather [hbm4b:s18+s31], s20, s7, s31, $0x38;
	[tilespmem:$0x10000] =	vst v63  }
.LBB1_4:
0x3b: {  	p1 =	sgt.s32 s16, $0x7;
	s18 =	smov.u32 s16;
	s19 =	sshra.s32 s16, $0x1F  }
0x3c: {  	s20 =	smov.u32 s17;
	s21 =	sshra.s32 s17, $0x1F;
	s26 =	sshra.s32 s15, $0x1F  }
0x3d: {  	s18 =	simm.s32 @!p1 $0x7;
	s19 =	sand.u32 s19, s16;
	p1 =	sgt.s32 s17, $0x1F7  }
0x3e: {  	s24 =	sand.u32 s21, s17;
	s18 =	ssub.s32 s18, s19;
	s20 =	simm.s32 @!p1 $0x1F7  }
0x3f: {  	s28 =	sshra.s32 s14, $0x1F;
	s25 =	sadd.s32 $0xFFFFFFF9, s18;
	s19 =	ssub.s32 s20, s24  }
0x40: {  	s18 =	ssub.s32 $0x8, s18;
	p1 =	sgt.s32 s25, $0x0;
	s20 =	sadd.s32 $0xFFFFFE09, s19  }
0x41: {  	s19 =	ssub.s32 $0x1FF, s19;
	s18 =	simm.s32 @p1 $0x0;
	p1 =	sgt.s32 s20, $0x7  }
0x42: {  	s20 =	smov.u32 s15;
	s19 =	simm.s32 @p1 $0x0;
	p1 =	sgt.s32 s15, $0x8  }
0x43: {  	s27 =	sand.u32 s26, s15;
	s18 =	smul.u32 s18, s19;
	s20 =	simm.s32 @!p1 $0x8  }
0x44: {  	p1 =	sgt.s32 s14, $0x100;
	s19 =	ssub.s32 s20, s27;
	s20 =	smov.u32 s14  }
0x45: {  	s21 =	sand.u32 s28, s14;
	s22 =	sadd.s32 $0xFFFFFFF8, s19;
	s20 =	simm.s32 @!p1 $0x100  }
0x46: {  	s19 =	ssub.s32 $0x10, s19;
	p1 =	sgt.s32 s22, $0x7;
	s20 =	ssub.s32 s20, s21  }
0x47: {  	s19 =	simm.s32 @p1 $0x0;
	s21 =	sadd.s32 $0xFFFFFF00, s20  }
0x48: {  	s18 =	smul.u32 s19, s18;
	p1 =	sgt.s32 s21, $0xFF;
	s19 =	ssub.s32 $0x200, s20  }
0x49: {  	s31 =	sshll.u32 s9, $0xE;
	s20 =	simm.s32 $0x1;
	s19 =	simm.s32 @p1 $0x0  }
0x4a: {  	s23 =	simm.s32 $0x0;
	s20 =	simm.s32 @!p0 $0x0;
	s18 =	smul.u32 s19, s18  }
0x4b: {  	s24 =	simm.s32 $0x0;
	s25 =	simm.s32 $0x0;
	s29 =	sshll.u32 s20, $0x10  }
0x4c: {  	s21 =	sand.u32 $0x4000, s31;
	s30 =	sshrl.u32 s29, $0x2;
	s18 =	sand.u32 $0x3FFFFFFF, s18  }
0x4d: {  	p1 =	por $0x0, $0x0;
	s19 =	sor.u32 $0x40, s30;
	_ =	swait.ge [sflag:s4], s18  }
0x4e: {  	s20 =	sor.u32 $0x8410, s30;
	s18 =	ssub.s32 $0x0, s18;
	[sflag:s4] =	ssyncset.done $0x0  }
0x4f: {  	s22 =	sadd.s32 $0x8400, s30;
	[sflag:s4] =	ssyncadd.s32 s18;
	s18 =	sor.u32 $0x8000, s21  }
.LBB1_5:
0x50: {  	v1 =	vld [tilespmem:s19+$0xFFFFFFD0]  }
0x51: {  	v2 =	vld [tilespmem:s19+$0x430]  }
0x52: {  	s26 =	sshll.u32 s25, $0xB;
	v4 =	vld [tilespmem:s19+$0xFFFFFFE0]  }
0x53: {  	v7 =	vld [tilespmem:s19+$0xFFFFFFF0];
	v0 =	vmov s26  }
0x54: {  	v8 =	vld [tilespmem:s19+$0x0]  }
0x55: {  	v9 =	vld [tilespmem:s19+$0x10];
	s26 =	sand.u32 $0x300, s23  }
0x56: {  	s27 =	sand.u32 $0x80, s23;
	v10 =	vld [tilespmem:s19+$0x20];
	s26 =	sadd.s32 s26, s21  }
0x57: {  	v11 =	vld [tilespmem:s19+$0x30];
	s26 =	sadd.s32 s27, s26;
	s27 =	simm.s32 $0x1;
	[tilespmem:s20+$0x60] =	vst v2  }
0x58: {  	s27 =	simm.s32 @!p1 $0x0;
	[tilespmem:s20+$0xFFFFFC00] =	vst v1;
	v3 =	vld.idx.msk [tilespmem:v0+s26+$0x400 ss:$0x1], $0xffff;
	s26 =	sshll.u32 s24, $0x2  }
0x59: {  	v6 =	vld [tilespmem:s19+$0x3D0];
	s27 =	sshll.u32 s27, $0x9;
	[tilespmem:s20+$0xFFFFFC10] =	vst v4;
	s26 =	sand.u32 $0xFFFFFC00, s26  }
0x5a: {  	v5 =	vld [tilespmem:s19+$0x3E0];
	[tilespmem:s20+$0xFFFFFC20] =	vst v7;
	s26 =	sor.u32 s27, s26  }
0x5b: {  	[tilespmem:s20+$0xFFFFFC30] =	vst v8;
	v4 =	vld [tilespmem:s19+$0x400];
	s26 =	sshrl.u32 s26, $0x2  }
0x5c: {  	[tilespmem:s20+$0xFFFFFC40] =	vst v9;
	v1 =	vld [tilespmem:s19+$0x410];
	s26 =	sadd.s32 s26, s22  }
0x5d: {  	[tilespmem:s26+$0x0] =	vst v3;
	v3 =	vld [tilespmem:s19+$0x3F0]  }
0x5e: {  	s30 =	simm.s32 $0x80;
	s29 =	simm.s32 $0x100;
	[tilespmem:s20+$0xFFFFFC50] =	vst v10;
	v2 =	vld [tilespmem:s19+$0x420]  }
0x5f: {  	s28 =	smov.u32 s20;
	s31 =	sand.u32 $0x300, s30;
	v7 =	vld [tilespmem:s19+$0xFFFFFFC0];
	[tilespmem:s20+$0xFFFFFC60] =	vst v11;
	s27 =	sadd.s32 $0x80, s19  }
.LBB1_6:
0x60: {  	p2 =	sne.s32 s29, $0x380;
	v8 =	vld [tilespmem:s27+$0xFFFFFFD0];
	s30 =	sand.u32 $0x80, s30;
	s31 =	sadd.s32 s31, s21;
	[tilespmem:s28+$0x0] =	vst v6  }
0x61: {  	s31 =	sadd.s32 s30, s31;
	v6 =	vld [tilespmem:s27+$0x430];
	[tilespmem:s28+$0x10] =	vst v5;
	s30 =	smov.u32 s29  }
0x62: {  	v5 =	vld.idx.msk [tilespmem:v0+s31+$0x400 ss:$0x1], $0xffff;
	[tilespmem:s28+$0x20] =	vst v3  }
0x63: {  	v3 =	vld [tilespmem:s27+$0xFFFFFFE0];
	[tilespmem:s28+$0x30] =	vst v4  }
0x64: {  	v4 =	vld [tilespmem:s27+$0xFFFFFFF0];
	[tilespmem:s28+$0xFFFFFBF0] =	vst v7  }
0x65: {  	v7 =	vld [tilespmem:s27+$0x0];
	[tilespmem:s28+$0x40] =	vst v1  }
0x66: {  	v1 =	vld [tilespmem:s27+$0x10];
	[tilespmem:s28+$0x50] =	vst v2;
	s28 =	sadd.s32 $0x800, s28  }
0x67: {  	s26 =	sadd.s32 $0x800, s26;
	v2 =	vld [tilespmem:s27+$0x20];
	[tilespmem:s28+$0x60] =	vst v6  }
0x68: {  	v9 =	vld [tilespmem:s27+$0x30];
	[tilespmem:s26+$0x0] =	vst v5  }
0x69: {  	[tilespmem:s28+$0xFFFFFC00] =	vst v8;
	v6 =	vld [tilespmem:s27+$0x3D0]  }
0x6a: {  	[tilespmem:s28+$0xFFFFFC10] =	vst v3;
	v5 =	vld [tilespmem:s27+$0x3E0]  }
.Ltmp5:
0x6b: {  	[tilespmem:s28+$0xFFFFFC20] =	vst v4;
	v3 =	vld [tilespmem:s27+$0x3F0];
	(pc) =	sbr.rel @p2 .LBB1_6-.Ltmp5, $4  }
0x6c: {  	[tilespmem:s28+$0xFFFFFC30] =	vst v7;
	v4 =	vld [tilespmem:s27+$0x400]  }
0x6d: {  	[tilespmem:s28+$0xFFFFFC40] =	vst v1;
	v1 =	vld [tilespmem:s27+$0x410]  }
0x6e: {  	[tilespmem:s28+$0xFFFFFC50] =	vst v2;
	v2 =	vld [tilespmem:s27+$0x420]  }
0x6f: {  	s29 =	sadd.s32 $0x80, s29;
	s31 =	sand.u32 $0x300, s30;
	v7 =	vld [tilespmem:s27+$0xFFFFFFC0];
	[tilespmem:s28+$0xFFFFFC60] =	vst v9;
	s27 =	sadd.s32 $0x80, s27  }
0x70: {  	[tilespmem:s28+$0x0] =	vst v6  }
0x71: {  	[tilespmem:s28+$0x10] =	vst v5  }
0x72: {  	v49 =	vld [tilespmem:s27+$0x430];
	[tilespmem:s28+$0x20] =	vst v3  }
0x73: {  	v50 =	vld [tilespmem:s27+$0xFFFFFFD0];
	[tilespmem:s28+$0x30] =	vst v4  }
0x74: {  	v51 =	vld [tilespmem:s27+$0xFFFFFFE0];
	[tilespmem:s28+$0x40] =	vst v1  }
0x75: {  	s29 =	sand.u32 $0x80, s30;
	s31 =	sadd.s32 s31, s21;
	v52 =	vld [tilespmem:s27+$0xFFFFFFF0];
	[tilespmem:s28+$0x50] =	vst v2  }
0x76: {  	v53 =	vld [tilespmem:s27+$0x0];
	s29 =	sadd.s32 s29, s31;
	s31 =	sadd.s32 $0x800, s28;
	[tilespmem:s28+$0xFFFFFBF0] =	vst v7  }
0x77: {  	v54 =	vld [tilespmem:s27+$0x10];
	[tilespmem:s31+$0x60] =	vst v49  }
0x78: {  	v55 =	vld [tilespmem:s27+$0x20];
	[tilespmem:s31+$0xFFFFFC00] =	vst v50  }
0x79: {  	v56 =	vld [tilespmem:s27+$0x30];
	[tilespmem:s31+$0xFFFFFC10] =	vst v51  }
0x7a: {  	v57 =	vld [tilespmem:s27+$0x3D0];
	[tilespmem:s31+$0xFFFFFC20] =	vst v52  }
0x7b: {  	v58 =	vld [tilespmem:s27+$0x3E0];
	[tilespmem:s31+$0xFFFFFC30] =	vst v53  }
0x7c: {  	v59 =	vld [tilespmem:s27+$0x3F0];
	[tilespmem:s31+$0xFFFFFC40] =	vst v54  }
0x7d: {  	v60 =	vld [tilespmem:s27+$0x400];
	[tilespmem:s31+$0xFFFFFC50] =	vst v55  }
0x7e: {  	v61 =	vld [tilespmem:s27+$0xFFFFFFC0];
	[tilespmem:s31+$0xFFFFFC60] =	vst v56  }
0x7f: {  	v62 =	vld [tilespmem:s27+$0x410];
	[tilespmem:s31+$0x0] =	vst v57  }
0x80: {  	v63 =	vld [tilespmem:s27+$0x420];
	s25 =	sadd.s32 $0x1, s25;
	[tilespmem:s31+$0x10] =	vst v58  }
0x81: {  	p2 =	sne.s32 s25, $0x8;
	v0 =	vld.idx.msk [tilespmem:v0+s29+$0x400 ss:$0x1], $0xffff;
	[tilespmem:s31+$0x20] =	vst v59  }
.Ltmp6:
0x82: {  	[tilespmem:s31+$0x30] =	vst v60;
	(pc) =	sbr.rel @p2 .LBB1_5-.Ltmp6, $4  }
0x83: {  	[tilespmem:s31+$0xFFFFFBF0] =	vst v61  }
0x84: {  	[tilespmem:s31+$0x40] =	vst v62  }
0x85: {  	s26 =	sadd.s32 $0x800, s26;
	s19 =	sadd.s32 $0x800, s19;
	[tilespmem:s31+$0x50] =	vst v63  }
0x86: {  	s24 =	sadd.s32 $0x80, s24;
	p1 =	por !p1, !p1;
	s20 =	sadd.s32 $0x80, s20;
	[tilespmem:s26+$0x0] =	vst v0  }
0x87: {  	s19 =	sand.u32 $0x78, s14  }
0x88: {  	s20 =	sshll.u32 s17, $0x9;
	s21 =	sshll.u32 s14, $0x3;
	s27 =	sshll.u32 s17, $0x7  }
0x89: {  	s16 =	sshll.u32 s16, $0x13;
	s15 =	sshll.u32 s15, $0xF;
	s30 =	sand.u32 $0x7, s14  }
0x8a: {  	s20 =	sand.u32 $0x3F000, s20;
	s21 =	sand.u32 $0x3FC00, s21;
	s28 =	sand.u32 $0x200, s27  }
0x8b: {  	s17 =	sand.u32 $0x180, s27;
	s16 =	sadd.s32 s3, s16;
	s20 =	sadd.s32 s20, s21  }
.Ltmp7:
0x8c: {  	s17 =	sor.u32 s17, s19;
	s20 =	sor.u32 s28, s20;
	(pc) =	sbr.rel .LBB1_9-.Ltmp7, $4  }
0x8d: {  	s15 =	sadd.s32 s15, s16;
	s17 =	sshrl.u32 s17, $0x3;
	s29 =	sshrl.u32 s20, $0x3  }
0x8e: {  	s14 =	sshll.u32 s30, $0x12;
	s15 =	sadd.s32 s17, s15;
	s31 =	sand.u32 $0x7FC0, s29  }
0x8f: {  	s14 =	sor.u32 $0x800, s14;
	s15 =	sadd.s32 s31, s15  }
0x90: {  	[hbm4b:s15+s14] =	stream.strided.scatter [tilespmem:s18], [sflag:$0x2], $0x4000, s8, s14, $0x38;
	[tilespmem:$0x10000] =	vst v63  }
.LBB1_10:
0x91: {  	_ =	sfence.sel $0x180000  }
0x92: {  	s2 =	simm.s32 $0x1;
	[bflag:$0x0] =	sbarrier.arrive $0xFFFF  }
0x93: {  	s31 =	simm.s32 $0x2;
	[sflag:s2] =	ssyncpa.u1 $0x1  }
0x94: {  	[sflag:s31] =	ssyncpa.u1 $0x1  }
0x95: {  	p0 =	sne.s32 s1, $0x0;
	_ =	strace $0x90000047  }
0x96: {  	s0 =	sadd.s32 @!p0 $0x100000, s0;
	[bflag:$0x2] =	sbarrier.arrive $0xFFFF  }
0x97: {  	[sflag:s0] =	ssyncadd.tile.s32 @!p0 $0x1;
	_ =	shalt  }
.Lfunc_end1:
_tile_overlayer_lowered:
.L_overlay_start_2:
0x98: {  	(tag) =	ssettag $0x2  }
0x99: {  	s0 =	rddreg [dreg:$0x0];
	s2 =	stileid.u32  }
0x9a: {  	s1 =	rddreg [dreg:$0x1];
	p0 =	sne.s32 s2, $0x0  }
0x9b: {  	s3 =	rddreg [dreg:$0x2];
	[bflag:$0x3] =	sbarrier.arrive $0xFFFF;
	s2 =	simm.s32 @!p0 $0x1C01  }
0x9c: {  	[timem:s3], [sflag:s2] =	dma.local @!p0 [hbm:s0], s1  }
0x9d: {  	s0 =	simm.s32 @!p0 $0x1  }
0x9e: {  	_ =	swait.ge @!p0 [sflag:s0], s1  }
0x9f: {  	s1 =	ssub.s32 @!p0 $0x0, s1;
	[sflag:s0] =	ssyncset.done @!p0 $0x0  }
0xa0: {  	[sflag:s0] =	ssyncadd.s32 @!p0 s1  }
0xa1: {  	[bflag:$0x3] =	sbarrier.arrive $0xFFFF  }
0xa2: {  	_ =	shalt  }

// kernel: sparse-core-data-format-call.cloned.1.call-start
scs
called_computation_lowered:
.L_overlay_start_0:
0x0: {  	s1 =	sld [smem:$0x3FD9]  }
0x1: {  	s2 =	sld [smem:$0x3FFE];
	_ =	sdelay $0x1  }
0x2: {  	s3 =	srdreg.scid  }
0x3: {  	s0 =	sand.u32 $0x1, s3  }
0x4: {  	s17 =	sshll.u32 s0, $0xA;
	s1 =	sadd.s32 s2, s1  }
0x5: {  	s1 =	sadd.s32 s1, s17  }
0x6: {  	[smem:$0x3FC3] =	sst s1  }
0x7: {  	_ = 	snop  }
0x8: {  	(tm) =	ssettm $0x1  }
0x9: {  	s18 =	sld [smem:$0x3FFB];
	_ =	sdelay $0x3  }
0xa: {  	_ =	strace s18  }
0xb: {  	s1 =	sld [smem:$0x3FFC];
	_ =	sdelay $0x3  }
0xc: {  	_ =	strace s1  }
0xd: {  	s1 =	sld [smem:$0x3FFD];
	_ =	sdelay $0x3  }
0xe: {  	_ =	strace s1  }
0xf: {  	_ =	strace $0x8FFFFFFF  }
0x10: {  	s19 =	sld [smem:$0x3FDB];
	_ =	sdelay $0x1  }
0x11: {  	s20 =	simm.s32 $_scs_section_size  }
0x12: {  	s4 =	simm.s32 $_size__tile_overlayer_lowered;
	s5 =	simm.s32 $_tile_overlayer_lowered  }
0x13: {  	s23 =	simm.s32 $0x1BFF;
	s22 =	sshll.u32 s5, $0x1;
	s1 =	sadd.s32 s20, s19  }
0x14: {  	s6 =	simm.s32 $0x0;
	s21 =	sshll.u32 s4, $0x1;
	s4 =	sadd.s32 s22, s1  }
0x15: {  	[timem:s6], [sflag:s23] =	dma.local [hbm:s4], s21  }
0x16: {  	_ =	swait.ge [sflag:s23], s21  }
0x17: {  	s2 =	ssub.s32 $0x0, s21;
	[sflag:s23] =	ssyncset.done $0x0  }
0x18: {  	[sflag:s23] =	ssyncadd.s32 s2;
	_ =	sdelay $0x1  }
0x19: {  	s24 =	simm.s32 $0x1B8B  }
0x1a: {  	_ =	swait.ge [sflag:s24], $0x1  }
0x1b: {  	[sflag:s24] =	ssyncset.done $0x0  }
0x1c: {  	s26 =	simm.s32 $0x1B8E;
	s25 =	sld [smem:$0x3FFE];
	[sflag:s24] =	ssyncadd.s32 $0xFFFFFFFF  }
0x1d: {  	s27 =	simm.s32 $execute0_lowered;
	[smem:$0x3FD2] =	sst s26  }
0x1e: {  	s4 =	sshll.u32 s27, $0x1;
	_ =	strace $0x80000049;
	[dreg:$0x1] =	wrdreg $0xFFFFFFFF  }
0x1f: {  	s28 =	simm.s32 $_size_execute0_lowered;
	s1 =	sadd.s32 s1, s4;
	[dreg:$0x0] =	wrdreg $0x0  }
0x20: {  	s4 =	sshll.u32 s28, $0x1;
	[dreg:$0x2] =	wrdreg s1  }
0x21: {  	[dreg:$0x3] =	wrdreg s4  }
0x22: {  	[dreg:$0x4] =	wrdreg $0xC0  }
0x23: {  	_ =	task [dreg:s6], $0x5FFFF  }
0x24: {  	[dreg:$0x1] =	wrdreg $0xFFFFFFFF  }
0x25: {  	[dreg:$0x0] =	wrdreg $0x60  }
0x26: {  	[dreg:$0x2] =	wrdreg s25  }
0x27: {  	[dreg:$0x3] =	wrdreg $0x9  }
0x28: {  	_ =	task.clear_ibuf [dreg:s6], $0x4FFFF;
	_ =	strace $0x90000049  }
0x29: {  	s29 =	simm.s32 $0x9;
	_ =	strace $0x8000004B  }
0x2a: {  	_ =	swait.ge [sflag:s29], $0x1  }
0x2b: {  	[sflag:s29] =	ssyncadd.s32 $0xFFFFFFFF  }
0x2c: {  	_ =	strace $0x9000004B  }
0x2d: {  	_ =	sfence  }
0x2e: {  	s30 =	sld [smem:$0x0];
	_ =	sdelay $0x2  }
0x2f: {  	s31 =	sshll.u32 s3, $0xD;
	s3 =	sshrl.u32 s3, $0x2  }
0x30: {  	s2 =	sand.u32 $0x4000, s31;
	s1 =	sadd.s32 s3, s30  }
0x31: {  	s0 =	sor.u32 s2, s0;
	s1 =	sshll.u32 s1, $0x11  }
0x32: {  	s0 =	sor.u32 s1, s0  }
0x33: {  	s0 =	sadd.s32 $0x8F2B, s0  }
0x34: {  	[sflag:s0] =	ssyncadd.remote.s32 $0x1  }
0x35: {  	_ =	sfence.sel $0xFFFF  }
0x36: {  	[dreg:$0x0] =	wrdreg $0xFFFFFFFF;
	(pc) =	sbr.abs _section_cstart, $3  }
0x37: {  	[dreg:$0x1] =	wrdreg $0xFFFFFFFF  }
0x38: {  	_ =	task.clear_ibuf [dreg:s6], $0x2FFFF;
	_ =	strace $0x9FFFFFFF  }
0x39: {  	(tm) =	ssettm $0x7FFFFFFF  }
tec
execute0_lowered:
.L_overlay_start_1:
0x0: {  	(tag) =	ssettag $0x1  }
0x1: {  	s0 =	srdreg.scid  }
0x2: {  	s4 =	rddreg [dreg:$0x0];
	s1 =	stileid.u32  }
0x3: {  	s5 =	simm.s32 $0x1;
	s7 =	simm.s32 $0x2;
	s14 =	simm.s32 $0x0  }
0x4: {  	p0 =	por $0x0, $0x0;
	s13 =	simm.s32 $0x0;
	s0 =	sshll.u32 s0, $0x4  }
0x5: {  	s8 =	simm.s32 $0x0;
	s9 =	simm.s32 $0x0;
	s2 =	sand.u32 $0x10, s0  }
.Ltmp0:
0x6: {  	s11 =	simm.s32 $0x0;
	s3 =	sor.u32 s1, s2;
	(pc) =	sbr.rel .LBB1_1-.Ltmp0, $4  }
0x7: {  	s0 =	rddreg [dreg:$0x1];
	_ =	strace $0x8000004A;
	s3 =	sshll.u32 s3, $0x7  }
0x8: {  	s12 =	simm.s32 $0x0;
	s2 =	sadd.s32 $0x401800, s4;
	s6 =	ssub.s32 $0x3FC00, s3  }
0x9: {  	s4 =	sadd.s32 $0x1800, s4;
	[sflag:s5] =	ssyncpa.u1 $0x0;
	s6 =	sshrl.u32 s6, $0xC  }
0xa: {  	[sflag:s7] =	ssyncpa.u1 $0x0;
	s10 =	smov.u32 s3;
	s7 =	sadd.s32 $0x2, s6  }
.LBB1_5:
0xb: {  	p1 =	slt.u32 s12, $0x2  }
0xc: {  	p2 =	sgt.s32 @!p1 s14, $0x3FB88  }
0xd: {  	s15 =	smov.u32 s14;
	s16 =	sshra.s32 @!p1 s14, $0x1F;
	p2 =	por !p2, p1  }
0xe: {  	s14 =	sand.u32 @!p1 s16, s14;
	s15 =	simm.s32 @p2 $0x3FB88  }
0xf: {  	s14 =	ssub.s32 @!p1 s15, s14;
	s15 =	ssub.s32 @!p1 $0x0, s13  }
0x10: {  	s17 =	smov.u32 s11;
	s16 =	sadd.s32 @!p1 $0xFFFC0478, s14;
	s13 =	smin.u32 @!p1 s13, s15  }
0x11: {  	s14 =	ssub.s32 @!p1 $0x3FC08, s14;
	p2 =	sgt.s32 @!p1 s16, $0x7F;
	p3 =	sgt.s32 @!p1 s13, $0x7F  }
0x12: {  	s13 =	ssub.s32 @!p1 $0x80, s13;
	p2 =	por !p2, p1;
	p3 =	por !p3, p1  }
0x13: {  	s15 =	sadd.s32 $0x1000, s10;
	s14 =	simm.s32 @!p2 $0x0;
	s13 =	simm.s32 @!p3 $0x0  }
0x14: {  	p2 =	sgt.s32 s15, $0x3FC00;
	s13 =	smul.u32 @!p1 s13, s14;
	s14 =	sadd.s32 $0x80, s11  }
0x15: {  	s17 =	smov.u32 @p2 s14  }
0x16: {  	s15 =	smov.u32 @p2 s3;
	p2 =	sgt.s32 s17, $0x7F  }
0x17: {  	s17 =	simm.s32 @p2 $0x0;
	p2 =	sne.s32 s12, s7  }
.Ltmp1:
0x18: {  	p0 =	por !p0, !p0;
	s16 =	simm.s32 @!p1 $0x2;
	(pc) =	sbr.rel @!p2 .LBB1_6-.Ltmp1, $4  }
0x19: {  	s14 =	smov.u32 s8;
	s8 =	smov.u32 s10;
	s13 =	sand.u32 @!p1 $0x3FFFFFFF, s13  }
0x1a: {  	s10 =	smov.u32 s15;
	_ =	swait.ge @!p1 [sflag:s16], s13;
	s18 =	ssub.s32 @!p1 $0x0, s13  }
0x1b: {  	s13 =	smov.u32 s9;
	s12 =	sadd.s32 $0x1, s12;
	[sflag:s16] =	ssyncset.done @!p1 $0x0  }
0x1c: {  	s9 =	smov.u32 s11;
	s11 =	smov.u32 s17;
	[sflag:s16] =	ssyncadd.s32 @!p1 s18  }
.LBB1_1:
0x1d: {  	p1 =	sgt.u32 s12, s6  }
0x1e: {  	s15 =	sshrl.u32 @!p1 s11, $0x3  }
0x1f: {  	s16 =	sshll.u32 @!p1 s10, $0x3;
	s15 =	smul.u32 @!p1 $0x1FE400, s15  }
0x20: {  	s17 =	sshll.u32 @!p1 s11, $0x7;
	s16 =	sand.u32 @!p1 $0xFFFFFC00, s16  }
0x21: {  	s15 =	sadd.s32 @!p1 s15, s16;
	s16 =	sand.u32 @!p1 $0x380, s17  }
0x22: {  	s15 =	sor.u32 @!p1 s16, s15  }
0x23: {  	s16 =	sshrl.u32 @!p1 s15, $0x7  }
0x24: {  	s16 =	smulhi.u32 @!p1 $0x100E0C5, s16;
	_ =	sdelay $0x1  }
0x25: {  	s16 =	sshrl.u32 @!p1 s16, $0x3  }
0x26: {  	s17 =	sand.u32 @!p1 $0x7F, s10;
	s18 =	smul.u32 @!p1 $0x3FC80, s16  }
0x27: {  	s15 =	sor.u32 @!p1 s17, s15;
	s17 =	sxor.u32 @!p1 $0xFFFFFFFF, s12  }
0x28: {  	s17 =	sshll.u32 @!p1 s17, $0xE;
	s16 =	sand.u32 @!p1 $0x7F, s16;
	s15 =	ssub.s32 @!p1 s15, s18  }
0x29: {  	s16 =	smul.u32 @!p1 $0x7F90, s16;
	s18 =	sshrl.u32 @!p1 s15, $0x3;
	s15 =	sand.u32 @!p1 $0x7, s15  }
0x2a: {  	s17 =	sand.u32 @!p1 $0x4000, s17;
	s18 =	sadd.s32 @!p1 s2, s18;
	s15 =	sshll.u32 @!p1 s15, $0x12  }
0x2b: {  	s16 =	sadd.s32 @!p1 s16, s18;
	s15 =	sor.u32 @!p1 $0x400, s15;
	s18 =	simm.s32 @!p1 $0x1FE400  }
0x2c: {  	[tilespmem:s17], [sflag:$0x1] =	stream.strided.gather @!p1 [hbm4b:s16+s15], $0x4000, s18, s15, $0x38;
	[tilespmem:$0x10100] =	vst v63  }
0x2d: {  	p1 =	seq.s32 s12, $0x0  }
0x2e: {  	p2 =	sge.u32 @!p1 s12, s7  }
0x2f: {  	p1 =	por p1, p2  }
.Ltmp2:
0x30: {  	_ = 	snop;
	(pc) =	sbr.rel @p1 .LBB1_5-.Ltmp2, $1  }
0x31: {  	_ =	sdelay $0x3  }
0x32: {  	s15 =	simm.s32 $0x1  }
0x33: {  	_ =	swait.ge [sflag:s5], $0x4000;
	s15 =	simm.s32 @!p0 $0x0  }
0x34: {  	[sflag:s5] =	ssyncset.done $0x0;
	s16 =	sshll.u32 s15, $0xE  }
0x35: {  	[sflag:s5] =	ssyncadd.s32 $0xFFFFC000;
	s16 =	sor.u32 $0x40, s16  }
0x36: {  	s15 =	smul.u32 $0x10200, s15;
	v0 =	vld [tilespmem:s16+$0x30]  }
0x37: {  	v1 =	vld [tilespmem:s16+$0xFFFFFFD0]  }
0x38: {  	s15 =	sshrl.u32 s15, $0x2;
	v5 =	vld [tilespmem:s16+$0xFFFFFFE0]  }
0x39: {  	v6 =	vld [tilespmem:s16+$0xFFFFFFF0];
	s18 =	sor.u32 $0x8000, s15  }
0x3a: {  	s31 =	sand.u32 $0x1, s12;
	v4 =	vld [tilespmem:s16+$0x0];
	s17 =	sadd.s32 $0x0, s18  }
0x3b: {  	v3 =	vld [tilespmem:s16+$0x10];
	s15 =	smul.u32 $0x10200, s31;
	[tilespmem:s17+$0x3870 ss:$0x81] =	vst.msk $0xffff, v0  }
0x3c: {  	v2 =	vld [tilespmem:s16+$0x20];
	[tilespmem:s17+$0x810 ss:$0x81] =	vst.msk $0xffff, v1  }
0x3d: {  	s15 =	sshrl.u32 s15, $0x2;
	v0 =	vld [tilespmem:s16+$0xFFFFFFC0];
	[tilespmem:s17+$0x1020 ss:$0x81] =	vst.msk $0xffff, v5;
	s16 =	sadd.s32 $0x80, s16  }
0x3e: {  	s19 =	simm.s32 $0x4;
	s20 =	simm.s32 $0x8;
	s15 =	sor.u32 $0x8000, s15;
	[tilespmem:s17+$0x1830 ss:$0x81] =	vst.msk $0xffff, v6;
	v1 =	vld [tilespmem:s16+$0x30]  }
.LBB1_3:
0x3f: {  	p1 =	sne.s32 s20, $0x1FC;
	v5 =	vld [tilespmem:s16+$0xFFFFFFD0];
	[tilespmem:s17+$0x2040 ss:$0x81] =	vst.msk $0xffff, v4  }
0x40: {  	v6 =	vld [tilespmem:s16+$0xFFFFFFE0];
	[tilespmem:s17+$0x2850 ss:$0x81] =	vst.msk $0xffff, v3  }
0x41: {  	s21 =	sshra.s32 s19, $0x2;
	s19 =	smov.u32 s20;
	v7 =	vld [tilespmem:s16+$0xFFFFFFF0];
	[tilespmem:s17+$0x3060 ss:$0x81] =	vst.msk $0xffff, v2  }
.Ltmp3:
0x42: {  	v4 =	vld [tilespmem:s16+$0x0];
	[tilespmem:s17+$0x0 ss:$0x81] =	vst.msk $0xffff, v0;
	s17 =	sadd.s32 s21, s18;
	(pc) =	sbr.rel @p1 .LBB1_3-.Ltmp3, $4  }
0x43: {  	v3 =	vld [tilespmem:s16+$0x10];
	[tilespmem:s17+$0x3870 ss:$0x81] =	vst.msk $0xffff, v1  }
0x44: {  	[tilespmem:s17+$0x810 ss:$0x81] =	vst.msk $0xffff, v5;
	v2 =	vld [tilespmem:s16+$0x20]  }
0x45: {  	v0 =	vld [tilespmem:s16+$0xFFFFFFC0];
	[tilespmem:s17+$0x1020 ss:$0x81] =	vst.msk $0xffff, v6;
	s16 =	sadd.s32 $0x80, s16  }
0x46: {  	s20 =	sadd.s32 $0x4, s20;
	v1 =	vld [tilespmem:s16+$0x30];
	[tilespmem:s17+$0x1830 ss:$0x81] =	vst.msk $0xffff, v7  }
0x47: {  	s20 =	sshll.u32 s8, $0x7;
	s21 =	sshll.u32 s9, $0x3;
	s19 =	sshra.s32 s19, $0x2  }
0x48: {  	v5 =	vld [tilespmem:s16+$0xFFFFFFD0];
	[tilespmem:s17+$0x2040 ss:$0x81] =	vst.msk $0xffff, v4;
	p1 =	sgt.s32 s8, $0x3FB88;
	s22 =	sand.u32 $0xFFFFFC00, s20;
	s21 =	sand.u32 $0xFFFFFC00, s21  }
0x49: {  	v58 =	vld [tilespmem:s16+$0xFFFFFFE0];
	s24 =	sshra.s32 s8, $0x1F;
	s20 =	sand.u32 $0x380, s20;
	[tilespmem:s17+$0x2850 ss:$0x81] =	vst.msk $0xffff, v3;
	s21 =	sadd.s32 s21, s22  }
0x4a: {  	v59 =	vld [tilespmem:s16+$0xFFFFFFF0];
	s26 =	ssub.s32 $0x0, s9;
	s18 =	sadd.s32 s19, s18;
	[tilespmem:s17+$0x3060 ss:$0x81] =	vst.msk $0xffff, v2;
	s23 =	sor.u32 s20, s21  }
0x4b: {  	v60 =	vld [tilespmem:s16+$0x0];
	s28 =	smin.u32 s9, s26;
	s20 =	smov.u32 s8;
	[tilespmem:s17+$0x0 ss:$0x81] =	vst.msk $0xffff, v0;
	s19 =	sshrl.u32 s23, $0x7  }
0x4c: {  	v61 =	vld [tilespmem:s16+$0x10];
	s21 =	sand.u32 s24, s8;
	s20 =	simm.s32 @!p1 $0x3FB88;
	[tilespmem:s18+$0x3870 ss:$0x81] =	vst.msk $0xffff, v1;
	s25 =	smulhi.u32 $0x100FEFD, s19  }
0x4d: {  	v62 =	vld [tilespmem:s16+$0x20];
	s29 =	sshrl.u32 s9, $0x3;
	p2 =	sgt.s32 s28, $0x7F;
	s20 =	ssub.s32 s20, s21;
	[tilespmem:s18+$0x810 ss:$0x81] =	vst.msk $0xffff, v5  }
0x4e: {  	v63 =	vld [tilespmem:s16+$0xFFFFFFC0];
	[tilespmem:s18+$0x1020 ss:$0x81] =	vst.msk $0xffff, v58;
	s21 =	sadd.s32 $0xFFFC0478, s20;
	s20 =	ssub.s32 $0x3FC08, s20;
	s17 =	sshrl.u32 s25, $0xA  }
0x4f: {  	[tilespmem:s18+$0x1830 ss:$0x81] =	vst.msk $0xffff, v59;
	p1 =	sgt.s32 s21, $0x7F;
	s27 =	smul.u32 $0x3FC08, s17;
	s17 =	ssub.s32 $0x80, s28  }
.Ltmp4:
0x50: {  	[tilespmem:s18+$0x2040 ss:$0x81] =	vst.msk $0xffff, v60;
	s20 =	simm.s32 @p1 $0x0;
	s17 =	simm.s32 @p2 $0x0;
	(pc) =	sbr.rel .LBB1_5-.Ltmp4, $4  }
0x51: {  	s30 =	sand.u32 $0xF, s29;
	[tilespmem:s18+$0x2850 ss:$0x81] =	vst.msk $0xffff, v61;
	s16 =	ssub.s32 s19, s27;
	s17 =	smul.u32 s17, s20  }
0x52: {  	[tilespmem:s18+$0x3060 ss:$0x81] =	vst.msk $0xffff, v62;
	s19 =	sadd.s32 s4, s30;
	s16 =	sshll.u32 s16, $0x4  }
0x53: {  	s31 =	sand.u32 $0x7, s9;
	[tilespmem:s18+$0x0 ss:$0x81] =	vst.msk $0xffff, v63;
	s17 =	sand.u32 $0x3FFFFFFF, s17;
	s16 =	sadd.s32 s16, s19  }
0x54: {  	[hbm4b:s16+s31] =	stream.linear.scatter [tilespmem:s15], [sflag:$0x2], s17, $0x20;
	[tilespmem:$0x10100] =	vst v63  }
.LBB1_6:
0x55: {  	_ =	sfence.sel $0x180000  }
0x56: {  	s2 =	simm.s32 $0x1;
	[bflag:$0x0] =	sbarrier.arrive $0xFFFF  }
0x57: {  	s31 =	simm.s32 $0x2;
	[sflag:s2] =	ssyncpa.u1 $0x1  }
0x58: {  	[sflag:s31] =	ssyncpa.u1 $0x1  }
0x59: {  	p0 =	sne.s32 s1, $0x0;
	_ =	strace $0x9000004A  }
0x5a: {  	s0 =	sadd.s32 @!p0 $0x100000, s0;
	[bflag:$0x2] =	sbarrier.arrive $0xFFFF  }
0x5b: {  	[sflag:s0] =	ssyncadd.tile.s32 @!p0 $0x1;
	_ =	shalt  }
.Lfunc_end1:
_tile_overlayer_lowered:
.L_overlay_start_2:
0x5c: {  	(tag) =	ssettag $0x2  }
0x5d: {  	s0 =	rddreg [dreg:$0x0];
	s2 =	stileid.u32  }
0x5e: {  	s1 =	rddreg [dreg:$0x1];
	p0 =	sne.s32 s2, $0x0  }
0x5f: {  	s3 =	rddreg [dreg:$0x2];
	[bflag:$0x3] =	sbarrier.arrive $0xFFFF;
	s2 =	simm.s32 @!p0 $0x1C01  }
0x60: {  	[timem:s3], [sflag:s2] =	dma.local @!p0 [hbm:s0], s1  }
0x61: {  	s0 =	simm.s32 @!p0 $0x1  }
0x62: {  	_ =	swait.ge @!p0 [sflag:s0], s1  }
0x63: {  	s1 =	ssub.s32 @!p0 $0x0, s1;
	[sflag:s0] =	ssyncset.done @!p0 $0x0  }
0x64: {  	[sflag:s0] =	ssyncadd.s32 @!p0 s1  }
0x65: {  	[bflag:$0x3] =	sbarrier.arrive $0xFFFF  }
0x66: {  	_ =	shalt  }

</sc_bundles>
